<compile_context>
chip_gen: v7x
topology: tpu7x:2x2x1
jax: 0.10.2.dev20260603
libtpu: 0.0.44.dev20260713+nightly
codegen_flags: <defaults>
</compile_context>

<pallas_src>
import functools

import jax
import jax.numpy as jnp
from jax import lax
from jax.experimental import pallas as pl
from jax.experimental.pallas import tpu as pltpu
from jax.experimental.pallas import tpu_sc as plsc

N_TOTAL = 2097152
N_SC = 1572864
N_TC = N_TOTAL - N_SC
N_BINS_OUT = 10
NC = 2
NS = 16
L = 16
NW = NC * NS
PER_W = N_SC // NW
BLK = 8192
NBLK = PER_W // BLK
TILE = 128
NTILE = BLK // TILE
HBINS = 11
HWORDS = HBINS * L
NREP = TILE // L
HTOT = NREP * HWORDS

_mesh = plsc.VectorSubcoreMesh(core_axis_name="c", subcore_axis_name="s")


@functools.partial(
    pl.kernel,
    mesh=_mesh,
    out_type=jax.ShapeDtypeStruct((NW * 3 * HWORDS,), jnp.float32),
    scratch_types=[
        pltpu.VMEM((2 * BLK,), jnp.float32),
        pltpu.VMEM((2 * BLK,), jnp.float32),
        pltpu.VMEM((BLK,), jnp.int32),
        pltpu.VMEM((BLK,), jnp.int32),
        pltpu.VMEM((HTOT,), jnp.float32),
        pltpu.VMEM((HTOT,), jnp.float32),
        pltpu.VMEM((HTOT,), jnp.float32),
        pltpu.SemaphoreType.DMA,
        pltpu.SemaphoreType.DMA,
    ],
    compiler_params=pltpu.CompilerParams(
        needs_layout_passes=False, use_tc_tiling_on_sc=False),
)
def _ece_hist(lg_hbm, lb_hbm, hist_out,
              lg_a, lg_b, lb_a, lb_b, cnt_v, lab_v, prd_v, sem_a, sem_b):
    wid = lax.axis_index("s") * NC + lax.axis_index("c")

    lane = lax.iota(jnp.int32, L)
    ones_f = jnp.ones((L,), jnp.float32)
    z_f = jnp.zeros((L,), jnp.float32)

    for b in range(NREP * HBINS):
        cnt_v[pl.ds(b * L, L)] = z_f
        lab_v[pl.ds(b * L, L)] = z_f
        prd_v[pl.ds(b * L, L)] = z_f

    elem0 = wid * PER_W

    def start_blk(blk, lgbuf, lbbuf, sem):
        off = elem0 + blk * BLK
        pltpu.async_copy(lg_hbm.at[pl.ds(off * 2, 2 * BLK)], lgbuf, sem)
        pltpu.async_copy(lb_hbm.at[pl.ds(off, BLK)], lbbuf, sem)

    def wait_blk(lgbuf, lbbuf, sem):
        pltpu.make_async_copy(lg_hbm.at[pl.ds(0, 2 * BLK)], lgbuf, sem).wait()
        pltpu.make_async_copy(lb_hbm.at[pl.ds(0, BLK)], lbbuf, sem).wait()

    def compute(lg_v, lb_v):
        def body(t):
            base = t * (2 * TILE)
            lbase = t * TILE
            for i in range(TILE // L):
                l0 = lg_v[pl.ds(base + i * L, L)]
                l1 = lg_v[pl.ds(base + TILE + i * L, L)]
                lbf = lb_v[pl.ds(lbase + i * L, L)].astype(jnp.float32)
                e = jnp.exp(l0 - l1)
                p = 1.0 / (1.0 + e)
                bin_ = (p * 10.0).astype(jnp.int32)
                addr = bin_ * L + lane
                rep = pl.ds(i * HWORDS, HWORDS)
                plsc.addupdate_scatter(cnt_v.at[rep], [addr], ones_f)
                plsc.addupdate_scatter(lab_v.at[rep], [addr], lbf)
                plsc.addupdate_scatter(prd_v.at[rep], [addr], p)

        plsc.parallel_loop(0, NTILE)(body)

    start_blk(0, lg_a, lb_a, sem_a)

    def super_body(k, c):
        blk_a = 2 * k
        wait_blk(lg_a, lb_a, sem_a)
        start_blk(blk_a + 1, lg_b, lb_b, sem_b)
        compute(lg_a, lb_a)
        wait_blk(lg_b, lb_b, sem_b)

        @pl.when(k < NBLK // 2 - 1)
        def _():
            start_blk(blk_a + 2, lg_a, lb_a, sem_a)

        compute(lg_b, lb_b)
        return c

    lax.fori_loop(0, NBLK // 2, super_body, 0)

    for b in range(HBINS):
        ci = cnt_v[pl.ds(b * L, L)]
        li = lab_v[pl.ds(b * L, L)]
        pi = prd_v[pl.ds(b * L, L)]
        for r in range(1, NREP):
            ci = ci + cnt_v[pl.ds(r * HWORDS + b * L, L)]
            li = li + lab_v[pl.ds(r * HWORDS + b * L, L)]
            pi = pi + prd_v[pl.ds(r * HWORDS + b * L, L)]
        cnt_v[pl.ds(b * L, L)] = ci
        lab_v[pl.ds(b * L, L)] = li
        prd_v[pl.ds(b * L, L)] = pi

    row = wid * (3 * HWORDS)
    pltpu.sync_copy(cnt_v.at[pl.ds(0, HWORDS)], hist_out.at[pl.ds(row, HWORDS)])
    pltpu.sync_copy(lab_v.at[pl.ds(0, HWORDS)],
                    hist_out.at[pl.ds(row + HWORDS, HWORDS)])
    pltpu.sync_copy(prd_v.at[pl.ds(0, HWORDS)],
                    hist_out.at[pl.ds(row + 2 * HWORDS, HWORDS)])


TC_RB = 512
TC_G = (N_TC // TILE) // TC_RB
_LG_ROW0 = (N_SC * 2) // TILE // (2 * TC_RB)
_LB_ROW0 = (N_SC // TILE) // TC_RB


def _tc_body(lg_ref, lb_ref, out_ref, acc_ref):
    g = pl.program_id(0)
    par = (jax.lax.broadcasted_iota(jnp.int32, (8, 128), 0) % 2) == 0
    idx_a = jax.lax.broadcasted_iota(jnp.int32, (8, 128), 0) // 2
    idx_b = idx_a + 4
    zero8 = jnp.zeros((8, 128), jnp.float32)

    @pl.when(g == 0)
    def _():
        acc_ref[...] = jnp.zeros_like(acc_ref)

    def slab_pair(j, accs):
        xa = lg_ref[pl.ds(16 * j, 8), :]
        xb = lg_ref[pl.ds(16 * j + 8, 8), :]
        lbf = lb_ref[pl.ds(8 * j, 8), :].astype(jnp.float32)
        new = []
        wla = 1.0 + 2048.0 * jnp.take_along_axis(lbf, idx_a, axis=0)
        wlb = 1.0 + 2048.0 * jnp.take_along_axis(lbf, idx_b, axis=0)
        pa = 1.0 / (1.0 + jnp.exp(xa - pltpu.roll(xa, 7, 0)))
        pb = 1.0 / (1.0 + jnp.exp(xb - pltpu.roll(xb, 7, 0)))
        bina = (pa * 10.0).astype(jnp.int32)
        binb = (pb * 10.0).astype(jnp.int32)
        for b in range(HBINS):
            ma = (bina == b) & par
            mb = (binb == b) & par
            cacc = accs[2 * b] + jnp.where(ma, wla, zero8) \
                + jnp.where(mb, wlb, zero8)
            pacc = accs[2 * b + 1] + jnp.where(ma, pa, zero8) \
                + jnp.where(mb, pb, zero8)
            new.append(cacc)
            new.append(pacc)
        return tuple(new)

    accs0 = tuple(acc_ref[i] for i in range(2 * HBINS))
    accs1 = lax.fori_loop(0, TC_RB // 8, slab_pair, accs0)
    for i in range(2 * HBINS):
        acc_ref[i] = accs1[i]

    @pl.when(g == TC_G - 1)
    def _():
        out_ref[...] = acc_ref[...]


_tc_hist = pl.pallas_call(
    _tc_body,
    grid=(TC_G,),
    in_specs=[
        pl.BlockSpec((2 * TC_RB, 128), lambda g: (_LG_ROW0 + g, 0)),
        pl.BlockSpec((TC_RB, 128), lambda g: (_LB_ROW0 + g, 0)),
    ],
    out_specs=pl.BlockSpec((2 * HBINS, 8, 128), lambda g: (0, 0, 0)),
    out_shape=jax.ShapeDtypeStruct((2 * HBINS, 8, 128), jnp.float32),
    scratch_shapes=[pltpu.VMEM((2 * HBINS, 8, 128), jnp.float32)],
)


def kernel(logits, labels):
    lg_flat = (logits.reshape(N_TOTAL // TILE, TILE, 2)
               .transpose(0, 2, 1).reshape(-1))
    hist = _ece_hist(lg_flat, labels)
    tc = _tc_hist(lg_flat.reshape(N_TOTAL * 2 // TILE, TILE),
                  labels.reshape(N_TOTAL // TILE, TILE))
    combo = tc[0::2].astype(jnp.int32)
    cnt_tc = (combo % 2048).sum(axis=(1, 2)).astype(jnp.float32)
    lab_tc = (combo // 2048).sum(axis=(1, 2)).astype(jnp.float32)
    prd_tc = tc[1::2].sum(axis=(1, 2))
    hsc = hist.reshape(NW, 3, HBINS, L).sum(axis=(0, 3))
    sizes = (hsc[0] + cnt_tc)[:N_BINS_OUT]
    lab_s = (hsc[1] + lab_tc)[:N_BINS_OUT]
    prd_s = (hsc[2] + prd_tc)[:N_BINS_OUT]
    nonempty = sizes > 0
    safe = jnp.where(nonempty, sizes, 1.0)
    accs = jnp.where(nonempty, lab_s / safe, 0.0)
    confs = jnp.where(nonempty, prd_s / safe, 0.0)
    return jnp.sum(sizes / jnp.sum(sizes) * jnp.abs(accs - confs))

# --- scband reference (transcript-rebuilt; emitter-appended) ---
"""Pipeline reference for scband-eceloss-23244363006091 (READ-ONLY COPY).

The authoritative reference and input builder live on the scoring server;
editing this copy changes nothing except your own understanding.
"""

import jax, jax.numpy as jnp
import numpy as np

N_BINS = 10
N = 2097152


def setup_inputs(seed: int = 0) -> dict:
    key = jax.random.key(seed)
    k1, k2 = jax.random.split(key)
    logits = jax.random.normal(k1, (N, 2), dtype=jnp.float32)
    labels = jax.random.randint(k2, (N,), 0, 2, dtype=jnp.int32)
    return {"logits": logits, "labels": labels}


def reference(logits, labels):
    # softmax over classes, take P(class=1) as confidence (faithful to torch module)
    softmaxes = jax.nn.softmax(logits, axis=1)
    preds = softmaxes[:, 1]
    # bins = np.linspace(0.1, 1, n_bins); np.digitize default right=False
    bins = jnp.linspace(0.1, 1.0, N_BINS)
    binned = jnp.digitize(preds, bins)  # values in 0..N_BINS
    # per-bin reductions via segment_sum (histogram binning on SparseCore)
    ones = jnp.ones_like(preds)
    labels_f = labels.astype(jnp.float32)
    bin_sizes = jax.ops.segment_sum(ones, binned, num_segments=N_BINS + 1)[:N_BINS]
    bin_label_sums = jax.ops.segment_sum(labels_f, binned, num_segments=N_BINS + 1)[:N_BINS]
    bin_pred_sums = jax.ops.segment_sum(preds, binned, num_segments=N_BINS + 1)[:N_BINS]
    safe_sizes = jnp.where(bin_sizes > 0, bin_sizes, 1.0)
    bin_accs = jnp.where(bin_sizes > 0, bin_label_sums / safe_sizes, 0.0)
    bin_confs = jnp.where(bin_sizes > 0, bin_pred_sums / safe_sizes, 0.0)
    abs_conf_dif = jnp.abs(bin_accs - bin_confs)
    # ECE = sum_i sizes[i]/sum(sizes) * |acc_i - conf_i|  (only bins 0..n_bins-1, as in torch loop)
    ece = jnp.sum(bin_sizes / jnp.sum(bin_sizes) * abs_conf_dif)
    return ece

if __name__ == "__main__":
    import jax
    _d = setup_inputs()
    print(jax.jit(kernel)(*tuple(_d.values())))

</pallas_src>

<mosaic_0001>
#map = affine_map<(d0, d1) -> (0)>
module attributes {stable_mosaic.version = 14 : i64} {
  func.func @_ece_hist(%arg0: i32, %arg1: i32, %arg2: memref<4194304xf32, #tpu.memory_space<hbm>>, %arg3: memref<2097152xi32, #tpu.memory_space<hbm>>, %arg4: memref<16896xf32, #tpu.memory_space<hbm>>, %arg5: memref<16384xf32, #tpu.memory_space<vmem>>, %arg6: memref<16384xf32, #tpu.memory_space<vmem>>, %arg7: memref<8192xi32, #tpu.memory_space<vmem>>, %arg8: memref<8192xi32, #tpu.memory_space<vmem>>, %arg9: memref<1408xf32, #tpu.memory_space<vmem>>, %arg10: memref<1408xf32, #tpu.memory_space<vmem>>, %arg11: memref<1408xf32, #tpu.memory_space<vmem>>, %arg12: memref<!tpu.dma_semaphore, #tpu.memory_space<semaphore_mem>>, %arg13: memref<!tpu.dma_semaphore, #tpu.memory_space<semaphore_mem>>) attributes {dimension_semantics = [#tpu.dimension_semantics<core_parallel>, #tpu.dimension_semantics<subcore_parallel>], iteration_bounds = array<i64: 2, 16>, scalar_prefetch = 0 : i64, scratch_operands = 9 : i64, tpu.core_type = #tpu.core_type<sc_vector_subcore>, window_params = [{transform_indices = #map}, {transform_indices = #map}, {transform_indices = #map}]} {
    %mul3A = arith.constant 2 : i32
    %mul3A_0 = arith.muli %arg1, %mul3A : i32
    %add3A = arith.addi %mul3A_0, %arg0 : i32
    %iota3A = tpu.iota {dimensions = array<i32: 0>} : vector<16xi32>
    %broadcast_in_dim3A = arith.constant 1.000000e+00 : f32
    %broadcast_in_dim3A_1 = vector.broadcast %broadcast_in_dim3A : f32 to vector<16xf32>
    %broadcast_in_dim3A_2 = arith.constant 0.000000e+00 : f32
    %broadcast_in_dim3A_3 = vector.broadcast %broadcast_in_dim3A_2 : f32 to vector<16xf32>
    %swap3A = arith.constant 0 : index
    %swap3A_4 = tpu.vector_load %arg9[%swap3A] {strides = array<i32>} : memref<1408xf32, #tpu.memory_space<vmem>>, vector<16xf32>,
    tpu.vector_store %arg9[%swap3A], %broadcast_in_dim3A_3 {strides = array<i32>} : memref<1408xf32, #tpu.memory_space<vmem>>, vector<16xf32>,
    %swap3A_5 = arith.constant 0 : index
    %swap3A_6 = tpu.vector_load %arg10[%swap3A_5] {strides = array<i32>} : memref<1408xf32, #tpu.memory_space<vmem>>, vector<16xf32>,
    tpu.vector_store %arg10[%swap3A_5], %broadcast_in_dim3A_3 {strides = array<i32>} : memref<1408xf32, #tpu.memory_space<vmem>>, vector<16xf32>,
    %swap3A_7 = arith.constant 0 : index
    %swap3A_8 = tpu.vector_load %arg11[%swap3A_7] {strides = array<i32>} : memref<1408xf32, #tpu.memory_space<vmem>>, vector<16xf32>,
    tpu.vector_store %arg11[%swap3A_7], %broadcast_in_dim3A_3 {strides = array<i32>} : memref<1408xf32, #tpu.memory_space<vmem>>, vector<16xf32>,
    %swap3A_9 = arith.constant 16 : index
    %swap3A_10 = tpu.vector_load %arg9[%swap3A_9] {strides = array<i32>} : memref<1408xf32, #tpu.memory_space<vmem>>, vector<16xf32>,
    tpu.vector_store %arg9[%swap3A_9], %broadcast_in_dim3A_3 {strides = array<i32>} : memref<1408xf32, #tpu.memory_space<vmem>>, vector<16xf32>,
    %swap3A_11 = arith.constant 16 : index
    %swap3A_12 = tpu.vector_load %arg10[%swap3A_11] {strides = array<i32>} : memref<1408xf32, #tpu.memory_space<vmem>>, vector<16xf32>,
    tpu.vector_store %arg10[%swap3A_11], %broadcast_in_dim3A_3 {strides = array<i32>} : memref<1408xf32, #tpu.memory_space<vmem>>, vector<16xf32>,
    %swap3A_13 = arith.constant 16 : index
    %swap3A_14 = tpu.vector_load %arg11[%swap3A_13] {strides = array<i32>} : memref<1408xf32, #tpu.memory_space<vmem>>, vector<16xf32>,
    tpu.vector_store %arg11[%swap3A_13], %broadcast_in_dim3A_3 {strides = array<i32>} : memref<1408xf32, #tpu.memory_space<vmem>>, vector<16xf32>,
    %swap3A_15 = arith.constant 32 : index
    %swap3A_16 = tpu.vector_load %arg9[%swap3A_15] {strides = array<i32>} : memref<1408xf32, #tpu.memory_space<vmem>>, vector<16xf32>,
    tpu.vector_store %arg9[%swap3A_15], %broadcast_in_dim3A_3 {strides = array<i32>} : memref<1408xf32, #tpu.memory_space<vmem>>, vector<16xf32>,
    %swap3A_17 = arith.constant 32 : index
    %swap3A_18 = tpu.vector_load %arg10[%swap3A_17] {strides = array<i32>} : memref<1408xf32, #tpu.memory_space<vmem>>, vector<16xf32>,
    tpu.vector_store %arg10[%swap3A_17], %broadcast_in_dim3A_3 {strides = array<i32>} : memref<1408xf32, #tpu.memory_space<vmem>>, vector<16xf32>,
    %swap3A_19 = arith.constant 32 : index
    %swap3A_20 = tpu.vector_load %arg11[%swap3A_19] {strides = array<i32>} : memref<1408xf32, #tpu.memory_space<vmem>>, vector<16xf32>,
    tpu.vector_store %arg11[%swap3A_19], %broadcast_in_dim3A_3 {strides = array<i32>} : memref<1408xf32, #tpu.memory_space<vmem>>, vector<16xf32>,
    %swap3A_21 = arith.constant 48 : index
    %swap3A_22 = tpu.vector_load %arg9[%swap3A_21] {strides = array<i32>} : memref<1408xf32, #tpu.memory_space<vmem>>, vector<16xf32>,
    tpu.vector_store %arg9[%swap3A_21], %broadcast_in_dim3A_3 {strides = array<i32>} : memref<1408xf32, #tpu.memory_space<vmem>>, vector<16xf32>,
    %swap3A_23 = arith.constant 48 : index
    %swap3A_24 = tpu.vector_load %arg10[%swap3A_23] {strides = array<i32>} : memref<1408xf32, #tpu.memory_space<vmem>>, vector<16xf32>,
    tpu.vector_store %arg10[%swap3A_23], %broadcast_in_dim3A_3 {strides = array<i32>} : memref<1408xf32, #tpu.memory_space<vmem>>, vector<16xf32>,
    %swap3A_25 = arith.constant 48 : index
    %swap3A_26 = tpu.vector_load %arg11[%swap3A_25] {strides = array<i32>} : memref<1408xf32, #tpu.memory_space<vmem>>, vector<16xf32>,
    tpu.vector_store %arg11[%swap3A_25], %broadcast_in_dim3A_3 {strides = array<i32>} : memref<1408xf32, #tpu.memory_space<vmem>>, vector<16xf32>,
    %swap3A_27 = arith.constant 64 : index
    %swap3A_28 = tpu.vector_load %arg9[%swap3A_27] {strides = array<i32>} : memref<1408xf32, #tpu.memory_space<vmem>>, vector<16xf32>,
    tpu.vector_store %arg9[%swap3A_27], %broadcast_in_dim3A_3 {strides = array<i32>} : memref<1408xf32, #tpu.memory_space<vmem>>, vector<16xf32>,
    %swap3A_29 = arith.constant 64 : index
    %swap3A_30 = tpu.vector_load %arg10[%swap3A_29] {strides = array<i32>} : memref<1408xf32, #tpu.memory_space<vmem>>, vector<16xf32>,
    tpu.vector_store %arg10[%swap3A_29], %broadcast_in_dim3A_3 {strides = array<i32>} : memref<1408xf32, #tpu.memory_space<vmem>>, vector<16xf32>,
    %swap3A_31 = arith.constant 64 : index
    %swap3A_32 = tpu.vector_load %arg11[%swap3A_31] {strides = array<i32>} : memref<1408xf32, #tpu.memory_space<vmem>>, vector<16xf32>,
    tpu.vector_store %arg11[%swap3A_31], %broadcast_in_dim3A_3 {strides = array<i32>} : memref<1408xf32, #tpu.memory_space<vmem>>, vector<16xf32>,
    %swap3A_33 = arith.constant 80 : index
    %swap3A_34 = tpu.vector_load %arg9[%swap3A_33] {strides = array<i32>} : memref<1408xf32, #tpu.memory_space<vmem>>, vector<16xf32>,
    tpu.vector_store %arg9[%swap3A_33], %broadcast_in_dim3A_3 {strides = array<i32>} : memref<1408xf32, #tpu.memory_space<vmem>>, vector<16xf32>,
    %swap3A_35 = arith.constant 80 : index
    %swap3A_36 = tpu.vector_load %arg10[%swap3A_35] {strides = array<i32>} : memref<1408xf32, #tpu.memory_space<vmem>>, vector<16xf32>,
    tpu.vector_store %arg10[%swap3A_35], %broadcast_in_dim3A_3 {strides = array<i32>} : memref<1408xf32, #tpu.memory_space<vmem>>, vector<16xf32>,
    %swap3A_37 = arith.constant 80 : index
    %swap3A_38 = tpu.vector_load %arg11[%swap3A_37] {strides = array<i32>} : memref<1408xf32, #tpu.memory_space<vmem>>, vector<16xf32>,
    tpu.vector_store %arg11[%swap3A_37], %broadcast_in_dim3A_3 {strides = array<i32>} : memref<1408xf32, #tpu.memory_space<vmem>>, vector<16xf32>,
    %swap3A_39 = arith.constant 96 : index
    %swap3A_40 = tpu.vector_load %arg9[%swap3A_39] {strides = array<i32>} : memref<1408xf32, #tpu.memory_space<vmem>>, vector<16xf32>,
    tpu.vector_store %arg9[%swap3A_39], %broadcast_in_dim3A_3 {strides = array<i32>} : memref<1408xf32, #tpu.memory_space<vmem>>, vector<16xf32>,
    %swap3A_41 = arith.constant 96 : index
    %swap3A_42 = tpu.vector_load %arg10[%swap3A_41] {strides = array<i32>} : memref<1408xf32, #tpu.memory_space<vmem>>, vector<16xf32>,
    tpu.vector_store %arg10[%swap3A_41], %broadcast_in_dim3A_3 {strides = array<i32>} : memref<1408xf32, #tpu.memory_space<vmem>>, vector<16xf32>,
    %swap3A_43 = arith.constant 96 : index
    %swap3A_44 = tpu.vector_load %arg11[%swap3A_43] {strides = array<i32>} : memref<1408xf32, #tpu.memory_space<vmem>>, vector<16xf32>,
    tpu.vector_store %arg11[%swap3A_43], %broadcast_in_dim3A_3 {strides = array<i32>} : memref<1408xf32, #tpu.memory_space<vmem>>, vector<16xf32>,
    %swap3A_45 = arith.constant 112 : index
    %swap3A_46 = tpu.vector_load %arg9[%swap3A_45] {strides = array<i32>} : memref<1408xf32, #tpu.memory_space<vmem>>, vector<16xf32>,
    tpu.vector_store %arg9[%swap3A_45], %broadcast_in_dim3A_3 {strides = array<i32>} : memref<1408xf32, #tpu.memory_space<vmem>>, vector<16xf32>,
    %swap3A_47 = arith.constant 112 : index
    %swap3A_48 = tpu.vector_load %arg10[%swap3A_47] {strides = array<i32>} : memref<1408xf32, #tpu.memory_space<vmem>>, vector<16xf32>,
    tpu.vector_store %arg10[%swap3A_47], %broadcast_in_dim3A_3 {strides = array<i32>} : memref<1408xf32, #tpu.memory_space<vmem>>, vector<16xf32>,
    %swap3A_49 = arith.constant 112 : index
    %swap3A_50 = tpu.vector_load %arg11[%swap3A_49] {strides = array<i32>} : memref<1408xf32, #tpu.memory_space<vmem>>, vector<16xf32>,
    tpu.vector_store %arg11[%swap3A_49], %broadcast_in_dim3A_3 {strides = array<i32>} : memref<1408xf32, #tpu.memory_space<vmem>>, vector<16xf32>,
    %swap3A_51 = arith.constant 128 : index
    %swap3A_52 = tpu.vector_load %arg9[%swap3A_51] {strides = array<i32>} : memref<1408xf32, #tpu.memory_space<vmem>>, vector<16xf32>,
    tpu.vector_store %arg9[%swap3A_51], %broadcast_in_dim3A_3 {strides = array<i32>} : memref<1408xf32, #tpu.memory_space<vmem>>, vector<16xf32>,
    %swap3A_53 = arith.constant 128 : index
    %swap3A_54 = tpu.vector_load %arg10[%swap3A_53] {strides = array<i32>} : memref<1408xf32, #tpu.memory_space<vmem>>, vector<16xf32>,
    tpu.vector_store %arg10[%swap3A_53], %broadcast_in_dim3A_3 {strides = array<i32>} : memref<1408xf32, #tpu.memory_space<vmem>>, vector<16xf32>,
    %swap3A_55 = arith.constant 128 : index
    %swap3A_56 = tpu.vector_load %arg11[%swap3A_55] {strides = array<i32>} : memref<1408xf32, #tpu.memory_space<vmem>>, vector<16xf32>,
    tpu.vector_store %arg11[%swap3A_55], %broadcast_in_dim3A_3 {strides = array<i32>} : memref<1408xf32, #tpu.memory_space<vmem>>, vector<16xf32>,
    %swap3A_57 = arith.constant 144 : index
    %swap3A_58 = tpu.vector_load %arg9[%swap3A_57] {strides = array<i32>} : memref<1408xf32, #tpu.memory_space<vmem>>, vector<16xf32>,
    tpu.vector_store %arg9[%swap3A_57], %broadcast_in_dim3A_3 {strides = array<i32>} : memref<1408xf32, #tpu.memory_space<vmem>>, vector<16xf32>,
    %swap3A_59 = arith.constant 144 : index
    %swap3A_60 = tpu.vector_load %arg10[%swap3A_59] {strides = array<i32>} : memref<1408xf32, #tpu.memory_space<vmem>>, vector<16xf32>,
    tpu.vector_store %arg10[%swap3A_59], %broadcast_in_dim3A_3 {strides = array<i32>} : memref<1408xf32, #tpu.memory_space<vmem>>, vector<16xf32>,
    %swap3A_61 = arith.constant 144 : index
    %swap3A_62 = tpu.vector_load %arg11[%swap3A_61] {strides = array<i32>} : memref<1408xf32, #tpu.memory_space<vmem>>, vector<16xf32>,
    tpu.vector_store %arg11[%swap3A_61], %broadcast_in_dim3A_3 {strides = array<i32>} : memref<1408xf32, #tpu.memory_space<vmem>>, vector<16xf32>,
    %swap3A_63 = arith.constant 160 : index
    %swap3A_64 = tpu.vector_load %arg9[%swap3A_63] {strides = array<i32>} : memref<1408xf32, #tpu.memory_space<vmem>>, vector<16xf32>,
    tpu.vector_store %arg9[%swap3A_63], %broadcast_in_dim3A_3 {strides = array<i32>} : memref<1408xf32, #tpu.memory_space<vmem>>, vector<16xf32>,
    %swap3A_65 = arith.constant 160 : index
    %swap3A_66 = tpu.vector_load %arg10[%swap3A_65] {strides = array<i32>} : memref<1408xf32, #tpu.memory_space<vmem>>, vector<16xf32>,
    tpu.vector_store %arg10[%swap3A_65], %broadcast_in_dim3A_3 {strides = array<i32>} : memref<1408xf32, #tpu.memory_space<vmem>>, vector<16xf32>,
    %swap3A_67 = arith.constant 160 : index
    %swap3A_68 = tpu.vector_load %arg11[%swap3A_67] {strides = array<i32>} : memref<1408xf32, #tpu.memory_space<vmem>>, vector<16xf32>,
    tpu.vector_store %arg11[%swap3A_67], %broadcast_in_dim3A_3 {strides = array<i32>} : memref<1408xf32, #tpu.memory_space<vmem>>, vector<16xf32>,
    %swap3A_69 = arith.constant 176 : index
    %swap3A_70 = tpu.vector_load %arg9[%swap3A_69] {strides = array<i32>} : memref<1408xf32, #tpu.memory_space<vmem>>, vector<16xf32>,
    tpu.vector_store %arg9[%swap3A_69], %broadcast_in_dim3A_3 {strides = array<i32>} : memref<1408xf32, #tpu.memory_space<vmem>>, vector<16xf32>,
    %swap3A_71 = arith.constant 176 : index
    %swap3A_72 = tpu.vector_load %arg10[%swap3A_71] {strides = array<i32>} : memref<1408xf32, #tpu.memory_space<vmem>>, vector<16xf32>,
    tpu.vector_store %arg10[%swap3A_71], %broadcast_in_dim3A_3 {strides = array<i32>} : memref<1408xf32, #tpu.memory_space<vmem>>, vector<16xf32>,
    %swap3A_73 = arith.constant 176 : index
    %swap3A_74 = tpu.vector_load %arg11[%swap3A_73] {strides = array<i32>} : memref<1408xf32, #tpu.memory_space<vmem>>, vector<16xf32>,
    tpu.vector_store %arg11[%swap3A_73], %broadcast_in_dim3A_3 {strides = array<i32>} : memref<1408xf32, #tpu.memory_space<vmem>>, vector<16xf32>,
    %swap3A_75 = arith.constant 192 : index
    %swap3A_76 = tpu.vector_load %arg9[%swap3A_75] {strides = array<i32>} : memref<1408xf32, #tpu.memory_space<vmem>>, vector<16xf32>,
    tpu.vector_store %arg9[%swap3A_75], %broadcast_in_dim3A_3 {strides = array<i32>} : memref<1408xf32, #tpu.memory_space<vmem>>, vector<16xf32>,
    %swap3A_77 = arith.constant 192 : index
    %swap3A_78 = tpu.vector_load %arg10[%swap3A_77] {strides = array<i32>} : memref<1408xf32, #tpu.memory_space<vmem>>, vector<16xf32>,
    tpu.vector_store %arg10[%swap3A_77], %broadcast_in_dim3A_3 {strides = array<i32>} : memref<1408xf32, #tpu.memory_space<vmem>>, vector<16xf32>,
    %swap3A_79 = arith.constant 192 : index
    %swap3A_80 = tpu.vector_load %arg11[%swap3A_79] {strides = array<i32>} : memref<1408xf32, #tpu.memory_space<vmem>>, vector<16xf32>,
    tpu.vector_store %arg11[%swap3A_79], %broadcast_in_dim3A_3 {strides = array<i32>} : memref<1408xf32, #tpu.memory_space<vmem>>, vector<16xf32>,
    %swap3A_81 = arith.constant 208 : index
    %swap3A_82 = tpu.vector_load %arg9[%swap3A_81] {strides = array<i32>} : memref<1408xf32, #tpu.memory_space<vmem>>, vector<16xf32>,
    tpu.vector_store %arg9[%swap3A_81], %broadcast_in_dim3A_3 {strides = array<i32>} : memref<1408xf32, #tpu.memory_space<vmem>>, vector<16xf32>,
    %swap3A_83 = arith.constant 208 : index
    %swap3A_84 = tpu.vector_load %arg10[%swap3A_83] {strides = array<i32>} : memref<1408xf32, #tpu.memory_space<vmem>>, vector<16xf32>,
    tpu.vector_store %arg10[%swap3A_83], %broadcast_in_dim3A_3 {strides = array<i32>} : memref<1408xf32, #tpu.memory_space<vmem>>, vector<16xf32>,
    %swap3A_85 = arith.constant 208 : index
    %swap3A_86 = tpu.vector_load %arg11[%swap3A_85] {strides = array<i32>} : memref<1408xf32, #tpu.memory_space<vmem>>, vector<16xf32>,
    tpu.vector_store %arg11[%swap3A_85], %broadcast_in_dim3A_3 {strides = array<i32>} : memref<1408xf32, #tpu.memory_space<vmem>>, vector<16xf32>,
    %swap3A_87 = arith.constant 224 : index
    %swap3A_88 = tpu.vector_load %arg9[%swap3A_87] {strides = array<i32>} : memref<1408xf32, #tpu.memory_space<vmem>>, vector<16xf32>,
    tpu.vector_store %arg9[%swap3A_87], %broadcast_in_dim3A_3 {strides = array<i32>} : memref<1408xf32, #tpu.memory_space<vmem>>, vector<16xf32>,
    %swap3A_89 = arith.constant 224 : index
    %swap3A_90 = tpu.vector_load %arg10[%swap3A_89] {strides = array<i32>} : memref<1408xf32, #tpu.memory_space<vmem>>, vector<16xf32>,
    tpu.vector_store %arg10[%swap3A_89], %broadcast_in_dim3A_3 {strides = array<i32>} : memref<1408xf32, #tpu.memory_space<vmem>>, vector<16xf32>,
    %swap3A_91 = arith.constant 224 : index
    %swap3A_92 = tpu.vector_load %arg11[%swap3A_91] {strides = array<i32>} : memref<1408xf32, #tpu.memory_space<vmem>>, vector<16xf32>,
    tpu.vector_store %arg11[%swap3A_91], %broadcast_in_dim3A_3 {strides = array<i32>} : memref<1408xf32, #tpu.memory_space<vmem>>, vector<16xf32>,
    %swap3A_93 = arith.constant 240 : index
    %swap3A_94 = tpu.vector_load %arg9[%swap3A_93] {strides = array<i32>} : memref<1408xf32, #tpu.memory_space<vmem>>, vector<16xf32>,
    tpu.vector_store %arg9[%swap3A_93], %broadcast_in_dim3A_3 {strides = array<i32>} : memref<1408xf32, #tpu.memory_space<vmem>>, vector<16xf32>,
    %swap3A_95 = arith.constant 240 : index
    %swap3A_96 = tpu.vector_load %arg10[%swap3A_95] {strides = array<i32>} : memref<1408xf32, #tpu.memory_space<vmem>>, vector<16xf32>,
    tpu.vector_store %arg10[%swap3A_95], %broadcast_in_dim3A_3 {strides = array<i32>} : memref<1408xf32, #tpu.memory_space<vmem>>, vector<16xf32>,
    %swap3A_97 = arith.constant 240 : index
    %swap3A_98 = tpu.vector_load %arg11[%swap3A_97] {strides = array<i32>} : memref<1408xf32, #tpu.memory_space<vmem>>, vector<16xf32>,
    tpu.vector_store %arg11[%swap3A_97], %broadcast_in_dim3A_3 {strides = array<i32>} : memref<1408xf32, #tpu.memory_space<vmem>>, vector<16xf32>,
    %swap3A_99 = arith.constant 256 : index
    %swap3A_100 = tpu.vector_load %arg9[%swap3A_99] {strides = array<i32>} : memref<1408xf32, #tpu.memory_space<vmem>>, vector<16xf32>,
    tpu.vector_store %arg9[%swap3A_99], %broadcast_in_dim3A_3 {strides = array<i32>} : memref<1408xf32, #tpu.memory_space<vmem>>, vector<16xf32>,
    %swap3A_101 = arith.constant 256 : index
    %swap3A_102 = tpu.vector_load %arg10[%swap3A_101] {strides = array<i32>} : memref<1408xf32, #tpu.memory_space<vmem>>, vector<16xf32>,
    tpu.vector_store %arg10[%swap3A_101], %broadcast_in_dim3A_3 {strides = array<i32>} : memref<1408xf32, #tpu.memory_space<vmem>>, vector<16xf32>,
    %swap3A_103 = arith.constant 256 : index
    %swap3A_104 = tpu.vector_load %arg11[%swap3A_103] {strides = array<i32>} : memref<1408xf32, #tpu.memory_space<vmem>>, vector<16xf32>,
    tpu.vector_store %arg11[%swap3A_103], %broadcast_in_dim3A_3 {strides = array<i32>} : memref<1408xf32, #tpu.memory_space<vmem>>, vector<16xf32>,
    %swap3A_105 = arith.constant 272 : index
    %swap3A_106 = tpu.vector_load %arg9[%swap3A_105] {strides = array<i32>} : memref<1408xf32, #tpu.memory_space<vmem>>, vector<16xf32>,
    tpu.vector_store %arg9[%swap3A_105], %broadcast_in_dim3A_3 {strides = array<i32>} : memref<1408xf32, #tpu.memory_space<vmem>>, vector<16xf32>,
    %swap3A_107 = arith.constant 272 : index
    %swap3A_108 = tpu.vector_load %arg10[%swap3A_107] {strides = array<i32>} : memref<1408xf32, #tpu.memory_space<vmem>>, vector<16xf32>,
    tpu.vector_store %arg10[%swap3A_107], %broadcast_in_dim3A_3 {strides = array<i32>} : memref<1408xf32, #tpu.memory_space<vmem>>, vector<16xf32>,
    %swap3A_109 = arith.constant 272 : index
    %swap3A_110 = tpu.vector_load %arg11[%swap3A_109] {strides = array<i32>} : memref<1408xf32, #tpu.memory_space<vmem>>, vector<16xf32>,
    tpu.vector_store %arg11[%swap3A_109], %broadcast_in_dim3A_3 {strides = array<i32>} : memref<1408xf32, #tpu.memory_space<vmem>>, vector<16xf32>,
    %swap3A_111 = arith.constant 288 : index
    %swap3A_112 = tpu.vector_load %arg9[%swap3A_111] {strides = array<i32>} : memref<1408xf32, #tpu.memory_space<vmem>>, vector<16xf32>,
    tpu.vector_store %arg9[%swap3A_111], %broadcast_in_dim3A_3 {strides = array<i32>} : memref<1408xf32, #tpu.memory_space<vmem>>, vector<16xf32>,
    %swap3A_113 = arith.constant 288 : index
    %swap3A_114 = tpu.vector_load %arg10[%swap3A_113] {strides = array<i32>} : memref<1408xf32, #tpu.memory_space<vmem>>, vector<16xf32>,
    tpu.vector_store %arg10[%swap3A_113], %broadcast_in_dim3A_3 {strides = array<i32>} : memref<1408xf32, #tpu.memory_space<vmem>>, vector<16xf32>,
    %swap3A_115 = arith.constant 288 : index
    %swap3A_116 = tpu.vector_load %arg11[%swap3A_115] {strides = array<i32>} : memref<1408xf32, #tpu.memory_space<vmem>>, vector<16xf32>,
    tpu.vector_store %arg11[%swap3A_115], %broadcast_in_dim3A_3 {strides = array<i32>} : memref<1408xf32, #tpu.memory_space<vmem>>, vector<16xf32>,
    %swap3A_117 = arith.constant 304 : index
    %swap3A_118 = tpu.vector_load %arg9[%swap3A_117] {strides = array<i32>} : memref<1408xf32, #tpu.memory_space<vmem>>, vector<16xf32>,
    tpu.vector_store %arg9[%swap3A_117], %broadcast_in_dim3A_3 {strides = array<i32>} : memref<1408xf32, #tpu.memory_space<vmem>>, vector<16xf32>,
    %swap3A_119 = arith.constant 304 : index
    %swap3A_120 = tpu.vector_load %arg10[%swap3A_119] {strides = array<i32>} : memref<1408xf32, #tpu.memory_space<vmem>>, vector<16xf32>,
    tpu.vector_store %arg10[%swap3A_119], %broadcast_in_dim3A_3 {strides = array<i32>} : memref<1408xf32, #tpu.memory_space<vmem>>, vector<16xf32>,
    %swap3A_121 = arith.constant 304 : index
    %swap3A_122 = tpu.vector_load %arg11[%swap3A_121] {strides = array<i32>} : memref<1408xf32, #tpu.memory_space<vmem>>, vector<16xf32>,
    tpu.vector_store %arg11[%swap3A_121], %broadcast_in_dim3A_3 {strides = array<i32>} : memref<1408xf32, #tpu.memory_space<vmem>>, vector<16xf32>,
    %swap3A_123 = arith.constant 320 : index
    %swap3A_124 = tpu.vector_load %arg9[%swap3A_123] {strides = array<i32>} : memref<1408xf32, #tpu.memory_space<vmem>>, vector<16xf32>,
    tpu.vector_store %arg9[%swap3A_123], %broadcast_in_dim3A_3 {strides = array<i32>} : memref<1408xf32, #tpu.memory_space<vmem>>, vector<16xf32>,
    %swap3A_125 = arith.constant 320 : index
    %swap3A_126 = tpu.vector_load %arg10[%swap3A_125] {strides = array<i32>} : memref<1408xf32, #tpu.memory_space<vmem>>, vector<16xf32>,
    tpu.vector_store %arg10[%swap3A_125], %broadcast_in_dim3A_3 {strides = array<i32>} : memref<1408xf32, #tpu.memory_space<vmem>>, vector<16xf32>,
    %swap3A_127 = arith.constant 320 : index
    %swap3A_128 = tpu.vector_load %arg11[%swap3A_127] {strides = array<i32>} : memref<1408xf32, #tpu.memory_space<vmem>>, vector<16xf32>,
    tpu.vector_store %arg11[%swap3A_127], %broadcast_in_dim3A_3 {strides = array<i32>} : memref<1408xf32, #tpu.memory_space<vmem>>, vector<16xf32>,
    %swap3A_129 = arith.constant 336 : index
    %swap3A_130 = tpu.vector_load %arg9[%swap3A_129] {strides = array<i32>} : memref<1408xf32, #tpu.memory_space<vmem>>, vector<16xf32>,
    tpu.vector_store %arg9[%swap3A_129], %broadcast_in_dim3A_3 {strides = array<i32>} : memref<1408xf32, #tpu.memory_space<vmem>>, vector<16xf32>,
    %swap3A_131 = arith.constant 336 : index
    %swap3A_132 = tpu.vector_load %arg10[%swap3A_131] {strides = array<i32>} : memref<1408xf32, #tpu.memory_space<vmem>>, vector<16xf32>,
    tpu.vector_store %arg10[%swap3A_131], %broadcast_in_dim3A_3 {strides = array<i32>} : memref<1408xf32, #tpu.memory_space<vmem>>, vector<16xf32>,
    %swap3A_133 = arith.constant 336 : index
    %swap3A_134 = tpu.vector_load %arg11[%swap3A_133] {strides = array<i32>} : memref<1408xf32, #tpu.memory_space<vmem>>, vector<16xf32>,
    tpu.vector_store %arg11[%swap3A_133], %broadcast_in_dim3A_3 {strides = array<i32>} : memref<1408xf32, #tpu.memory_space<vmem>>, vector<16xf32>,
    %swap3A_135 = arith.constant 352 : index
    %swap3A_136 = tpu.vector_load %arg9[%swap3A_135] {strides = array<i32>} : memref<1408xf32, #tpu.memory_space<vmem>>, vector<16xf32>,
    tpu.vector_store %arg9[%swap3A_135], %broadcast_in_dim3A_3 {strides = array<i32>} : memref<1408xf32, #tpu.memory_space<vmem>>, vector<16xf32>,
    %swap3A_137 = arith.constant 352 : index
    %swap3A_138 = tpu.vector_load %arg10[%swap3A_137] {strides = array<i32>} : memref<1408xf32, #tpu.memory_space<vmem>>, vector<16xf32>,
    tpu.vector_store %arg10[%swap3A_137], %broadcast_in_dim3A_3 {strides = array<i32>} : memref<1408xf32, #tpu.memory_space<vmem>>, vector<16xf32>,
    %swap3A_139 = arith.constant 352 : index
    %swap3A_140 = tpu.vector_load %arg11[%swap3A_139] {strides = array<i32>} : memref<1408xf32, #tpu.memory_space<vmem>>, vector<16xf32>,
    tpu.vector_store %arg11[%swap3A_139], %broadcast_in_dim3A_3 {strides = array<i32>} : memref<1408xf32, #tpu.memory_space<vmem>>, vector<16xf32>,
    %swap3A_141 = arith.constant 368 : index
    %swap3A_142 = tpu.vector_load %arg9[%swap3A_141] {strides = array<i32>} : memref<1408xf32, #tpu.memory_space<vmem>>, vector<16xf32>,
    tpu.vector_store %arg9[%swap3A_141], %broadcast_in_dim3A_3 {strides = array<i32>} : memref<1408xf32, #tpu.memory_space<vmem>>, vector<16xf32>,
    %swap3A_143 = arith.constant 368 : index
    %swap3A_144 = tpu.vector_load %arg10[%swap3A_143] {strides = array<i32>} : memref<1408xf32, #tpu.memory_space<vmem>>, vector<16xf32>,
    tpu.vector_store %arg10[%swap3A_143], %broadcast_in_dim3A_3 {strides = array<i32>} : memref<1408xf32, #tpu.memory_space<vmem>>, vector<16xf32>,
    %swap3A_145 = arith.constant 368 : index
    %swap3A_146 = tpu.vector_load %arg11[%swap3A_145] {strides = array<i32>} : memref<1408xf32, #tpu.memory_space<vmem>>, vector<16xf32>,
    tpu.vector_store %arg11[%swap3A_145], %broadcast_in_dim3A_3 {strides = array<i32>} : memref<1408xf32, #tpu.memory_space<vmem>>, vector<16xf32>,
    %swap3A_147 = arith.constant 384 : index
    %swap3A_148 = tpu.vector_load %arg9[%swap3A_147] {strides = array<i32>} : memref<1408xf32, #tpu.memory_space<vmem>>, vector<16xf32>,
    tpu.vector_store %arg9[%swap3A_147], %broadcast_in_dim3A_3 {strides = array<i32>} : memref<1408xf32, #tpu.memory_space<vmem>>, vector<16xf32>,
    %swap3A_149 = arith.constant 384 : index
    %swap3A_150 = tpu.vector_load %arg10[%swap3A_149] {strides = array<i32>} : memref<1408xf32, #tpu.memory_space<vmem>>, vector<16xf32>,
    tpu.vector_store %arg10[%swap3A_149], %broadcast_in_dim3A_3 {strides = array<i32>} : memref<1408xf32, #tpu.memory_space<vmem>>, vector<16xf32>,
    %swap3A_151 = arith.constant 384 : index
    %swap3A_152 = tpu.vector_load %arg11[%swap3A_151] {strides = array<i32>} : memref<1408xf32, #tpu.memory_space<vmem>>, vector<16xf32>,
    tpu.vector_store %arg11[%swap3A_151], %broadcast_in_dim3A_3 {strides = array<i32>} : memref<1408xf32, #tpu.memory_space<vmem>>, vector<16xf32>,
    %swap3A_153 = arith.constant 400 : index
    %swap3A_154 = tpu.vector_load %arg9[%swap3A_153] {strides = array<i32>} : memref<1408xf32, #tpu.memory_space<vmem>>, vector<16xf32>,
    tpu.vector_store %arg9[%swap3A_153], %broadcast_in_dim3A_3 {strides = array<i32>} : memref<1408xf32, #tpu.memory_space<vmem>>, vector<16xf32>,
    %swap3A_155 = arith.constant 400 : index
    %swap3A_156 = tpu.vector_load %arg10[%swap3A_155] {strides = array<i32>} : memref<1408xf32, #tpu.memory_space<vmem>>, vector<16xf32>,
    tpu.vector_store %arg10[%swap3A_155], %broadcast_in_dim3A_3 {strides = array<i32>} : memref<1408xf32, #tpu.memory_space<vmem>>, vector<16xf32>,
    %swap3A_157 = arith.constant 400 : index
    %swap3A_158 = tpu.vector_load %arg11[%swap3A_157] {strides = array<i32>} : memref<1408xf32, #tpu.memory_space<vmem>>, vector<16xf32>,
    tpu.vector_store %arg11[%swap3A_157], %broadcast_in_dim3A_3 {strides = array<i32>} : memref<1408xf32, #tpu.memory_space<vmem>>, vector<16xf32>,
    %swap3A_159 = arith.constant 416 : index
    %swap3A_160 = tpu.vector_load %arg9[%swap3A_159] {strides = array<i32>} : memref<1408xf32, #tpu.memory_space<vmem>>, vector<16xf32>,
    tpu.vector_store %arg9[%swap3A_159], %broadcast_in_dim3A_3 {strides = array<i32>} : memref<1408xf32, #tpu.memory_space<vmem>>, vector<16xf32>,
    %swap3A_161 = arith.constant 416 : index
    %swap3A_162 = tpu.vector_load %arg10[%swap3A_161] {strides = array<i32>} : memref<1408xf32, #tpu.memory_space<vmem>>, vector<16xf32>,
    tpu.vector_store %arg10[%swap3A_161], %broadcast_in_dim3A_3 {strides = array<i32>} : memref<1408xf32, #tpu.memory_space<vmem>>, vector<16xf32>,
    %swap3A_163 = arith.constant 416 : index
    %swap3A_164 = tpu.vector_load %arg11[%swap3A_163] {strides = array<i32>} : memref<1408xf32, #tpu.memory_space<vmem>>, vector<16xf32>,
    tpu.vector_store %arg11[%swap3A_163], %broadcast_in_dim3A_3 {strides = array<i32>} : memref<1408xf32, #tpu.memory_space<vmem>>, vector<16xf32>,
    %swap3A_165 = arith.constant 432 : index
    %swap3A_166 = tpu.vector_load %arg9[%swap3A_165] {strides = array<i32>} : memref<1408xf32, #tpu.memory_space<vmem>>, vector<16xf32>,
    tpu.vector_store %arg9[%swap3A_165], %broadcast_in_dim3A_3 {strides = array<i32>} : memref<1408xf32, #tpu.memory_space<vmem>>, vector<16xf32>,
    %swap3A_167 = arith.constant 432 : index
    %swap3A_168 = tpu.vector_load %arg10[%swap3A_167] {strides = array<i32>} : memref<1408xf32, #tpu.memory_space<vmem>>, vector<16xf32>,
    tpu.vector_store %arg10[%swap3A_167], %broadcast_in_dim3A_3 {strides = array<i32>} : memref<1408xf32, #tpu.memory_space<vmem>>, vector<16xf32>,
    %swap3A_169 = arith.constant 432 : index
    %swap3A_170 = tpu.vector_load %arg11[%swap3A_169] {strides = array<i32>} : memref<1408xf32, #tpu.memory_space<vmem>>, vector<16xf32>,
    tpu.vector_store %arg11[%swap3A_169], %broadcast_in_dim3A_3 {strides = array<i32>} : memref<1408xf32, #tpu.memory_space<vmem>>, vector<16xf32>,
    %swap3A_171 = arith.constant 448 : index
    %swap3A_172 = tpu.vector_load %arg9[%swap3A_171] {strides = array<i32>} : memref<1408xf32, #tpu.memory_space<vmem>>, vector<16xf32>,
    tpu.vector_store %arg9[%swap3A_171], %broadcast_in_dim3A_3 {strides = array<i32>} : memref<1408xf32, #tpu.memory_space<vmem>>, vector<16xf32>,
    %swap3A_173 = arith.constant 448 : index
    %swap3A_174 = tpu.vector_load %arg10[%swap3A_173] {strides = array<i32>} : memref<1408xf32, #tpu.memory_space<vmem>>, vector<16xf32>,
    tpu.vector_store %arg10[%swap3A_173], %broadcast_in_dim3A_3 {strides = array<i32>} : memref<1408xf32, #tpu.memory_space<vmem>>, vector<16xf32>,
    %swap3A_175 = arith.constant 448 : index
    %swap3A_176 = tpu.vector_load %arg11[%swap3A_175] {strides = array<i32>} : memref<1408xf32, #tpu.memory_space<vmem>>, vector<16xf32>,
    tpu.vector_store %arg11[%swap3A_175], %broadcast_in_dim3A_3 {strides = array<i32>} : memref<1408xf32, #tpu.memory_space<vmem>>, vector<16xf32>,
    %swap3A_177 = arith.constant 464 : index
    %swap3A_178 = tpu.vector_load %arg9[%swap3A_177] {strides = array<i32>} : memref<1408xf32, #tpu.memory_space<vmem>>, vector<16xf32>,
    tpu.vector_store %arg9[%swap3A_177], %broadcast_in_dim3A_3 {strides = array<i32>} : memref<1408xf32, #tpu.memory_space<vmem>>, vector<16xf32>,
    %swap3A_179 = arith.constant 464 : index
    %swap3A_180 = tpu.vector_load %arg10[%swap3A_179] {strides = array<i32>} : memref<1408xf32, #tpu.memory_space<vmem>>, vector<16xf32>,
    tpu.vector_store %arg10[%swap3A_179], %broadcast_in_dim3A_3 {strides = array<i32>} : memref<1408xf32, #tpu.memory_space<vmem>>, vector<16xf32>,
    %swap3A_181 = arith.constant 464 : index
    %swap3A_182 = tpu.vector_load %arg11[%swap3A_181] {strides = array<i32>} : memref<1408xf32, #tpu.memory_space<vmem>>, vector<16xf32>,
    tpu.vector_store %arg11[%swap3A_181], %broadcast_in_dim3A_3 {strides = array<i32>} : memref<1408xf32, #tpu.memory_space<vmem>>, vector<16xf32>,
    %swap3A_183 = arith.constant 480 : index
    %swap3A_184 = tpu.vector_load %arg9[%swap3A_183] {strides = array<i32>} : memref<1408xf32, #tpu.memory_space<vmem>>, vector<16xf32>,
    tpu.vector_store %arg9[%swap3A_183], %broadcast_in_dim3A_3 {strides = array<i32>} : memref<1408xf32, #tpu.memory_space<vmem>>, vector<16xf32>,
    %swap3A_185 = arith.constant 480 : index
    %swap3A_186 = tpu.vector_load %arg10[%swap3A_185] {strides = array<i32>} : memref<1408xf32, #tpu.memory_space<vmem>>, vector<16xf32>,
    tpu.vector_store %arg10[%swap3A_185], %broadcast_in_dim3A_3 {strides = array<i32>} : memref<1408xf32, #tpu.memory_space<vmem>>, vector<16xf32>,
    %swap3A_187 = arith.constant 480 : index
    %swap3A_188 = tpu.vector_load %arg11[%swap3A_187] {strides = array<i32>} : memref<1408xf32, #tpu.memory_space<vmem>>, vector<16xf32>,
    tpu.vector_store %arg11[%swap3A_187], %broadcast_in_dim3A_3 {strides = array<i32>} : memref<1408xf32, #tpu.memory_space<vmem>>, vector<16xf32>,
    %swap3A_189 = arith.constant 496 : index
    %swap3A_190 = tpu.vector_load %arg9[%swap3A_189] {strides = array<i32>} : memref<1408xf32, #tpu.memory_space<vmem>>, vector<16xf32>,
    tpu.vector_store %arg9[%swap3A_189], %broadcast_in_dim3A_3 {strides = array<i32>} : memref<1408xf32, #tpu.memory_space<vmem>>, vector<16xf32>,
    %swap3A_191 = arith.constant 496 : index
    %swap3A_192 = tpu.vector_load %arg10[%swap3A_191] {strides = array<i32>} : memref<1408xf32, #tpu.memory_space<vmem>>, vector<16xf32>,
    tpu.vector_store %arg10[%swap3A_191], %broadcast_in_dim3A_3 {strides = array<i32>} : memref<1408xf32, #tpu.memory_space<vmem>>, vector<16xf32>,
    %swap3A_193 = arith.constant 496 : index
    %swap3A_194 = tpu.vector_load %arg11[%swap3A_193] {strides = array<i32>} : memref<1408xf32, #tpu.memory_space<vmem>>, vector<16xf32>,
    tpu.vector_store %arg11[%swap3A_193], %broadcast_in_dim3A_3 {strides = array<i32>} : memref<1408xf32, #tpu.memory_space<vmem>>, vector<16xf32>,
    %swap3A_195 = arith.constant 512 : index
    %swap3A_196 = tpu.vector_load %arg9[%swap3A_195] {strides = array<i32>} : memref<1408xf32, #tpu.memory_space<vmem>>, vector<16xf32>,
    tpu.vector_store %arg9[%swap3A_195], %broadcast_in_dim3A_3 {strides = array<i32>} : memref<1408xf32, #tpu.memory_space<vmem>>, vector<16xf32>,
    %swap3A_197 = arith.constant 512 : index
    %swap3A_198 = tpu.vector_load %arg10[%swap3A_197] {strides = array<i32>} : memref<1408xf32, #tpu.memory_space<vmem>>, vector<16xf32>,
    tpu.vector_store %arg10[%swap3A_197], %broadcast_in_dim3A_3 {strides = array<i32>} : memref<1408xf32, #tpu.memory_space<vmem>>, vector<16xf32>,
    %swap3A_199 = arith.constant 512 : index
    %swap3A_200 = tpu.vector_load %arg11[%swap3A_199] {strides = array<i32>} : memref<1408xf32, #tpu.memory_space<vmem>>, vector<16xf32>,
    tpu.vector_store %arg11[%swap3A_199], %broadcast_in_dim3A_3 {strides = array<i32>} : memref<1408xf32, #tpu.memory_space<vmem>>, vector<16xf32>,
    %swap3A_201 = arith.constant 528 : index
    %swap3A_202 = tpu.vector_load %arg9[%swap3A_201] {strides = array<i32>} : memref<1408xf32, #tpu.memory_space<vmem>>, vector<16xf32>,
    tpu.vector_store %arg9[%swap3A_201], %broadcast_in_dim3A_3 {strides = array<i32>} : memref<1408xf32, #tpu.memory_space<vmem>>, vector<16xf32>,
    %swap3A_203 = arith.constant 528 : index
    %swap3A_204 = tpu.vector_load %arg10[%swap3A_203] {strides = array<i32>} : memref<1408xf32, #tpu.memory_space<vmem>>, vector<16xf32>,
    tpu.vector_store %arg10[%swap3A_203], %broadcast_in_dim3A_3 {strides = array<i32>} : memref<1408xf32, #tpu.memory_space<vmem>>, vector<16xf32>,
    %swap3A_205 = arith.constant 528 : index
    %swap3A_206 = tpu.vector_load %arg11[%swap3A_205] {strides = array<i32>} : memref<1408xf32, #tpu.memory_space<vmem>>, vector<16xf32>,
    tpu.vector_store %arg11[%swap3A_205], %broadcast_in_dim3A_3 {strides = array<i32>} : memref<1408xf32, #tpu.memory_space<vmem>>, vector<16xf32>,
    %swap3A_207 = arith.constant 544 : index
    %swap3A_208 = tpu.vector_load %arg9[%swap3A_207] {strides = array<i32>} : memref<1408xf32, #tpu.memory_space<vmem>>, vector<16xf32>,
    tpu.vector_store %arg9[%swap3A_207], %broadcast_in_dim3A_3 {strides = array<i32>} : memref<1408xf32, #tpu.memory_space<vmem>>, vector<16xf32>,
    %swap3A_209 = arith.constant 544 : index
    %swap3A_210 = tpu.vector_load %arg10[%swap3A_209] {strides = array<i32>} : memref<1408xf32, #tpu.memory_space<vmem>>, vector<16xf32>,
    tpu.vector_store %arg10[%swap3A_209], %broadcast_in_dim3A_3 {strides = array<i32>} : memref<1408xf32, #tpu.memory_space<vmem>>, vector<16xf32>,
    %swap3A_211 = arith.constant 544 : index
    %swap3A_212 = tpu.vector_load %arg11[%swap3A_211] {strides = array<i32>} : memref<1408xf32, #tpu.memory_space<vmem>>, vector<16xf32>,
    tpu.vector_store %arg11[%swap3A_211], %broadcast_in_dim3A_3 {strides = array<i32>} : memref<1408xf32, #tpu.memory_space<vmem>>, vector<16xf32>,
    %swap3A_213 = arith.constant 560 : index
    %swap3A_214 = tpu.vector_load %arg9[%swap3A_213] {strides = array<i32>} : memref<1408xf32, #tpu.memory_space<vmem>>, vector<16xf32>,
    tpu.vector_store %arg9[%swap3A_213], %broadcast_in_dim3A_3 {strides = array<i32>} : memref<1408xf32, #tpu.memory_space<vmem>>, vector<16xf32>,
    %swap3A_215 = arith.constant 560 : index
    %swap3A_216 = tpu.vector_load %arg10[%swap3A_215] {strides = array<i32>} : memref<1408xf32, #tpu.memory_space<vmem>>, vector<16xf32>,
    tpu.vector_store %arg10[%swap3A_215], %broadcast_in_dim3A_3 {strides = array<i32>} : memref<1408xf32, #tpu.memory_space<vmem>>, vector<16xf32>,
    %swap3A_217 = arith.constant 560 : index
    %swap3A_218 = tpu.vector_load %arg11[%swap3A_217] {strides = array<i32>} : memref<1408xf32, #tpu.memory_space<vmem>>, vector<16xf32>,
    tpu.vector_store %arg11[%swap3A_217], %broadcast_in_dim3A_3 {strides = array<i32>} : memref<1408xf32, #tpu.memory_space<vmem>>, vector<16xf32>,
    %swap3A_219 = arith.constant 576 : index
    %swap3A_220 = tpu.vector_load %arg9[%swap3A_219] {strides = array<i32>} : memref<1408xf32, #tpu.memory_space<vmem>>, vector<16xf32>,
    tpu.vector_store %arg9[%swap3A_219], %broadcast_in_dim3A_3 {strides = array<i32>} : memref<1408xf32, #tpu.memory_space<vmem>>, vector<16xf32>,
    %swap3A_221 = arith.constant 576 : index
    %swap3A_222 = tpu.vector_load %arg10[%swap3A_221] {strides = array<i32>} : memref<1408xf32, #tpu.memory_space<vmem>>, vector<16xf32>,
    tpu.vector_store %arg10[%swap3A_221], %broadcast_in_dim3A_3 {strides = array<i32>} : memref<1408xf32, #tpu.memory_space<vmem>>, vector<16xf32>,
    %swap3A_223 = arith.constant 576 : index
    %swap3A_224 = tpu.vector_load %arg11[%swap3A_223] {strides = array<i32>} : memref<1408xf32, #tpu.memory_space<vmem>>, vector<16xf32>,
    tpu.vector_store %arg11[%swap3A_223], %broadcast_in_dim3A_3 {strides = array<i32>} : memref<1408xf32, #tpu.memory_space<vmem>>, vector<16xf32>,
    %swap3A_225 = arith.constant 592 : index
    %swap3A_226 = tpu.vector_load %arg9[%swap3A_225] {strides = array<i32>} : memref<1408xf32, #tpu.memory_space<vmem>>, vector<16xf32>,
    tpu.vector_store %arg9[%swap3A_225], %broadcast_in_dim3A_3 {strides = array<i32>} : memref<1408xf32, #tpu.memory_space<vmem>>, vector<16xf32>,
    %swap3A_227 = arith.constant 592 : index
    %swap3A_228 = tpu.vector_load %arg10[%swap3A_227] {strides = array<i32>} : memref<1408xf32, #tpu.memory_space<vmem>>, vector<16xf32>,
    tpu.vector_store %arg10[%swap3A_227], %broadcast_in_dim3A_3 {strides = array<i32>} : memref<1408xf32, #tpu.memory_space<vmem>>, vector<16xf32>,
    %swap3A_229 = arith.constant 592 : index
    %swap3A_230 = tpu.vector_load %arg11[%swap3A_229] {strides = array<i32>} : memref<1408xf32, #tpu.memory_space<vmem>>, vector<16xf32>,
    tpu.vector_store %arg11[%swap3A_229], %broadcast_in_dim3A_3 {strides = array<i32>} : memref<1408xf32, #tpu.memory_space<vmem>>, vector<16xf32>,
    %swap3A_231 = arith.constant 608 : index
    %swap3A_232 = tpu.vector_load %arg9[%swap3A_231] {strides = array<i32>} : memref<1408xf32, #tpu.memory_space<vmem>>, vector<16xf32>,
    tpu.vector_store %arg9[%swap3A_231], %broadcast_in_dim3A_3 {strides = array<i32>} : memref<1408xf32, #tpu.memory_space<vmem>>, vector<16xf32>,
    %swap3A_233 = arith.constant 608 : index
    %swap3A_234 = tpu.vector_load %arg10[%swap3A_233] {strides = array<i32>} : memref<1408xf32, #tpu.memory_space<vmem>>, vector<16xf32>,
    tpu.vector_store %arg10[%swap3A_233], %broadcast_in_dim3A_3 {strides = array<i32>} : memref<1408xf32, #tpu.memory_space<vmem>>, vector<16xf32>,
    %swap3A_235 = arith.constant 608 : index
    %swap3A_236 = tpu.vector_load %arg11[%swap3A_235] {strides = array<i32>} : memref<1408xf32, #tpu.memory_space<vmem>>, vector<16xf32>,
    tpu.vector_store %arg11[%swap3A_235], %broadcast_in_dim3A_3 {strides = array<i32>} : memref<1408xf32, #tpu.memory_space<vmem>>, vector<16xf32>,
    %swap3A_237 = arith.constant 624 : index
    %swap3A_238 = tpu.vector_load %arg9[%swap3A_237] {strides = array<i32>} : memref<1408xf32, #tpu.memory_space<vmem>>, vector<16xf32>,
    tpu.vector_store %arg9[%swap3A_237], %broadcast_in_dim3A_3 {strides = array<i32>} : memref<1408xf32, #tpu.memory_space<vmem>>, vector<16xf32>,
    %swap3A_239 = arith.constant 624 : index
    %swap3A_240 = tpu.vector_load %arg10[%swap3A_239] {strides = array<i32>} : memref<1408xf32, #tpu.memory_space<vmem>>, vector<16xf32>,
    tpu.vector_store %arg10[%swap3A_239], %broadcast_in_dim3A_3 {strides = array<i32>} : memref<1408xf32, #tpu.memory_space<vmem>>, vector<16xf32>,
    %swap3A_241 = arith.constant 624 : index
    %swap3A_242 = tpu.vector_load %arg11[%swap3A_241] {strides = array<i32>} : memref<1408xf32, #tpu.memory_space<vmem>>, vector<16xf32>,
    tpu.vector_store %arg11[%swap3A_241], %broadcast_in_dim3A_3 {strides = array<i32>} : memref<1408xf32, #tpu.memory_space<vmem>>, vector<16xf32>,
    %swap3A_243 = arith.constant 640 : index
    %swap3A_244 = tpu.vector_load %arg9[%swap3A_243] {strides = array<i32>} : memref<1408xf32, #tpu.memory_space<vmem>>, vector<16xf32>,
    tpu.vector_store %arg9[%swap3A_243], %broadcast_in_dim3A_3 {strides = array<i32>} : memref<1408xf32, #tpu.memory_space<vmem>>, vector<16xf32>,
    %swap3A_245 = arith.constant 640 : index
    %swap3A_246 = tpu.vector_load %arg10[%swap3A_245] {strides = array<i32>} : memref<1408xf32, #tpu.memory_space<vmem>>, vector<16xf32>,
    tpu.vector_store %arg10[%swap3A_245], %broadcast_in_dim3A_3 {strides = array<i32>} : memref<1408xf32, #tpu.memory_space<vmem>>, vector<16xf32>,
    %swap3A_247 = arith.constant 640 : index
    %swap3A_248 = tpu.vector_load %arg11[%swap3A_247] {strides = array<i32>} : memref<1408xf32, #tpu.memory_space<vmem>>, vector<16xf32>,
    tpu.vector_store %arg11[%swap3A_247], %broadcast_in_dim3A_3 {strides = array<i32>} : memref<1408xf32, #tpu.memory_space<vmem>>, vector<16xf32>,
    %swap3A_249 = arith.constant 656 : index
    %swap3A_250 = tpu.vector_load %arg9[%swap3A_249] {strides = array<i32>} : memref<1408xf32, #tpu.memory_space<vmem>>, vector<16xf32>,
    tpu.vector_store %arg9[%swap3A_249], %broadcast_in_dim3A_3 {strides = array<i32>} : memref<1408xf32, #tpu.memory_space<vmem>>, vector<16xf32>,
    %swap3A_251 = arith.constant 656 : index
    %swap3A_252 = tpu.vector_load %arg10[%swap3A_251] {strides = array<i32>} : memref<1408xf32, #tpu.memory_space<vmem>>, vector<16xf32>,
    tpu.vector_store %arg10[%swap3A_251], %broadcast_in_dim3A_3 {strides = array<i32>} : memref<1408xf32, #tpu.memory_space<vmem>>, vector<16xf32>,
    %swap3A_253 = arith.constant 656 : index
    %swap3A_254 = tpu.vector_load %arg11[%swap3A_253] {strides = array<i32>} : memref<1408xf32, #tpu.memory_space<vmem>>, vector<16xf32>,
    tpu.vector_store %arg11[%swap3A_253], %broadcast_in_dim3A_3 {strides = array<i32>} : memref<1408xf32, #tpu.memory_space<vmem>>, vector<16xf32>,
    %swap3A_255 = arith.constant 672 : index
    %swap3A_256 = tpu.vector_load %arg9[%swap3A_255] {strides = array<i32>} : memref<1408xf32, #tpu.memory_space<vmem>>, vector<16xf32>,
    tpu.vector_store %arg9[%swap3A_255], %broadcast_in_dim3A_3 {strides = array<i32>} : memref<1408xf32, #tpu.memory_space<vmem>>, vector<16xf32>,
    %swap3A_257 = arith.constant 672 : index
    %swap3A_258 = tpu.vector_load %arg10[%swap3A_257] {strides = array<i32>} : memref<1408xf32, #tpu.memory_space<vmem>>, vector<16xf32>,
    tpu.vector_store %arg10[%swap3A_257], %broadcast_in_dim3A_3 {strides = array<i32>} : memref<1408xf32, #tpu.memory_space<vmem>>, vector<16xf32>,
    %swap3A_259 = arith.constant 672 : index
    %swap3A_260 = tpu.vector_load %arg11[%swap3A_259] {strides = array<i32>} : memref<1408xf32, #tpu.memory_space<vmem>>, vector<16xf32>,
    tpu.vector_store %arg11[%swap3A_259], %broadcast_in_dim3A_3 {strides = array<i32>} : memref<1408xf32, #tpu.memory_space<vmem>>, vector<16xf32>,
    %swap3A_261 = arith.constant 688 : index
    %swap3A_262 = tpu.vector_load %arg9[%swap3A_261] {strides = array<i32>} : memref<1408xf32, #tpu.memory_space<vmem>>, vector<16xf32>,
    tpu.vector_store %arg9[%swap3A_261], %broadcast_in_dim3A_3 {strides = array<i32>} : memref<1408xf32, #tpu.memory_space<vmem>>, vector<16xf32>,
    %swap3A_263 = arith.constant 688 : index
    %swap3A_264 = tpu.vector_load %arg10[%swap3A_263] {strides = array<i32>} : memref<1408xf32, #tpu.memory_space<vmem>>, vector<16xf32>,
    tpu.vector_store %arg10[%swap3A_263], %broadcast_in_dim3A_3 {strides = array<i32>} : memref<1408xf32, #tpu.memory_space<vmem>>, vector<16xf32>,
    %swap3A_265 = arith.constant 688 : index
    %swap3A_266 = tpu.vector_load %arg11[%swap3A_265] {strides = array<i32>} : memref<1408xf32, #tpu.memory_space<vmem>>, vector<16xf32>,
    tpu.vector_store %arg11[%swap3A_265], %broadcast_in_dim3A_3 {strides = array<i32>} : memref<1408xf32, #tpu.memory_space<vmem>>, vector<16xf32>,
    %swap3A_267 = arith.constant 704 : index
    %swap3A_268 = tpu.vector_load %arg9[%swap3A_267] {strides = array<i32>} : memref<1408xf32, #tpu.memory_space<vmem>>, vector<16xf32>,
    tpu.vector_store %arg9[%swap3A_267], %broadcast_in_dim3A_3 {strides = array<i32>} : memref<1408xf32, #tpu.memory_space<vmem>>, vector<16xf32>,
    %swap3A_269 = arith.constant 704 : index
    %swap3A_270 = tpu.vector_load %arg10[%swap3A_269] {strides = array<i32>} : memref<1408xf32, #tpu.memory_space<vmem>>, vector<16xf32>,
    tpu.vector_store %arg10[%swap3A_269], %broadcast_in_dim3A_3 {strides = array<i32>} : memref<1408xf32, #tpu.memory_space<vmem>>, vector<16xf32>,
    %swap3A_271 = arith.constant 704 : index
    %swap3A_272 = tpu.vector_load %arg11[%swap3A_271] {strides = array<i32>} : memref<1408xf32, #tpu.memory_space<vmem>>, vector<16xf32>,
    tpu.vector_store %arg11[%swap3A_271], %broadcast_in_dim3A_3 {strides = array<i32>} : memref<1408xf32, #tpu.memory_space<vmem>>, vector<16xf32>,
    %swap3A_273 = arith.constant 720 : index
    %swap3A_274 = tpu.vector_load %arg9[%swap3A_273] {strides = array<i32>} : memref<1408xf32, #tpu.memory_space<vmem>>, vector<16xf32>,
    tpu.vector_store %arg9[%swap3A_273], %broadcast_in_dim3A_3 {strides = array<i32>} : memref<1408xf32, #tpu.memory_space<vmem>>, vector<16xf32>,
    %swap3A_275 = arith.constant 720 : index
    %swap3A_276 = tpu.vector_load %arg10[%swap3A_275] {strides = array<i32>} : memref<1408xf32, #tpu.memory_space<vmem>>, vector<16xf32>,
    tpu.vector_store %arg10[%swap3A_275], %broadcast_in_dim3A_3 {strides = array<i32>} : memref<1408xf32, #tpu.memory_space<vmem>>, vector<16xf32>,
    %swap3A_277 = arith.constant 720 : index
    %swap3A_278 = tpu.vector_load %arg11[%swap3A_277] {strides = array<i32>} : memref<1408xf32, #tpu.memory_space<vmem>>, vector<16xf32>,
    tpu.vector_store %arg11[%swap3A_277], %broadcast_in_dim3A_3 {strides = array<i32>} : memref<1408xf32, #tpu.memory_space<vmem>>, vector<16xf32>,
    %swap3A_279 = arith.constant 736 : index
    %swap3A_280 = tpu.vector_load %arg9[%swap3A_279] {strides = array<i32>} : memref<1408xf32, #tpu.memory_space<vmem>>, vector<16xf32>,
    tpu.vector_store %arg9[%swap3A_279], %broadcast_in_dim3A_3 {strides = array<i32>} : memref<1408xf32, #tpu.memory_space<vmem>>, vector<16xf32>,
    %swap3A_281 = arith.constant 736 : index
    %swap3A_282 = tpu.vector_load %arg10[%swap3A_281] {strides = array<i32>} : memref<1408xf32, #tpu.memory_space<vmem>>, vector<16xf32>,
    tpu.vector_store %arg10[%swap3A_281], %broadcast_in_dim3A_3 {strides = array<i32>} : memref<1408xf32, #tpu.memory_space<vmem>>, vector<16xf32>,
    %swap3A_283 = arith.constant 736 : index
    %swap3A_284 = tpu.vector_load %arg11[%swap3A_283] {strides = array<i32>} : memref<1408xf32, #tpu.memory_space<vmem>>, vector<16xf32>,
    tpu.vector_store %arg11[%swap3A_283], %broadcast_in_dim3A_3 {strides = array<i32>} : memref<1408xf32, #tpu.memory_space<vmem>>, vector<16xf32>,
    %swap3A_285 = arith.constant 752 : index
    %swap3A_286 = tpu.vector_load %arg9[%swap3A_285] {strides = array<i32>} : memref<1408xf32, #tpu.memory_space<vmem>>, vector<16xf32>,
    tpu.vector_store %arg9[%swap3A_285], %broadcast_in_dim3A_3 {strides = array<i32>} : memref<1408xf32, #tpu.memory_space<vmem>>, vector<16xf32>,
    %swap3A_287 = arith.constant 752 : index
    %swap3A_288 = tpu.vector_load %arg10[%swap3A_287] {strides = array<i32>} : memref<1408xf32, #tpu.memory_space<vmem>>, vector<16xf32>,
    tpu.vector_store %arg10[%swap3A_287], %broadcast_in_dim3A_3 {strides = array<i32>} : memref<1408xf32, #tpu.memory_space<vmem>>, vector<16xf32>,
    %swap3A_289 = arith.constant 752 : index
    %swap3A_290 = tpu.vector_load %arg11[%swap3A_289] {strides = array<i32>} : memref<1408xf32, #tpu.memory_space<vmem>>, vector<16xf32>,
    tpu.vector_store %arg11[%swap3A_289], %broadcast_in_dim3A_3 {strides = array<i32>} : memref<1408xf32, #tpu.memory_space<vmem>>, vector<16xf32>,
    %swap3A_291 = arith.constant 768 : index
    %swap3A_292 = tpu.vector_load %arg9[%swap3A_291] {strides = array<i32>} : memref<1408xf32, #tpu.memory_space<vmem>>, vector<16xf32>,
    tpu.vector_store %arg9[%swap3A_291], %broadcast_in_dim3A_3 {strides = array<i32>} : memref<1408xf32, #tpu.memory_space<vmem>>, vector<16xf32>,
    %swap3A_293 = arith.constant 768 : index
    %swap3A_294 = tpu.vector_load %arg10[%swap3A_293] {strides = array<i32>} : memref<1408xf32, #tpu.memory_space<vmem>>, vector<16xf32>,
    tpu.vector_store %arg10[%swap3A_293], %broadcast_in_dim3A_3 {strides = array<i32>} : memref<1408xf32, #tpu.memory_space<vmem>>, vector<16xf32>,
    %swap3A_295 = arith.constant 768 : index
    %swap3A_296 = tpu.vector_load %arg11[%swap3A_295] {strides = array<i32>} : memref<1408xf32, #tpu.memory_space<vmem>>, vector<16xf32>,
    tpu.vector_store %arg11[%swap3A_295], %broadcast_in_dim3A_3 {strides = array<i32>} : memref<1408xf32, #tpu.memory_space<vmem>>, vector<16xf32>,
    %swap3A_297 = arith.constant 784 : index
    %swap3A_298 = tpu.vector_load %arg9[%swap3A_297] {strides = array<i32>} : memref<1408xf32, #tpu.memory_space<vmem>>, vector<16xf32>,
    tpu.vector_store %arg9[%swap3A_297], %broadcast_in_dim3A_3 {strides = array<i32>} : memref<1408xf32, #tpu.memory_space<vmem>>, vector<16xf32>,
    %swap3A_299 = arith.constant 784 : index
    %swap3A_300 = tpu.vector_load %arg10[%swap3A_299] {strides = array<i32>} : memref<1408xf32, #tpu.memory_space<vmem>>, vector<16xf32>,
    tpu.vector_store %arg10[%swap3A_299], %broadcast_in_dim3A_3 {strides = array<i32>} : memref<1408xf32, #tpu.memory_space<vmem>>, vector<16xf32>,
    %swap3A_301 = arith.constant 784 : index
    %swap3A_302 = tpu.vector_load %arg11[%swap3A_301] {strides = array<i32>} : memref<1408xf32, #tpu.memory_space<vmem>>, vector<16xf32>,
    tpu.vector_store %arg11[%swap3A_301], %broadcast_in_dim3A_3 {strides = array<i32>} : memref<1408xf32, #tpu.memory_space<vmem>>, vector<16xf32>,
    %swap3A_303 = arith.constant 800 : index
    %swap3A_304 = tpu.vector_load %arg9[%swap3A_303] {strides = array<i32>} : memref<1408xf32, #tpu.memory_space<vmem>>, vector<16xf32>,
    tpu.vector_store %arg9[%swap3A_303], %broadcast_in_dim3A_3 {strides = array<i32>} : memref<1408xf32, #tpu.memory_space<vmem>>, vector<16xf32>,
    %swap3A_305 = arith.constant 800 : index
    %swap3A_306 = tpu.vector_load %arg10[%swap3A_305] {strides = array<i32>} : memref<1408xf32, #tpu.memory_space<vmem>>, vector<16xf32>,
    tpu.vector_store %arg10[%swap3A_305], %broadcast_in_dim3A_3 {strides = array<i32>} : memref<1408xf32, #tpu.memory_space<vmem>>, vector<16xf32>,
    %swap3A_307 = arith.constant 800 : index
    %swap3A_308 = tpu.vector_load %arg11[%swap3A_307] {strides = array<i32>} : memref<1408xf32, #tpu.memory_space<vmem>>, vector<16xf32>,
    tpu.vector_store %arg11[%swap3A_307], %broadcast_in_dim3A_3 {strides = array<i32>} : memref<1408xf32, #tpu.memory_space<vmem>>, vector<16xf32>,
    %swap3A_309 = arith.constant 816 : index
    %swap3A_310 = tpu.vector_load %arg9[%swap3A_309] {strides = array<i32>} : memref<1408xf32, #tpu.memory_space<vmem>>, vector<16xf32>,
    tpu.vector_store %arg9[%swap3A_309], %broadcast_in_dim3A_3 {strides = array<i32>} : memref<1408xf32, #tpu.memory_space<vmem>>, vector<16xf32>,
    %swap3A_311 = arith.constant 816 : index
    %swap3A_312 = tpu.vector_load %arg10[%swap3A_311] {strides = array<i32>} : memref<1408xf32, #tpu.memory_space<vmem>>, vector<16xf32>,
    tpu.vector_store %arg10[%swap3A_311], %broadcast_in_dim3A_3 {strides = array<i32>} : memref<1408xf32, #tpu.memory_space<vmem>>, vector<16xf32>,
    %swap3A_313 = arith.constant 816 : index
    %swap3A_314 = tpu.vector_load %arg11[%swap3A_313] {strides = array<i32>} : memref<1408xf32, #tpu.memory_space<vmem>>, vector<16xf32>,
    tpu.vector_store %arg11[%swap3A_313], %broadcast_in_dim3A_3 {strides = array<i32>} : memref<1408xf32, #tpu.memory_space<vmem>>, vector<16xf32>,
    %swap3A_315 = arith.constant 832 : index
    %swap3A_316 = tpu.vector_load %arg9[%swap3A_315] {strides = array<i32>} : memref<1408xf32, #tpu.memory_space<vmem>>, vector<16xf32>,
    tpu.vector_store %arg9[%swap3A_315], %broadcast_in_dim3A_3 {strides = array<i32>} : memref<1408xf32, #tpu.memory_space<vmem>>, vector<16xf32>,
    %swap3A_317 = arith.constant 832 : index
    %swap3A_318 = tpu.vector_load %arg10[%swap3A_317] {strides = array<i32>} : memref<1408xf32, #tpu.memory_space<vmem>>, vector<16xf32>,
    tpu.vector_store %arg10[%swap3A_317], %broadcast_in_dim3A_3 {strides = array<i32>} : memref<1408xf32, #tpu.memory_space<vmem>>, vector<16xf32>,
    %swap3A_319 = arith.constant 832 : index
    %swap3A_320 = tpu.vector_load %arg11[%swap3A_319] {strides = array<i32>} : memref<1408xf32, #tpu.memory_space<vmem>>, vector<16xf32>,
    tpu.vector_store %arg11[%swap3A_319], %broadcast_in_dim3A_3 {strides = array<i32>} : memref<1408xf32, #tpu.memory_space<vmem>>, vector<16xf32>,
    %swap3A_321 = arith.constant 848 : index
    %swap3A_322 = tpu.vector_load %arg9[%swap3A_321] {strides = array<i32>} : memref<1408xf32, #tpu.memory_space<vmem>>, vector<16xf32>,
    tpu.vector_store %arg9[%swap3A_321], %broadcast_in_dim3A_3 {strides = array<i32>} : memref<1408xf32, #tpu.memory_space<vmem>>, vector<16xf32>,
    %swap3A_323 = arith.constant 848 : index
    %swap3A_324 = tpu.vector_load %arg10[%swap3A_323] {strides = array<i32>} : memref<1408xf32, #tpu.memory_space<vmem>>, vector<16xf32>,
    tpu.vector_store %arg10[%swap3A_323], %broadcast_in_dim3A_3 {strides = array<i32>} : memref<1408xf32, #tpu.memory_space<vmem>>, vector<16xf32>,
    %swap3A_325 = arith.constant 848 : index
    %swap3A_326 = tpu.vector_load %arg11[%swap3A_325] {strides = array<i32>} : memref<1408xf32, #tpu.memory_space<vmem>>, vector<16xf32>,
    tpu.vector_store %arg11[%swap3A_325], %broadcast_in_dim3A_3 {strides = array<i32>} : memref<1408xf32, #tpu.memory_space<vmem>>, vector<16xf32>,
    %swap3A_327 = arith.constant 864 : index
    %swap3A_328 = tpu.vector_load %arg9[%swap3A_327] {strides = array<i32>} : memref<1408xf32, #tpu.memory_space<vmem>>, vector<16xf32>,
    tpu.vector_store %arg9[%swap3A_327], %broadcast_in_dim3A_3 {strides = array<i32>} : memref<1408xf32, #tpu.memory_space<vmem>>, vector<16xf32>,
    %swap3A_329 = arith.constant 864 : index
    %swap3A_330 = tpu.vector_load %arg10[%swap3A_329] {strides = array<i32>} : memref<1408xf32, #tpu.memory_space<vmem>>, vector<16xf32>,
    tpu.vector_store %arg10[%swap3A_329], %broadcast_in_dim3A_3 {strides = array<i32>} : memref<1408xf32, #tpu.memory_space<vmem>>, vector<16xf32>,
    %swap3A_331 = arith.constant 864 : index
    %swap3A_332 = tpu.vector_load %arg11[%swap3A_331] {strides = array<i32>} : memref<1408xf32, #tpu.memory_space<vmem>>, vector<16xf32>,
    tpu.vector_store %arg11[%swap3A_331], %broadcast_in_dim3A_3 {strides = array<i32>} : memref<1408xf32, #tpu.memory_space<vmem>>, vector<16xf32>,
    %swap3A_333 = arith.constant 880 : index
    %swap3A_334 = tpu.vector_load %arg9[%swap3A_333] {strides = array<i32>} : memref<1408xf32, #tpu.memory_space<vmem>>, vector<16xf32>,
    tpu.vector_store %arg9[%swap3A_333], %broadcast_in_dim3A_3 {strides = array<i32>} : memref<1408xf32, #tpu.memory_space<vmem>>, vector<16xf32>,
    %swap3A_335 = arith.constant 880 : index
    %swap3A_336 = tpu.vector_load %arg10[%swap3A_335] {strides = array<i32>} : memref<1408xf32, #tpu.memory_space<vmem>>, vector<16xf32>,
    tpu.vector_store %arg10[%swap3A_335], %broadcast_in_dim3A_3 {strides = array<i32>} : memref<1408xf32, #tpu.memory_space<vmem>>, vector<16xf32>,
    %swap3A_337 = arith.constant 880 : index
    %swap3A_338 = tpu.vector_load %arg11[%swap3A_337] {strides = array<i32>} : memref<1408xf32, #tpu.memory_space<vmem>>, vector<16xf32>,
    tpu.vector_store %arg11[%swap3A_337], %broadcast_in_dim3A_3 {strides = array<i32>} : memref<1408xf32, #tpu.memory_space<vmem>>, vector<16xf32>,
    %swap3A_339 = arith.constant 896 : index
    %swap3A_340 = tpu.vector_load %arg9[%swap3A_339] {strides = array<i32>} : memref<1408xf32, #tpu.memory_space<vmem>>, vector<16xf32>,
    tpu.vector_store %arg9[%swap3A_339], %broadcast_in_dim3A_3 {strides = array<i32>} : memref<1408xf32, #tpu.memory_space<vmem>>, vector<16xf32>,
    %swap3A_341 = arith.constant 896 : index
    %swap3A_342 = tpu.vector_load %arg10[%swap3A_341] {strides = array<i32>} : memref<1408xf32, #tpu.memory_space<vmem>>, vector<16xf32>,
    tpu.vector_store %arg10[%swap3A_341], %broadcast_in_dim3A_3 {strides = array<i32>} : memref<1408xf32, #tpu.memory_space<vmem>>, vector<16xf32>,
    %swap3A_343 = arith.constant 896 : index
    %swap3A_344 = tpu.vector_load %arg11[%swap3A_343] {strides = array<i32>} : memref<1408xf32, #tpu.memory_space<vmem>>, vector<16xf32>,
    tpu.vector_store %arg11[%swap3A_343], %broadcast_in_dim3A_3 {strides = array<i32>} : memref<1408xf32, #tpu.memory_space<vmem>>, vector<16xf32>,
    %swap3A_345 = arith.constant 912 : index
    %swap3A_346 = tpu.vector_load %arg9[%swap3A_345] {strides = array<i32>} : memref<1408xf32, #tpu.memory_space<vmem>>, vector<16xf32>,
    tpu.vector_store %arg9[%swap3A_345], %broadcast_in_dim3A_3 {strides = array<i32>} : memref<1408xf32, #tpu.memory_space<vmem>>, vector<16xf32>,
    %swap3A_347 = arith.constant 912 : index
    %swap3A_348 = tpu.vector_load %arg10[%swap3A_347] {strides = array<i32>} : memref<1408xf32, #tpu.memory_space<vmem>>, vector<16xf32>,
    tpu.vector_store %arg10[%swap3A_347], %broadcast_in_dim3A_3 {strides = array<i32>} : memref<1408xf32, #tpu.memory_space<vmem>>, vector<16xf32>,
    %swap3A_349 = arith.constant 912 : index
    %swap3A_350 = tpu.vector_load %arg11[%swap3A_349] {strides = array<i32>} : memref<1408xf32, #tpu.memory_space<vmem>>, vector<16xf32>,
    tpu.vector_store %arg11[%swap3A_349], %broadcast_in_dim3A_3 {strides = array<i32>} : memref<1408xf32, #tpu.memory_space<vmem>>, vector<16xf32>,
    %swap3A_351 = arith.constant 928 : index
    %swap3A_352 = tpu.vector_load %arg9[%swap3A_351] {strides = array<i32>} : memref<1408xf32, #tpu.memory_space<vmem>>, vector<16xf32>,
    tpu.vector_store %arg9[%swap3A_351], %broadcast_in_dim3A_3 {strides = array<i32>} : memref<1408xf32, #tpu.memory_space<vmem>>, vector<16xf32>,
    %swap3A_353 = arith.constant 928 : index
    %swap3A_354 = tpu.vector_load %arg10[%swap3A_353] {strides = array<i32>} : memref<1408xf32, #tpu.memory_space<vmem>>, vector<16xf32>,
    tpu.vector_store %arg10[%swap3A_353], %broadcast_in_dim3A_3 {strides = array<i32>} : memref<1408xf32, #tpu.memory_space<vmem>>, vector<16xf32>,
    %swap3A_355 = arith.constant 928 : index
    %swap3A_356 = tpu.vector_load %arg11[%swap3A_355] {strides = array<i32>} : memref<1408xf32, #tpu.memory_space<vmem>>, vector<16xf32>,
    tpu.vector_store %arg11[%swap3A_355], %broadcast_in_dim3A_3 {strides = array<i32>} : memref<1408xf32, #tpu.memory_space<vmem>>, vector<16xf32>,
    %swap3A_357 = arith.constant 944 : index
    %swap3A_358 = tpu.vector_load %arg9[%swap3A_357] {strides = array<i32>} : memref<1408xf32, #tpu.memory_space<vmem>>, vector<16xf32>,
    tpu.vector_store %arg9[%swap3A_357], %broadcast_in_dim3A_3 {strides = array<i32>} : memref<1408xf32, #tpu.memory_space<vmem>>, vector<16xf32>,
    %swap3A_359 = arith.constant 944 : index
    %swap3A_360 = tpu.vector_load %arg10[%swap3A_359] {strides = array<i32>} : memref<1408xf32, #tpu.memory_space<vmem>>, vector<16xf32>,
    tpu.vector_store %arg10[%swap3A_359], %broadcast_in_dim3A_3 {strides = array<i32>} : memref<1408xf32, #tpu.memory_space<vmem>>, vector<16xf32>,
    %swap3A_361 = arith.constant 944 : index
    %swap3A_362 = tpu.vector_load %arg11[%swap3A_361] {strides = array<i32>} : memref<1408xf32, #tpu.memory_space<vmem>>, vector<16xf32>,
    tpu.vector_store %arg11[%swap3A_361], %broadcast_in_dim3A_3 {strides = array<i32>} : memref<1408xf32, #tpu.memory_space<vmem>>, vector<16xf32>,
    %swap3A_363 = arith.constant 960 : index
    %swap3A_364 = tpu.vector_load %arg9[%swap3A_363] {strides = array<i32>} : memref<1408xf32, #tpu.memory_space<vmem>>, vector<16xf32>,
    tpu.vector_store %arg9[%swap3A_363], %broadcast_in_dim3A_3 {strides = array<i32>} : memref<1408xf32, #tpu.memory_space<vmem>>, vector<16xf32>,
    %swap3A_365 = arith.constant 960 : index
    %swap3A_366 = tpu.vector_load %arg10[%swap3A_365] {strides = array<i32>} : memref<1408xf32, #tpu.memory_space<vmem>>, vector<16xf32>,
    tpu.vector_store %arg10[%swap3A_365], %broadcast_in_dim3A_3 {strides = array<i32>} : memref<1408xf32, #tpu.memory_space<vmem>>, vector<16xf32>,
    %swap3A_367 = arith.constant 960 : index
    %swap3A_368 = tpu.vector_load %arg11[%swap3A_367] {strides = array<i32>} : memref<1408xf32, #tpu.memory_space<vmem>>, vector<16xf32>,
    tpu.vector_store %arg11[%swap3A_367], %broadcast_in_dim3A_3 {strides = array<i32>} : memref<1408xf32, #tpu.memory_space<vmem>>, vector<16xf32>,
    %swap3A_369 = arith.constant 976 : index
    %swap3A_370 = tpu.vector_load %arg9[%swap3A_369] {strides = array<i32>} : memref<1408xf32, #tpu.memory_space<vmem>>, vector<16xf32>,
    tpu.vector_store %arg9[%swap3A_369], %broadcast_in_dim3A_3 {strides = array<i32>} : memref<1408xf32, #tpu.memory_space<vmem>>, vector<16xf32>,
    %swap3A_371 = arith.constant 976 : index
    %swap3A_372 = tpu.vector_load %arg10[%swap3A_371] {strides = array<i32>} : memref<1408xf32, #tpu.memory_space<vmem>>, vector<16xf32>,
    tpu.vector_store %arg10[%swap3A_371], %broadcast_in_dim3A_3 {strides = array<i32>} : memref<1408xf32, #tpu.memory_space<vmem>>, vector<16xf32>,
    %swap3A_373 = arith.constant 976 : index
    %swap3A_374 = tpu.vector_load %arg11[%swap3A_373] {strides = array<i32>} : memref<1408xf32, #tpu.memory_space<vmem>>, vector<16xf32>,
    tpu.vector_store %arg11[%swap3A_373], %broadcast_in_dim3A_3 {strides = array<i32>} : memref<1408xf32, #tpu.memory_space<vmem>>, vector<16xf32>,
    %swap3A_375 = arith.constant 992 : index
    %swap3A_376 = tpu.vector_load %arg9[%swap3A_375] {strides = array<i32>} : memref<1408xf32, #tpu.memory_space<vmem>>, vector<16xf32>,
    tpu.vector_store %arg9[%swap3A_375], %broadcast_in_dim3A_3 {strides = array<i32>} : memref<1408xf32, #tpu.memory_space<vmem>>, vector<16xf32>,
    %swap3A_377 = arith.constant 992 : index
    %swap3A_378 = tpu.vector_load %arg10[%swap3A_377] {strides = array<i32>} : memref<1408xf32, #tpu.memory_space<vmem>>, vector<16xf32>,
    tpu.vector_store %arg10[%swap3A_377], %broadcast_in_dim3A_3 {strides = array<i32>} : memref<1408xf32, #tpu.memory_space<vmem>>, vector<16xf32>,
    %swap3A_379 = arith.constant 992 : index
    %swap3A_380 = tpu.vector_load %arg11[%swap3A_379] {strides = array<i32>} : memref<1408xf32, #tpu.memory_space<vmem>>, vector<16xf32>,
    tpu.vector_store %arg11[%swap3A_379], %broadcast_in_dim3A_3 {strides = array<i32>} : memref<1408xf32, #tpu.memory_space<vmem>>, vector<16xf32>,
    %swap3A_381 = arith.constant 1008 : index
    %swap3A_382 = tpu.vector_load %arg9[%swap3A_381] {strides = array<i32>} : memref<1408xf32, #tpu.memory_space<vmem>>, vector<16xf32>,
    tpu.vector_store %arg9[%swap3A_381], %broadcast_in_dim3A_3 {strides = array<i32>} : memref<1408xf32, #tpu.memory_space<vmem>>, vector<16xf32>,
    %swap3A_383 = arith.constant 1008 : index
    %swap3A_384 = tpu.vector_load %arg10[%swap3A_383] {strides = array<i32>} : memref<1408xf32, #tpu.memory_space<vmem>>, vector<16xf32>,
    tpu.vector_store %arg10[%swap3A_383], %broadcast_in_dim3A_3 {strides = array<i32>} : memref<1408xf32, #tpu.memory_space<vmem>>, vector<16xf32>,
    %swap3A_385 = arith.constant 1008 : index
    %swap3A_386 = tpu.vector_load %arg11[%swap3A_385] {strides = array<i32>} : memref<1408xf32, #tpu.memory_space<vmem>>, vector<16xf32>,
    tpu.vector_store %arg11[%swap3A_385], %broadcast_in_dim3A_3 {strides = array<i32>} : memref<1408xf32, #tpu.memory_space<vmem>>, vector<16xf32>,
    %swap3A_387 = arith.constant 1024 : index
    %swap3A_388 = tpu.vector_load %arg9[%swap3A_387] {strides = array<i32>} : memref<1408xf32, #tpu.memory_space<vmem>>, vector<16xf32>,
    tpu.vector_store %arg9[%swap3A_387], %broadcast_in_dim3A_3 {strides = array<i32>} : memref<1408xf32, #tpu.memory_space<vmem>>, vector<16xf32>,
    %swap3A_389 = arith.constant 1024 : index
    %swap3A_390 = tpu.vector_load %arg10[%swap3A_389] {strides = array<i32>} : memref<1408xf32, #tpu.memory_space<vmem>>, vector<16xf32>,
    tpu.vector_store %arg10[%swap3A_389], %broadcast_in_dim3A_3 {strides = array<i32>} : memref<1408xf32, #tpu.memory_space<vmem>>, vector<16xf32>,
    %swap3A_391 = arith.constant 1024 : index
    %swap3A_392 = tpu.vector_load %arg11[%swap3A_391] {strides = array<i32>} : memref<1408xf32, #tpu.memory_space<vmem>>, vector<16xf32>,
    tpu.vector_store %arg11[%swap3A_391], %broadcast_in_dim3A_3 {strides = array<i32>} : memref<1408xf32, #tpu.memory_space<vmem>>, vector<16xf32>,
    %swap3A_393 = arith.constant 1040 : index
    %swap3A_394 = tpu.vector_load %arg9[%swap3A_393] {strides = array<i32>} : memref<1408xf32, #tpu.memory_space<vmem>>, vector<16xf32>,
    tpu.vector_store %arg9[%swap3A_393], %broadcast_in_dim3A_3 {strides = array<i32>} : memref<1408xf32, #tpu.memory_space<vmem>>, vector<16xf32>,
    %swap3A_395 = arith.constant 1040 : index
    %swap3A_396 = tpu.vector_load %arg10[%swap3A_395] {strides = array<i32>} : memref<1408xf32, #tpu.memory_space<vmem>>, vector<16xf32>,
    tpu.vector_store %arg10[%swap3A_395], %broadcast_in_dim3A_3 {strides = array<i32>} : memref<1408xf32, #tpu.memory_space<vmem>>, vector<16xf32>,
    %swap3A_397 = arith.constant 1040 : index
    %swap3A_398 = tpu.vector_load %arg11[%swap3A_397] {strides = array<i32>} : memref<1408xf32, #tpu.memory_space<vmem>>, vector<16xf32>,
    tpu.vector_store %arg11[%swap3A_397], %broadcast_in_dim3A_3 {strides = array<i32>} : memref<1408xf32, #tpu.memory_space<vmem>>, vector<16xf32>,
    %swap3A_399 = arith.constant 1056 : index
    %swap3A_400 = tpu.vector_load %arg9[%swap3A_399] {strides = array<i32>} : memref<1408xf32, #tpu.memory_space<vmem>>, vector<16xf32>,
    tpu.vector_store %arg9[%swap3A_399], %broadcast_in_dim3A_3 {strides = array<i32>} : memref<1408xf32, #tpu.memory_space<vmem>>, vector<16xf32>,
    %swap3A_401 = arith.constant 1056 : index
    %swap3A_402 = tpu.vector_load %arg10[%swap3A_401] {strides = array<i32>} : memref<1408xf32, #tpu.memory_space<vmem>>, vector<16xf32>,
    tpu.vector_store %arg10[%swap3A_401], %broadcast_in_dim3A_3 {strides = array<i32>} : memref<1408xf32, #tpu.memory_space<vmem>>, vector<16xf32>,
    %swap3A_403 = arith.constant 1056 : index
    %swap3A_404 = tpu.vector_load %arg11[%swap3A_403] {strides = array<i32>} : memref<1408xf32, #tpu.memory_space<vmem>>, vector<16xf32>,
    tpu.vector_store %arg11[%swap3A_403], %broadcast_in_dim3A_3 {strides = array<i32>} : memref<1408xf32, #tpu.memory_space<vmem>>, vector<16xf32>,
    %swap3A_405 = arith.constant 1072 : index
    %swap3A_406 = tpu.vector_load %arg9[%swap3A_405] {strides = array<i32>} : memref<1408xf32, #tpu.memory_space<vmem>>, vector<16xf32>,
    tpu.vector_store %arg9[%swap3A_405], %broadcast_in_dim3A_3 {strides = array<i32>} : memref<1408xf32, #tpu.memory_space<vmem>>, vector<16xf32>,
    %swap3A_407 = arith.constant 1072 : index
    %swap3A_408 = tpu.vector_load %arg10[%swap3A_407] {strides = array<i32>} : memref<1408xf32, #tpu.memory_space<vmem>>, vector<16xf32>,
    tpu.vector_store %arg10[%swap3A_407], %broadcast_in_dim3A_3 {strides = array<i32>} : memref<1408xf32, #tpu.memory_space<vmem>>, vector<16xf32>,
    %swap3A_409 = arith.constant 1072 : index
    %swap3A_410 = tpu.vector_load %arg11[%swap3A_409] {strides = array<i32>} : memref<1408xf32, #tpu.memory_space<vmem>>, vector<16xf32>,
    tpu.vector_store %arg11[%swap3A_409], %broadcast_in_dim3A_3 {strides = array<i32>} : memref<1408xf32, #tpu.memory_space<vmem>>, vector<16xf32>,
    %swap3A_411 = arith.constant 1088 : index
    %swap3A_412 = tpu.vector_load %arg9[%swap3A_411] {strides = array<i32>} : memref<1408xf32, #tpu.memory_space<vmem>>, vector<16xf32>,
    tpu.vector_store %arg9[%swap3A_411], %broadcast_in_dim3A_3 {strides = array<i32>} : memref<1408xf32, #tpu.memory_space<vmem>>, vector<16xf32>,
    %swap3A_413 = arith.constant 1088 : index
    %swap3A_414 = tpu.vector_load %arg10[%swap3A_413] {strides = array<i32>} : memref<1408xf32, #tpu.memory_space<vmem>>, vector<16xf32>,
    tpu.vector_store %arg10[%swap3A_413], %broadcast_in_dim3A_3 {strides = array<i32>} : memref<1408xf32, #tpu.memory_space<vmem>>, vector<16xf32>,
    %swap3A_415 = arith.constant 1088 : index
    %swap3A_416 = tpu.vector_load %arg11[%swap3A_415] {strides = array<i32>} : memref<1408xf32, #tpu.memory_space<vmem>>, vector<16xf32>,
    tpu.vector_store %arg11[%swap3A_415], %broadcast_in_dim3A_3 {strides = array<i32>} : memref<1408xf32, #tpu.memory_space<vmem>>, vector<16xf32>,
    %swap3A_417 = arith.constant 1104 : index
    %swap3A_418 = tpu.vector_load %arg9[%swap3A_417] {strides = array<i32>} : memref<1408xf32, #tpu.memory_space<vmem>>, vector<16xf32>,
    tpu.vector_store %arg9[%swap3A_417], %broadcast_in_dim3A_3 {strides = array<i32>} : memref<1408xf32, #tpu.memory_space<vmem>>, vector<16xf32>,
    %swap3A_419 = arith.constant 1104 : index
    %swap3A_420 = tpu.vector_load %arg10[%swap3A_419] {strides = array<i32>} : memref<1408xf32, #tpu.memory_space<vmem>>, vector<16xf32>,
    tpu.vector_store %arg10[%swap3A_419], %broadcast_in_dim3A_3 {strides = array<i32>} : memref<1408xf32, #tpu.memory_space<vmem>>, vector<16xf32>,
    %swap3A_421 = arith.constant 1104 : index
    %swap3A_422 = tpu.vector_load %arg11[%swap3A_421] {strides = array<i32>} : memref<1408xf32, #tpu.memory_space<vmem>>, vector<16xf32>,
    tpu.vector_store %arg11[%swap3A_421], %broadcast_in_dim3A_3 {strides = array<i32>} : memref<1408xf32, #tpu.memory_space<vmem>>, vector<16xf32>,
    %swap3A_423 = arith.constant 1120 : index
    %swap3A_424 = tpu.vector_load %arg9[%swap3A_423] {strides = array<i32>} : memref<1408xf32, #tpu.memory_space<vmem>>, vector<16xf32>,
    tpu.vector_store %arg9[%swap3A_423], %broadcast_in_dim3A_3 {strides = array<i32>} : memref<1408xf32, #tpu.memory_space<vmem>>, vector<16xf32>,
    %swap3A_425 = arith.constant 1120 : index
    %swap3A_426 = tpu.vector_load %arg10[%swap3A_425] {strides = array<i32>} : memref<1408xf32, #tpu.memory_space<vmem>>, vector<16xf32>,
    tpu.vector_store %arg10[%swap3A_425], %broadcast_in_dim3A_3 {strides = array<i32>} : memref<1408xf32, #tpu.memory_space<vmem>>, vector<16xf32>,
    %swap3A_427 = arith.constant 1120 : index
    %swap3A_428 = tpu.vector_load %arg11[%swap3A_427] {strides = array<i32>} : memref<1408xf32, #tpu.memory_space<vmem>>, vector<16xf32>,
    tpu.vector_store %arg11[%swap3A_427], %broadcast_in_dim3A_3 {strides = array<i32>} : memref<1408xf32, #tpu.memory_space<vmem>>, vector<16xf32>,
    %swap3A_429 = arith.constant 1136 : index
    %swap3A_430 = tpu.vector_load %arg9[%swap3A_429] {strides = array<i32>} : memref<1408xf32, #tpu.memory_space<vmem>>, vector<16xf32>,
    tpu.vector_store %arg9[%swap3A_429], %broadcast_in_dim3A_3 {strides = array<i32>} : memref<1408xf32, #tpu.memory_space<vmem>>, vector<16xf32>,
    %swap3A_431 = arith.constant 1136 : index
    %swap3A_432 = tpu.vector_load %arg10[%swap3A_431] {strides = array<i32>} : memref<1408xf32, #tpu.memory_space<vmem>>, vector<16xf32>,
    tpu.vector_store %arg10[%swap3A_431], %broadcast_in_dim3A_3 {strides = array<i32>} : memref<1408xf32, #tpu.memory_space<vmem>>, vector<16xf32>,
    %swap3A_433 = arith.constant 1136 : index
    %swap3A_434 = tpu.vector_load %arg11[%swap3A_433] {strides = array<i32>} : memref<1408xf32, #tpu.memory_space<vmem>>, vector<16xf32>,
    tpu.vector_store %arg11[%swap3A_433], %broadcast_in_dim3A_3 {strides = array<i32>} : memref<1408xf32, #tpu.memory_space<vmem>>, vector<16xf32>,
    %swap3A_435 = arith.constant 1152 : index
    %swap3A_436 = tpu.vector_load %arg9[%swap3A_435] {strides = array<i32>} : memref<1408xf32, #tpu.memory_space<vmem>>, vector<16xf32>,
    tpu.vector_store %arg9[%swap3A_435], %broadcast_in_dim3A_3 {strides = array<i32>} : memref<1408xf32, #tpu.memory_space<vmem>>, vector<16xf32>,
    %swap3A_437 = arith.constant 1152 : index
    %swap3A_438 = tpu.vector_load %arg10[%swap3A_437] {strides = array<i32>} : memref<1408xf32, #tpu.memory_space<vmem>>, vector<16xf32>,
    tpu.vector_store %arg10[%swap3A_437], %broadcast_in_dim3A_3 {strides = array<i32>} : memref<1408xf32, #tpu.memory_space<vmem>>, vector<16xf32>,
    %swap3A_439 = arith.constant 1152 : index
    %swap3A_440 = tpu.vector_load %arg11[%swap3A_439] {strides = array<i32>} : memref<1408xf32, #tpu.memory_space<vmem>>, vector<16xf32>,
    tpu.vector_store %arg11[%swap3A_439], %broadcast_in_dim3A_3 {strides = array<i32>} : memref<1408xf32, #tpu.memory_space<vmem>>, vector<16xf32>,
    %swap3A_441 = arith.constant 1168 : index
    %swap3A_442 = tpu.vector_load %arg9[%swap3A_441] {strides = array<i32>} : memref<1408xf32, #tpu.memory_space<vmem>>, vector<16xf32>,
    tpu.vector_store %arg9[%swap3A_441], %broadcast_in_dim3A_3 {strides = array<i32>} : memref<1408xf32, #tpu.memory_space<vmem>>, vector<16xf32>,
    %swap3A_443 = arith.constant 1168 : index
    %swap3A_444 = tpu.vector_load %arg10[%swap3A_443] {strides = array<i32>} : memref<1408xf32, #tpu.memory_space<vmem>>, vector<16xf32>,
    tpu.vector_store %arg10[%swap3A_443], %broadcast_in_dim3A_3 {strides = array<i32>} : memref<1408xf32, #tpu.memory_space<vmem>>, vector<16xf32>,
    %swap3A_445 = arith.constant 1168 : index
    %swap3A_446 = tpu.vector_load %arg11[%swap3A_445] {strides = array<i32>} : memref<1408xf32, #tpu.memory_space<vmem>>, vector<16xf32>,
    tpu.vector_store %arg11[%swap3A_445], %broadcast_in_dim3A_3 {strides = array<i32>} : memref<1408xf32, #tpu.memory_space<vmem>>, vector<16xf32>,
    %swap3A_447 = arith.constant 1184 : index
    %swap3A_448 = tpu.vector_load %arg9[%swap3A_447] {strides = array<i32>} : memref<1408xf32, #tpu.memory_space<vmem>>, vector<16xf32>,
    tpu.vector_store %arg9[%swap3A_447], %broadcast_in_dim3A_3 {strides = array<i32>} : memref<1408xf32, #tpu.memory_space<vmem>>, vector<16xf32>,
    %swap3A_449 = arith.constant 1184 : index
    %swap3A_450 = tpu.vector_load %arg10[%swap3A_449] {strides = array<i32>} : memref<1408xf32, #tpu.memory_space<vmem>>, vector<16xf32>,
    tpu.vector_store %arg10[%swap3A_449], %broadcast_in_dim3A_3 {strides = array<i32>} : memref<1408xf32, #tpu.memory_space<vmem>>, vector<16xf32>,
    %swap3A_451 = arith.constant 1184 : index
    %swap3A_452 = tpu.vector_load %arg11[%swap3A_451] {strides = array<i32>} : memref<1408xf32, #tpu.memory_space<vmem>>, vector<16xf32>,
    tpu.vector_store %arg11[%swap3A_451], %broadcast_in_dim3A_3 {strides = array<i32>} : memref<1408xf32, #tpu.memory_space<vmem>>, vector<16xf32>,
    %swap3A_453 = arith.constant 1200 : index
    %swap3A_454 = tpu.vector_load %arg9[%swap3A_453] {strides = array<i32>} : memref<1408xf32, #tpu.memory_space<vmem>>, vector<16xf32>,
    tpu.vector_store %arg9[%swap3A_453], %broadcast_in_dim3A_3 {strides = array<i32>} : memref<1408xf32, #tpu.memory_space<vmem>>, vector<16xf32>,
    %swap3A_455 = arith.constant 1200 : index
    %swap3A_456 = tpu.vector_load %arg10[%swap3A_455] {strides = array<i32>} : memref<1408xf32, #tpu.memory_space<vmem>>, vector<16xf32>,
    tpu.vector_store %arg10[%swap3A_455], %broadcast_in_dim3A_3 {strides = array<i32>} : memref<1408xf32, #tpu.memory_space<vmem>>, vector<16xf32>,
    %swap3A_457 = arith.constant 1200 : index
    %swap3A_458 = tpu.vector_load %arg11[%swap3A_457] {strides = array<i32>} : memref<1408xf32, #tpu.memory_space<vmem>>, vector<16xf32>,
    tpu.vector_store %arg11[%swap3A_457], %broadcast_in_dim3A_3 {strides = array<i32>} : memref<1408xf32, #tpu.memory_space<vmem>>, vector<16xf32>,
    %swap3A_459 = arith.constant 1216 : index
    %swap3A_460 = tpu.vector_load %arg9[%swap3A_459] {strides = array<i32>} : memref<1408xf32, #tpu.memory_space<vmem>>, vector<16xf32>,
    tpu.vector_store %arg9[%swap3A_459], %broadcast_in_dim3A_3 {strides = array<i32>} : memref<1408xf32, #tpu.memory_space<vmem>>, vector<16xf32>,
    %swap3A_461 = arith.constant 1216 : index
    %swap3A_462 = tpu.vector_load %arg10[%swap3A_461] {strides = array<i32>} : memref<1408xf32, #tpu.memory_space<vmem>>, vector<16xf32>,
    tpu.vector_store %arg10[%swap3A_461], %broadcast_in_dim3A_3 {strides = array<i32>} : memref<1408xf32, #tpu.memory_space<vmem>>, vector<16xf32>,
    %swap3A_463 = arith.constant 1216 : index
    %swap3A_464 = tpu.vector_load %arg11[%swap3A_463] {strides = array<i32>} : memref<1408xf32, #tpu.memory_space<vmem>>, vector<16xf32>,
    tpu.vector_store %arg11[%swap3A_463], %broadcast_in_dim3A_3 {strides = array<i32>} : memref<1408xf32, #tpu.memory_space<vmem>>, vector<16xf32>,
    %swap3A_465 = arith.constant 1232 : index
    %swap3A_466 = tpu.vector_load %arg9[%swap3A_465] {strides = array<i32>} : memref<1408xf32, #tpu.memory_space<vmem>>, vector<16xf32>,
    tpu.vector_store %arg9[%swap3A_465], %broadcast_in_dim3A_3 {strides = array<i32>} : memref<1408xf32, #tpu.memory_space<vmem>>, vector<16xf32>,
    %swap3A_467 = arith.constant 1232 : index
    %swap3A_468 = tpu.vector_load %arg10[%swap3A_467] {strides = array<i32>} : memref<1408xf32, #tpu.memory_space<vmem>>, vector<16xf32>,
    tpu.vector_store %arg10[%swap3A_467], %broadcast_in_dim3A_3 {strides = array<i32>} : memref<1408xf32, #tpu.memory_space<vmem>>, vector<16xf32>,
    %swap3A_469 = arith.constant 1232 : index
    %swap3A_470 = tpu.vector_load %arg11[%swap3A_469] {strides = array<i32>} : memref<1408xf32, #tpu.memory_space<vmem>>, vector<16xf32>,
    tpu.vector_store %arg11[%swap3A_469], %broadcast_in_dim3A_3 {strides = array<i32>} : memref<1408xf32, #tpu.memory_space<vmem>>, vector<16xf32>,
    %swap3A_471 = arith.constant 1248 : index
    %swap3A_472 = tpu.vector_load %arg9[%swap3A_471] {strides = array<i32>} : memref<1408xf32, #tpu.memory_space<vmem>>, vector<16xf32>,
    tpu.vector_store %arg9[%swap3A_471], %broadcast_in_dim3A_3 {strides = array<i32>} : memref<1408xf32, #tpu.memory_space<vmem>>, vector<16xf32>,
    %swap3A_473 = arith.constant 1248 : index
    %swap3A_474 = tpu.vector_load %arg10[%swap3A_473] {strides = array<i32>} : memref<1408xf32, #tpu.memory_space<vmem>>, vector<16xf32>,
    tpu.vector_store %arg10[%swap3A_473], %broadcast_in_dim3A_3 {strides = array<i32>} : memref<1408xf32, #tpu.memory_space<vmem>>, vector<16xf32>,
    %swap3A_475 = arith.constant 1248 : index
    %swap3A_476 = tpu.vector_load %arg11[%swap3A_475] {strides = array<i32>} : memref<1408xf32, #tpu.memory_space<vmem>>, vector<16xf32>,
    tpu.vector_store %arg11[%swap3A_475], %broadcast_in_dim3A_3 {strides = array<i32>} : memref<1408xf32, #tpu.memory_space<vmem>>, vector<16xf32>,
    %swap3A_477 = arith.constant 1264 : index
    %swap3A_478 = tpu.vector_load %arg9[%swap3A_477] {strides = array<i32>} : memref<1408xf32, #tpu.memory_space<vmem>>, vector<16xf32>,
    tpu.vector_store %arg9[%swap3A_477], %broadcast_in_dim3A_3 {strides = array<i32>} : memref<1408xf32, #tpu.memory_space<vmem>>, vector<16xf32>,
    %swap3A_479 = arith.constant 1264 : index
    %swap3A_480 = tpu.vector_load %arg10[%swap3A_479] {strides = array<i32>} : memref<1408xf32, #tpu.memory_space<vmem>>, vector<16xf32>,
    tpu.vector_store %arg10[%swap3A_479], %broadcast_in_dim3A_3 {strides = array<i32>} : memref<1408xf32, #tpu.memory_space<vmem>>, vector<16xf32>,
    %swap3A_481 = arith.constant 1264 : index
    %swap3A_482 = tpu.vector_load %arg11[%swap3A_481] {strides = array<i32>} : memref<1408xf32, #tpu.memory_space<vmem>>, vector<16xf32>,
    tpu.vector_store %arg11[%swap3A_481], %broadcast_in_dim3A_3 {strides = array<i32>} : memref<1408xf32, #tpu.memory_space<vmem>>, vector<16xf32>,
    %swap3A_483 = arith.constant 1280 : index
    %swap3A_484 = tpu.vector_load %arg9[%swap3A_483] {strides = array<i32>} : memref<1408xf32, #tpu.memory_space<vmem>>, vector<16xf32>,
    tpu.vector_store %arg9[%swap3A_483], %broadcast_in_dim3A_3 {strides = array<i32>} : memref<1408xf32, #tpu.memory_space<vmem>>, vector<16xf32>,
    %swap3A_485 = arith.constant 1280 : index
    %swap3A_486 = tpu.vector_load %arg10[%swap3A_485] {strides = array<i32>} : memref<1408xf32, #tpu.memory_space<vmem>>, vector<16xf32>,
    tpu.vector_store %arg10[%swap3A_485], %broadcast_in_dim3A_3 {strides = array<i32>} : memref<1408xf32, #tpu.memory_space<vmem>>, vector<16xf32>,
    %swap3A_487 = arith.constant 1280 : index
    %swap3A_488 = tpu.vector_load %arg11[%swap3A_487] {strides = array<i32>} : memref<1408xf32, #tpu.memory_space<vmem>>, vector<16xf32>,
    tpu.vector_store %arg11[%swap3A_487], %broadcast_in_dim3A_3 {strides = array<i32>} : memref<1408xf32, #tpu.memory_space<vmem>>, vector<16xf32>,
    %swap3A_489 = arith.constant 1296 : index
    %swap3A_490 = tpu.vector_load %arg9[%swap3A_489] {strides = array<i32>} : memref<1408xf32, #tpu.memory_space<vmem>>, vector<16xf32>,
    tpu.vector_store %arg9[%swap3A_489], %broadcast_in_dim3A_3 {strides = array<i32>} : memref<1408xf32, #tpu.memory_space<vmem>>, vector<16xf32>,
    %swap3A_491 = arith.constant 1296 : index
    %swap3A_492 = tpu.vector_load %arg10[%swap3A_491] {strides = array<i32>} : memref<1408xf32, #tpu.memory_space<vmem>>, vector<16xf32>,
    tpu.vector_store %arg10[%swap3A_491], %broadcast_in_dim3A_3 {strides = array<i32>} : memref<1408xf32, #tpu.memory_space<vmem>>, vector<16xf32>,
    %swap3A_493 = arith.constant 1296 : index
    %swap3A_494 = tpu.vector_load %arg11[%swap3A_493] {strides = array<i32>} : memref<1408xf32, #tpu.memory_space<vmem>>, vector<16xf32>,
    tpu.vector_store %arg11[%swap3A_493], %broadcast_in_dim3A_3 {strides = array<i32>} : memref<1408xf32, #tpu.memory_space<vmem>>, vector<16xf32>,
    %swap3A_495 = arith.constant 1312 : index
    %swap3A_496 = tpu.vector_load %arg9[%swap3A_495] {strides = array<i32>} : memref<1408xf32, #tpu.memory_space<vmem>>, vector<16xf32>,
    tpu.vector_store %arg9[%swap3A_495], %broadcast_in_dim3A_3 {strides = array<i32>} : memref<1408xf32, #tpu.memory_space<vmem>>, vector<16xf32>,
    %swap3A_497 = arith.constant 1312 : index
    %swap3A_498 = tpu.vector_load %arg10[%swap3A_497] {strides = array<i32>} : memref<1408xf32, #tpu.memory_space<vmem>>, vector<16xf32>,
    tpu.vector_store %arg10[%swap3A_497], %broadcast_in_dim3A_3 {strides = array<i32>} : memref<1408xf32, #tpu.memory_space<vmem>>, vector<16xf32>,
    %swap3A_499 = arith.constant 1312 : index
    %swap3A_500 = tpu.vector_load %arg11[%swap3A_499] {strides = array<i32>} : memref<1408xf32, #tpu.memory_space<vmem>>, vector<16xf32>,
    tpu.vector_store %arg11[%swap3A_499], %broadcast_in_dim3A_3 {strides = array<i32>} : memref<1408xf32, #tpu.memory_space<vmem>>, vector<16xf32>,
    %swap3A_501 = arith.constant 1328 : index
    %swap3A_502 = tpu.vector_load %arg9[%swap3A_501] {strides = array<i32>} : memref<1408xf32, #tpu.memory_space<vmem>>, vector<16xf32>,
    tpu.vector_store %arg9[%swap3A_501], %broadcast_in_dim3A_3 {strides = array<i32>} : memref<1408xf32, #tpu.memory_space<vmem>>, vector<16xf32>,
    %swap3A_503 = arith.constant 1328 : index
    %swap3A_504 = tpu.vector_load %arg10[%swap3A_503] {strides = array<i32>} : memref<1408xf32, #tpu.memory_space<vmem>>, vector<16xf32>,
    tpu.vector_store %arg10[%swap3A_503], %broadcast_in_dim3A_3 {strides = array<i32>} : memref<1408xf32, #tpu.memory_space<vmem>>, vector<16xf32>,
    %swap3A_505 = arith.constant 1328 : index
    %swap3A_506 = tpu.vector_load %arg11[%swap3A_505] {strides = array<i32>} : memref<1408xf32, #tpu.memory_space<vmem>>, vector<16xf32>,
    tpu.vector_store %arg11[%swap3A_505], %broadcast_in_dim3A_3 {strides = array<i32>} : memref<1408xf32, #tpu.memory_space<vmem>>, vector<16xf32>,
    %swap3A_507 = arith.constant 1344 : index
    %swap3A_508 = tpu.vector_load %arg9[%swap3A_507] {strides = array<i32>} : memref<1408xf32, #tpu.memory_space<vmem>>, vector<16xf32>,
    tpu.vector_store %arg9[%swap3A_507], %broadcast_in_dim3A_3 {strides = array<i32>} : memref<1408xf32, #tpu.memory_space<vmem>>, vector<16xf32>,
    %swap3A_509 = arith.constant 1344 : index
    %swap3A_510 = tpu.vector_load %arg10[%swap3A_509] {strides = array<i32>} : memref<1408xf32, #tpu.memory_space<vmem>>, vector<16xf32>,
    tpu.vector_store %arg10[%swap3A_509], %broadcast_in_dim3A_3 {strides = array<i32>} : memref<1408xf32, #tpu.memory_space<vmem>>, vector<16xf32>,
    %swap3A_511 = arith.constant 1344 : index
    %swap3A_512 = tpu.vector_load %arg11[%swap3A_511] {strides = array<i32>} : memref<1408xf32, #tpu.memory_space<vmem>>, vector<16xf32>,
    tpu.vector_store %arg11[%swap3A_511], %broadcast_in_dim3A_3 {strides = array<i32>} : memref<1408xf32, #tpu.memory_space<vmem>>, vector<16xf32>,
    %swap3A_513 = arith.constant 1360 : index
    %swap3A_514 = tpu.vector_load %arg9[%swap3A_513] {strides = array<i32>} : memref<1408xf32, #tpu.memory_space<vmem>>, vector<16xf32>,
    tpu.vector_store %arg9[%swap3A_513], %broadcast_in_dim3A_3 {strides = array<i32>} : memref<1408xf32, #tpu.memory_space<vmem>>, vector<16xf32>,
    %swap3A_515 = arith.constant 1360 : index
    %swap3A_516 = tpu.vector_load %arg10[%swap3A_515] {strides = array<i32>} : memref<1408xf32, #tpu.memory_space<vmem>>, vector<16xf32>,
    tpu.vector_store %arg10[%swap3A_515], %broadcast_in_dim3A_3 {strides = array<i32>} : memref<1408xf32, #tpu.memory_space<vmem>>, vector<16xf32>,
    %swap3A_517 = arith.constant 1360 : index
    %swap3A_518 = tpu.vector_load %arg11[%swap3A_517] {strides = array<i32>} : memref<1408xf32, #tpu.memory_space<vmem>>, vector<16xf32>,
    tpu.vector_store %arg11[%swap3A_517], %broadcast_in_dim3A_3 {strides = array<i32>} : memref<1408xf32, #tpu.memory_space<vmem>>, vector<16xf32>,
    %swap3A_519 = arith.constant 1376 : index
    %swap3A_520 = tpu.vector_load %arg9[%swap3A_519] {strides = array<i32>} : memref<1408xf32, #tpu.memory_space<vmem>>, vector<16xf32>,
    tpu.vector_store %arg9[%swap3A_519], %broadcast_in_dim3A_3 {strides = array<i32>} : memref<1408xf32, #tpu.memory_space<vmem>>, vector<16xf32>,
    %swap3A_521 = arith.constant 1376 : index
    %swap3A_522 = tpu.vector_load %arg10[%swap3A_521] {strides = array<i32>} : memref<1408xf32, #tpu.memory_space<vmem>>, vector<16xf32>,
    tpu.vector_store %arg10[%swap3A_521], %broadcast_in_dim3A_3 {strides = array<i32>} : memref<1408xf32, #tpu.memory_space<vmem>>, vector<16xf32>,
    %swap3A_523 = arith.constant 1376 : index
    %swap3A_524 = tpu.vector_load %arg11[%swap3A_523] {strides = array<i32>} : memref<1408xf32, #tpu.memory_space<vmem>>, vector<16xf32>,
    tpu.vector_store %arg11[%swap3A_523], %broadcast_in_dim3A_3 {strides = array<i32>} : memref<1408xf32, #tpu.memory_space<vmem>>, vector<16xf32>,
    %swap3A_525 = arith.constant 1392 : index
    %swap3A_526 = tpu.vector_load %arg9[%swap3A_525] {strides = array<i32>} : memref<1408xf32, #tpu.memory_space<vmem>>, vector<16xf32>,
    tpu.vector_store %arg9[%swap3A_525], %broadcast_in_dim3A_3 {strides = array<i32>} : memref<1408xf32, #tpu.memory_space<vmem>>, vector<16xf32>,
    %swap3A_527 = arith.constant 1392 : index
    %swap3A_528 = tpu.vector_load %arg10[%swap3A_527] {strides = array<i32>} : memref<1408xf32, #tpu.memory_space<vmem>>, vector<16xf32>,
    tpu.vector_store %arg10[%swap3A_527], %broadcast_in_dim3A_3 {strides = array<i32>} : memref<1408xf32, #tpu.memory_space<vmem>>, vector<16xf32>,
    %swap3A_529 = arith.constant 1392 : index
    %swap3A_530 = tpu.vector_load %arg11[%swap3A_529] {strides = array<i32>} : memref<1408xf32, #tpu.memory_space<vmem>>, vector<16xf32>,
    tpu.vector_store %arg11[%swap3A_529], %broadcast_in_dim3A_3 {strides = array<i32>} : memref<1408xf32, #tpu.memory_space<vmem>>, vector<16xf32>,
    %mul3A_531 = arith.constant 49152 : i32
    %mul3A_532 = arith.muli %add3A, %mul3A_531 : i32
    %add3A_533 = arith.constant 0 : i32
    %add3A_534 = arith.addi %mul3A_532, %add3A_533 : i32
    %mul3A_535 = arith.constant 2 : i32
    %mul3A_536 = arith.muli %add3A_534, %mul3A_535 : i32
    %dma_start3A = tpu.memref_slice %arg2[%mul3A_536] : memref<4194304xf32, #tpu.memory_space<hbm>> -> memref<16384xf32, #tpu.memory_space<hbm>>
    %dma_start3A_537 = tpu.memref_slice %arg2[%mul3A_536] : memref<4194304xf32, #tpu.memory_space<hbm>> -> memref<16384xf32, #tpu.memory_space<hbm>>
    tpu.enqueue_dma source(%dma_start3A_537 : memref<16384xf32, #tpu.memory_space<hbm>>) target(%arg5 : memref<16384xf32, #tpu.memory_space<vmem>>) target_semaphore(%arg12 : memref<!tpu.dma_semaphore, #tpu.memory_space<semaphore_mem>>)
    %dma_start3A_538 = tpu.memref_slice %arg3[%add3A_534] : memref<2097152xi32, #tpu.memory_space<hbm>> -> memref<8192xi32, #tpu.memory_space<hbm>>
    %dma_start3A_539 = tpu.memref_slice %arg3[%add3A_534] : memref<2097152xi32, #tpu.memory_space<hbm>> -> memref<8192xi32, #tpu.memory_space<hbm>>
    tpu.enqueue_dma source(%dma_start3A_539 : memref<8192xi32, #tpu.memory_space<hbm>>) target(%arg7 : memref<8192xi32, #tpu.memory_space<vmem>>) target_semaphore(%arg12 : memref<!tpu.dma_semaphore, #tpu.memory_space<semaphore_mem>>)
    %scan3A = arith.constant 0 : i32
    %scan3A_540 = arith.constant 0 : i32
    %scan3A_541 = arith.constant 3 : i32
    %scan3A_542 = arith.addi %scan3A_540, %scan3A_541 : i32
    %scan3A_543 = arith.constant 1 : i32
    scf.for %scan3A_1375 = %scan3A_540 to %scan3A_542 step %scan3A_543  : i32 {
      %mul3A_1376 = arith.constant 2 : i32
      %mul3A_1377 = arith.muli %mul3A_1376, %scan3A_1375 : i32
      %dma_wait3A = arith.constant 0 : i32
      %dma_wait3A_1378 = tpu.memref_slice %arg2[%dma_wait3A] : memref<4194304xf32, #tpu.memory_space<hbm>> -> memref<16384xf32, #tpu.memory_space<hbm>>
      %dma_wait3A_1379 = arith.constant 0 : i32
      %dma_wait3A_1380 = tpu.memref_slice %arg2[%dma_wait3A_1379] : memref<4194304xf32, #tpu.memory_space<hbm>> -> memref<16384xf32, #tpu.memory_space<hbm>>
      tpu.wait_dma2 semaphore(%arg12 : memref<!tpu.dma_semaphore, #tpu.memory_space<semaphore_mem>>) src(%dma_wait3A_1380 : memref<16384xf32, #tpu.memory_space<hbm>>) dst(%arg5 : memref<16384xf32, #tpu.memory_space<vmem>>)
      %dma_wait3A_1381 = arith.constant 0 : i32
      %dma_wait3A_1382 = tpu.memref_slice %arg3[%dma_wait3A_1381] : memref<2097152xi32, #tpu.memory_space<hbm>> -> memref<8192xi32, #tpu.memory_space<hbm>>
      %dma_wait3A_1383 = arith.constant 0 : i32
      %dma_wait3A_1384 = tpu.memref_slice %arg3[%dma_wait3A_1383] : memref<2097152xi32, #tpu.memory_space<hbm>> -> memref<8192xi32, #tpu.memory_space<hbm>>
      tpu.wait_dma2 semaphore(%arg12 : memref<!tpu.dma_semaphore, #tpu.memory_space<semaphore_mem>>) src(%dma_wait3A_1384 : memref<8192xi32, #tpu.memory_space<hbm>>) dst(%arg7 : memref<8192xi32, #tpu.memory_space<vmem>>)
      %add3A_1385 = arith.constant 1 : i32
      %add3A_1386 = arith.addi %mul3A_1377, %add3A_1385 : i32
      %mul3A_1387 = arith.constant 8192 : i32
      %mul3A_1388 = arith.muli %add3A_1386, %mul3A_1387 : i32
      %add3A_1389 = arith.addi %mul3A_532, %mul3A_1388 : i32
      %mul3A_1390 = arith.constant 2 : i32
      %mul3A_1391 = arith.muli %add3A_1389, %mul3A_1390 : i32
      %dma_start3A_1392 = tpu.memref_slice %arg2[%mul3A_1391] : memref<4194304xf32, #tpu.memory_space<hbm>> -> memref<16384xf32, #tpu.memory_space<hbm>>
      %dma_start3A_1393 = tpu.memref_slice %arg2[%mul3A_1391] : memref<4194304xf32, #tpu.memory_space<hbm>> -> memref<16384xf32, #tpu.memory_space<hbm>>
      tpu.enqueue_dma source(%dma_start3A_1393 : memref<16384xf32, #tpu.memory_space<hbm>>) target(%arg6 : memref<16384xf32, #tpu.memory_space<vmem>>) target_semaphore(%arg13 : memref<!tpu.dma_semaphore, #tpu.memory_space<semaphore_mem>>)
      %dma_start3A_1394 = tpu.memref_slice %arg3[%add3A_1389] : memref<2097152xi32, #tpu.memory_space<hbm>> -> memref<8192xi32, #tpu.memory_space<hbm>>
      %dma_start3A_1395 = tpu.memref_slice %arg3[%add3A_1389] : memref<2097152xi32, #tpu.memory_space<hbm>> -> memref<8192xi32, #tpu.memory_space<hbm>>
      tpu.enqueue_dma source(%dma_start3A_1395 : memref<8192xi32, #tpu.memory_space<hbm>>) target(%arg8 : memref<8192xi32, #tpu.memory_space<vmem>>) target_semaphore(%arg13 : memref<!tpu.dma_semaphore, #tpu.memory_space<semaphore_mem>>)
      %parallel_loop3A = arith.constant 0 : i32
      %parallel_loop3A_1396 = arith.constant 64 : i32
      %parallel_loop3A_1397 = arith.constant 1 : i32
      scf.for %parallel_loop3A_1411 = %parallel_loop3A to %parallel_loop3A_1396 step %parallel_loop3A_1397  : i32 {
        %parallel_loop3A_1412 = arith.constant 256 : i32
        %parallel_loop3A_1413 = arith.muli %parallel_loop3A_1411, %parallel_loop3A_1412 : i32
        %parallel_loop3A_1414 = arith.constant 128 : i32
        %parallel_loop3A_1415 = arith.muli %parallel_loop3A_1411, %parallel_loop3A_1414 : i32
        %parallel_loop3A_1416 = arith.constant 0 : i32
        %parallel_loop3A_1417 = arith.addi %parallel_loop3A_1413, %parallel_loop3A_1416 : i32
        %parallel_loop3A_1418 = arith.index_cast %parallel_loop3A_1417 : i32 to index
        %parallel_loop3A_1419 = tpu.vector_load %arg5[%parallel_loop3A_1418] {strides = array<i32>} : memref<16384xf32, #tpu.memory_space<vmem>>, vector<16xf32>,
        %parallel_loop3A_1420 = arith.constant 128 : i32
        %parallel_loop3A_1421 = arith.addi %parallel_loop3A_1413, %parallel_loop3A_1420 : i32
        %parallel_loop3A_1422 = arith.constant 0 : i32
        %parallel_loop3A_1423 = arith.addi %parallel_loop3A_1421, %parallel_loop3A_1422 : i32
        %parallel_loop3A_1424 = arith.index_cast %parallel_loop3A_1423 : i32 to index
        %parallel_loop3A_1425 = tpu.vector_load %arg5[%parallel_loop3A_1424] {strides = array<i32>} : memref<16384xf32, #tpu.memory_space<vmem>>, vector<16xf32>,
        %parallel_loop3A_1426 = arith.constant 0 : i32
        %parallel_loop3A_1427 = arith.addi %parallel_loop3A_1415, %parallel_loop3A_1426 : i32
        %parallel_loop3A_1428 = arith.index_cast %parallel_loop3A_1427 : i32 to index
        %parallel_loop3A_1429 = tpu.vector_load %arg7[%parallel_loop3A_1428] {strides = array<i32>} : memref<8192xi32, #tpu.memory_space<vmem>>, vector<16xi32>,
        %parallel_loop3A_1430 = arith.sitofp %parallel_loop3A_1429 : vector<16xi32> to vector<16xf32>
        %parallel_loop3A_1431 = arith.subf %parallel_loop3A_1419, %parallel_loop3A_1425 : vector<16xf32>
        %parallel_loop3A_1432 = math.exp %parallel_loop3A_1431 : vector<16xf32>
        %parallel_loop3A_1433 = arith.constant 1.000000e+00 : f32
        %parallel_loop3A_1434 = vector.broadcast %parallel_loop3A_1433 : f32 to vector<16xf32>
        %parallel_loop3A_1435 = arith.addf %parallel_loop3A_1434, %parallel_loop3A_1432 : vector<16xf32>
        %parallel_loop3A_1436 = arith.constant 1.000000e+00 : f32
        %parallel_loop3A_1437 = vector.broadcast %parallel_loop3A_1436 : f32 to vector<16xf32>
        %parallel_loop3A_1438 = arith.divf %parallel_loop3A_1437, %parallel_loop3A_1435 : vector<16xf32>
        %parallel_loop3A_1439 = arith.constant 1.000000e+01 : f32
        %parallel_loop3A_1440 = vector.broadcast %parallel_loop3A_1439 : f32 to vector<16xf32>
        %parallel_loop3A_1441 = arith.mulf %parallel_loop3A_1438, %parallel_loop3A_1440 : vector<16xf32>
        %parallel_loop3A_1442 = arith.fptosi %parallel_loop3A_1441 : vector<16xf32> to vector<16xi32>
        %parallel_loop3A_1443 = arith.constant 16 : i32
        %parallel_loop3A_1444 = vector.broadcast %parallel_loop3A_1443 : i32 to vector<16xi32>
        %parallel_loop3A_1445 = arith.muli %parallel_loop3A_1442, %parallel_loop3A_1444 : vector<16xi32>
        %parallel_loop3A_1446 = arith.addi %parallel_loop3A_1445, %iota3A : vector<16xi32>
        %parallel_loop3A_1447 = arith.constant 0 : i32
        %parallel_loop3A_1448 = tpu.memref_slice %arg9[%parallel_loop3A_1447] : memref<1408xf32, #tpu.memory_space<vmem>> -> memref<176xf32, #tpu.memory_space<vmem>>
        tpu.vector_store_idx %parallel_loop3A_1448[%parallel_loop3A_1446], %broadcast_in_dim3A_1 {add = true} : memref<176xf32, #tpu.memory_space<vmem>>[vector<16xi32>], vector<16xf32>,
        %parallel_loop3A_1449 = arith.constant 0 : i32
        %parallel_loop3A_1450 = tpu.memref_slice %arg10[%parallel_loop3A_1449] : memref<1408xf32, #tpu.memory_space<vmem>> -> memref<176xf32, #tpu.memory_space<vmem>>
        tpu.vector_store_idx %parallel_loop3A_1450[%parallel_loop3A_1446], %parallel_loop3A_1430 {add = true} : memref<176xf32, #tpu.memory_space<vmem>>[vector<16xi32>], vector<16xf32>,
        %parallel_loop3A_1451 = arith.constant 0 : i32
        %parallel_loop3A_1452 = tpu.memref_slice %arg11[%parallel_loop3A_1451] : memref<1408xf32, #tpu.memory_space<vmem>> -> memref<176xf32, #tpu.memory_space<vmem>>
        tpu.vector_store_idx %parallel_loop3A_1452[%parallel_loop3A_1446], %parallel_loop3A_1438 {add = true} : memref<176xf32, #tpu.memory_space<vmem>>[vector<16xi32>], vector<16xf32>,
        %parallel_loop3A_1453 = arith.constant 16 : i32
        %parallel_loop3A_1454 = arith.addi %parallel_loop3A_1413, %parallel_loop3A_1453 : i32
        %parallel_loop3A_1455 = arith.index_cast %parallel_loop3A_1454 : i32 to index
        %parallel_loop3A_1456 = tpu.vector_load %arg5[%parallel_loop3A_1455] {strides = array<i32>} : memref<16384xf32, #tpu.memory_space<vmem>>, vector<16xf32>,
        %parallel_loop3A_1457 = arith.constant 128 : i32
        %parallel_loop3A_1458 = arith.addi %parallel_loop3A_1413, %parallel_loop3A_1457 : i32
        %parallel_loop3A_1459 = arith.constant 16 : i32
        %parallel_loop3A_1460 = arith.addi %parallel_loop3A_1458, %parallel_loop3A_1459 : i32
        %parallel_loop3A_1461 = arith.index_cast %parallel_loop3A_1460 : i32 to index
        %parallel_loop3A_1462 = tpu.vector_load %arg5[%parallel_loop3A_1461] {strides = array<i32>} : memref<16384xf32, #tpu.memory_space<vmem>>, vector<16xf32>,
        %parallel_loop3A_1463 = arith.constant 16 : i32
        %parallel_loop3A_1464 = arith.addi %parallel_loop3A_1415, %parallel_loop3A_1463 : i32
        %parallel_loop3A_1465 = arith.index_cast %parallel_loop3A_1464 : i32 to index
        %parallel_loop3A_1466 = tpu.vector_load %arg7[%parallel_loop3A_1465] {strides = array<i32>} : memref<8192xi32, #tpu.memory_space<vmem>>, vector<16xi32>,
        %parallel_loop3A_1467 = arith.sitofp %parallel_loop3A_1466 : vector<16xi32> to vector<16xf32>
        %parallel_loop3A_1468 = arith.subf %parallel_loop3A_1456, %parallel_loop3A_1462 : vector<16xf32>
        %parallel_loop3A_1469 = math.exp %parallel_loop3A_1468 : vector<16xf32>
        %parallel_loop3A_1470 = arith.constant 1.000000e+00 : f32
        %parallel_loop3A_1471 = vector.broadcast %parallel_loop3A_1470 : f32 to vector<16xf32>
        %parallel_loop3A_1472 = arith.addf %parallel_loop3A_1471, %parallel_loop3A_1469 : vector<16xf32>
        %parallel_loop3A_1473 = arith.constant 1.000000e+00 : f32
        %parallel_loop3A_1474 = vector.broadcast %parallel_loop3A_1473 : f32 to vector<16xf32>
        %parallel_loop3A_1475 = arith.divf %parallel_loop3A_1474, %parallel_loop3A_1472 : vector<16xf32>
        %parallel_loop3A_1476 = arith.constant 1.000000e+01 : f32
        %parallel_loop3A_1477 = vector.broadcast %parallel_loop3A_1476 : f32 to vector<16xf32>
        %parallel_loop3A_1478 = arith.mulf %parallel_loop3A_1475, %parallel_loop3A_1477 : vector<16xf32>
        %parallel_loop3A_1479 = arith.fptosi %parallel_loop3A_1478 : vector<16xf32> to vector<16xi32>
        %parallel_loop3A_1480 = arith.constant 16 : i32
        %parallel_loop3A_1481 = vector.broadcast %parallel_loop3A_1480 : i32 to vector<16xi32>
        %parallel_loop3A_1482 = arith.muli %parallel_loop3A_1479, %parallel_loop3A_1481 : vector<16xi32>
        %parallel_loop3A_1483 = arith.addi %parallel_loop3A_1482, %iota3A : vector<16xi32>
        %parallel_loop3A_1484 = arith.constant 176 : i32
        %parallel_loop3A_1485 = tpu.memref_slice %arg9[%parallel_loop3A_1484] : memref<1408xf32, #tpu.memory_space<vmem>> -> memref<176xf32, #tpu.memory_space<vmem>>
        tpu.vector_store_idx %parallel_loop3A_1485[%parallel_loop3A_1483], %broadcast_in_dim3A_1 {add = true} : memref<176xf32, #tpu.memory_space<vmem>>[vector<16xi32>], vector<16xf32>,
        %parallel_loop3A_1486 = arith.constant 176 : i32
        %parallel_loop3A_1487 = tpu.memref_slice %arg10[%parallel_loop3A_1486] : memref<1408xf32, #tpu.memory_space<vmem>> -> memref<176xf32, #tpu.memory_space<vmem>>
        tpu.vector_store_idx %parallel_loop3A_1487[%parallel_loop3A_1483], %parallel_loop3A_1467 {add = true} : memref<176xf32, #tpu.memory_space<vmem>>[vector<16xi32>], vector<16xf32>,
        %parallel_loop3A_1488 = arith.constant 176 : i32
        %parallel_loop3A_1489 = tpu.memref_slice %arg11[%parallel_loop3A_1488] : memref<1408xf32, #tpu.memory_space<vmem>> -> memref<176xf32, #tpu.memory_space<vmem>>
        tpu.vector_store_idx %parallel_loop3A_1489[%parallel_loop3A_1483], %parallel_loop3A_1475 {add = true} : memref<176xf32, #tpu.memory_space<vmem>>[vector<16xi32>], vector<16xf32>,
        %parallel_loop3A_1490 = arith.constant 32 : i32
        %parallel_loop3A_1491 = arith.addi %parallel_loop3A_1413, %parallel_loop3A_1490 : i32
        %parallel_loop3A_1492 = arith.index_cast %parallel_loop3A_1491 : i32 to index
        %parallel_loop3A_1493 = tpu.vector_load %arg5[%parallel_loop3A_1492] {strides = array<i32>} : memref<16384xf32, #tpu.memory_space<vmem>>, vector<16xf32>,
        %parallel_loop3A_1494 = arith.constant 128 : i32
        %parallel_loop3A_1495 = arith.addi %parallel_loop3A_1413, %parallel_loop3A_1494 : i32
        %parallel_loop3A_1496 = arith.constant 32 : i32
        %parallel_loop3A_1497 = arith.addi %parallel_loop3A_1495, %parallel_loop3A_1496 : i32
        %parallel_loop3A_1498 = arith.index_cast %parallel_loop3A_1497 : i32 to index
        %parallel_loop3A_1499 = tpu.vector_load %arg5[%parallel_loop3A_1498] {strides = array<i32>} : memref<16384xf32, #tpu.memory_space<vmem>>, vector<16xf32>,
        %parallel_loop3A_1500 = arith.constant 32 : i32
        %parallel_loop3A_1501 = arith.addi %parallel_loop3A_1415, %parallel_loop3A_1500 : i32
        %parallel_loop3A_1502 = arith.index_cast %parallel_loop3A_1501 : i32 to index
        %parallel_loop3A_1503 = tpu.vector_load %arg7[%parallel_loop3A_1502] {strides = array<i32>} : memref<8192xi32, #tpu.memory_space<vmem>>, vector<16xi32>,
        %parallel_loop3A_1504 = arith.sitofp %parallel_loop3A_1503 : vector<16xi32> to vector<16xf32>
        %parallel_loop3A_1505 = arith.subf %parallel_loop3A_1493, %parallel_loop3A_1499 : vector<16xf32>
        %parallel_loop3A_1506 = math.exp %parallel_loop3A_1505 : vector<16xf32>
        %parallel_loop3A_1507 = arith.constant 1.000000e+00 : f32
        %parallel_loop3A_1508 = vector.broadcast %parallel_loop3A_1507 : f32 to vector<16xf32>
        %parallel_loop3A_1509 = arith.addf %parallel_loop3A_1508, %parallel_loop3A_1506 : vector<16xf32>
        %parallel_loop3A_1510 = arith.constant 1.000000e+00 : f32
        %parallel_loop3A_1511 = vector.broadcast %parallel_loop3A_1510 : f32 to vector<16xf32>
        %parallel_loop3A_1512 = arith.divf %parallel_loop3A_1511, %parallel_loop3A_1509 : vector<16xf32>
        %parallel_loop3A_1513 = arith.constant 1.000000e+01 : f32
        %parallel_loop3A_1514 = vector.broadcast %parallel_loop3A_1513 : f32 to vector<16xf32>
        %parallel_loop3A_1515 = arith.mulf %parallel_loop3A_1512, %parallel_loop3A_1514 : vector<16xf32>
        %parallel_loop3A_1516 = arith.fptosi %parallel_loop3A_1515 : vector<16xf32> to vector<16xi32>
        %parallel_loop3A_1517 = arith.constant 16 : i32
        %parallel_loop3A_1518 = vector.broadcast %parallel_loop3A_1517 : i32 to vector<16xi32>
        %parallel_loop3A_1519 = arith.muli %parallel_loop3A_1516, %parallel_loop3A_1518 : vector<16xi32>
        %parallel_loop3A_1520 = arith.addi %parallel_loop3A_1519, %iota3A : vector<16xi32>
        %parallel_loop3A_1521 = arith.constant 352 : i32
        %parallel_loop3A_1522 = tpu.memref_slice %arg9[%parallel_loop3A_1521] : memref<1408xf32, #tpu.memory_space<vmem>> -> memref<176xf32, #tpu.memory_space<vmem>>
        tpu.vector_store_idx %parallel_loop3A_1522[%parallel_loop3A_1520], %broadcast_in_dim3A_1 {add = true} : memref<176xf32, #tpu.memory_space<vmem>>[vector<16xi32>], vector<16xf32>,
        %parallel_loop3A_1523 = arith.constant 352 : i32
        %parallel_loop3A_1524 = tpu.memref_slice %arg10[%parallel_loop3A_1523] : memref<1408xf32, #tpu.memory_space<vmem>> -> memref<176xf32, #tpu.memory_space<vmem>>
        tpu.vector_store_idx %parallel_loop3A_1524[%parallel_loop3A_1520], %parallel_loop3A_1504 {add = true} : memref<176xf32, #tpu.memory_space<vmem>>[vector<16xi32>], vector<16xf32>,
        %parallel_loop3A_1525 = arith.constant 352 : i32
        %parallel_loop3A_1526 = tpu.memref_slice %arg11[%parallel_loop3A_1525] : memref<1408xf32, #tpu.memory_space<vmem>> -> memref<176xf32, #tpu.memory_space<vmem>>
        tpu.vector_store_idx %parallel_loop3A_1526[%parallel_loop3A_1520], %parallel_loop3A_1512 {add = true} : memref<176xf32, #tpu.memory_space<vmem>>[vector<16xi32>], vector<16xf32>,
        %parallel_loop3A_1527 = arith.constant 48 : i32
        %parallel_loop3A_1528 = arith.addi %parallel_loop3A_1413, %parallel_loop3A_1527 : i32
        %parallel_loop3A_1529 = arith.index_cast %parallel_loop3A_1528 : i32 to index
        %parallel_loop3A_1530 = tpu.vector_load %arg5[%parallel_loop3A_1529] {strides = array<i32>} : memref<16384xf32, #tpu.memory_space<vmem>>, vector<16xf32>,
        %parallel_loop3A_1531 = arith.constant 128 : i32
        %parallel_loop3A_1532 = arith.addi %parallel_loop3A_1413, %parallel_loop3A_1531 : i32
        %parallel_loop3A_1533 = arith.constant 48 : i32
        %parallel_loop3A_1534 = arith.addi %parallel_loop3A_1532, %parallel_loop3A_1533 : i32
        %parallel_loop3A_1535 = arith.index_cast %parallel_loop3A_1534 : i32 to index
        %parallel_loop3A_1536 = tpu.vector_load %arg5[%parallel_loop3A_1535] {strides = array<i32>} : memref<16384xf32, #tpu.memory_space<vmem>>, vector<16xf32>,
        %parallel_loop3A_1537 = arith.constant 48 : i32
        %parallel_loop3A_1538 = arith.addi %parallel_loop3A_1415, %parallel_loop3A_1537 : i32
        %parallel_loop3A_1539 = arith.index_cast %parallel_loop3A_1538 : i32 to index
        %parallel_loop3A_1540 = tpu.vector_load %arg7[%parallel_loop3A_1539] {strides = array<i32>} : memref<8192xi32, #tpu.memory_space<vmem>>, vector<16xi32>,
        %parallel_loop3A_1541 = arith.sitofp %parallel_loop3A_1540 : vector<16xi32> to vector<16xf32>
        %parallel_loop3A_1542 = arith.subf %parallel_loop3A_1530, %parallel_loop3A_1536 : vector<16xf32>
        %parallel_loop3A_1543 = math.exp %parallel_loop3A_1542 : vector<16xf32>
        %parallel_loop3A_1544 = arith.constant 1.000000e+00 : f32
        %parallel_loop3A_1545 = vector.broadcast %parallel_loop3A_1544 : f32 to vector<16xf32>
        %parallel_loop3A_1546 = arith.addf %parallel_loop3A_1545, %parallel_loop3A_1543 : vector<16xf32>
        %parallel_loop3A_1547 = arith.constant 1.000000e+00 : f32
        %parallel_loop3A_1548 = vector.broadcast %parallel_loop3A_1547 : f32 to vector<16xf32>
        %parallel_loop3A_1549 = arith.divf %parallel_loop3A_1548, %parallel_loop3A_1546 : vector<16xf32>
        %parallel_loop3A_1550 = arith.constant 1.000000e+01 : f32
        %parallel_loop3A_1551 = vector.broadcast %parallel_loop3A_1550 : f32 to vector<16xf32>
        %parallel_loop3A_1552 = arith.mulf %parallel_loop3A_1549, %parallel_loop3A_1551 : vector<16xf32>
        %parallel_loop3A_1553 = arith.fptosi %parallel_loop3A_1552 : vector<16xf32> to vector<16xi32>
        %parallel_loop3A_1554 = arith.constant 16 : i32
        %parallel_loop3A_1555 = vector.broadcast %parallel_loop3A_1554 : i32 to vector<16xi32>
        %parallel_loop3A_1556 = arith.muli %parallel_loop3A_1553, %parallel_loop3A_1555 : vector<16xi32>
        %parallel_loop3A_1557 = arith.addi %parallel_loop3A_1556, %iota3A : vector<16xi32>
        %parallel_loop3A_1558 = arith.constant 528 : i32
        %parallel_loop3A_1559 = tpu.memref_slice %arg9[%parallel_loop3A_1558] : memref<1408xf32, #tpu.memory_space<vmem>> -> memref<176xf32, #tpu.memory_space<vmem>>
        tpu.vector_store_idx %parallel_loop3A_1559[%parallel_loop3A_1557], %broadcast_in_dim3A_1 {add = true} : memref<176xf32, #tpu.memory_space<vmem>>[vector<16xi32>], vector<16xf32>,
        %parallel_loop3A_1560 = arith.constant 528 : i32
        %parallel_loop3A_1561 = tpu.memref_slice %arg10[%parallel_loop3A_1560] : memref<1408xf32, #tpu.memory_space<vmem>> -> memref<176xf32, #tpu.memory_space<vmem>>
        tpu.vector_store_idx %parallel_loop3A_1561[%parallel_loop3A_1557], %parallel_loop3A_1541 {add = true} : memref<176xf32, #tpu.memory_space<vmem>>[vector<16xi32>], vector<16xf32>,
        %parallel_loop3A_1562 = arith.constant 528 : i32
        %parallel_loop3A_1563 = tpu.memref_slice %arg11[%parallel_loop3A_1562] : memref<1408xf32, #tpu.memory_space<vmem>> -> memref<176xf32, #tpu.memory_space<vmem>>
        tpu.vector_store_idx %parallel_loop3A_1563[%parallel_loop3A_1557], %parallel_loop3A_1549 {add = true} : memref<176xf32, #tpu.memory_space<vmem>>[vector<16xi32>], vector<16xf32>,
        %parallel_loop3A_1564 = arith.constant 64 : i32
        %parallel_loop3A_1565 = arith.addi %parallel_loop3A_1413, %parallel_loop3A_1564 : i32
        %parallel_loop3A_1566 = arith.index_cast %parallel_loop3A_1565 : i32 to index
        %parallel_loop3A_1567 = tpu.vector_load %arg5[%parallel_loop3A_1566] {strides = array<i32>} : memref<16384xf32, #tpu.memory_space<vmem>>, vector<16xf32>,
        %parallel_loop3A_1568 = arith.constant 128 : i32
        %parallel_loop3A_1569 = arith.addi %parallel_loop3A_1413, %parallel_loop3A_1568 : i32
        %parallel_loop3A_1570 = arith.constant 64 : i32
        %parallel_loop3A_1571 = arith.addi %parallel_loop3A_1569, %parallel_loop3A_1570 : i32
        %parallel_loop3A_1572 = arith.index_cast %parallel_loop3A_1571 : i32 to index
        %parallel_loop3A_1573 = tpu.vector_load %arg5[%parallel_loop3A_1572] {strides = array<i32>} : memref<16384xf32, #tpu.memory_space<vmem>>, vector<16xf32>,
        %parallel_loop3A_1574 = arith.constant 64 : i32
        %parallel_loop3A_1575 = arith.addi %parallel_loop3A_1415, %parallel_loop3A_1574 : i32
        %parallel_loop3A_1576 = arith.index_cast %parallel_loop3A_1575 : i32 to index
        %parallel_loop3A_1577 = tpu.vector_load %arg7[%parallel_loop3A_1576] {strides = array<i32>} : memref<8192xi32, #tpu.memory_space<vmem>>, vector<16xi32>,
        %parallel_loop3A_1578 = arith.sitofp %parallel_loop3A_1577 : vector<16xi32> to vector<16xf32>
        %parallel_loop3A_1579 = arith.subf %parallel_loop3A_1567, %parallel_loop3A_1573 : vector<16xf32>
        %parallel_loop3A_1580 = math.exp %parallel_loop3A_1579 : vector<16xf32>
        %parallel_loop3A_1581 = arith.constant 1.000000e+00 : f32
        %parallel_loop3A_1582 = vector.broadcast %parallel_loop3A_1581 : f32 to vector<16xf32>
        %parallel_loop3A_1583 = arith.addf %parallel_loop3A_1582, %parallel_loop3A_1580 : vector<16xf32>
        %parallel_loop3A_1584 = arith.constant 1.000000e+00 : f32
        %parallel_loop3A_1585 = vector.broadcast %parallel_loop3A_1584 : f32 to vector<16xf32>
        %parallel_loop3A_1586 = arith.divf %parallel_loop3A_1585, %parallel_loop3A_1583 : vector<16xf32>
        %parallel_loop3A_1587 = arith.constant 1.000000e+01 : f32
        %parallel_loop3A_1588 = vector.broadcast %parallel_loop3A_1587 : f32 to vector<16xf32>
        %parallel_loop3A_1589 = arith.mulf %parallel_loop3A_1586, %parallel_loop3A_1588 : vector<16xf32>
        %parallel_loop3A_1590 = arith.fptosi %parallel_loop3A_1589 : vector<16xf32> to vector<16xi32>
        %parallel_loop3A_1591 = arith.constant 16 : i32
        %parallel_loop3A_1592 = vector.broadcast %parallel_loop3A_1591 : i32 to vector<16xi32>
        %parallel_loop3A_1593 = arith.muli %parallel_loop3A_1590, %parallel_loop3A_1592 : vector<16xi32>
        %parallel_loop3A_1594 = arith.addi %parallel_loop3A_1593, %iota3A : vector<16xi32>
        %parallel_loop3A_1595 = arith.constant 704 : i32
        %parallel_loop3A_1596 = tpu.memref_slice %arg9[%parallel_loop3A_1595] : memref<1408xf32, #tpu.memory_space<vmem>> -> memref<176xf32, #tpu.memory_space<vmem>>
        tpu.vector_store_idx %parallel_loop3A_1596[%parallel_loop3A_1594], %broadcast_in_dim3A_1 {add = true} : memref<176xf32, #tpu.memory_space<vmem>>[vector<16xi32>], vector<16xf32>,
        %parallel_loop3A_1597 = arith.constant 704 : i32
        %parallel_loop3A_1598 = tpu.memref_slice %arg10[%parallel_loop3A_1597] : memref<1408xf32, #tpu.memory_space<vmem>> -> memref<176xf32, #tpu.memory_space<vmem>>
        tpu.vector_store_idx %parallel_loop3A_1598[%parallel_loop3A_1594], %parallel_loop3A_1578 {add = true} : memref<176xf32, #tpu.memory_space<vmem>>[vector<16xi32>], vector<16xf32>,
        %parallel_loop3A_1599 = arith.constant 704 : i32
        %parallel_loop3A_1600 = tpu.memref_slice %arg11[%parallel_loop3A_1599] : memref<1408xf32, #tpu.memory_space<vmem>> -> memref<176xf32, #tpu.memory_space<vmem>>
        tpu.vector_store_idx %parallel_loop3A_1600[%parallel_loop3A_1594], %parallel_loop3A_1586 {add = true} : memref<176xf32, #tpu.memory_space<vmem>>[vector<16xi32>], vector<16xf32>,
        %parallel_loop3A_1601 = arith.constant 80 : i32
        %parallel_loop3A_1602 = arith.addi %parallel_loop3A_1413, %parallel_loop3A_1601 : i32
        %parallel_loop3A_1603 = arith.index_cast %parallel_loop3A_1602 : i32 to index
        %parallel_loop3A_1604 = tpu.vector_load %arg5[%parallel_loop3A_1603] {strides = array<i32>} : memref<16384xf32, #tpu.memory_space<vmem>>, vector<16xf32>,
        %parallel_loop3A_1605 = arith.constant 128 : i32
        %parallel_loop3A_1606 = arith.addi %parallel_loop3A_1413, %parallel_loop3A_1605 : i32
        %parallel_loop3A_1607 = arith.constant 80 : i32
        %parallel_loop3A_1608 = arith.addi %parallel_loop3A_1606, %parallel_loop3A_1607 : i32
        %parallel_loop3A_1609 = arith.index_cast %parallel_loop3A_1608 : i32 to index
        %parallel_loop3A_1610 = tpu.vector_load %arg5[%parallel_loop3A_1609] {strides = array<i32>} : memref<16384xf32, #tpu.memory_space<vmem>>, vector<16xf32>,
        %parallel_loop3A_1611 = arith.constant 80 : i32
        %parallel_loop3A_1612 = arith.addi %parallel_loop3A_1415, %parallel_loop3A_1611 : i32
        %parallel_loop3A_1613 = arith.index_cast %parallel_loop3A_1612 : i32 to index
        %parallel_loop3A_1614 = tpu.vector_load %arg7[%parallel_loop3A_1613] {strides = array<i32>} : memref<8192xi32, #tpu.memory_space<vmem>>, vector<16xi32>,
        %parallel_loop3A_1615 = arith.sitofp %parallel_loop3A_1614 : vector<16xi32> to vector<16xf32>
        %parallel_loop3A_1616 = arith.subf %parallel_loop3A_1604, %parallel_loop3A_1610 : vector<16xf32>
        %parallel_loop3A_1617 = math.exp %parallel_loop3A_1616 : vector<16xf32>
        %parallel_loop3A_1618 = arith.constant 1.000000e+00 : f32
        %parallel_loop3A_1619 = vector.broadcast %parallel_loop3A_1618 : f32 to vector<16xf32>
        %parallel_loop3A_1620 = arith.addf %parallel_loop3A_1619, %parallel_loop3A_1617 : vector<16xf32>
        %parallel_loop3A_1621 = arith.constant 1.000000e+00 : f32
        %parallel_loop3A_1622 = vector.broadcast %parallel_loop3A_1621 : f32 to vector<16xf32>
        %parallel_loop3A_1623 = arith.divf %parallel_loop3A_1622, %parallel_loop3A_1620 : vector<16xf32>
        %parallel_loop3A_1624 = arith.constant 1.000000e+01 : f32
        %parallel_loop3A_1625 = vector.broadcast %parallel_loop3A_1624 : f32 to vector<16xf32>
        %parallel_loop3A_1626 = arith.mulf %parallel_loop3A_1623, %parallel_loop3A_1625 : vector<16xf32>
        %parallel_loop3A_1627 = arith.fptosi %parallel_loop3A_1626 : vector<16xf32> to vector<16xi32>
        %parallel_loop3A_1628 = arith.constant 16 : i32
        %parallel_loop3A_1629 = vector.broadcast %parallel_loop3A_1628 : i32 to vector<16xi32>
        %parallel_loop3A_1630 = arith.muli %parallel_loop3A_1627, %parallel_loop3A_1629 : vector<16xi32>
        %parallel_loop3A_1631 = arith.addi %parallel_loop3A_1630, %iota3A : vector<16xi32>
        %parallel_loop3A_1632 = arith.constant 880 : i32
        %parallel_loop3A_1633 = tpu.memref_slice %arg9[%parallel_loop3A_1632] : memref<1408xf32, #tpu.memory_space<vmem>> -> memref<176xf32, #tpu.memory_space<vmem>>
        tpu.vector_store_idx %parallel_loop3A_1633[%parallel_loop3A_1631], %broadcast_in_dim3A_1 {add = true} : memref<176xf32, #tpu.memory_space<vmem>>[vector<16xi32>], vector<16xf32>,
        %parallel_loop3A_1634 = arith.constant 880 : i32
        %parallel_loop3A_1635 = tpu.memref_slice %arg10[%parallel_loop3A_1634] : memref<1408xf32, #tpu.memory_space<vmem>> -> memref<176xf32, #tpu.memory_space<vmem>>
        tpu.vector_store_idx %parallel_loop3A_1635[%parallel_loop3A_1631], %parallel_loop3A_1615 {add = true} : memref<176xf32, #tpu.memory_space<vmem>>[vector<16xi32>], vector<16xf32>,
        %parallel_loop3A_1636 = arith.constant 880 : i32
        %parallel_loop3A_1637 = tpu.memref_slice %arg11[%parallel_loop3A_1636] : memref<1408xf32, #tpu.memory_space<vmem>> -> memref<176xf32, #tpu.memory_space<vmem>>
        tpu.vector_store_idx %parallel_loop3A_1637[%parallel_loop3A_1631], %parallel_loop3A_1623 {add = true} : memref<176xf32, #tpu.memory_space<vmem>>[vector<16xi32>], vector<16xf32>,
        %parallel_loop3A_1638 = arith.constant 96 : i32
        %parallel_loop3A_1639 = arith.addi %parallel_loop3A_1413, %parallel_loop3A_1638 : i32
        %parallel_loop3A_1640 = arith.index_cast %parallel_loop3A_1639 : i32 to index
        %parallel_loop3A_1641 = tpu.vector_load %arg5[%parallel_loop3A_1640] {strides = array<i32>} : memref<16384xf32, #tpu.memory_space<vmem>>, vector<16xf32>,
        %parallel_loop3A_1642 = arith.constant 128 : i32
        %parallel_loop3A_1643 = arith.addi %parallel_loop3A_1413, %parallel_loop3A_1642 : i32
        %parallel_loop3A_1644 = arith.constant 96 : i32
        %parallel_loop3A_1645 = arith.addi %parallel_loop3A_1643, %parallel_loop3A_1644 : i32
        %parallel_loop3A_1646 = arith.index_cast %parallel_loop3A_1645 : i32 to index
        %parallel_loop3A_1647 = tpu.vector_load %arg5[%parallel_loop3A_1646] {strides = array<i32>} : memref<16384xf32, #tpu.memory_space<vmem>>, vector<16xf32>,
        %parallel_loop3A_1648 = arith.constant 96 : i32
        %parallel_loop3A_1649 = arith.addi %parallel_loop3A_1415, %parallel_loop3A_1648 : i32
        %parallel_loop3A_1650 = arith.index_cast %parallel_loop3A_1649 : i32 to index
        %parallel_loop3A_1651 = tpu.vector_load %arg7[%parallel_loop3A_1650] {strides = array<i32>} : memref<8192xi32, #tpu.memory_space<vmem>>, vector<16xi32>,
        %parallel_loop3A_1652 = arith.sitofp %parallel_loop3A_1651 : vector<16xi32> to vector<16xf32>
        %parallel_loop3A_1653 = arith.subf %parallel_loop3A_1641, %parallel_loop3A_1647 : vector<16xf32>
        %parallel_loop3A_1654 = math.exp %parallel_loop3A_1653 : vector<16xf32>
        %parallel_loop3A_1655 = arith.constant 1.000000e+00 : f32
        %parallel_loop3A_1656 = vector.broadcast %parallel_loop3A_1655 : f32 to vector<16xf32>
        %parallel_loop3A_1657 = arith.addf %parallel_loop3A_1656, %parallel_loop3A_1654 : vector<16xf32>
        %parallel_loop3A_1658 = arith.constant 1.000000e+00 : f32
        %parallel_loop3A_1659 = vector.broadcast %parallel_loop3A_1658 : f32 to vector<16xf32>
        %parallel_loop3A_1660 = arith.divf %parallel_loop3A_1659, %parallel_loop3A_1657 : vector<16xf32>
        %parallel_loop3A_1661 = arith.constant 1.000000e+01 : f32
        %parallel_loop3A_1662 = vector.broadcast %parallel_loop3A_1661 : f32 to vector<16xf32>
        %parallel_loop3A_1663 = arith.mulf %parallel_loop3A_1660, %parallel_loop3A_1662 : vector<16xf32>
        %parallel_loop3A_1664 = arith.fptosi %parallel_loop3A_1663 : vector<16xf32> to vector<16xi32>
        %parallel_loop3A_1665 = arith.constant 16 : i32
        %parallel_loop3A_1666 = vector.broadcast %parallel_loop3A_1665 : i32 to vector<16xi32>
        %parallel_loop3A_1667 = arith.muli %parallel_loop3A_1664, %parallel_loop3A_1666 : vector<16xi32>
        %parallel_loop3A_1668 = arith.addi %parallel_loop3A_1667, %iota3A : vector<16xi32>
        %parallel_loop3A_1669 = arith.constant 1056 : i32
        %parallel_loop3A_1670 = tpu.memref_slice %arg9[%parallel_loop3A_1669] : memref<1408xf32, #tpu.memory_space<vmem>> -> memref<176xf32, #tpu.memory_space<vmem>>
        tpu.vector_store_idx %parallel_loop3A_1670[%parallel_loop3A_1668], %broadcast_in_dim3A_1 {add = true} : memref<176xf32, #tpu.memory_space<vmem>>[vector<16xi32>], vector<16xf32>,
        %parallel_loop3A_1671 = arith.constant 1056 : i32
        %parallel_loop3A_1672 = tpu.memref_slice %arg10[%parallel_loop3A_1671] : memref<1408xf32, #tpu.memory_space<vmem>> -> memref<176xf32, #tpu.memory_space<vmem>>
        tpu.vector_store_idx %parallel_loop3A_1672[%parallel_loop3A_1668], %parallel_loop3A_1652 {add = true} : memref<176xf32, #tpu.memory_space<vmem>>[vector<16xi32>], vector<16xf32>,
        %parallel_loop3A_1673 = arith.constant 1056 : i32
        %parallel_loop3A_1674 = tpu.memref_slice %arg11[%parallel_loop3A_1673] : memref<1408xf32, #tpu.memory_space<vmem>> -> memref<176xf32, #tpu.memory_space<vmem>>
        tpu.vector_store_idx %parallel_loop3A_1674[%parallel_loop3A_1668], %parallel_loop3A_1660 {add = true} : memref<176xf32, #tpu.memory_space<vmem>>[vector<16xi32>], vector<16xf32>,
        %parallel_loop3A_1675 = arith.constant 112 : i32
        %parallel_loop3A_1676 = arith.addi %parallel_loop3A_1413, %parallel_loop3A_1675 : i32
        %parallel_loop3A_1677 = arith.index_cast %parallel_loop3A_1676 : i32 to index
        %parallel_loop3A_1678 = tpu.vector_load %arg5[%parallel_loop3A_1677] {strides = array<i32>} : memref<16384xf32, #tpu.memory_space<vmem>>, vector<16xf32>,
        %parallel_loop3A_1679 = arith.constant 128 : i32
        %parallel_loop3A_1680 = arith.addi %parallel_loop3A_1413, %parallel_loop3A_1679 : i32
        %parallel_loop3A_1681 = arith.constant 112 : i32
        %parallel_loop3A_1682 = arith.addi %parallel_loop3A_1680, %parallel_loop3A_1681 : i32
        %parallel_loop3A_1683 = arith.index_cast %parallel_loop3A_1682 : i32 to index
        %parallel_loop3A_1684 = tpu.vector_load %arg5[%parallel_loop3A_1683] {strides = array<i32>} : memref<16384xf32, #tpu.memory_space<vmem>>, vector<16xf32>,
        %parallel_loop3A_1685 = arith.constant 112 : i32
        %parallel_loop3A_1686 = arith.addi %parallel_loop3A_1415, %parallel_loop3A_1685 : i32
        %parallel_loop3A_1687 = arith.index_cast %parallel_loop3A_1686 : i32 to index
        %parallel_loop3A_1688 = tpu.vector_load %arg7[%parallel_loop3A_1687] {strides = array<i32>} : memref<8192xi32, #tpu.memory_space<vmem>>, vector<16xi32>,
        %parallel_loop3A_1689 = arith.sitofp %parallel_loop3A_1688 : vector<16xi32> to vector<16xf32>
        %parallel_loop3A_1690 = arith.subf %parallel_loop3A_1678, %parallel_loop3A_1684 : vector<16xf32>
        %parallel_loop3A_1691 = math.exp %parallel_loop3A_1690 : vector<16xf32>
        %parallel_loop3A_1692 = arith.constant 1.000000e+00 : f32
        %parallel_loop3A_1693 = vector.broadcast %parallel_loop3A_1692 : f32 to vector<16xf32>
        %parallel_loop3A_1694 = arith.addf %parallel_loop3A_1693, %parallel_loop3A_1691 : vector<16xf32>
        %parallel_loop3A_1695 = arith.constant 1.000000e+00 : f32
        %parallel_loop3A_1696 = vector.broadcast %parallel_loop3A_1695 : f32 to vector<16xf32>
        %parallel_loop3A_1697 = arith.divf %parallel_loop3A_1696, %parallel_loop3A_1694 : vector<16xf32>
        %parallel_loop3A_1698 = arith.constant 1.000000e+01 : f32
        %parallel_loop3A_1699 = vector.broadcast %parallel_loop3A_1698 : f32 to vector<16xf32>
        %parallel_loop3A_1700 = arith.mulf %parallel_loop3A_1697, %parallel_loop3A_1699 : vector<16xf32>
        %parallel_loop3A_1701 = arith.fptosi %parallel_loop3A_1700 : vector<16xf32> to vector<16xi32>
        %parallel_loop3A_1702 = arith.constant 16 : i32
        %parallel_loop3A_1703 = vector.broadcast %parallel_loop3A_1702 : i32 to vector<16xi32>
        %parallel_loop3A_1704 = arith.muli %parallel_loop3A_1701, %parallel_loop3A_1703 : vector<16xi32>
        %parallel_loop3A_1705 = arith.addi %parallel_loop3A_1704, %iota3A : vector<16xi32>
        %parallel_loop3A_1706 = arith.constant 1232 : i32
        %parallel_loop3A_1707 = tpu.memref_slice %arg9[%parallel_loop3A_1706] : memref<1408xf32, #tpu.memory_space<vmem>> -> memref<176xf32, #tpu.memory_space<vmem>>
        tpu.vector_store_idx %parallel_loop3A_1707[%parallel_loop3A_1705], %broadcast_in_dim3A_1 {add = true} : memref<176xf32, #tpu.memory_space<vmem>>[vector<16xi32>], vector<16xf32>,
        %parallel_loop3A_1708 = arith.constant 1232 : i32
        %parallel_loop3A_1709 = tpu.memref_slice %arg10[%parallel_loop3A_1708] : memref<1408xf32, #tpu.memory_space<vmem>> -> memref<176xf32, #tpu.memory_space<vmem>>
        tpu.vector_store_idx %parallel_loop3A_1709[%parallel_loop3A_1705], %parallel_loop3A_1689 {add = true} : memref<176xf32, #tpu.memory_space<vmem>>[vector<16xi32>], vector<16xf32>,
        %parallel_loop3A_1710 = arith.constant 1232 : i32
        %parallel_loop3A_1711 = tpu.memref_slice %arg11[%parallel_loop3A_1710] : memref<1408xf32, #tpu.memory_space<vmem>> -> memref<176xf32, #tpu.memory_space<vmem>>
        tpu.vector_store_idx %parallel_loop3A_1711[%parallel_loop3A_1705], %parallel_loop3A_1697 {add = true} : memref<176xf32, #tpu.memory_space<vmem>>[vector<16xi32>], vector<16xf32>,
      } {sc.loop_unroll_factor = 1 : i64, sc.parallel_access}
      %dma_wait3A_1398 = arith.constant 0 : i32
      %dma_wait3A_1399 = tpu.memref_slice %arg2[%dma_wait3A_1398] : memref<4194304xf32, #tpu.memory_space<hbm>> -> memref<16384xf32, #tpu.memory_space<hbm>>
      %dma_wait3A_1400 = arith.constant 0 : i32
      %dma_wait3A_1401 = tpu.memref_slice %arg2[%dma_wait3A_1400] : memref<4194304xf32, #tpu.memory_space<hbm>> -> memref<16384xf32, #tpu.memory_space<hbm>>
      tpu.wait_dma2 semaphore(%arg13 : memref<!tpu.dma_semaphore, #tpu.memory_space<semaphore_mem>>) src(%dma_wait3A_1401 : memref<16384xf32, #tpu.memory_space<hbm>>) dst(%arg6 : memref<16384xf32, #tpu.memory_space<vmem>>)
      %dma_wait3A_1402 = arith.constant 0 : i32
      %dma_wait3A_1403 = tpu.memref_slice %arg3[%dma_wait3A_1402] : memref<2097152xi32, #tpu.memory_space<hbm>> -> memref<8192xi32, #tpu.memory_space<hbm>>
      %dma_wait3A_1404 = arith.constant 0 : i32
      %dma_wait3A_1405 = tpu.memref_slice %arg3[%dma_wait3A_1404] : memref<2097152xi32, #tpu.memory_space<hbm>> -> memref<8192xi32, #tpu.memory_space<hbm>>
      tpu.wait_dma2 semaphore(%arg13 : memref<!tpu.dma_semaphore, #tpu.memory_space<semaphore_mem>>) src(%dma_wait3A_1405 : memref<8192xi32, #tpu.memory_space<hbm>>) dst(%arg8 : memref<8192xi32, #tpu.memory_space<vmem>>)
      %lt3A = arith.constant 2 : i32
      %lt3A_1406 = arith.cmpi slt, %scan3A_1375, %lt3A : i32
      %convert_element_type3A = arith.extui %lt3A_1406 : i1 to i32
      %cond3A = arith.constant 0 : i32
      %cond3A_1407 = arith.cmpi ne, %convert_element_type3A, %cond3A : i32
      scf.if %cond3A_1407 {
        %add3A_1411 = arith.constant 2 : i32
        %add3A_1412 = arith.addi %mul3A_1377, %add3A_1411 : i32
        %mul3A_1413 = arith.constant 8192 : i32
        %mul3A_1414 = arith.muli %add3A_1412, %mul3A_1413 : i32
        %add3A_1415 = arith.addi %mul3A_532, %mul3A_1414 : i32
        %mul3A_1416 = arith.constant 2 : i32
        %mul3A_1417 = arith.muli %add3A_1415, %mul3A_1416 : i32
        %dma_start3A_1418 = tpu.memref_slice %arg2[%mul3A_1417] : memref<4194304xf32, #tpu.memory_space<hbm>> -> memref<16384xf32, #tpu.memory_space<hbm>>
        %dma_start3A_1419 = tpu.memref_slice %arg2[%mul3A_1417] : memref<4194304xf32, #tpu.memory_space<hbm>> -> memref<16384xf32, #tpu.memory_space<hbm>>
        tpu.enqueue_dma source(%dma_start3A_1419 : memref<16384xf32, #tpu.memory_space<hbm>>) target(%arg5 : memref<16384xf32, #tpu.memory_space<vmem>>) target_semaphore(%arg12 : memref<!tpu.dma_semaphore, #tpu.memory_space<semaphore_mem>>)
        %dma_start3A_1420 = tpu.memref_slice %arg3[%add3A_1415] : memref<2097152xi32, #tpu.memory_space<hbm>> -> memref<8192xi32, #tpu.memory_space<hbm>>
        %dma_start3A_1421 = tpu.memref_slice %arg3[%add3A_1415] : memref<2097152xi32, #tpu.memory_space<hbm>> -> memref<8192xi32, #tpu.memory_space<hbm>>
        tpu.enqueue_dma source(%dma_start3A_1421 : memref<8192xi32, #tpu.memory_space<hbm>>) target(%arg7 : memref<8192xi32, #tpu.memory_space<vmem>>) target_semaphore(%arg12 : memref<!tpu.dma_semaphore, #tpu.memory_space<semaphore_mem>>)
      } else {
      }
      %parallel_loop3A_1408 = arith.constant 0 : i32
      %parallel_loop3A_1409 = arith.constant 64 : i32
      %parallel_loop3A_1410 = arith.constant 1 : i32
      scf.for %parallel_loop3A_1411 = %parallel_loop3A_1408 to %parallel_loop3A_1409 step %parallel_loop3A_1410  : i32 {
        %parallel_loop3A_1412 = arith.constant 256 : i32
        %parallel_loop3A_1413 = arith.muli %parallel_loop3A_1411, %parallel_loop3A_1412 : i32
        %parallel_loop3A_1414 = arith.constant 128 : i32
        %parallel_loop3A_1415 = arith.muli %parallel_loop3A_1411, %parallel_loop3A_1414 : i32
        %parallel_loop3A_1416 = arith.constant 0 : i32
        %parallel_loop3A_1417 = arith.addi %parallel_loop3A_1413, %parallel_loop3A_1416 : i32
        %parallel_loop3A_1418 = arith.index_cast %parallel_loop3A_1417 : i32 to index
        %parallel_loop3A_1419 = tpu.vector_load %arg6[%parallel_loop3A_1418] {strides = array<i32>} : memref<16384xf32, #tpu.memory_space<vmem>>, vector<16xf32>,
        %parallel_loop3A_1420 = arith.constant 128 : i32
        %parallel_loop3A_1421 = arith.addi %parallel_loop3A_1413, %parallel_loop3A_1420 : i32
        %parallel_loop3A_1422 = arith.constant 0 : i32
        %parallel_loop3A_1423 = arith.addi %parallel_loop3A_1421, %parallel_loop3A_1422 : i32
        %parallel_loop3A_1424 = arith.index_cast %parallel_loop3A_1423 : i32 to index
        %parallel_loop3A_1425 = tpu.vector_load %arg6[%parallel_loop3A_1424] {strides = array<i32>} : memref<16384xf32, #tpu.memory_space<vmem>>, vector<16xf32>,
        %parallel_loop3A_1426 = arith.constant 0 : i32
        %parallel_loop3A_1427 = arith.addi %parallel_loop3A_1415, %parallel_loop3A_1426 : i32
        %parallel_loop3A_1428 = arith.index_cast %parallel_loop3A_1427 : i32 to index
        %parallel_loop3A_1429 = tpu.vector_load %arg8[%parallel_loop3A_1428] {strides = array<i32>} : memref<8192xi32, #tpu.memory_space<vmem>>, vector<16xi32>,
        %parallel_loop3A_1430 = arith.sitofp %parallel_loop3A_1429 : vector<16xi32> to vector<16xf32>
        %parallel_loop3A_1431 = arith.subf %parallel_loop3A_1419, %parallel_loop3A_1425 : vector<16xf32>
        %parallel_loop3A_1432 = math.exp %parallel_loop3A_1431 : vector<16xf32>
        %parallel_loop3A_1433 = arith.constant 1.000000e+00 : f32
        %parallel_loop3A_1434 = vector.broadcast %parallel_loop3A_1433 : f32 to vector<16xf32>
        %parallel_loop3A_1435 = arith.addf %parallel_loop3A_1434, %parallel_loop3A_1432 : vector<16xf32>
        %parallel_loop3A_1436 = arith.constant 1.000000e+00 : f32
        %parallel_loop3A_1437 = vector.broadcast %parallel_loop3A_1436 : f32 to vector<16xf32>
        %parallel_loop3A_1438 = arith.divf %parallel_loop3A_1437, %parallel_loop3A_1435 : vector<16xf32>
        %parallel_loop3A_1439 = arith.constant 1.000000e+01 : f32
        %parallel_loop3A_1440 = vector.broadcast %parallel_loop3A_1439 : f32 to vector<16xf32>
        %parallel_loop3A_1441 = arith.mulf %parallel_loop3A_1438, %parallel_loop3A_1440 : vector<16xf32>
        %parallel_loop3A_1442 = arith.fptosi %parallel_loop3A_1441 : vector<16xf32> to vector<16xi32>
        %parallel_loop3A_1443 = arith.constant 16 : i32
        %parallel_loop3A_1444 = vector.broadcast %parallel_loop3A_1443 : i32 to vector<16xi32>
        %parallel_loop3A_1445 = arith.muli %parallel_loop3A_1442, %parallel_loop3A_1444 : vector<16xi32>
        %parallel_loop3A_1446 = arith.addi %parallel_loop3A_1445, %iota3A : vector<16xi32>
        %parallel_loop3A_1447 = arith.constant 0 : i32
        %parallel_loop3A_1448 = tpu.memref_slice %arg9[%parallel_loop3A_1447] : memref<1408xf32, #tpu.memory_space<vmem>> -> memref<176xf32, #tpu.memory_space<vmem>>
        tpu.vector_store_idx %parallel_loop3A_1448[%parallel_loop3A_1446], %broadcast_in_dim3A_1 {add = true} : memref<176xf32, #tpu.memory_space<vmem>>[vector<16xi32>], vector<16xf32>,
        %parallel_loop3A_1449 = arith.constant 0 : i32
        %parallel_loop3A_1450 = tpu.memref_slice %arg10[%parallel_loop3A_1449] : memref<1408xf32, #tpu.memory_space<vmem>> -> memref<176xf32, #tpu.memory_space<vmem>>
        tpu.vector_store_idx %parallel_loop3A_1450[%parallel_loop3A_1446], %parallel_loop3A_1430 {add = true} : memref<176xf32, #tpu.memory_space<vmem>>[vector<16xi32>], vector<16xf32>,
        %parallel_loop3A_1451 = arith.constant 0 : i32
        %parallel_loop3A_1452 = tpu.memref_slice %arg11[%parallel_loop3A_1451] : memref<1408xf32, #tpu.memory_space<vmem>> -> memref<176xf32, #tpu.memory_space<vmem>>
        tpu.vector_store_idx %parallel_loop3A_1452[%parallel_loop3A_1446], %parallel_loop3A_1438 {add = true} : memref<176xf32, #tpu.memory_space<vmem>>[vector<16xi32>], vector<16xf32>,
        %parallel_loop3A_1453 = arith.constant 16 : i32
        %parallel_loop3A_1454 = arith.addi %parallel_loop3A_1413, %parallel_loop3A_1453 : i32
        %parallel_loop3A_1455 = arith.index_cast %parallel_loop3A_1454 : i32 to index
        %parallel_loop3A_1456 = tpu.vector_load %arg6[%parallel_loop3A_1455] {strides = array<i32>} : memref<16384xf32, #tpu.memory_space<vmem>>, vector<16xf32>,
        %parallel_loop3A_1457 = arith.constant 128 : i32
        %parallel_loop3A_1458 = arith.addi %parallel_loop3A_1413, %parallel_loop3A_1457 : i32
        %parallel_loop3A_1459 = arith.constant 16 : i32
        %parallel_loop3A_1460 = arith.addi %parallel_loop3A_1458, %parallel_loop3A_1459 : i32
        %parallel_loop3A_1461 = arith.index_cast %parallel_loop3A_1460 : i32 to index
        %parallel_loop3A_1462 = tpu.vector_load %arg6[%parallel_loop3A_1461] {strides = array<i32>} : memref<16384xf32, #tpu.memory_space<vmem>>, vector<16xf32>,
        %parallel_loop3A_1463 = arith.constant 16 : i32
        %parallel_loop3A_1464 = arith.addi %parallel_loop3A_1415, %parallel_loop3A_1463 : i32
        %parallel_loop3A_1465 = arith.index_cast %parallel_loop3A_1464 : i32 to index
        %parallel_loop3A_1466 = tpu.vector_load %arg8[%parallel_loop3A_1465] {strides = array<i32>} : memref<8192xi32, #tpu.memory_space<vmem>>, vector<16xi32>,
        %parallel_loop3A_1467 = arith.sitofp %parallel_loop3A_1466 : vector<16xi32> to vector<16xf32>
        %parallel_loop3A_1468 = arith.subf %parallel_loop3A_1456, %parallel_loop3A_1462 : vector<16xf32>
        %parallel_loop3A_1469 = math.exp %parallel_loop3A_1468 : vector<16xf32>
        %parallel_loop3A_1470 = arith.constant 1.000000e+00 : f32
        %parallel_loop3A_1471 = vector.broadcast %parallel_loop3A_1470 : f32 to vector<16xf32>
        %parallel_loop3A_1472 = arith.addf %parallel_loop3A_1471, %parallel_loop3A_1469 : vector<16xf32>
        %parallel_loop3A_1473 = arith.constant 1.000000e+00 : f32
        %parallel_loop3A_1474 = vector.broadcast %parallel_loop3A_1473 : f32 to vector<16xf32>
        %parallel_loop3A_1475 = arith.divf %parallel_loop3A_1474, %parallel_loop3A_1472 : vector<16xf32>
        %parallel_loop3A_1476 = arith.constant 1.000000e+01 : f32
        %parallel_loop3A_1477 = vector.broadcast %parallel_loop3A_1476 : f32 to vector<16xf32>
        %parallel_loop3A_1478 = arith.mulf %parallel_loop3A_1475, %parallel_loop3A_1477 : vector<16xf32>
        %parallel_loop3A_1479 = arith.fptosi %parallel_loop3A_1478 : vector<16xf32> to vector<16xi32>
        %parallel_loop3A_1480 = arith.constant 16 : i32
        %parallel_loop3A_1481 = vector.broadcast %parallel_loop3A_1480 : i32 to vector<16xi32>
        %parallel_loop3A_1482 = arith.muli %parallel_loop3A_1479, %parallel_loop3A_1481 : vector<16xi32>
        %parallel_loop3A_1483 = arith.addi %parallel_loop3A_1482, %iota3A : vector<16xi32>
        %parallel_loop3A_1484 = arith.constant 176 : i32
        %parallel_loop3A_1485 = tpu.memref_slice %arg9[%parallel_loop3A_1484] : memref<1408xf32, #tpu.memory_space<vmem>> -> memref<176xf32, #tpu.memory_space<vmem>>
        tpu.vector_store_idx %parallel_loop3A_1485[%parallel_loop3A_1483], %broadcast_in_dim3A_1 {add = true} : memref<176xf32, #tpu.memory_space<vmem>>[vector<16xi32>], vector<16xf32>,
        %parallel_loop3A_1486 = arith.constant 176 : i32
        %parallel_loop3A_1487 = tpu.memref_slice %arg10[%parallel_loop3A_1486] : memref<1408xf32, #tpu.memory_space<vmem>> -> memref<176xf32, #tpu.memory_space<vmem>>
        tpu.vector_store_idx %parallel_loop3A_1487[%parallel_loop3A_1483], %parallel_loop3A_1467 {add = true} : memref<176xf32, #tpu.memory_space<vmem>>[vector<16xi32>], vector<16xf32>,
        %parallel_loop3A_1488 = arith.constant 176 : i32
        %parallel_loop3A_1489 = tpu.memref_slice %arg11[%parallel_loop3A_1488] : memref<1408xf32, #tpu.memory_space<vmem>> -> memref<176xf32, #tpu.memory_space<vmem>>
        tpu.vector_store_idx %parallel_loop3A_1489[%parallel_loop3A_1483], %parallel_loop3A_1475 {add = true} : memref<176xf32, #tpu.memory_space<vmem>>[vector<16xi32>], vector<16xf32>,
        %parallel_loop3A_1490 = arith.constant 32 : i32
        %parallel_loop3A_1491 = arith.addi %parallel_loop3A_1413, %parallel_loop3A_1490 : i32
        %parallel_loop3A_1492 = arith.index_cast %parallel_loop3A_1491 : i32 to index
        %parallel_loop3A_1493 = tpu.vector_load %arg6[%parallel_loop3A_1492] {strides = array<i32>} : memref<16384xf32, #tpu.memory_space<vmem>>, vector<16xf32>,
        %parallel_loop3A_1494 = arith.constant 128 : i32
        %parallel_loop3A_1495 = arith.addi %parallel_loop3A_1413, %parallel_loop3A_1494 : i32
        %parallel_loop3A_1496 = arith.constant 32 : i32
        %parallel_loop3A_1497 = arith.addi %parallel_loop3A_1495, %parallel_loop3A_1496 : i32
        %parallel_loop3A_1498 = arith.index_cast %parallel_loop3A_1497 : i32 to index
        %parallel_loop3A_1499 = tpu.vector_load %arg6[%parallel_loop3A_1498] {strides = array<i32>} : memref<16384xf32, #tpu.memory_space<vmem>>, vector<16xf32>,
        %parallel_loop3A_1500 = arith.constant 32 : i32
        %parallel_loop3A_1501 = arith.addi %parallel_loop3A_1415, %parallel_loop3A_1500 : i32
        %parallel_loop3A_1502 = arith.index_cast %parallel_loop3A_1501 : i32 to index
        %parallel_loop3A_1503 = tpu.vector_load %arg8[%parallel_loop3A_1502] {strides = array<i32>} : memref<8192xi32, #tpu.memory_space<vmem>>, vector<16xi32>,
        %parallel_loop3A_1504 = arith.sitofp %parallel_loop3A_1503 : vector<16xi32> to vector<16xf32>
        %parallel_loop3A_1505 = arith.subf %parallel_loop3A_1493, %parallel_loop3A_1499 : vector<16xf32>
        %parallel_loop3A_1506 = math.exp %parallel_loop3A_1505 : vector<16xf32>
        %parallel_loop3A_1507 = arith.constant 1.000000e+00 : f32
        %parallel_loop3A_1508 = vector.broadcast %parallel_loop3A_1507 : f32 to vector<16xf32>
        %parallel_loop3A_1509 = arith.addf %parallel_loop3A_1508, %parallel_loop3A_1506 : vector<16xf32>
        %parallel_loop3A_1510 = arith.constant 1.000000e+00 : f32
        %parallel_loop3A_1511 = vector.broadcast %parallel_loop3A_1510 : f32 to vector<16xf32>
        %parallel_loop3A_1512 = arith.divf %parallel_loop3A_1511, %parallel_loop3A_1509 : vector<16xf32>
        %parallel_loop3A_1513 = arith.constant 1.000000e+01 : f32
        %parallel_loop3A_1514 = vector.broadcast %parallel_loop3A_1513 : f32 to vector<16xf32>
        %parallel_loop3A_1515 = arith.mulf %parallel_loop3A_1512, %parallel_loop3A_1514 : vector<16xf32>
        %parallel_loop3A_1516 = arith.fptosi %parallel_loop3A_1515 : vector<16xf32> to vector<16xi32>
        %parallel_loop3A_1517 = arith.constant 16 : i32
        %parallel_loop3A_1518 = vector.broadcast %parallel_loop3A_1517 : i32 to vector<16xi32>
        %parallel_loop3A_1519 = arith.muli %parallel_loop3A_1516, %parallel_loop3A_1518 : vector<16xi32>
        %parallel_loop3A_1520 = arith.addi %parallel_loop3A_1519, %iota3A : vector<16xi32>
        %parallel_loop3A_1521 = arith.constant 352 : i32
        %parallel_loop3A_1522 = tpu.memref_slice %arg9[%parallel_loop3A_1521] : memref<1408xf32, #tpu.memory_space<vmem>> -> memref<176xf32, #tpu.memory_space<vmem>>
        tpu.vector_store_idx %parallel_loop3A_1522[%parallel_loop3A_1520], %broadcast_in_dim3A_1 {add = true} : memref<176xf32, #tpu.memory_space<vmem>>[vector<16xi32>], vector<16xf32>,
        %parallel_loop3A_1523 = arith.constant 352 : i32
        %parallel_loop3A_1524 = tpu.memref_slice %arg10[%parallel_loop3A_1523] : memref<1408xf32, #tpu.memory_space<vmem>> -> memref<176xf32, #tpu.memory_space<vmem>>
        tpu.vector_store_idx %parallel_loop3A_1524[%parallel_loop3A_1520], %parallel_loop3A_1504 {add = true} : memref<176xf32, #tpu.memory_space<vmem>>[vector<16xi32>], vector<16xf32>,
        %parallel_loop3A_1525 = arith.constant 352 : i32
        %parallel_loop3A_1526 = tpu.memref_slice %arg11[%parallel_loop3A_1525] : memref<1408xf32, #tpu.memory_space<vmem>> -> memref<176xf32, #tpu.memory_space<vmem>>
        tpu.vector_store_idx %parallel_loop3A_1526[%parallel_loop3A_1520], %parallel_loop3A_1512 {add = true} : memref<176xf32, #tpu.memory_space<vmem>>[vector<16xi32>], vector<16xf32>,
        %parallel_loop3A_1527 = arith.constant 48 : i32
        %parallel_loop3A_1528 = arith.addi %parallel_loop3A_1413, %parallel_loop3A_1527 : i32
        %parallel_loop3A_1529 = arith.index_cast %parallel_loop3A_1528 : i32 to index
        %parallel_loop3A_1530 = tpu.vector_load %arg6[%parallel_loop3A_1529] {strides = array<i32>} : memref<16384xf32, #tpu.memory_space<vmem>>, vector<16xf32>,
        %parallel_loop3A_1531 = arith.constant 128 : i32
        %parallel_loop3A_1532 = arith.addi %parallel_loop3A_1413, %parallel_loop3A_1531 : i32
        %parallel_loop3A_1533 = arith.constant 48 : i32
        %parallel_loop3A_1534 = arith.addi %parallel_loop3A_1532, %parallel_loop3A_1533 : i32
        %parallel_loop3A_1535 = arith.index_cast %parallel_loop3A_1534 : i32 to index
        %parallel_loop3A_1536 = tpu.vector_load %arg6[%parallel_loop3A_1535] {strides = array<i32>} : memref<16384xf32, #tpu.memory_space<vmem>>, vector<16xf32>,
        %parallel_loop3A_1537 = arith.constant 48 : i32
        %parallel_loop3A_1538 = arith.addi %parallel_loop3A_1415, %parallel_loop3A_1537 : i32
        %parallel_loop3A_1539 = arith.index_cast %parallel_loop3A_1538 : i32 to index
        %parallel_loop3A_1540 = tpu.vector_load %arg8[%parallel_loop3A_1539] {strides = array<i32>} : memref<8192xi32, #tpu.memory_space<vmem>>, vector<16xi32>,
        %parallel_loop3A_1541 = arith.sitofp %parallel_loop3A_1540 : vector<16xi32> to vector<16xf32>
        %parallel_loop3A_1542 = arith.subf %parallel_loop3A_1530, %parallel_loop3A_1536 : vector<16xf32>
        %parallel_loop3A_1543 = math.exp %parallel_loop3A_1542 : vector<16xf32>
        %parallel_loop3A_1544 = arith.constant 1.000000e+00 : f32
        %parallel_loop3A_1545 = vector.broadcast %parallel_loop3A_1544 : f32 to vector<16xf32>
        %parallel_loop3A_1546 = arith.addf %parallel_loop3A_1545, %parallel_loop3A_1543 : vector<16xf32>
        %parallel_loop3A_1547 = arith.constant 1.000000e+00 : f32
        %parallel_loop3A_1548 = vector.broadcast %parallel_loop3A_1547 : f32 to vector<16xf32>
        %parallel_loop3A_1549 = arith.divf %parallel_loop3A_1548, %parallel_loop3A_1546 : vector<16xf32>
        %parallel_loop3A_1550 = arith.constant 1.000000e+01 : f32
        %parallel_loop3A_1551 = vector.broadcast %parallel_loop3A_1550 : f32 to vector<16xf32>
        %parallel_loop3A_1552 = arith.mulf %parallel_loop3A_1549, %parallel_loop3A_1551 : vector<16xf32>
        %parallel_loop3A_1553 = arith.fptosi %parallel_loop3A_1552 : vector<16xf32> to vector<16xi32>
        %parallel_loop3A_1554 = arith.constant 16 : i32
        %parallel_loop3A_1555 = vector.broadcast %parallel_loop3A_1554 : i32 to vector<16xi32>
        %parallel_loop3A_1556 = arith.muli %parallel_loop3A_1553, %parallel_loop3A_1555 : vector<16xi32>
        %parallel_loop3A_1557 = arith.addi %parallel_loop3A_1556, %iota3A : vector<16xi32>
        %parallel_loop3A_1558 = arith.constant 528 : i32
        %parallel_loop3A_1559 = tpu.memref_slice %arg9[%parallel_loop3A_1558] : memref<1408xf32, #tpu.memory_space<vmem>> -> memref<176xf32, #tpu.memory_space<vmem>>
        tpu.vector_store_idx %parallel_loop3A_1559[%parallel_loop3A_1557], %broadcast_in_dim3A_1 {add = true} : memref<176xf32, #tpu.memory_space<vmem>>[vector<16xi32>], vector<16xf32>,
        %parallel_loop3A_1560 = arith.constant 528 : i32
        %parallel_loop3A_1561 = tpu.memref_slice %arg10[%parallel_loop3A_1560] : memref<1408xf32, #tpu.memory_space<vmem>> -> memref<176xf32, #tpu.memory_space<vmem>>
        tpu.vector_store_idx %parallel_loop3A_1561[%parallel_loop3A_1557], %parallel_loop3A_1541 {add = true} : memref<176xf32, #tpu.memory_space<vmem>>[vector<16xi32>], vector<16xf32>,
        %parallel_loop3A_1562 = arith.constant 528 : i32
        %parallel_loop3A_1563 = tpu.memref_slice %arg11[%parallel_loop3A_1562] : memref<1408xf32, #tpu.memory_space<vmem>> -> memref<176xf32, #tpu.memory_space<vmem>>
        tpu.vector_store_idx %parallel_loop3A_1563[%parallel_loop3A_1557], %parallel_loop3A_1549 {add = true} : memref<176xf32, #tpu.memory_space<vmem>>[vector<16xi32>], vector<16xf32>,
        %parallel_loop3A_1564 = arith.constant 64 : i32
        %parallel_loop3A_1565 = arith.addi %parallel_loop3A_1413, %parallel_loop3A_1564 : i32
        %parallel_loop3A_1566 = arith.index_cast %parallel_loop3A_1565 : i32 to index
        %parallel_loop3A_1567 = tpu.vector_load %arg6[%parallel_loop3A_1566] {strides = array<i32>} : memref<16384xf32, #tpu.memory_space<vmem>>, vector<16xf32>,
        %parallel_loop3A_1568 = arith.constant 128 : i32
        %parallel_loop3A_1569 = arith.addi %parallel_loop3A_1413, %parallel_loop3A_1568 : i32
        %parallel_loop3A_1570 = arith.constant 64 : i32
        %parallel_loop3A_1571 = arith.addi %parallel_loop3A_1569, %parallel_loop3A_1570 : i32
        %parallel_loop3A_1572 = arith.index_cast %parallel_loop3A_1571 : i32 to index
        %parallel_loop3A_1573 = tpu.vector_load %arg6[%parallel_loop3A_1572] {strides = array<i32>} : memref<16384xf32, #tpu.memory_space<vmem>>, vector<16xf32>,
        %parallel_loop3A_1574 = arith.constant 64 : i32
        %parallel_loop3A_1575 = arith.addi %parallel_loop3A_1415, %parallel_loop3A_1574 : i32
        %parallel_loop3A_1576 = arith.index_cast %parallel_loop3A_1575 : i32 to index
        %parallel_loop3A_1577 = tpu.vector_load %arg8[%parallel_loop3A_1576] {strides = array<i32>} : memref<8192xi32, #tpu.memory_space<vmem>>, vector<16xi32>,
        %parallel_loop3A_1578 = arith.sitofp %parallel_loop3A_1577 : vector<16xi32> to vector<16xf32>
        %parallel_loop3A_1579 = arith.subf %parallel_loop3A_1567, %parallel_loop3A_1573 : vector<16xf32>
        %parallel_loop3A_1580 = math.exp %parallel_loop3A_1579 : vector<16xf32>
        %parallel_loop3A_1581 = arith.constant 1.000000e+00 : f32
        %parallel_loop3A_1582 = vector.broadcast %parallel_loop3A_1581 : f32 to vector<16xf32>
        %parallel_loop3A_1583 = arith.addf %parallel_loop3A_1582, %parallel_loop3A_1580 : vector<16xf32>
        %parallel_loop3A_1584 = arith.constant 1.000000e+00 : f32
        %parallel_loop3A_1585 = vector.broadcast %parallel_loop3A_1584 : f32 to vector<16xf32>
        %parallel_loop3A_1586 = arith.divf %parallel_loop3A_1585, %parallel_loop3A_1583 : vector<16xf32>
        %parallel_loop3A_1587 = arith.constant 1.000000e+01 : f32
        %parallel_loop3A_1588 = vector.broadcast %parallel_loop3A_1587 : f32 to vector<16xf32>
        %parallel_loop3A_1589 = arith.mulf %parallel_loop3A_1586, %parallel_loop3A_1588 : vector<16xf32>
        %parallel_loop3A_1590 = arith.fptosi %parallel_loop3A_1589 : vector<16xf32> to vector<16xi32>
        %parallel_loop3A_1591 = arith.constant 16 : i32
        %parallel_loop3A_1592 = vector.broadcast %parallel_loop3A_1591 : i32 to vector<16xi32>
        %parallel_loop3A_1593 = arith.muli %parallel_loop3A_1590, %parallel_loop3A_1592 : vector<16xi32>
        %parallel_loop3A_1594 = arith.addi %parallel_loop3A_1593, %iota3A : vector<16xi32>
        %parallel_loop3A_1595 = arith.constant 704 : i32
        %parallel_loop3A_1596 = tpu.memref_slice %arg9[%parallel_loop3A_1595] : memref<1408xf32, #tpu.memory_space<vmem>> -> memref<176xf32, #tpu.memory_space<vmem>>
        tpu.vector_store_idx %parallel_loop3A_1596[%parallel_loop3A_1594], %broadcast_in_dim3A_1 {add = true} : memref<176xf32, #tpu.memory_space<vmem>>[vector<16xi32>], vector<16xf32>,
        %parallel_loop3A_1597 = arith.constant 704 : i32
        %parallel_loop3A_1598 = tpu.memref_slice %arg10[%parallel_loop3A_1597] : memref<1408xf32, #tpu.memory_space<vmem>> -> memref<176xf32, #tpu.memory_space<vmem>>
        tpu.vector_store_idx %parallel_loop3A_1598[%parallel_loop3A_1594], %parallel_loop3A_1578 {add = true} : memref<176xf32, #tpu.memory_space<vmem>>[vector<16xi32>], vector<16xf32>,
        %parallel_loop3A_1599 = arith.constant 704 : i32
        %parallel_loop3A_1600 = tpu.memref_slice %arg11[%parallel_loop3A_1599] : memref<1408xf32, #tpu.memory_space<vmem>> -> memref<176xf32, #tpu.memory_space<vmem>>
        tpu.vector_store_idx %parallel_loop3A_1600[%parallel_loop3A_1594], %parallel_loop3A_1586 {add = true} : memref<176xf32, #tpu.memory_space<vmem>>[vector<16xi32>], vector<16xf32>,
        %parallel_loop3A_1601 = arith.constant 80 : i32
        %parallel_loop3A_1602 = arith.addi %parallel_loop3A_1413, %parallel_loop3A_1601 : i32
        %parallel_loop3A_1603 = arith.index_cast %parallel_loop3A_1602 : i32 to index
        %parallel_loop3A_1604 = tpu.vector_load %arg6[%parallel_loop3A_1603] {strides = array<i32>} : memref<16384xf32, #tpu.memory_space<vmem>>, vector<16xf32>,
        %parallel_loop3A_1605 = arith.constant 128 : i32
        %parallel_loop3A_1606 = arith.addi %parallel_loop3A_1413, %parallel_loop3A_1605 : i32
        %parallel_loop3A_1607 = arith.constant 80 : i32
        %parallel_loop3A_1608 = arith.addi %parallel_loop3A_1606, %parallel_loop3A_1607 : i32
        %parallel_loop3A_1609 = arith.index_cast %parallel_loop3A_1608 : i32 to index
        %parallel_loop3A_1610 = tpu.vector_load %arg6[%parallel_loop3A_1609] {strides = array<i32>} : memref<16384xf32, #tpu.memory_space<vmem>>, vector<16xf32>,
        %parallel_loop3A_1611 = arith.constant 80 : i32
        %parallel_loop3A_1612 = arith.addi %parallel_loop3A_1415, %parallel_loop3A_1611 : i32
        %parallel_loop3A_1613 = arith.index_cast %parallel_loop3A_1612 : i32 to index
        %parallel_loop3A_1614 = tpu.vector_load %arg8[%parallel_loop3A_1613] {strides = array<i32>} : memref<8192xi32, #tpu.memory_space<vmem>>, vector<16xi32>,
        %parallel_loop3A_1615 = arith.sitofp %parallel_loop3A_1614 : vector<16xi32> to vector<16xf32>
        %parallel_loop3A_1616 = arith.subf %parallel_loop3A_1604, %parallel_loop3A_1610 : vector<16xf32>
        %parallel_loop3A_1617 = math.exp %parallel_loop3A_1616 : vector<16xf32>
        %parallel_loop3A_1618 = arith.constant 1.000000e+00 : f32
        %parallel_loop3A_1619 = vector.broadcast %parallel_loop3A_1618 : f32 to vector<16xf32>
        %parallel_loop3A_1620 = arith.addf %parallel_loop3A_1619, %parallel_loop3A_1617 : vector<16xf32>
        %parallel_loop3A_1621 = arith.constant 1.000000e+00 : f32
        %parallel_loop3A_1622 = vector.broadcast %parallel_loop3A_1621 : f32 to vector<16xf32>
        %parallel_loop3A_1623 = arith.divf %parallel_loop3A_1622, %parallel_loop3A_1620 : vector<16xf32>
        %parallel_loop3A_1624 = arith.constant 1.000000e+01 : f32
        %parallel_loop3A_1625 = vector.broadcast %parallel_loop3A_1624 : f32 to vector<16xf32>
        %parallel_loop3A_1626 = arith.mulf %parallel_loop3A_1623, %parallel_loop3A_1625 : vector<16xf32>
        %parallel_loop3A_1627 = arith.fptosi %parallel_loop3A_1626 : vector<16xf32> to vector<16xi32>
        %parallel_loop3A_1628 = arith.constant 16 : i32
        %parallel_loop3A_1629 = vector.broadcast %parallel_loop3A_1628 : i32 to vector<16xi32>
        %parallel_loop3A_1630 = arith.muli %parallel_loop3A_1627, %parallel_loop3A_1629 : vector<16xi32>
        %parallel_loop3A_1631 = arith.addi %parallel_loop3A_1630, %iota3A : vector<16xi32>
        %parallel_loop3A_1632 = arith.constant 880 : i32
        %parallel_loop3A_1633 = tpu.memref_slice %arg9[%parallel_loop3A_1632] : memref<1408xf32, #tpu.memory_space<vmem>> -> memref<176xf32, #tpu.memory_space<vmem>>
        tpu.vector_store_idx %parallel_loop3A_1633[%parallel_loop3A_1631], %broadcast_in_dim3A_1 {add = true} : memref<176xf32, #tpu.memory_space<vmem>>[vector<16xi32>], vector<16xf32>,
        %parallel_loop3A_1634 = arith.constant 880 : i32
        %parallel_loop3A_1635 = tpu.memref_slice %arg10[%parallel_loop3A_1634] : memref<1408xf32, #tpu.memory_space<vmem>> -> memref<176xf32, #tpu.memory_space<vmem>>
        tpu.vector_store_idx %parallel_loop3A_1635[%parallel_loop3A_1631], %parallel_loop3A_1615 {add = true} : memref<176xf32, #tpu.memory_space<vmem>>[vector<16xi32>], vector<16xf32>,
        %parallel_loop3A_1636 = arith.constant 880 : i32
        %parallel_loop3A_1637 = tpu.memref_slice %arg11[%parallel_loop3A_1636] : memref<1408xf32, #tpu.memory_space<vmem>> -> memref<176xf32, #tpu.memory_space<vmem>>
        tpu.vector_store_idx %parallel_loop3A_1637[%parallel_loop3A_1631], %parallel_loop3A_1623 {add = true} : memref<176xf32, #tpu.memory_space<vmem>>[vector<16xi32>], vector<16xf32>,
        %parallel_loop3A_1638 = arith.constant 96 : i32
        %parallel_loop3A_1639 = arith.addi %parallel_loop3A_1413, %parallel_loop3A_1638 : i32
        %parallel_loop3A_1640 = arith.index_cast %parallel_loop3A_1639 : i32 to index
        %parallel_loop3A_1641 = tpu.vector_load %arg6[%parallel_loop3A_1640] {strides = array<i32>} : memref<16384xf32, #tpu.memory_space<vmem>>, vector<16xf32>,
        %parallel_loop3A_1642 = arith.constant 128 : i32
        %parallel_loop3A_1643 = arith.addi %parallel_loop3A_1413, %parallel_loop3A_1642 : i32
        %parallel_loop3A_1644 = arith.constant 96 : i32
        %parallel_loop3A_1645 = arith.addi %parallel_loop3A_1643, %parallel_loop3A_1644 : i32
        %parallel_loop3A_1646 = arith.index_cast %parallel_loop3A_1645 : i32 to index
        %parallel_loop3A_1647 = tpu.vector_load %arg6[%parallel_loop3A_1646] {strides = array<i32>} : memref<16384xf32, #tpu.memory_space<vmem>>, vector<16xf32>,
        %parallel_loop3A_1648 = arith.constant 96 : i32
        %parallel_loop3A_1649 = arith.addi %parallel_loop3A_1415, %parallel_loop3A_1648 : i32
        %parallel_loop3A_1650 = arith.index_cast %parallel_loop3A_1649 : i32 to index
        %parallel_loop3A_1651 = tpu.vector_load %arg8[%parallel_loop3A_1650] {strides = array<i32>} : memref<8192xi32, #tpu.memory_space<vmem>>, vector<16xi32>,
        %parallel_loop3A_1652 = arith.sitofp %parallel_loop3A_1651 : vector<16xi32> to vector<16xf32>
        %parallel_loop3A_1653 = arith.subf %parallel_loop3A_1641, %parallel_loop3A_1647 : vector<16xf32>
        %parallel_loop3A_1654 = math.exp %parallel_loop3A_1653 : vector<16xf32>
        %parallel_loop3A_1655 = arith.constant 1.000000e+00 : f32
        %parallel_loop3A_1656 = vector.broadcast %parallel_loop3A_1655 : f32 to vector<16xf32>
        %parallel_loop3A_1657 = arith.addf %parallel_loop3A_1656, %parallel_loop3A_1654 : vector<16xf32>
        %parallel_loop3A_1658 = arith.constant 1.000000e+00 : f32
        %parallel_loop3A_1659 = vector.broadcast %parallel_loop3A_1658 : f32 to vector<16xf32>
        %parallel_loop3A_1660 = arith.divf %parallel_loop3A_1659, %parallel_loop3A_1657 : vector<16xf32>
        %parallel_loop3A_1661 = arith.constant 1.000000e+01 : f32
        %parallel_loop3A_1662 = vector.broadcast %parallel_loop3A_1661 : f32 to vector<16xf32>
        %parallel_loop3A_1663 = arith.mulf %parallel_loop3A_1660, %parallel_loop3A_1662 : vector<16xf32>
        %parallel_loop3A_1664 = arith.fptosi %parallel_loop3A_1663 : vector<16xf32> to vector<16xi32>
        %parallel_loop3A_1665 = arith.constant 16 : i32
        %parallel_loop3A_1666 = vector.broadcast %parallel_loop3A_1665 : i32 to vector<16xi32>
        %parallel_loop3A_1667 = arith.muli %parallel_loop3A_1664, %parallel_loop3A_1666 : vector<16xi32>
        %parallel_loop3A_1668 = arith.addi %parallel_loop3A_1667, %iota3A : vector<16xi32>
        %parallel_loop3A_1669 = arith.constant 1056 : i32
        %parallel_loop3A_1670 = tpu.memref_slice %arg9[%parallel_loop3A_1669] : memref<1408xf32, #tpu.memory_space<vmem>> -> memref<176xf32, #tpu.memory_space<vmem>>
        tpu.vector_store_idx %parallel_loop3A_1670[%parallel_loop3A_1668], %broadcast_in_dim3A_1 {add = true} : memref<176xf32, #tpu.memory_space<vmem>>[vector<16xi32>], vector<16xf32>,
        %parallel_loop3A_1671 = arith.constant 1056 : i32
        %parallel_loop3A_1672 = tpu.memref_slice %arg10[%parallel_loop3A_1671] : memref<1408xf32, #tpu.memory_space<vmem>> -> memref<176xf32, #tpu.memory_space<vmem>>
        tpu.vector_store_idx %parallel_loop3A_1672[%parallel_loop3A_1668], %parallel_loop3A_1652 {add = true} : memref<176xf32, #tpu.memory_space<vmem>>[vector<16xi32>], vector<16xf32>,
        %parallel_loop3A_1673 = arith.constant 1056 : i32
        %parallel_loop3A_1674 = tpu.memref_slice %arg11[%parallel_loop3A_1673] : memref<1408xf32, #tpu.memory_space<vmem>> -> memref<176xf32, #tpu.memory_space<vmem>>
        tpu.vector_store_idx %parallel_loop3A_1674[%parallel_loop3A_1668], %parallel_loop3A_1660 {add = true} : memref<176xf32, #tpu.memory_space<vmem>>[vector<16xi32>], vector<16xf32>,
        %parallel_loop3A_1675 = arith.constant 112 : i32
        %parallel_loop3A_1676 = arith.addi %parallel_loop3A_1413, %parallel_loop3A_1675 : i32
        %parallel_loop3A_1677 = arith.index_cast %parallel_loop3A_1676 : i32 to index
        %parallel_loop3A_1678 = tpu.vector_load %arg6[%parallel_loop3A_1677] {strides = array<i32>} : memref<16384xf32, #tpu.memory_space<vmem>>, vector<16xf32>,
        %parallel_loop3A_1679 = arith.constant 128 : i32
        %parallel_loop3A_1680 = arith.addi %parallel_loop3A_1413, %parallel_loop3A_1679 : i32
        %parallel_loop3A_1681 = arith.constant 112 : i32
        %parallel_loop3A_1682 = arith.addi %parallel_loop3A_1680, %parallel_loop3A_1681 : i32
        %parallel_loop3A_1683 = arith.index_cast %parallel_loop3A_1682 : i32 to index
        %parallel_loop3A_1684 = tpu.vector_load %arg6[%parallel_loop3A_1683] {strides = array<i32>} : memref<16384xf32, #tpu.memory_space<vmem>>, vector<16xf32>,
        %parallel_loop3A_1685 = arith.constant 112 : i32
        %parallel_loop3A_1686 = arith.addi %parallel_loop3A_1415, %parallel_loop3A_1685 : i32
        %parallel_loop3A_1687 = arith.index_cast %parallel_loop3A_1686 : i32 to index
        %parallel_loop3A_1688 = tpu.vector_load %arg8[%parallel_loop3A_1687] {strides = array<i32>} : memref<8192xi32, #tpu.memory_space<vmem>>, vector<16xi32>,
        %parallel_loop3A_1689 = arith.sitofp %parallel_loop3A_1688 : vector<16xi32> to vector<16xf32>
        %parallel_loop3A_1690 = arith.subf %parallel_loop3A_1678, %parallel_loop3A_1684 : vector<16xf32>
        %parallel_loop3A_1691 = math.exp %parallel_loop3A_1690 : vector<16xf32>
        %parallel_loop3A_1692 = arith.constant 1.000000e+00 : f32
        %parallel_loop3A_1693 = vector.broadcast %parallel_loop3A_1692 : f32 to vector<16xf32>
        %parallel_loop3A_1694 = arith.addf %parallel_loop3A_1693, %parallel_loop3A_1691 : vector<16xf32>
        %parallel_loop3A_1695 = arith.constant 1.000000e+00 : f32
        %parallel_loop3A_1696 = vector.broadcast %parallel_loop3A_1695 : f32 to vector<16xf32>
        %parallel_loop3A_1697 = arith.divf %parallel_loop3A_1696, %parallel_loop3A_1694 : vector<16xf32>
        %parallel_loop3A_1698 = arith.constant 1.000000e+01 : f32
        %parallel_loop3A_1699 = vector.broadcast %parallel_loop3A_1698 : f32 to vector<16xf32>
        %parallel_loop3A_1700 = arith.mulf %parallel_loop3A_1697, %parallel_loop3A_1699 : vector<16xf32>
        %parallel_loop3A_1701 = arith.fptosi %parallel_loop3A_1700 : vector<16xf32> to vector<16xi32>
        %parallel_loop3A_1702 = arith.constant 16 : i32
        %parallel_loop3A_1703 = vector.broadcast %parallel_loop3A_1702 : i32 to vector<16xi32>
        %parallel_loop3A_1704 = arith.muli %parallel_loop3A_1701, %parallel_loop3A_1703 : vector<16xi32>
        %parallel_loop3A_1705 = arith.addi %parallel_loop3A_1704, %iota3A : vector<16xi32>
        %parallel_loop3A_1706 = arith.constant 1232 : i32
        %parallel_loop3A_1707 = tpu.memref_slice %arg9[%parallel_loop3A_1706] : memref<1408xf32, #tpu.memory_space<vmem>> -> memref<176xf32, #tpu.memory_space<vmem>>
        tpu.vector_store_idx %parallel_loop3A_1707[%parallel_loop3A_1705], %broadcast_in_dim3A_1 {add = true} : memref<176xf32, #tpu.memory_space<vmem>>[vector<16xi32>], vector<16xf32>,
        %parallel_loop3A_1708 = arith.constant 1232 : i32
        %parallel_loop3A_1709 = tpu.memref_slice %arg10[%parallel_loop3A_1708] : memref<1408xf32, #tpu.memory_space<vmem>> -> memref<176xf32, #tpu.memory_space<vmem>>
        tpu.vector_store_idx %parallel_loop3A_1709[%parallel_loop3A_1705], %parallel_loop3A_1689 {add = true} : memref<176xf32, #tpu.memory_space<vmem>>[vector<16xi32>], vector<16xf32>,
        %parallel_loop3A_1710 = arith.constant 1232 : i32
        %parallel_loop3A_1711 = tpu.memref_slice %arg11[%parallel_loop3A_1710] : memref<1408xf32, #tpu.memory_space<vmem>> -> memref<176xf32, #tpu.memory_space<vmem>>
        tpu.vector_store_idx %parallel_loop3A_1711[%parallel_loop3A_1705], %parallel_loop3A_1697 {add = true} : memref<176xf32, #tpu.memory_space<vmem>>[vector<16xi32>], vector<16xf32>,
      } {sc.loop_unroll_factor = 1 : i64, sc.parallel_access}
    }
    %scan3A_544 = arith.constant 3 : i32
    %get3A = arith.constant 0 : index
    %get3A_545 = tpu.vector_load %arg9[%get3A] {strides = array<i32>} : memref<1408xf32, #tpu.memory_space<vmem>>, vector<16xf32>,
    %get3A_546 = arith.constant 0 : index
    %get3A_547 = tpu.vector_load %arg10[%get3A_546] {strides = array<i32>} : memref<1408xf32, #tpu.memory_space<vmem>>, vector<16xf32>,
    %get3A_548 = arith.constant 0 : index
    %get3A_549 = tpu.vector_load %arg11[%get3A_548] {strides = array<i32>} : memref<1408xf32, #tpu.memory_space<vmem>>, vector<16xf32>,
    %get3A_550 = arith.constant 176 : index
    %get3A_551 = tpu.vector_load %arg9[%get3A_550] {strides = array<i32>} : memref<1408xf32, #tpu.memory_space<vmem>>, vector<16xf32>,
    %add3A_552 = arith.addf %get3A_545, %get3A_551 : vector<16xf32>
    %get3A_553 = arith.constant 176 : index
    %get3A_554 = tpu.vector_load %arg10[%get3A_553] {strides = array<i32>} : memref<1408xf32, #tpu.memory_space<vmem>>, vector<16xf32>,
    %add3A_555 = arith.addf %get3A_547, %get3A_554 : vector<16xf32>
    %get3A_556 = arith.constant 176 : index
    %get3A_557 = tpu.vector_load %arg11[%get3A_556] {strides = array<i32>} : memref<1408xf32, #tpu.memory_space<vmem>>, vector<16xf32>,
    %add3A_558 = arith.addf %get3A_549, %get3A_557 : vector<16xf32>
    %get3A_559 = arith.constant 352 : index
    %get3A_560 = tpu.vector_load %arg9[%get3A_559] {strides = array<i32>} : memref<1408xf32, #tpu.memory_space<vmem>>, vector<16xf32>,
    %add3A_561 = arith.addf %add3A_552, %get3A_560 : vector<16xf32>
    %get3A_562 = arith.constant 352 : index
    %get3A_563 = tpu.vector_load %arg10[%get3A_562] {strides = array<i32>} : memref<1408xf32, #tpu.memory_space<vmem>>, vector<16xf32>,
    %add3A_564 = arith.addf %add3A_555, %get3A_563 : vector<16xf32>
    %get3A_565 = arith.constant 352 : index
    %get3A_566 = tpu.vector_load %arg11[%get3A_565] {strides = array<i32>} : memref<1408xf32, #tpu.memory_space<vmem>>, vector<16xf32>,
    %add3A_567 = arith.addf %add3A_558, %get3A_566 : vector<16xf32>
    %get3A_568 = arith.constant 528 : index
    %get3A_569 = tpu.vector_load %arg9[%get3A_568] {strides = array<i32>} : memref<1408xf32, #tpu.memory_space<vmem>>, vector<16xf32>,
    %add3A_570 = arith.addf %add3A_561, %get3A_569 : vector<16xf32>
    %get3A_571 = arith.constant 528 : index
    %get3A_572 = tpu.vector_load %arg10[%get3A_571] {strides = array<i32>} : memref<1408xf32, #tpu.memory_space<vmem>>, vector<16xf32>,
    %add3A_573 = arith.addf %add3A_564, %get3A_572 : vector<16xf32>
    %get3A_574 = arith.constant 528 : index
    %get3A_575 = tpu.vector_load %arg11[%get3A_574] {strides = array<i32>} : memref<1408xf32, #tpu.memory_space<vmem>>, vector<16xf32>,
    %add3A_576 = arith.addf %add3A_567, %get3A_575 : vector<16xf32>
    %get3A_577 = arith.constant 704 : index
    %get3A_578 = tpu.vector_load %arg9[%get3A_577] {strides = array<i32>} : memref<1408xf32, #tpu.memory_space<vmem>>, vector<16xf32>,
    %add3A_579 = arith.addf %add3A_570, %get3A_578 : vector<16xf32>
    %get3A_580 = arith.constant 704 : index
    %get3A_581 = tpu.vector_load %arg10[%get3A_580] {strides = array<i32>} : memref<1408xf32, #tpu.memory_space<vmem>>, vector<16xf32>,
    %add3A_582 = arith.addf %add3A_573, %get3A_581 : vector<16xf32>
    %get3A_583 = arith.constant 704 : index
    %get3A_584 = tpu.vector_load %arg11[%get3A_583] {strides = array<i32>} : memref<1408xf32, #tpu.memory_space<vmem>>, vector<16xf32>,
    %add3A_585 = arith.addf %add3A_576, %get3A_584 : vector<16xf32>
    %get3A_586 = arith.constant 880 : index
    %get3A_587 = tpu.vector_load %arg9[%get3A_586] {strides = array<i32>} : memref<1408xf32, #tpu.memory_space<vmem>>, vector<16xf32>,
    %add3A_588 = arith.addf %add3A_579, %get3A_587 : vector<16xf32>
    %get3A_589 = arith.constant 880 : index
    %get3A_590 = tpu.vector_load %arg10[%get3A_589] {strides = array<i32>} : memref<1408xf32, #tpu.memory_space<vmem>>, vector<16xf32>,
    %add3A_591 = arith.addf %add3A_582, %get3A_590 : vector<16xf32>
    %get3A_592 = arith.constant 880 : index
    %get3A_593 = tpu.vector_load %arg11[%get3A_592] {strides = array<i32>} : memref<1408xf32, #tpu.memory_space<vmem>>, vector<16xf32>,
    %add3A_594 = arith.addf %add3A_585, %get3A_593 : vector<16xf32>
    %get3A_595 = arith.constant 1056 : index
    %get3A_596 = tpu.vector_load %arg9[%get3A_595] {strides = array<i32>} : memref<1408xf32, #tpu.memory_space<vmem>>, vector<16xf32>,
    %add3A_597 = arith.addf %add3A_588, %get3A_596 : vector<16xf32>
    %get3A_598 = arith.constant 1056 : index
    %get3A_599 = tpu.vector_load %arg10[%get3A_598] {strides = array<i32>} : memref<1408xf32, #tpu.memory_space<vmem>>, vector<16xf32>,
    %add3A_600 = arith.addf %add3A_591, %get3A_599 : vector<16xf32>
    %get3A_601 = arith.constant 1056 : index
    %get3A_602 = tpu.vector_load %arg11[%get3A_601] {strides = array<i32>} : memref<1408xf32, #tpu.memory_space<vmem>>, vector<16xf32>,
    %add3A_603 = arith.addf %add3A_594, %get3A_602 : vector<16xf32>
    %get3A_604 = arith.constant 1232 : index
    %get3A_605 = tpu.vector_load %arg9[%get3A_604] {strides = array<i32>} : memref<1408xf32, #tpu.memory_space<vmem>>, vector<16xf32>,
    %add3A_606 = arith.addf %add3A_597, %get3A_605 : vector<16xf32>
    %get3A_607 = arith.constant 1232 : index
    %get3A_608 = tpu.vector_load %arg10[%get3A_607] {strides = array<i32>} : memref<1408xf32, #tpu.memory_space<vmem>>, vector<16xf32>,
    %add3A_609 = arith.addf %add3A_600, %get3A_608 : vector<16xf32>
    %get3A_610 = arith.constant 1232 : index
    %get3A_611 = tpu.vector_load %arg11[%get3A_610] {strides = array<i32>} : memref<1408xf32, #tpu.memory_space<vmem>>, vector<16xf32>,
    %add3A_612 = arith.addf %add3A_603, %get3A_611 : vector<16xf32>
    %swap3A_613 = arith.constant 0 : index
    %swap3A_614 = tpu.vector_load %arg9[%swap3A_613] {strides = array<i32>} : memref<1408xf32, #tpu.memory_space<vmem>>, vector<16xf32>,
    tpu.vector_store %arg9[%swap3A_613], %add3A_606 {strides = array<i32>} : memref<1408xf32, #tpu.memory_space<vmem>>, vector<16xf32>,
    %swap3A_615 = arith.constant 0 : index
    %swap3A_616 = tpu.vector_load %arg10[%swap3A_615] {strides = array<i32>} : memref<1408xf32, #tpu.memory_space<vmem>>, vector<16xf32>,
    tpu.vector_store %arg10[%swap3A_615], %add3A_609 {strides = array<i32>} : memref<1408xf32, #tpu.memory_space<vmem>>, vector<16xf32>,
    %swap3A_617 = arith.constant 0 : index
    %swap3A_618 = tpu.vector_load %arg11[%swap3A_617] {strides = array<i32>} : memref<1408xf32, #tpu.memory_space<vmem>>, vector<16xf32>,
    tpu.vector_store %arg11[%swap3A_617], %add3A_612 {strides = array<i32>} : memref<1408xf32, #tpu.memory_space<vmem>>, vector<16xf32>,
    %get3A_619 = arith.constant 16 : index
    %get3A_620 = tpu.vector_load %arg9[%get3A_619] {strides = array<i32>} : memref<1408xf32, #tpu.memory_space<vmem>>, vector<16xf32>,
    %get3A_621 = arith.constant 16 : index
    %get3A_622 = tpu.vector_load %arg10[%get3A_621] {strides = array<i32>} : memref<1408xf32, #tpu.memory_space<vmem>>, vector<16xf32>,
    %get3A_623 = arith.constant 16 : index
    %get3A_624 = tpu.vector_load %arg11[%get3A_623] {strides = array<i32>} : memref<1408xf32, #tpu.memory_space<vmem>>, vector<16xf32>,
    %get3A_625 = arith.constant 192 : index
    %get3A_626 = tpu.vector_load %arg9[%get3A_625] {strides = array<i32>} : memref<1408xf32, #tpu.memory_space<vmem>>, vector<16xf32>,
    %add3A_627 = arith.addf %get3A_620, %get3A_626 : vector<16xf32>
    %get3A_628 = arith.constant 192 : index
    %get3A_629 = tpu.vector_load %arg10[%get3A_628] {strides = array<i32>} : memref<1408xf32, #tpu.memory_space<vmem>>, vector<16xf32>,
    %add3A_630 = arith.addf %get3A_622, %get3A_629 : vector<16xf32>
    %get3A_631 = arith.constant 192 : index
    %get3A_632 = tpu.vector_load %arg11[%get3A_631] {strides = array<i32>} : memref<1408xf32, #tpu.memory_space<vmem>>, vector<16xf32>,
    %add3A_633 = arith.addf %get3A_624, %get3A_632 : vector<16xf32>
    %get3A_634 = arith.constant 368 : index
    %get3A_635 = tpu.vector_load %arg9[%get3A_634] {strides = array<i32>} : memref<1408xf32, #tpu.memory_space<vmem>>, vector<16xf32>,
    %add3A_636 = arith.addf %add3A_627, %get3A_635 : vector<16xf32>
    %get3A_637 = arith.constant 368 : index
    %get3A_638 = tpu.vector_load %arg10[%get3A_637] {strides = array<i32>} : memref<1408xf32, #tpu.memory_space<vmem>>, vector<16xf32>,
    %add3A_639 = arith.addf %add3A_630, %get3A_638 : vector<16xf32>
    %get3A_640 = arith.constant 368 : index
    %get3A_641 = tpu.vector_load %arg11[%get3A_640] {strides = array<i32>} : memref<1408xf32, #tpu.memory_space<vmem>>, vector<16xf32>,
    %add3A_642 = arith.addf %add3A_633, %get3A_641 : vector<16xf32>
    %get3A_643 = arith.constant 544 : index
    %get3A_644 = tpu.vector_load %arg9[%get3A_643] {strides = array<i32>} : memref<1408xf32, #tpu.memory_space<vmem>>, vector<16xf32>,
    %add3A_645 = arith.addf %add3A_636, %get3A_644 : vector<16xf32>
    %get3A_646 = arith.constant 544 : index
    %get3A_647 = tpu.vector_load %arg10[%get3A_646] {strides = array<i32>} : memref<1408xf32, #tpu.memory_space<vmem>>, vector<16xf32>,
    %add3A_648 = arith.addf %add3A_639, %get3A_647 : vector<16xf32>
    %get3A_649 = arith.constant 544 : index
    %get3A_650 = tpu.vector_load %arg11[%get3A_649] {strides = array<i32>} : memref<1408xf32, #tpu.memory_space<vmem>>, vector<16xf32>,
    %add3A_651 = arith.addf %add3A_642, %get3A_650 : vector<16xf32>
    %get3A_652 = arith.constant 720 : index
    %get3A_653 = tpu.vector_load %arg9[%get3A_652] {strides = array<i32>} : memref<1408xf32, #tpu.memory_space<vmem>>, vector<16xf32>,
    %add3A_654 = arith.addf %add3A_645, %get3A_653 : vector<16xf32>
    %get3A_655 = arith.constant 720 : index
    %get3A_656 = tpu.vector_load %arg10[%get3A_655] {strides = array<i32>} : memref<1408xf32, #tpu.memory_space<vmem>>, vector<16xf32>,
    %add3A_657 = arith.addf %add3A_648, %get3A_656 : vector<16xf32>
    %get3A_658 = arith.constant 720 : index
    %get3A_659 = tpu.vector_load %arg11[%get3A_658] {strides = array<i32>} : memref<1408xf32, #tpu.memory_space<vmem>>, vector<16xf32>,
    %add3A_660 = arith.addf %add3A_651, %get3A_659 : vector<16xf32>
    %get3A_661 = arith.constant 896 : index
    %get3A_662 = tpu.vector_load %arg9[%get3A_661] {strides = array<i32>} : memref<1408xf32, #tpu.memory_space<vmem>>, vector<16xf32>,
    %add3A_663 = arith.addf %add3A_654, %get3A_662 : vector<16xf32>
    %get3A_664 = arith.constant 896 : index
    %get3A_665 = tpu.vector_load %arg10[%get3A_664] {strides = array<i32>} : memref<1408xf32, #tpu.memory_space<vmem>>, vector<16xf32>,
    %add3A_666 = arith.addf %add3A_657, %get3A_665 : vector<16xf32>
    %get3A_667 = arith.constant 896 : index
    %get3A_668 = tpu.vector_load %arg11[%get3A_667] {strides = array<i32>} : memref<1408xf32, #tpu.memory_space<vmem>>, vector<16xf32>,
    %add3A_669 = arith.addf %add3A_660, %get3A_668 : vector<16xf32>
    %get3A_670 = arith.constant 1072 : index
    %get3A_671 = tpu.vector_load %arg9[%get3A_670] {strides = array<i32>} : memref<1408xf32, #tpu.memory_space<vmem>>, vector<16xf32>,
    %add3A_672 = arith.addf %add3A_663, %get3A_671 : vector<16xf32>
    %get3A_673 = arith.constant 1072 : index
    %get3A_674 = tpu.vector_load %arg10[%get3A_673] {strides = array<i32>} : memref<1408xf32, #tpu.memory_space<vmem>>, vector<16xf32>,
    %add3A_675 = arith.addf %add3A_666, %get3A_674 : vector<16xf32>
    %get3A_676 = arith.constant 1072 : index
    %get3A_677 = tpu.vector_load %arg11[%get3A_676] {strides = array<i32>} : memref<1408xf32, #tpu.memory_space<vmem>>, vector<16xf32>,
    %add3A_678 = arith.addf %add3A_669, %get3A_677 : vector<16xf32>
    %get3A_679 = arith.constant 1248 : index
    %get3A_680 = tpu.vector_load %arg9[%get3A_679] {strides = array<i32>} : memref<1408xf32, #tpu.memory_space<vmem>>, vector<16xf32>,
    %add3A_681 = arith.addf %add3A_672, %get3A_680 : vector<16xf32>
    %get3A_682 = arith.constant 1248 : index
    %get3A_683 = tpu.vector_load %arg10[%get3A_682] {strides = array<i32>} : memref<1408xf32, #tpu.memory_space<vmem>>, vector<16xf32>,
    %add3A_684 = arith.addf %add3A_675, %get3A_683 : vector<16xf32>
    %get3A_685 = arith.constant 1248 : index
    %get3A_686 = tpu.vector_load %arg11[%get3A_685] {strides = array<i32>} : memref<1408xf32, #tpu.memory_space<vmem>>, vector<16xf32>,
    %add3A_687 = arith.addf %add3A_678, %get3A_686 : vector<16xf32>
    %swap3A_688 = arith.constant 16 : index
    %swap3A_689 = tpu.vector_load %arg9[%swap3A_688] {strides = array<i32>} : memref<1408xf32, #tpu.memory_space<vmem>>, vector<16xf32>,
    tpu.vector_store %arg9[%swap3A_688], %add3A_681 {strides = array<i32>} : memref<1408xf32, #tpu.memory_space<vmem>>, vector<16xf32>,
    %swap3A_690 = arith.constant 16 : index
    %swap3A_691 = tpu.vector_load %arg10[%swap3A_690] {strides = array<i32>} : memref<1408xf32, #tpu.memory_space<vmem>>, vector<16xf32>,
    tpu.vector_store %arg10[%swap3A_690], %add3A_684 {strides = array<i32>} : memref<1408xf32, #tpu.memory_space<vmem>>, vector<16xf32>,
    %swap3A_692 = arith.constant 16 : index
    %swap3A_693 = tpu.vector_load %arg11[%swap3A_692] {strides = array<i32>} : memref<1408xf32, #tpu.memory_space<vmem>>, vector<16xf32>,
    tpu.vector_store %arg11[%swap3A_692], %add3A_687 {strides = array<i32>} : memref<1408xf32, #tpu.memory_space<vmem>>, vector<16xf32>,
    %get3A_694 = arith.constant 32 : index
    %get3A_695 = tpu.vector_load %arg9[%get3A_694] {strides = array<i32>} : memref<1408xf32, #tpu.memory_space<vmem>>, vector<16xf32>,
    %get3A_696 = arith.constant 32 : index
    %get3A_697 = tpu.vector_load %arg10[%get3A_696] {strides = array<i32>} : memref<1408xf32, #tpu.memory_space<vmem>>, vector<16xf32>,
    %get3A_698 = arith.constant 32 : index
    %get3A_699 = tpu.vector_load %arg11[%get3A_698] {strides = array<i32>} : memref<1408xf32, #tpu.memory_space<vmem>>, vector<16xf32>,
    %get3A_700 = arith.constant 208 : index
    %get3A_701 = tpu.vector_load %arg9[%get3A_700] {strides = array<i32>} : memref<1408xf32, #tpu.memory_space<vmem>>, vector<16xf32>,
    %add3A_702 = arith.addf %get3A_695, %get3A_701 : vector<16xf32>
    %get3A_703 = arith.constant 208 : index
    %get3A_704 = tpu.vector_load %arg10[%get3A_703] {strides = array<i32>} : memref<1408xf32, #tpu.memory_space<vmem>>, vector<16xf32>,
    %add3A_705 = arith.addf %get3A_697, %get3A_704 : vector<16xf32>
    %get3A_706 = arith.constant 208 : index
    %get3A_707 = tpu.vector_load %arg11[%get3A_706] {strides = array<i32>} : memref<1408xf32, #tpu.memory_space<vmem>>, vector<16xf32>,
    %add3A_708 = arith.addf %get3A_699, %get3A_707 : vector<16xf32>
    %get3A_709 = arith.constant 384 : index
    %get3A_710 = tpu.vector_load %arg9[%get3A_709] {strides = array<i32>} : memref<1408xf32, #tpu.memory_space<vmem>>, vector<16xf32>,
    %add3A_711 = arith.addf %add3A_702, %get3A_710 : vector<16xf32>
    %get3A_712 = arith.constant 384 : index
    %get3A_713 = tpu.vector_load %arg10[%get3A_712] {strides = array<i32>} : memref<1408xf32, #tpu.memory_space<vmem>>, vector<16xf32>,
    %add3A_714 = arith.addf %add3A_705, %get3A_713 : vector<16xf32>
    %get3A_715 = arith.constant 384 : index
    %get3A_716 = tpu.vector_load %arg11[%get3A_715] {strides = array<i32>} : memref<1408xf32, #tpu.memory_space<vmem>>, vector<16xf32>,
    %add3A_717 = arith.addf %add3A_708, %get3A_716 : vector<16xf32>
    %get3A_718 = arith.constant 560 : index
    %get3A_719 = tpu.vector_load %arg9[%get3A_718] {strides = array<i32>} : memref<1408xf32, #tpu.memory_space<vmem>>, vector<16xf32>,
    %add3A_720 = arith.addf %add3A_711, %get3A_719 : vector<16xf32>
    %get3A_721 = arith.constant 560 : index
    %get3A_722 = tpu.vector_load %arg10[%get3A_721] {strides = array<i32>} : memref<1408xf32, #tpu.memory_space<vmem>>, vector<16xf32>,
    %add3A_723 = arith.addf %add3A_714, %get3A_722 : vector<16xf32>
    %get3A_724 = arith.constant 560 : index
    %get3A_725 = tpu.vector_load %arg11[%get3A_724] {strides = array<i32>} : memref<1408xf32, #tpu.memory_space<vmem>>, vector<16xf32>,
    %add3A_726 = arith.addf %add3A_717, %get3A_725 : vector<16xf32>
    %get3A_727 = arith.constant 736 : index
    %get3A_728 = tpu.vector_load %arg9[%get3A_727] {strides = array<i32>} : memref<1408xf32, #tpu.memory_space<vmem>>, vector<16xf32>,
    %add3A_729 = arith.addf %add3A_720, %get3A_728 : vector<16xf32>
    %get3A_730 = arith.constant 736 : index
    %get3A_731 = tpu.vector_load %arg10[%get3A_730] {strides = array<i32>} : memref<1408xf32, #tpu.memory_space<vmem>>, vector<16xf32>,
    %add3A_732 = arith.addf %add3A_723, %get3A_731 : vector<16xf32>
    %get3A_733 = arith.constant 736 : index
    %get3A_734 = tpu.vector_load %arg11[%get3A_733] {strides = array<i32>} : memref<1408xf32, #tpu.memory_space<vmem>>, vector<16xf32>,
    %add3A_735 = arith.addf %add3A_726, %get3A_734 : vector<16xf32>
    %get3A_736 = arith.constant 912 : index
    %get3A_737 = tpu.vector_load %arg9[%get3A_736] {strides = array<i32>} : memref<1408xf32, #tpu.memory_space<vmem>>, vector<16xf32>,
    %add3A_738 = arith.addf %add3A_729, %get3A_737 : vector<16xf32>
    %get3A_739 = arith.constant 912 : index
    %get3A_740 = tpu.vector_load %arg10[%get3A_739] {strides = array<i32>} : memref<1408xf32, #tpu.memory_space<vmem>>, vector<16xf32>,
    %add3A_741 = arith.addf %add3A_732, %get3A_740 : vector<16xf32>
    %get3A_742 = arith.constant 912 : index
    %get3A_743 = tpu.vector_load %arg11[%get3A_742] {strides = array<i32>} : memref<1408xf32, #tpu.memory_space<vmem>>, vector<16xf32>,
    %add3A_744 = arith.addf %add3A_735, %get3A_743 : vector<16xf32>
    %get3A_745 = arith.constant 1088 : index
    %get3A_746 = tpu.vector_load %arg9[%get3A_745] {strides = array<i32>} : memref<1408xf32, #tpu.memory_space<vmem>>, vector<16xf32>,
    %add3A_747 = arith.addf %add3A_738, %get3A_746 : vector<16xf32>
    %get3A_748 = arith.constant 1088 : index
    %get3A_749 = tpu.vector_load %arg10[%get3A_748] {strides = array<i32>} : memref<1408xf32, #tpu.memory_space<vmem>>, vector<16xf32>,
    %add3A_750 = arith.addf %add3A_741, %get3A_749 : vector<16xf32>
    %get3A_751 = arith.constant 1088 : index
    %get3A_752 = tpu.vector_load %arg11[%get3A_751] {strides = array<i32>} : memref<1408xf32, #tpu.memory_space<vmem>>, vector<16xf32>,
    %add3A_753 = arith.addf %add3A_744, %get3A_752 : vector<16xf32>
    %get3A_754 = arith.constant 1264 : index
    %get3A_755 = tpu.vector_load %arg9[%get3A_754] {strides = array<i32>} : memref<1408xf32, #tpu.memory_space<vmem>>, vector<16xf32>,
    %add3A_756 = arith.addf %add3A_747, %get3A_755 : vector<16xf32>
    %get3A_757 = arith.constant 1264 : index
    %get3A_758 = tpu.vector_load %arg10[%get3A_757] {strides = array<i32>} : memref<1408xf32, #tpu.memory_space<vmem>>, vector<16xf32>,
    %add3A_759 = arith.addf %add3A_750, %get3A_758 : vector<16xf32>
    %get3A_760 = arith.constant 1264 : index
    %get3A_761 = tpu.vector_load %arg11[%get3A_760] {strides = array<i32>} : memref<1408xf32, #tpu.memory_space<vmem>>, vector<16xf32>,
    %add3A_762 = arith.addf %add3A_753, %get3A_761 : vector<16xf32>
    %swap3A_763 = arith.constant 32 : index
    %swap3A_764 = tpu.vector_load %arg9[%swap3A_763] {strides = array<i32>} : memref<1408xf32, #tpu.memory_space<vmem>>, vector<16xf32>,
    tpu.vector_store %arg9[%swap3A_763], %add3A_756 {strides = array<i32>} : memref<1408xf32, #tpu.memory_space<vmem>>, vector<16xf32>,
    %swap3A_765 = arith.constant 32 : index
    %swap3A_766 = tpu.vector_load %arg10[%swap3A_765] {strides = array<i32>} : memref<1408xf32, #tpu.memory_space<vmem>>, vector<16xf32>,
    tpu.vector_store %arg10[%swap3A_765], %add3A_759 {strides = array<i32>} : memref<1408xf32, #tpu.memory_space<vmem>>, vector<16xf32>,
    %swap3A_767 = arith.constant 32 : index
    %swap3A_768 = tpu.vector_load %arg11[%swap3A_767] {strides = array<i32>} : memref<1408xf32, #tpu.memory_space<vmem>>, vector<16xf32>,
    tpu.vector_store %arg11[%swap3A_767], %add3A_762 {strides = array<i32>} : memref<1408xf32, #tpu.memory_space<vmem>>, vector<16xf32>,
    %get3A_769 = arith.constant 48 : index
    %get3A_770 = tpu.vector_load %arg9[%get3A_769] {strides = array<i32>} : memref<1408xf32, #tpu.memory_space<vmem>>, vector<16xf32>,
    %get3A_771 = arith.constant 48 : index
    %get3A_772 = tpu.vector_load %arg10[%get3A_771] {strides = array<i32>} : memref<1408xf32, #tpu.memory_space<vmem>>, vector<16xf32>,
    %get3A_773 = arith.constant 48 : index
    %get3A_774 = tpu.vector_load %arg11[%get3A_773] {strides = array<i32>} : memref<1408xf32, #tpu.memory_space<vmem>>, vector<16xf32>,
    %get3A_775 = arith.constant 224 : index
    %get3A_776 = tpu.vector_load %arg9[%get3A_775] {strides = array<i32>} : memref<1408xf32, #tpu.memory_space<vmem>>, vector<16xf32>,
    %add3A_777 = arith.addf %get3A_770, %get3A_776 : vector<16xf32>
    %get3A_778 = arith.constant 224 : index
    %get3A_779 = tpu.vector_load %arg10[%get3A_778] {strides = array<i32>} : memref<1408xf32, #tpu.memory_space<vmem>>, vector<16xf32>,
    %add3A_780 = arith.addf %get3A_772, %get3A_779 : vector<16xf32>
    %get3A_781 = arith.constant 224 : index
    %get3A_782 = tpu.vector_load %arg11[%get3A_781] {strides = array<i32>} : memref<1408xf32, #tpu.memory_space<vmem>>, vector<16xf32>,
    %add3A_783 = arith.addf %get3A_774, %get3A_782 : vector<16xf32>
    %get3A_784 = arith.constant 400 : index
    %get3A_785 = tpu.vector_load %arg9[%get3A_784] {strides = array<i32>} : memref<1408xf32, #tpu.memory_space<vmem>>, vector<16xf32>,
    %add3A_786 = arith.addf %add3A_777, %get3A_785 : vector<16xf32>
    %get3A_787 = arith.constant 400 : index
    %get3A_788 = tpu.vector_load %arg10[%get3A_787] {strides = array<i32>} : memref<1408xf32, #tpu.memory_space<vmem>>, vector<16xf32>,
    %add3A_789 = arith.addf %add3A_780, %get3A_788 : vector<16xf32>
    %get3A_790 = arith.constant 400 : index
    %get3A_791 = tpu.vector_load %arg11[%get3A_790] {strides = array<i32>} : memref<1408xf32, #tpu.memory_space<vmem>>, vector<16xf32>,
    %add3A_792 = arith.addf %add3A_783, %get3A_791 : vector<16xf32>
    %get3A_793 = arith.constant 576 : index
    %get3A_794 = tpu.vector_load %arg9[%get3A_793] {strides = array<i32>} : memref<1408xf32, #tpu.memory_space<vmem>>, vector<16xf32>,
    %add3A_795 = arith.addf %add3A_786, %get3A_794 : vector<16xf32>
    %get3A_796 = arith.constant 576 : index
    %get3A_797 = tpu.vector_load %arg10[%get3A_796] {strides = array<i32>} : memref<1408xf32, #tpu.memory_space<vmem>>, vector<16xf32>,
    %add3A_798 = arith.addf %add3A_789, %get3A_797 : vector<16xf32>
    %get3A_799 = arith.constant 576 : index
    %get3A_800 = tpu.vector_load %arg11[%get3A_799] {strides = array<i32>} : memref<1408xf32, #tpu.memory_space<vmem>>, vector<16xf32>,
    %add3A_801 = arith.addf %add3A_792, %get3A_800 : vector<16xf32>
    %get3A_802 = arith.constant 752 : index
    %get3A_803 = tpu.vector_load %arg9[%get3A_802] {strides = array<i32>} : memref<1408xf32, #tpu.memory_space<vmem>>, vector<16xf32>,
    %add3A_804 = arith.addf %add3A_795, %get3A_803 : vector<16xf32>
    %get3A_805 = arith.constant 752 : index
    %get3A_806 = tpu.vector_load %arg10[%get3A_805] {strides = array<i32>} : memref<1408xf32, #tpu.memory_space<vmem>>, vector<16xf32>,
    %add3A_807 = arith.addf %add3A_798, %get3A_806 : vector<16xf32>
    %get3A_808 = arith.constant 752 : index
    %get3A_809 = tpu.vector_load %arg11[%get3A_808] {strides = array<i32>} : memref<1408xf32, #tpu.memory_space<vmem>>, vector<16xf32>,
    %add3A_810 = arith.addf %add3A_801, %get3A_809 : vector<16xf32>
    %get3A_811 = arith.constant 928 : index
    %get3A_812 = tpu.vector_load %arg9[%get3A_811] {strides = array<i32>} : memref<1408xf32, #tpu.memory_space<vmem>>, vector<16xf32>,
    %add3A_813 = arith.addf %add3A_804, %get3A_812 : vector<16xf32>
    %get3A_814 = arith.constant 928 : index
    %get3A_815 = tpu.vector_load %arg10[%get3A_814] {strides = array<i32>} : memref<1408xf32, #tpu.memory_space<vmem>>, vector<16xf32>,
    %add3A_816 = arith.addf %add3A_807, %get3A_815 : vector<16xf32>
    %get3A_817 = arith.constant 928 : index
    %get3A_818 = tpu.vector_load %arg11[%get3A_817] {strides = array<i32>} : memref<1408xf32, #tpu.memory_space<vmem>>, vector<16xf32>,
    %add3A_819 = arith.addf %add3A_810, %get3A_818 : vector<16xf32>
    %get3A_820 = arith.constant 1104 : index
    %get3A_821 = tpu.vector_load %arg9[%get3A_820] {strides = array<i32>} : memref<1408xf32, #tpu.memory_space<vmem>>, vector<16xf32>,
    %add3A_822 = arith.addf %add3A_813, %get3A_821 : vector<16xf32>
    %get3A_823 = arith.constant 1104 : index
    %get3A_824 = tpu.vector_load %arg10[%get3A_823] {strides = array<i32>} : memref<1408xf32, #tpu.memory_space<vmem>>, vector<16xf32>,
    %add3A_825 = arith.addf %add3A_816, %get3A_824 : vector<16xf32>
    %get3A_826 = arith.constant 1104 : index
    %get3A_827 = tpu.vector_load %arg11[%get3A_826] {strides = array<i32>} : memref<1408xf32, #tpu.memory_space<vmem>>, vector<16xf32>,
    %add3A_828 = arith.addf %add3A_819, %get3A_827 : vector<16xf32>
    %get3A_829 = arith.constant 1280 : index
    %get3A_830 = tpu.vector_load %arg9[%get3A_829] {strides = array<i32>} : memref<1408xf32, #tpu.memory_space<vmem>>, vector<16xf32>,
    %add3A_831 = arith.addf %add3A_822, %get3A_830 : vector<16xf32>
    %get3A_832 = arith.constant 1280 : index
    %get3A_833 = tpu.vector_load %arg10[%get3A_832] {strides = array<i32>} : memref<1408xf32, #tpu.memory_space<vmem>>, vector<16xf32>,
    %add3A_834 = arith.addf %add3A_825, %get3A_833 : vector<16xf32>
    %get3A_835 = arith.constant 1280 : index
    %get3A_836 = tpu.vector_load %arg11[%get3A_835] {strides = array<i32>} : memref<1408xf32, #tpu.memory_space<vmem>>, vector<16xf32>,
    %add3A_837 = arith.addf %add3A_828, %get3A_836 : vector<16xf32>
    %swap3A_838 = arith.constant 48 : index
    %swap3A_839 = tpu.vector_load %arg9[%swap3A_838] {strides = array<i32>} : memref<1408xf32, #tpu.memory_space<vmem>>, vector<16xf32>,
    tpu.vector_store %arg9[%swap3A_838], %add3A_831 {strides = array<i32>} : memref<1408xf32, #tpu.memory_space<vmem>>, vector<16xf32>,
    %swap3A_840 = arith.constant 48 : index
    %swap3A_841 = tpu.vector_load %arg10[%swap3A_840] {strides = array<i32>} : memref<1408xf32, #tpu.memory_space<vmem>>, vector<16xf32>,
    tpu.vector_store %arg10[%swap3A_840], %add3A_834 {strides = array<i32>} : memref<1408xf32, #tpu.memory_space<vmem>>, vector<16xf32>,
    %swap3A_842 = arith.constant 48 : index
    %swap3A_843 = tpu.vector_load %arg11[%swap3A_842] {strides = array<i32>} : memref<1408xf32, #tpu.memory_space<vmem>>, vector<16xf32>,
    tpu.vector_store %arg11[%swap3A_842], %add3A_837 {strides = array<i32>} : memref<1408xf32, #tpu.memory_space<vmem>>, vector<16xf32>,
    %get3A_844 = arith.constant 64 : index
    %get3A_845 = tpu.vector_load %arg9[%get3A_844] {strides = array<i32>} : memref<1408xf32, #tpu.memory_space<vmem>>, vector<16xf32>,
    %get3A_846 = arith.constant 64 : index
    %get3A_847 = tpu.vector_load %arg10[%get3A_846] {strides = array<i32>} : memref<1408xf32, #tpu.memory_space<vmem>>, vector<16xf32>,
    %get3A_848 = arith.constant 64 : index
    %get3A_849 = tpu.vector_load %arg11[%get3A_848] {strides = array<i32>} : memref<1408xf32, #tpu.memory_space<vmem>>, vector<16xf32>,
    %get3A_850 = arith.constant 240 : index
    %get3A_851 = tpu.vector_load %arg9[%get3A_850] {strides = array<i32>} : memref<1408xf32, #tpu.memory_space<vmem>>, vector<16xf32>,
    %add3A_852 = arith.addf %get3A_845, %get3A_851 : vector<16xf32>
    %get3A_853 = arith.constant 240 : index
    %get3A_854 = tpu.vector_load %arg10[%get3A_853] {strides = array<i32>} : memref<1408xf32, #tpu.memory_space<vmem>>, vector<16xf32>,
    %add3A_855 = arith.addf %get3A_847, %get3A_854 : vector<16xf32>
    %get3A_856 = arith.constant 240 : index
    %get3A_857 = tpu.vector_load %arg11[%get3A_856] {strides = array<i32>} : memref<1408xf32, #tpu.memory_space<vmem>>, vector<16xf32>,
    %add3A_858 = arith.addf %get3A_849, %get3A_857 : vector<16xf32>
    %get3A_859 = arith.constant 416 : index
    %get3A_860 = tpu.vector_load %arg9[%get3A_859] {strides = array<i32>} : memref<1408xf32, #tpu.memory_space<vmem>>, vector<16xf32>,
    %add3A_861 = arith.addf %add3A_852, %get3A_860 : vector<16xf32>
    %get3A_862 = arith.constant 416 : index
    %get3A_863 = tpu.vector_load %arg10[%get3A_862] {strides = array<i32>} : memref<1408xf32, #tpu.memory_space<vmem>>, vector<16xf32>,
    %add3A_864 = arith.addf %add3A_855, %get3A_863 : vector<16xf32>
    %get3A_865 = arith.constant 416 : index
    %get3A_866 = tpu.vector_load %arg11[%get3A_865] {strides = array<i32>} : memref<1408xf32, #tpu.memory_space<vmem>>, vector<16xf32>,
    %add3A_867 = arith.addf %add3A_858, %get3A_866 : vector<16xf32>
    %get3A_868 = arith.constant 592 : index
    %get3A_869 = tpu.vector_load %arg9[%get3A_868] {strides = array<i32>} : memref<1408xf32, #tpu.memory_space<vmem>>, vector<16xf32>,
    %add3A_870 = arith.addf %add3A_861, %get3A_869 : vector<16xf32>
    %get3A_871 = arith.constant 592 : index
    %get3A_872 = tpu.vector_load %arg10[%get3A_871] {strides = array<i32>} : memref<1408xf32, #tpu.memory_space<vmem>>, vector<16xf32>,
    %add3A_873 = arith.addf %add3A_864, %get3A_872 : vector<16xf32>
    %get3A_874 = arith.constant 592 : index
    %get3A_875 = tpu.vector_load %arg11[%get3A_874] {strides = array<i32>} : memref<1408xf32, #tpu.memory_space<vmem>>, vector<16xf32>,
    %add3A_876 = arith.addf %add3A_867, %get3A_875 : vector<16xf32>
    %get3A_877 = arith.constant 768 : index
    %get3A_878 = tpu.vector_load %arg9[%get3A_877] {strides = array<i32>} : memref<1408xf32, #tpu.memory_space<vmem>>, vector<16xf32>,
    %add3A_879 = arith.addf %add3A_870, %get3A_878 : vector<16xf32>
    %get3A_880 = arith.constant 768 : index
    %get3A_881 = tpu.vector_load %arg10[%get3A_880] {strides = array<i32>} : memref<1408xf32, #tpu.memory_space<vmem>>, vector<16xf32>,
    %add3A_882 = arith.addf %add3A_873, %get3A_881 : vector<16xf32>
    %get3A_883 = arith.constant 768 : index
    %get3A_884 = tpu.vector_load %arg11[%get3A_883] {strides = array<i32>} : memref<1408xf32, #tpu.memory_space<vmem>>, vector<16xf32>,
    %add3A_885 = arith.addf %add3A_876, %get3A_884 : vector<16xf32>
    %get3A_886 = arith.constant 944 : index
    %get3A_887 = tpu.vector_load %arg9[%get3A_886] {strides = array<i32>} : memref<1408xf32, #tpu.memory_space<vmem>>, vector<16xf32>,
    %add3A_888 = arith.addf %add3A_879, %get3A_887 : vector<16xf32>
    %get3A_889 = arith.constant 944 : index
    %get3A_890 = tpu.vector_load %arg10[%get3A_889] {strides = array<i32>} : memref<1408xf32, #tpu.memory_space<vmem>>, vector<16xf32>,
    %add3A_891 = arith.addf %add3A_882, %get3A_890 : vector<16xf32>
    %get3A_892 = arith.constant 944 : index
    %get3A_893 = tpu.vector_load %arg11[%get3A_892] {strides = array<i32>} : memref<1408xf32, #tpu.memory_space<vmem>>, vector<16xf32>,
    %add3A_894 = arith.addf %add3A_885, %get3A_893 : vector<16xf32>
    %get3A_895 = arith.constant 1120 : index
    %get3A_896 = tpu.vector_load %arg9[%get3A_895] {strides = array<i32>} : memref<1408xf32, #tpu.memory_space<vmem>>, vector<16xf32>,
    %add3A_897 = arith.addf %add3A_888, %get3A_896 : vector<16xf32>
    %get3A_898 = arith.constant 1120 : index
    %get3A_899 = tpu.vector_load %arg10[%get3A_898] {strides = array<i32>} : memref<1408xf32, #tpu.memory_space<vmem>>, vector<16xf32>,
    %add3A_900 = arith.addf %add3A_891, %get3A_899 : vector<16xf32>
    %get3A_901 = arith.constant 1120 : index
    %get3A_902 = tpu.vector_load %arg11[%get3A_901] {strides = array<i32>} : memref<1408xf32, #tpu.memory_space<vmem>>, vector<16xf32>,
    %add3A_903 = arith.addf %add3A_894, %get3A_902 : vector<16xf32>
    %get3A_904 = arith.constant 1296 : index
    %get3A_905 = tpu.vector_load %arg9[%get3A_904] {strides = array<i32>} : memref<1408xf32, #tpu.memory_space<vmem>>, vector<16xf32>,
    %add3A_906 = arith.addf %add3A_897, %get3A_905 : vector<16xf32>
    %get3A_907 = arith.constant 1296 : index
    %get3A_908 = tpu.vector_load %arg10[%get3A_907] {strides = array<i32>} : memref<1408xf32, #tpu.memory_space<vmem>>, vector<16xf32>,
    %add3A_909 = arith.addf %add3A_900, %get3A_908 : vector<16xf32>
    %get3A_910 = arith.constant 1296 : index
    %get3A_911 = tpu.vector_load %arg11[%get3A_910] {strides = array<i32>} : memref<1408xf32, #tpu.memory_space<vmem>>, vector<16xf32>,
    %add3A_912 = arith.addf %add3A_903, %get3A_911 : vector<16xf32>
    %swap3A_913 = arith.constant 64 : index
    %swap3A_914 = tpu.vector_load %arg9[%swap3A_913] {strides = array<i32>} : memref<1408xf32, #tpu.memory_space<vmem>>, vector<16xf32>,
    tpu.vector_store %arg9[%swap3A_913], %add3A_906 {strides = array<i32>} : memref<1408xf32, #tpu.memory_space<vmem>>, vector<16xf32>,
    %swap3A_915 = arith.constant 64 : index
    %swap3A_916 = tpu.vector_load %arg10[%swap3A_915] {strides = array<i32>} : memref<1408xf32, #tpu.memory_space<vmem>>, vector<16xf32>,
    tpu.vector_store %arg10[%swap3A_915], %add3A_909 {strides = array<i32>} : memref<1408xf32, #tpu.memory_space<vmem>>, vector<16xf32>,
    %swap3A_917 = arith.constant 64 : index
    %swap3A_918 = tpu.vector_load %arg11[%swap3A_917] {strides = array<i32>} : memref<1408xf32, #tpu.memory_space<vmem>>, vector<16xf32>,
    tpu.vector_store %arg11[%swap3A_917], %add3A_912 {strides = array<i32>} : memref<1408xf32, #tpu.memory_space<vmem>>, vector<16xf32>,
    %get3A_919 = arith.constant 80 : index
    %get3A_920 = tpu.vector_load %arg9[%get3A_919] {strides = array<i32>} : memref<1408xf32, #tpu.memory_space<vmem>>, vector<16xf32>,
    %get3A_921 = arith.constant 80 : index
    %get3A_922 = tpu.vector_load %arg10[%get3A_921] {strides = array<i32>} : memref<1408xf32, #tpu.memory_space<vmem>>, vector<16xf32>,
    %get3A_923 = arith.constant 80 : index
    %get3A_924 = tpu.vector_load %arg11[%get3A_923] {strides = array<i32>} : memref<1408xf32, #tpu.memory_space<vmem>>, vector<16xf32>,
    %get3A_925 = arith.constant 256 : index
    %get3A_926 = tpu.vector_load %arg9[%get3A_925] {strides = array<i32>} : memref<1408xf32, #tpu.memory_space<vmem>>, vector<16xf32>,
    %add3A_927 = arith.addf %get3A_920, %get3A_926 : vector<16xf32>
    %get3A_928 = arith.constant 256 : index
    %get3A_929 = tpu.vector_load %arg10[%get3A_928] {strides = array<i32>} : memref<1408xf32, #tpu.memory_space<vmem>>, vector<16xf32>,
    %add3A_930 = arith.addf %get3A_922, %get3A_929 : vector<16xf32>
    %get3A_931 = arith.constant 256 : index
    %get3A_932 = tpu.vector_load %arg11[%get3A_931] {strides = array<i32>} : memref<1408xf32, #tpu.memory_space<vmem>>, vector<16xf32>,
    %add3A_933 = arith.addf %get3A_924, %get3A_932 : vector<16xf32>
    %get3A_934 = arith.constant 432 : index
    %get3A_935 = tpu.vector_load %arg9[%get3A_934] {strides = array<i32>} : memref<1408xf32, #tpu.memory_space<vmem>>, vector<16xf32>,
    %add3A_936 = arith.addf %add3A_927, %get3A_935 : vector<16xf32>
    %get3A_937 = arith.constant 432 : index
    %get3A_938 = tpu.vector_load %arg10[%get3A_937] {strides = array<i32>} : memref<1408xf32, #tpu.memory_space<vmem>>, vector<16xf32>,
    %add3A_939 = arith.addf %add3A_930, %get3A_938 : vector<16xf32>
    %get3A_940 = arith.constant 432 : index
    %get3A_941 = tpu.vector_load %arg11[%get3A_940] {strides = array<i32>} : memref<1408xf32, #tpu.memory_space<vmem>>, vector<16xf32>,
    %add3A_942 = arith.addf %add3A_933, %get3A_941 : vector<16xf32>
    %get3A_943 = arith.constant 608 : index
    %get3A_944 = tpu.vector_load %arg9[%get3A_943] {strides = array<i32>} : memref<1408xf32, #tpu.memory_space<vmem>>, vector<16xf32>,
    %add3A_945 = arith.addf %add3A_936, %get3A_944 : vector<16xf32>
    %get3A_946 = arith.constant 608 : index
    %get3A_947 = tpu.vector_load %arg10[%get3A_946] {strides = array<i32>} : memref<1408xf32, #tpu.memory_space<vmem>>, vector<16xf32>,
    %add3A_948 = arith.addf %add3A_939, %get3A_947 : vector<16xf32>
    %get3A_949 = arith.constant 608 : index
    %get3A_950 = tpu.vector_load %arg11[%get3A_949] {strides = array<i32>} : memref<1408xf32, #tpu.memory_space<vmem>>, vector<16xf32>,
    %add3A_951 = arith.addf %add3A_942, %get3A_950 : vector<16xf32>
    %get3A_952 = arith.constant 784 : index
    %get3A_953 = tpu.vector_load %arg9[%get3A_952] {strides = array<i32>} : memref<1408xf32, #tpu.memory_space<vmem>>, vector<16xf32>,
    %add3A_954 = arith.addf %add3A_945, %get3A_953 : vector<16xf32>
    %get3A_955 = arith.constant 784 : index
    %get3A_956 = tpu.vector_load %arg10[%get3A_955] {strides = array<i32>} : memref<1408xf32, #tpu.memory_space<vmem>>, vector<16xf32>,
    %add3A_957 = arith.addf %add3A_948, %get3A_956 : vector<16xf32>
    %get3A_958 = arith.constant 784 : index
    %get3A_959 = tpu.vector_load %arg11[%get3A_958] {strides = array<i32>} : memref<1408xf32, #tpu.memory_space<vmem>>, vector<16xf32>,
    %add3A_960 = arith.addf %add3A_951, %get3A_959 : vector<16xf32>
    %get3A_961 = arith.constant 960 : index
    %get3A_962 = tpu.vector_load %arg9[%get3A_961] {strides = array<i32>} : memref<1408xf32, #tpu.memory_space<vmem>>, vector<16xf32>,
    %add3A_963 = arith.addf %add3A_954, %get3A_962 : vector<16xf32>
    %get3A_964 = arith.constant 960 : index
    %get3A_965 = tpu.vector_load %arg10[%get3A_964] {strides = array<i32>} : memref<1408xf32, #tpu.memory_space<vmem>>, vector<16xf32>,
    %add3A_966 = arith.addf %add3A_957, %get3A_965 : vector<16xf32>
    %get3A_967 = arith.constant 960 : index
    %get3A_968 = tpu.vector_load %arg11[%get3A_967] {strides = array<i32>} : memref<1408xf32, #tpu.memory_space<vmem>>, vector<16xf32>,
    %add3A_969 = arith.addf %add3A_960, %get3A_968 : vector<16xf32>
    %get3A_970 = arith.constant 1136 : index
    %get3A_971 = tpu.vector_load %arg9[%get3A_970] {strides = array<i32>} : memref<1408xf32, #tpu.memory_space<vmem>>, vector<16xf32>,
    %add3A_972 = arith.addf %add3A_963, %get3A_971 : vector<16xf32>
    %get3A_973 = arith.constant 1136 : index
    %get3A_974 = tpu.vector_load %arg10[%get3A_973] {strides = array<i32>} : memref<1408xf32, #tpu.memory_space<vmem>>, vector<16xf32>,
    %add3A_975 = arith.addf %add3A_966, %get3A_974 : vector<16xf32>
    %get3A_976 = arith.constant 1136 : index
    %get3A_977 = tpu.vector_load %arg11[%get3A_976] {strides = array<i32>} : memref<1408xf32, #tpu.memory_space<vmem>>, vector<16xf32>,
    %add3A_978 = arith.addf %add3A_969, %get3A_977 : vector<16xf32>
    %get3A_979 = arith.constant 1312 : index
    %get3A_980 = tpu.vector_load %arg9[%get3A_979] {strides = array<i32>} : memref<1408xf32, #tpu.memory_space<vmem>>, vector<16xf32>,
    %add3A_981 = arith.addf %add3A_972, %get3A_980 : vector<16xf32>
    %get3A_982 = arith.constant 1312 : index
    %get3A_983 = tpu.vector_load %arg10[%get3A_982] {strides = array<i32>} : memref<1408xf32, #tpu.memory_space<vmem>>, vector<16xf32>,
    %add3A_984 = arith.addf %add3A_975, %get3A_983 : vector<16xf32>
    %get3A_985 = arith.constant 1312 : index
    %get3A_986 = tpu.vector_load %arg11[%get3A_985] {strides = array<i32>} : memref<1408xf32, #tpu.memory_space<vmem>>, vector<16xf32>,
    %add3A_987 = arith.addf %add3A_978, %get3A_986 : vector<16xf32>
    %swap3A_988 = arith.constant 80 : index
    %swap3A_989 = tpu.vector_load %arg9[%swap3A_988] {strides = array<i32>} : memref<1408xf32, #tpu.memory_space<vmem>>, vector<16xf32>,
    tpu.vector_store %arg9[%swap3A_988], %add3A_981 {strides = array<i32>} : memref<1408xf32, #tpu.memory_space<vmem>>, vector<16xf32>,
    %swap3A_990 = arith.constant 80 : index
    %swap3A_991 = tpu.vector_load %arg10[%swap3A_990] {strides = array<i32>} : memref<1408xf32, #tpu.memory_space<vmem>>, vector<16xf32>,
    tpu.vector_store %arg10[%swap3A_990], %add3A_984 {strides = array<i32>} : memref<1408xf32, #tpu.memory_space<vmem>>, vector<16xf32>,
    %swap3A_992 = arith.constant 80 : index
    %swap3A_993 = tpu.vector_load %arg11[%swap3A_992] {strides = array<i32>} : memref<1408xf32, #tpu.memory_space<vmem>>, vector<16xf32>,
    tpu.vector_store %arg11[%swap3A_992], %add3A_987 {strides = array<i32>} : memref<1408xf32, #tpu.memory_space<vmem>>, vector<16xf32>,
    %get3A_994 = arith.constant 96 : index
    %get3A_995 = tpu.vector_load %arg9[%get3A_994] {strides = array<i32>} : memref<1408xf32, #tpu.memory_space<vmem>>, vector<16xf32>,
    %get3A_996 = arith.constant 96 : index
    %get3A_997 = tpu.vector_load %arg10[%get3A_996] {strides = array<i32>} : memref<1408xf32, #tpu.memory_space<vmem>>, vector<16xf32>,
    %get3A_998 = arith.constant 96 : index
    %get3A_999 = tpu.vector_load %arg11[%get3A_998] {strides = array<i32>} : memref<1408xf32, #tpu.memory_space<vmem>>, vector<16xf32>,
    %get3A_1000 = arith.constant 272 : index
    %get3A_1001 = tpu.vector_load %arg9[%get3A_1000] {strides = array<i32>} : memref<1408xf32, #tpu.memory_space<vmem>>, vector<16xf32>,
    %add3A_1002 = arith.addf %get3A_995, %get3A_1001 : vector<16xf32>
    %get3A_1003 = arith.constant 272 : index
    %get3A_1004 = tpu.vector_load %arg10[%get3A_1003] {strides = array<i32>} : memref<1408xf32, #tpu.memory_space<vmem>>, vector<16xf32>,
    %add3A_1005 = arith.addf %get3A_997, %get3A_1004 : vector<16xf32>
    %get3A_1006 = arith.constant 272 : index
    %get3A_1007 = tpu.vector_load %arg11[%get3A_1006] {strides = array<i32>} : memref<1408xf32, #tpu.memory_space<vmem>>, vector<16xf32>,
    %add3A_1008 = arith.addf %get3A_999, %get3A_1007 : vector<16xf32>
    %get3A_1009 = arith.constant 448 : index
    %get3A_1010 = tpu.vector_load %arg9[%get3A_1009] {strides = array<i32>} : memref<1408xf32, #tpu.memory_space<vmem>>, vector<16xf32>,
    %add3A_1011 = arith.addf %add3A_1002, %get3A_1010 : vector<16xf32>
    %get3A_1012 = arith.constant 448 : index
    %get3A_1013 = tpu.vector_load %arg10[%get3A_1012] {strides = array<i32>} : memref<1408xf32, #tpu.memory_space<vmem>>, vector<16xf32>,
    %add3A_1014 = arith.addf %add3A_1005, %get3A_1013 : vector<16xf32>
    %get3A_1015 = arith.constant 448 : index
    %get3A_1016 = tpu.vector_load %arg11[%get3A_1015] {strides = array<i32>} : memref<1408xf32, #tpu.memory_space<vmem>>, vector<16xf32>,
    %add3A_1017 = arith.addf %add3A_1008, %get3A_1016 : vector<16xf32>
    %get3A_1018 = arith.constant 624 : index
    %get3A_1019 = tpu.vector_load %arg9[%get3A_1018] {strides = array<i32>} : memref<1408xf32, #tpu.memory_space<vmem>>, vector<16xf32>,
    %add3A_1020 = arith.addf %add3A_1011, %get3A_1019 : vector<16xf32>
    %get3A_1021 = arith.constant 624 : index
    %get3A_1022 = tpu.vector_load %arg10[%get3A_1021] {strides = array<i32>} : memref<1408xf32, #tpu.memory_space<vmem>>, vector<16xf32>,
    %add3A_1023 = arith.addf %add3A_1014, %get3A_1022 : vector<16xf32>
    %get3A_1024 = arith.constant 624 : index
    %get3A_1025 = tpu.vector_load %arg11[%get3A_1024] {strides = array<i32>} : memref<1408xf32, #tpu.memory_space<vmem>>, vector<16xf32>,
    %add3A_1026 = arith.addf %add3A_1017, %get3A_1025 : vector<16xf32>
    %get3A_1027 = arith.constant 800 : index
    %get3A_1028 = tpu.vector_load %arg9[%get3A_1027] {strides = array<i32>} : memref<1408xf32, #tpu.memory_space<vmem>>, vector<16xf32>,
    %add3A_1029 = arith.addf %add3A_1020, %get3A_1028 : vector<16xf32>
    %get3A_1030 = arith.constant 800 : index
    %get3A_1031 = tpu.vector_load %arg10[%get3A_1030] {strides = array<i32>} : memref<1408xf32, #tpu.memory_space<vmem>>, vector<16xf32>,
    %add3A_1032 = arith.addf %add3A_1023, %get3A_1031 : vector<16xf32>
    %get3A_1033 = arith.constant 800 : index
    %get3A_1034 = tpu.vector_load %arg11[%get3A_1033] {strides = array<i32>} : memref<1408xf32, #tpu.memory_space<vmem>>, vector<16xf32>,
    %add3A_1035 = arith.addf %add3A_1026, %get3A_1034 : vector<16xf32>
    %get3A_1036 = arith.constant 976 : index
    %get3A_1037 = tpu.vector_load %arg9[%get3A_1036] {strides = array<i32>} : memref<1408xf32, #tpu.memory_space<vmem>>, vector<16xf32>,
    %add3A_1038 = arith.addf %add3A_1029, %get3A_1037 : vector<16xf32>
    %get3A_1039 = arith.constant 976 : index
    %get3A_1040 = tpu.vector_load %arg10[%get3A_1039] {strides = array<i32>} : memref<1408xf32, #tpu.memory_space<vmem>>, vector<16xf32>,
    %add3A_1041 = arith.addf %add3A_1032, %get3A_1040 : vector<16xf32>
    %get3A_1042 = arith.constant 976 : index
    %get3A_1043 = tpu.vector_load %arg11[%get3A_1042] {strides = array<i32>} : memref<1408xf32, #tpu.memory_space<vmem>>, vector<16xf32>,
    %add3A_1044 = arith.addf %add3A_1035, %get3A_1043 : vector<16xf32>
    %get3A_1045 = arith.constant 1152 : index
    %get3A_1046 = tpu.vector_load %arg9[%get3A_1045] {strides = array<i32>} : memref<1408xf32, #tpu.memory_space<vmem>>, vector<16xf32>,
    %add3A_1047 = arith.addf %add3A_1038, %get3A_1046 : vector<16xf32>
    %get3A_1048 = arith.constant 1152 : index
    %get3A_1049 = tpu.vector_load %arg10[%get3A_1048] {strides = array<i32>} : memref<1408xf32, #tpu.memory_space<vmem>>, vector<16xf32>,
    %add3A_1050 = arith.addf %add3A_1041, %get3A_1049 : vector<16xf32>
    %get3A_1051 = arith.constant 1152 : index
    %get3A_1052 = tpu.vector_load %arg11[%get3A_1051] {strides = array<i32>} : memref<1408xf32, #tpu.memory_space<vmem>>, vector<16xf32>,
    %add3A_1053 = arith.addf %add3A_1044, %get3A_1052 : vector<16xf32>
    %get3A_1054 = arith.constant 1328 : index
    %get3A_1055 = tpu.vector_load %arg9[%get3A_1054] {strides = array<i32>} : memref<1408xf32, #tpu.memory_space<vmem>>, vector<16xf32>,
    %add3A_1056 = arith.addf %add3A_1047, %get3A_1055 : vector<16xf32>
    %get3A_1057 = arith.constant 1328 : index
    %get3A_1058 = tpu.vector_load %arg10[%get3A_1057] {strides = array<i32>} : memref<1408xf32, #tpu.memory_space<vmem>>, vector<16xf32>,
    %add3A_1059 = arith.addf %add3A_1050, %get3A_1058 : vector<16xf32>
    %get3A_1060 = arith.constant 1328 : index
    %get3A_1061 = tpu.vector_load %arg11[%get3A_1060] {strides = array<i32>} : memref<1408xf32, #tpu.memory_space<vmem>>, vector<16xf32>,
    %add3A_1062 = arith.addf %add3A_1053, %get3A_1061 : vector<16xf32>
    %swap3A_1063 = arith.constant 96 : index
    %swap3A_1064 = tpu.vector_load %arg9[%swap3A_1063] {strides = array<i32>} : memref<1408xf32, #tpu.memory_space<vmem>>, vector<16xf32>,
    tpu.vector_store %arg9[%swap3A_1063], %add3A_1056 {strides = array<i32>} : memref<1408xf32, #tpu.memory_space<vmem>>, vector<16xf32>,
    %swap3A_1065 = arith.constant 96 : index
    %swap3A_1066 = tpu.vector_load %arg10[%swap3A_1065] {strides = array<i32>} : memref<1408xf32, #tpu.memory_space<vmem>>, vector<16xf32>,
    tpu.vector_store %arg10[%swap3A_1065], %add3A_1059 {strides = array<i32>} : memref<1408xf32, #tpu.memory_space<vmem>>, vector<16xf32>,
    %swap3A_1067 = arith.constant 96 : index
    %swap3A_1068 = tpu.vector_load %arg11[%swap3A_1067] {strides = array<i32>} : memref<1408xf32, #tpu.memory_space<vmem>>, vector<16xf32>,
    tpu.vector_store %arg11[%swap3A_1067], %add3A_1062 {strides = array<i32>} : memref<1408xf32, #tpu.memory_space<vmem>>, vector<16xf32>,
    %get3A_1069 = arith.constant 112 : index
    %get3A_1070 = tpu.vector_load %arg9[%get3A_1069] {strides = array<i32>} : memref<1408xf32, #tpu.memory_space<vmem>>, vector<16xf32>,
    %get3A_1071 = arith.constant 112 : index
    %get3A_1072 = tpu.vector_load %arg10[%get3A_1071] {strides = array<i32>} : memref<1408xf32, #tpu.memory_space<vmem>>, vector<16xf32>,
    %get3A_1073 = arith.constant 112 : index
    %get3A_1074 = tpu.vector_load %arg11[%get3A_1073] {strides = array<i32>} : memref<1408xf32, #tpu.memory_space<vmem>>, vector<16xf32>,
    %get3A_1075 = arith.constant 288 : index
    %get3A_1076 = tpu.vector_load %arg9[%get3A_1075] {strides = array<i32>} : memref<1408xf32, #tpu.memory_space<vmem>>, vector<16xf32>,
    %add3A_1077 = arith.addf %get3A_1070, %get3A_1076 : vector<16xf32>
    %get3A_1078 = arith.constant 288 : index
    %get3A_1079 = tpu.vector_load %arg10[%get3A_1078] {strides = array<i32>} : memref<1408xf32, #tpu.memory_space<vmem>>, vector<16xf32>,
    %add3A_1080 = arith.addf %get3A_1072, %get3A_1079 : vector<16xf32>
    %get3A_1081 = arith.constant 288 : index
    %get3A_1082 = tpu.vector_load %arg11[%get3A_1081] {strides = array<i32>} : memref<1408xf32, #tpu.memory_space<vmem>>, vector<16xf32>,
    %add3A_1083 = arith.addf %get3A_1074, %get3A_1082 : vector<16xf32>
    %get3A_1084 = arith.constant 464 : index
    %get3A_1085 = tpu.vector_load %arg9[%get3A_1084] {strides = array<i32>} : memref<1408xf32, #tpu.memory_space<vmem>>, vector<16xf32>,
    %add3A_1086 = arith.addf %add3A_1077, %get3A_1085 : vector<16xf32>
    %get3A_1087 = arith.constant 464 : index
    %get3A_1088 = tpu.vector_load %arg10[%get3A_1087] {strides = array<i32>} : memref<1408xf32, #tpu.memory_space<vmem>>, vector<16xf32>,
    %add3A_1089 = arith.addf %add3A_1080, %get3A_1088 : vector<16xf32>
    %get3A_1090 = arith.constant 464 : index
    %get3A_1091 = tpu.vector_load %arg11[%get3A_1090] {strides = array<i32>} : memref<1408xf32, #tpu.memory_space<vmem>>, vector<16xf32>,
    %add3A_1092 = arith.addf %add3A_1083, %get3A_1091 : vector<16xf32>
    %get3A_1093 = arith.constant 640 : index
    %get3A_1094 = tpu.vector_load %arg9[%get3A_1093] {strides = array<i32>} : memref<1408xf32, #tpu.memory_space<vmem>>, vector<16xf32>,
    %add3A_1095 = arith.addf %add3A_1086, %get3A_1094 : vector<16xf32>
    %get3A_1096 = arith.constant 640 : index
    %get3A_1097 = tpu.vector_load %arg10[%get3A_1096] {strides = array<i32>} : memref<1408xf32, #tpu.memory_space<vmem>>, vector<16xf32>,
    %add3A_1098 = arith.addf %add3A_1089, %get3A_1097 : vector<16xf32>
    %get3A_1099 = arith.constant 640 : index
    %get3A_1100 = tpu.vector_load %arg11[%get3A_1099] {strides = array<i32>} : memref<1408xf32, #tpu.memory_space<vmem>>, vector<16xf32>,
    %add3A_1101 = arith.addf %add3A_1092, %get3A_1100 : vector<16xf32>
    %get3A_1102 = arith.constant 816 : index
    %get3A_1103 = tpu.vector_load %arg9[%get3A_1102] {strides = array<i32>} : memref<1408xf32, #tpu.memory_space<vmem>>, vector<16xf32>,
    %add3A_1104 = arith.addf %add3A_1095, %get3A_1103 : vector<16xf32>
    %get3A_1105 = arith.constant 816 : index
    %get3A_1106 = tpu.vector_load %arg10[%get3A_1105] {strides = array<i32>} : memref<1408xf32, #tpu.memory_space<vmem>>, vector<16xf32>,
    %add3A_1107 = arith.addf %add3A_1098, %get3A_1106 : vector<16xf32>
    %get3A_1108 = arith.constant 816 : index
    %get3A_1109 = tpu.vector_load %arg11[%get3A_1108] {strides = array<i32>} : memref<1408xf32, #tpu.memory_space<vmem>>, vector<16xf32>,
    %add3A_1110 = arith.addf %add3A_1101, %get3A_1109 : vector<16xf32>
    %get3A_1111 = arith.constant 992 : index
    %get3A_1112 = tpu.vector_load %arg9[%get3A_1111] {strides = array<i32>} : memref<1408xf32, #tpu.memory_space<vmem>>, vector<16xf32>,
    %add3A_1113 = arith.addf %add3A_1104, %get3A_1112 : vector<16xf32>
    %get3A_1114 = arith.constant 992 : index
    %get3A_1115 = tpu.vector_load %arg10[%get3A_1114] {strides = array<i32>} : memref<1408xf32, #tpu.memory_space<vmem>>, vector<16xf32>,
    %add3A_1116 = arith.addf %add3A_1107, %get3A_1115 : vector<16xf32>
    %get3A_1117 = arith.constant 992 : index
    %get3A_1118 = tpu.vector_load %arg11[%get3A_1117] {strides = array<i32>} : memref<1408xf32, #tpu.memory_space<vmem>>, vector<16xf32>,
    %add3A_1119 = arith.addf %add3A_1110, %get3A_1118 : vector<16xf32>
    %get3A_1120 = arith.constant 1168 : index
    %get3A_1121 = tpu.vector_load %arg9[%get3A_1120] {strides = array<i32>} : memref<1408xf32, #tpu.memory_space<vmem>>, vector<16xf32>,
    %add3A_1122 = arith.addf %add3A_1113, %get3A_1121 : vector<16xf32>
    %get3A_1123 = arith.constant 1168 : index
    %get3A_1124 = tpu.vector_load %arg10[%get3A_1123] {strides = array<i32>} : memref<1408xf32, #tpu.memory_space<vmem>>, vector<16xf32>,
    %add3A_1125 = arith.addf %add3A_1116, %get3A_1124 : vector<16xf32>
    %get3A_1126 = arith.constant 1168 : index
    %get3A_1127 = tpu.vector_load %arg11[%get3A_1126] {strides = array<i32>} : memref<1408xf32, #tpu.memory_space<vmem>>, vector<16xf32>,
    %add3A_1128 = arith.addf %add3A_1119, %get3A_1127 : vector<16xf32>
    %get3A_1129 = arith.constant 1344 : index
    %get3A_1130 = tpu.vector_load %arg9[%get3A_1129] {strides = array<i32>} : memref<1408xf32, #tpu.memory_space<vmem>>, vector<16xf32>,
    %add3A_1131 = arith.addf %add3A_1122, %get3A_1130 : vector<16xf32>
    %get3A_1132 = arith.constant 1344 : index
    %get3A_1133 = tpu.vector_load %arg10[%get3A_1132] {strides = array<i32>} : memref<1408xf32, #tpu.memory_space<vmem>>, vector<16xf32>,
    %add3A_1134 = arith.addf %add3A_1125, %get3A_1133 : vector<16xf32>
    %get3A_1135 = arith.constant 1344 : index
    %get3A_1136 = tpu.vector_load %arg11[%get3A_1135] {strides = array<i32>} : memref<1408xf32, #tpu.memory_space<vmem>>, vector<16xf32>,
    %add3A_1137 = arith.addf %add3A_1128, %get3A_1136 : vector<16xf32>
    %swap3A_1138 = arith.constant 112 : index
    %swap3A_1139 = tpu.vector_load %arg9[%swap3A_1138] {strides = array<i32>} : memref<1408xf32, #tpu.memory_space<vmem>>, vector<16xf32>,
    tpu.vector_store %arg9[%swap3A_1138], %add3A_1131 {strides = array<i32>} : memref<1408xf32, #tpu.memory_space<vmem>>, vector<16xf32>,
    %swap3A_1140 = arith.constant 112 : index
    %swap3A_1141 = tpu.vector_load %arg10[%swap3A_1140] {strides = array<i32>} : memref<1408xf32, #tpu.memory_space<vmem>>, vector<16xf32>,
    tpu.vector_store %arg10[%swap3A_1140], %add3A_1134 {strides = array<i32>} : memref<1408xf32, #tpu.memory_space<vmem>>, vector<16xf32>,
    %swap3A_1142 = arith.constant 112 : index
    %swap3A_1143 = tpu.vector_load %arg11[%swap3A_1142] {strides = array<i32>} : memref<1408xf32, #tpu.memory_space<vmem>>, vector<16xf32>,
    tpu.vector_store %arg11[%swap3A_1142], %add3A_1137 {strides = array<i32>} : memref<1408xf32, #tpu.memory_space<vmem>>, vector<16xf32>,
    %get3A_1144 = arith.constant 128 : index
    %get3A_1145 = tpu.vector_load %arg9[%get3A_1144] {strides = array<i32>} : memref<1408xf32, #tpu.memory_space<vmem>>, vector<16xf32>,
    %get3A_1146 = arith.constant 128 : index
    %get3A_1147 = tpu.vector_load %arg10[%get3A_1146] {strides = array<i32>} : memref<1408xf32, #tpu.memory_space<vmem>>, vector<16xf32>,
    %get3A_1148 = arith.constant 128 : index
    %get3A_1149 = tpu.vector_load %arg11[%get3A_1148] {strides = array<i32>} : memref<1408xf32, #tpu.memory_space<vmem>>, vector<16xf32>,
    %get3A_1150 = arith.constant 304 : index
    %get3A_1151 = tpu.vector_load %arg9[%get3A_1150] {strides = array<i32>} : memref<1408xf32, #tpu.memory_space<vmem>>, vector<16xf32>,
    %add3A_1152 = arith.addf %get3A_1145, %get3A_1151 : vector<16xf32>
    %get3A_1153 = arith.constant 304 : index
    %get3A_1154 = tpu.vector_load %arg10[%get3A_1153] {strides = array<i32>} : memref<1408xf32, #tpu.memory_space<vmem>>, vector<16xf32>,
    %add3A_1155 = arith.addf %get3A_1147, %get3A_1154 : vector<16xf32>
    %get3A_1156 = arith.constant 304 : index
    %get3A_1157 = tpu.vector_load %arg11[%get3A_1156] {strides = array<i32>} : memref<1408xf32, #tpu.memory_space<vmem>>, vector<16xf32>,
    %add3A_1158 = arith.addf %get3A_1149, %get3A_1157 : vector<16xf32>
    %get3A_1159 = arith.constant 480 : index
    %get3A_1160 = tpu.vector_load %arg9[%get3A_1159] {strides = array<i32>} : memref<1408xf32, #tpu.memory_space<vmem>>, vector<16xf32>,
    %add3A_1161 = arith.addf %add3A_1152, %get3A_1160 : vector<16xf32>
    %get3A_1162 = arith.constant 480 : index
    %get3A_1163 = tpu.vector_load %arg10[%get3A_1162] {strides = array<i32>} : memref<1408xf32, #tpu.memory_space<vmem>>, vector<16xf32>,
    %add3A_1164 = arith.addf %add3A_1155, %get3A_1163 : vector<16xf32>
    %get3A_1165 = arith.constant 480 : index
    %get3A_1166 = tpu.vector_load %arg11[%get3A_1165] {strides = array<i32>} : memref<1408xf32, #tpu.memory_space<vmem>>, vector<16xf32>,
    %add3A_1167 = arith.addf %add3A_1158, %get3A_1166 : vector<16xf32>
    %get3A_1168 = arith.constant 656 : index
    %get3A_1169 = tpu.vector_load %arg9[%get3A_1168] {strides = array<i32>} : memref<1408xf32, #tpu.memory_space<vmem>>, vector<16xf32>,
    %add3A_1170 = arith.addf %add3A_1161, %get3A_1169 : vector<16xf32>
    %get3A_1171 = arith.constant 656 : index
    %get3A_1172 = tpu.vector_load %arg10[%get3A_1171] {strides = array<i32>} : memref<1408xf32, #tpu.memory_space<vmem>>, vector<16xf32>,
    %add3A_1173 = arith.addf %add3A_1164, %get3A_1172 : vector<16xf32>
    %get3A_1174 = arith.constant 656 : index
    %get3A_1175 = tpu.vector_load %arg11[%get3A_1174] {strides = array<i32>} : memref<1408xf32, #tpu.memory_space<vmem>>, vector<16xf32>,
    %add3A_1176 = arith.addf %add3A_1167, %get3A_1175 : vector<16xf32>
    %get3A_1177 = arith.constant 832 : index
    %get3A_1178 = tpu.vector_load %arg9[%get3A_1177] {strides = array<i32>} : memref<1408xf32, #tpu.memory_space<vmem>>, vector<16xf32>,
    %add3A_1179 = arith.addf %add3A_1170, %get3A_1178 : vector<16xf32>
    %get3A_1180 = arith.constant 832 : index
    %get3A_1181 = tpu.vector_load %arg10[%get3A_1180] {strides = array<i32>} : memref<1408xf32, #tpu.memory_space<vmem>>, vector<16xf32>,
    %add3A_1182 = arith.addf %add3A_1173, %get3A_1181 : vector<16xf32>
    %get3A_1183 = arith.constant 832 : index
    %get3A_1184 = tpu.vector_load %arg11[%get3A_1183] {strides = array<i32>} : memref<1408xf32, #tpu.memory_space<vmem>>, vector<16xf32>,
    %add3A_1185 = arith.addf %add3A_1176, %get3A_1184 : vector<16xf32>
    %get3A_1186 = arith.constant 1008 : index
    %get3A_1187 = tpu.vector_load %arg9[%get3A_1186] {strides = array<i32>} : memref<1408xf32, #tpu.memory_space<vmem>>, vector<16xf32>,
    %add3A_1188 = arith.addf %add3A_1179, %get3A_1187 : vector<16xf32>
    %get3A_1189 = arith.constant 1008 : index
    %get3A_1190 = tpu.vector_load %arg10[%get3A_1189] {strides = array<i32>} : memref<1408xf32, #tpu.memory_space<vmem>>, vector<16xf32>,
    %add3A_1191 = arith.addf %add3A_1182, %get3A_1190 : vector<16xf32>
    %get3A_1192 = arith.constant 1008 : index
    %get3A_1193 = tpu.vector_load %arg11[%get3A_1192] {strides = array<i32>} : memref<1408xf32, #tpu.memory_space<vmem>>, vector<16xf32>,
    %add3A_1194 = arith.addf %add3A_1185, %get3A_1193 : vector<16xf32>
    %get3A_1195 = arith.constant 1184 : index
    %get3A_1196 = tpu.vector_load %arg9[%get3A_1195] {strides = array<i32>} : memref<1408xf32, #tpu.memory_space<vmem>>, vector<16xf32>,
    %add3A_1197 = arith.addf %add3A_1188, %get3A_1196 : vector<16xf32>
    %get3A_1198 = arith.constant 1184 : index
    %get3A_1199 = tpu.vector_load %arg10[%get3A_1198] {strides = array<i32>} : memref<1408xf32, #tpu.memory_space<vmem>>, vector<16xf32>,
    %add3A_1200 = arith.addf %add3A_1191, %get3A_1199 : vector<16xf32>
    %get3A_1201 = arith.constant 1184 : index
    %get3A_1202 = tpu.vector_load %arg11[%get3A_1201] {strides = array<i32>} : memref<1408xf32, #tpu.memory_space<vmem>>, vector<16xf32>,
    %add3A_1203 = arith.addf %add3A_1194, %get3A_1202 : vector<16xf32>
    %get3A_1204 = arith.constant 1360 : index
    %get3A_1205 = tpu.vector_load %arg9[%get3A_1204] {strides = array<i32>} : memref<1408xf32, #tpu.memory_space<vmem>>, vector<16xf32>,
    %add3A_1206 = arith.addf %add3A_1197, %get3A_1205 : vector<16xf32>
    %get3A_1207 = arith.constant 1360 : index
    %get3A_1208 = tpu.vector_load %arg10[%get3A_1207] {strides = array<i32>} : memref<1408xf32, #tpu.memory_space<vmem>>, vector<16xf32>,
    %add3A_1209 = arith.addf %add3A_1200, %get3A_1208 : vector<16xf32>
    %get3A_1210 = arith.constant 1360 : index
    %get3A_1211 = tpu.vector_load %arg11[%get3A_1210] {strides = array<i32>} : memref<1408xf32, #tpu.memory_space<vmem>>, vector<16xf32>,
    %add3A_1212 = arith.addf %add3A_1203, %get3A_1211 : vector<16xf32>
    %swap3A_1213 = arith.constant 128 : index
    %swap3A_1214 = tpu.vector_load %arg9[%swap3A_1213] {strides = array<i32>} : memref<1408xf32, #tpu.memory_space<vmem>>, vector<16xf32>,
    tpu.vector_store %arg9[%swap3A_1213], %add3A_1206 {strides = array<i32>} : memref<1408xf32, #tpu.memory_space<vmem>>, vector<16xf32>,
    %swap3A_1215 = arith.constant 128 : index
    %swap3A_1216 = tpu.vector_load %arg10[%swap3A_1215] {strides = array<i32>} : memref<1408xf32, #tpu.memory_space<vmem>>, vector<16xf32>,
    tpu.vector_store %arg10[%swap3A_1215], %add3A_1209 {strides = array<i32>} : memref<1408xf32, #tpu.memory_space<vmem>>, vector<16xf32>,
    %swap3A_1217 = arith.constant 128 : index
    %swap3A_1218 = tpu.vector_load %arg11[%swap3A_1217] {strides = array<i32>} : memref<1408xf32, #tpu.memory_space<vmem>>, vector<16xf32>,
    tpu.vector_store %arg11[%swap3A_1217], %add3A_1212 {strides = array<i32>} : memref<1408xf32, #tpu.memory_space<vmem>>, vector<16xf32>,
    %get3A_1219 = arith.constant 144 : index
    %get3A_1220 = tpu.vector_load %arg9[%get3A_1219] {strides = array<i32>} : memref<1408xf32, #tpu.memory_space<vmem>>, vector<16xf32>,
    %get3A_1221 = arith.constant 144 : index
    %get3A_1222 = tpu.vector_load %arg10[%get3A_1221] {strides = array<i32>} : memref<1408xf32, #tpu.memory_space<vmem>>, vector<16xf32>,
    %get3A_1223 = arith.constant 144 : index
    %get3A_1224 = tpu.vector_load %arg11[%get3A_1223] {strides = array<i32>} : memref<1408xf32, #tpu.memory_space<vmem>>, vector<16xf32>,
    %get3A_1225 = arith.constant 320 : index
    %get3A_1226 = tpu.vector_load %arg9[%get3A_1225] {strides = array<i32>} : memref<1408xf32, #tpu.memory_space<vmem>>, vector<16xf32>,
    %add3A_1227 = arith.addf %get3A_1220, %get3A_1226 : vector<16xf32>
    %get3A_1228 = arith.constant 320 : index
    %get3A_1229 = tpu.vector_load %arg10[%get3A_1228] {strides = array<i32>} : memref<1408xf32, #tpu.memory_space<vmem>>, vector<16xf32>,
    %add3A_1230 = arith.addf %get3A_1222, %get3A_1229 : vector<16xf32>
    %get3A_1231 = arith.constant 320 : index
    %get3A_1232 = tpu.vector_load %arg11[%get3A_1231] {strides = array<i32>} : memref<1408xf32, #tpu.memory_space<vmem>>, vector<16xf32>,
    %add3A_1233 = arith.addf %get3A_1224, %get3A_1232 : vector<16xf32>
    %get3A_1234 = arith.constant 496 : index
    %get3A_1235 = tpu.vector_load %arg9[%get3A_1234] {strides = array<i32>} : memref<1408xf32, #tpu.memory_space<vmem>>, vector<16xf32>,
    %add3A_1236 = arith.addf %add3A_1227, %get3A_1235 : vector<16xf32>
    %get3A_1237 = arith.constant 496 : index
    %get3A_1238 = tpu.vector_load %arg10[%get3A_1237] {strides = array<i32>} : memref<1408xf32, #tpu.memory_space<vmem>>, vector<16xf32>,
    %add3A_1239 = arith.addf %add3A_1230, %get3A_1238 : vector<16xf32>
    %get3A_1240 = arith.constant 496 : index
    %get3A_1241 = tpu.vector_load %arg11[%get3A_1240] {strides = array<i32>} : memref<1408xf32, #tpu.memory_space<vmem>>, vector<16xf32>,
    %add3A_1242 = arith.addf %add3A_1233, %get3A_1241 : vector<16xf32>
    %get3A_1243 = arith.constant 672 : index
    %get3A_1244 = tpu.vector_load %arg9[%get3A_1243] {strides = array<i32>} : memref<1408xf32, #tpu.memory_space<vmem>>, vector<16xf32>,
    %add3A_1245 = arith.addf %add3A_1236, %get3A_1244 : vector<16xf32>
    %get3A_1246 = arith.constant 672 : index
    %get3A_1247 = tpu.vector_load %arg10[%get3A_1246] {strides = array<i32>} : memref<1408xf32, #tpu.memory_space<vmem>>, vector<16xf32>,
    %add3A_1248 = arith.addf %add3A_1239, %get3A_1247 : vector<16xf32>
    %get3A_1249 = arith.constant 672 : index
    %get3A_1250 = tpu.vector_load %arg11[%get3A_1249] {strides = array<i32>} : memref<1408xf32, #tpu.memory_space<vmem>>, vector<16xf32>,
    %add3A_1251 = arith.addf %add3A_1242, %get3A_1250 : vector<16xf32>
    %get3A_1252 = arith.constant 848 : index
    %get3A_1253 = tpu.vector_load %arg9[%get3A_1252] {strides = array<i32>} : memref<1408xf32, #tpu.memory_space<vmem>>, vector<16xf32>,
    %add3A_1254 = arith.addf %add3A_1245, %get3A_1253 : vector<16xf32>
    %get3A_1255 = arith.constant 848 : index
    %get3A_1256 = tpu.vector_load %arg10[%get3A_1255] {strides = array<i32>} : memref<1408xf32, #tpu.memory_space<vmem>>, vector<16xf32>,
    %add3A_1257 = arith.addf %add3A_1248, %get3A_1256 : vector<16xf32>
    %get3A_1258 = arith.constant 848 : index
    %get3A_1259 = tpu.vector_load %arg11[%get3A_1258] {strides = array<i32>} : memref<1408xf32, #tpu.memory_space<vmem>>, vector<16xf32>,
    %add3A_1260 = arith.addf %add3A_1251, %get3A_1259 : vector<16xf32>
    %get3A_1261 = arith.constant 1024 : index
    %get3A_1262 = tpu.vector_load %arg9[%get3A_1261] {strides = array<i32>} : memref<1408xf32, #tpu.memory_space<vmem>>, vector<16xf32>,
    %add3A_1263 = arith.addf %add3A_1254, %get3A_1262 : vector<16xf32>
    %get3A_1264 = arith.constant 1024 : index
    %get3A_1265 = tpu.vector_load %arg10[%get3A_1264] {strides = array<i32>} : memref<1408xf32, #tpu.memory_space<vmem>>, vector<16xf32>,
    %add3A_1266 = arith.addf %add3A_1257, %get3A_1265 : vector<16xf32>
    %get3A_1267 = arith.constant 1024 : index
    %get3A_1268 = tpu.vector_load %arg11[%get3A_1267] {strides = array<i32>} : memref<1408xf32, #tpu.memory_space<vmem>>, vector<16xf32>,
    %add3A_1269 = arith.addf %add3A_1260, %get3A_1268 : vector<16xf32>
    %get3A_1270 = arith.constant 1200 : index
    %get3A_1271 = tpu.vector_load %arg9[%get3A_1270] {strides = array<i32>} : memref<1408xf32, #tpu.memory_space<vmem>>, vector<16xf32>,
    %add3A_1272 = arith.addf %add3A_1263, %get3A_1271 : vector<16xf32>
    %get3A_1273 = arith.constant 1200 : index
    %get3A_1274 = tpu.vector_load %arg10[%get3A_1273] {strides = array<i32>} : memref<1408xf32, #tpu.memory_space<vmem>>, vector<16xf32>,
    %add3A_1275 = arith.addf %add3A_1266, %get3A_1274 : vector<16xf32>
    %get3A_1276 = arith.constant 1200 : index
    %get3A_1277 = tpu.vector_load %arg11[%get3A_1276] {strides = array<i32>} : memref<1408xf32, #tpu.memory_space<vmem>>, vector<16xf32>,
    %add3A_1278 = arith.addf %add3A_1269, %get3A_1277 : vector<16xf32>
    %get3A_1279 = arith.constant 1376 : index
    %get3A_1280 = tpu.vector_load %arg9[%get3A_1279] {strides = array<i32>} : memref<1408xf32, #tpu.memory_space<vmem>>, vector<16xf32>,
    %add3A_1281 = arith.addf %add3A_1272, %get3A_1280 : vector<16xf32>
    %get3A_1282 = arith.constant 1376 : index
    %get3A_1283 = tpu.vector_load %arg10[%get3A_1282] {strides = array<i32>} : memref<1408xf32, #tpu.memory_space<vmem>>, vector<16xf32>,
    %add3A_1284 = arith.addf %add3A_1275, %get3A_1283 : vector<16xf32>
    %get3A_1285 = arith.constant 1376 : index
    %get3A_1286 = tpu.vector_load %arg11[%get3A_1285] {strides = array<i32>} : memref<1408xf32, #tpu.memory_space<vmem>>, vector<16xf32>,
    %add3A_1287 = arith.addf %add3A_1278, %get3A_1286 : vector<16xf32>
    %swap3A_1288 = arith.constant 144 : index
    %swap3A_1289 = tpu.vector_load %arg9[%swap3A_1288] {strides = array<i32>} : memref<1408xf32, #tpu.memory_space<vmem>>, vector<16xf32>,
    tpu.vector_store %arg9[%swap3A_1288], %add3A_1281 {strides = array<i32>} : memref<1408xf32, #tpu.memory_space<vmem>>, vector<16xf32>,
    %swap3A_1290 = arith.constant 144 : index
    %swap3A_1291 = tpu.vector_load %arg10[%swap3A_1290] {strides = array<i32>} : memref<1408xf32, #tpu.memory_space<vmem>>, vector<16xf32>,
    tpu.vector_store %arg10[%swap3A_1290], %add3A_1284 {strides = array<i32>} : memref<1408xf32, #tpu.memory_space<vmem>>, vector<16xf32>,
    %swap3A_1292 = arith.constant 144 : index
    %swap3A_1293 = tpu.vector_load %arg11[%swap3A_1292] {strides = array<i32>} : memref<1408xf32, #tpu.memory_space<vmem>>, vector<16xf32>,
    tpu.vector_store %arg11[%swap3A_1292], %add3A_1287 {strides = array<i32>} : memref<1408xf32, #tpu.memory_space<vmem>>, vector<16xf32>,
    %get3A_1294 = arith.constant 160 : index
    %get3A_1295 = tpu.vector_load %arg9[%get3A_1294] {strides = array<i32>} : memref<1408xf32, #tpu.memory_space<vmem>>, vector<16xf32>,
    %get3A_1296 = arith.constant 160 : index
    %get3A_1297 = tpu.vector_load %arg10[%get3A_1296] {strides = array<i32>} : memref<1408xf32, #tpu.memory_space<vmem>>, vector<16xf32>,
    %get3A_1298 = arith.constant 160 : index
    %get3A_1299 = tpu.vector_load %arg11[%get3A_1298] {strides = array<i32>} : memref<1408xf32, #tpu.memory_space<vmem>>, vector<16xf32>,
    %get3A_1300 = arith.constant 336 : index
    %get3A_1301 = tpu.vector_load %arg9[%get3A_1300] {strides = array<i32>} : memref<1408xf32, #tpu.memory_space<vmem>>, vector<16xf32>,
    %add3A_1302 = arith.addf %get3A_1295, %get3A_1301 : vector<16xf32>
    %get3A_1303 = arith.constant 336 : index
    %get3A_1304 = tpu.vector_load %arg10[%get3A_1303] {strides = array<i32>} : memref<1408xf32, #tpu.memory_space<vmem>>, vector<16xf32>,
    %add3A_1305 = arith.addf %get3A_1297, %get3A_1304 : vector<16xf32>
    %get3A_1306 = arith.constant 336 : index
    %get3A_1307 = tpu.vector_load %arg11[%get3A_1306] {strides = array<i32>} : memref<1408xf32, #tpu.memory_space<vmem>>, vector<16xf32>,
    %add3A_1308 = arith.addf %get3A_1299, %get3A_1307 : vector<16xf32>
    %get3A_1309 = arith.constant 512 : index
    %get3A_1310 = tpu.vector_load %arg9[%get3A_1309] {strides = array<i32>} : memref<1408xf32, #tpu.memory_space<vmem>>, vector<16xf32>,
    %add3A_1311 = arith.addf %add3A_1302, %get3A_1310 : vector<16xf32>
    %get3A_1312 = arith.constant 512 : index
    %get3A_1313 = tpu.vector_load %arg10[%get3A_1312] {strides = array<i32>} : memref<1408xf32, #tpu.memory_space<vmem>>, vector<16xf32>,
    %add3A_1314 = arith.addf %add3A_1305, %get3A_1313 : vector<16xf32>
    %get3A_1315 = arith.constant 512 : index
    %get3A_1316 = tpu.vector_load %arg11[%get3A_1315] {strides = array<i32>} : memref<1408xf32, #tpu.memory_space<vmem>>, vector<16xf32>,
    %add3A_1317 = arith.addf %add3A_1308, %get3A_1316 : vector<16xf32>
    %get3A_1318 = arith.constant 688 : index
    %get3A_1319 = tpu.vector_load %arg9[%get3A_1318] {strides = array<i32>} : memref<1408xf32, #tpu.memory_space<vmem>>, vector<16xf32>,
    %add3A_1320 = arith.addf %add3A_1311, %get3A_1319 : vector<16xf32>
    %get3A_1321 = arith.constant 688 : index
    %get3A_1322 = tpu.vector_load %arg10[%get3A_1321] {strides = array<i32>} : memref<1408xf32, #tpu.memory_space<vmem>>, vector<16xf32>,
    %add3A_1323 = arith.addf %add3A_1314, %get3A_1322 : vector<16xf32>
    %get3A_1324 = arith.constant 688 : index
    %get3A_1325 = tpu.vector_load %arg11[%get3A_1324] {strides = array<i32>} : memref<1408xf32, #tpu.memory_space<vmem>>, vector<16xf32>,
    %add3A_1326 = arith.addf %add3A_1317, %get3A_1325 : vector<16xf32>
    %get3A_1327 = arith.constant 864 : index
    %get3A_1328 = tpu.vector_load %arg9[%get3A_1327] {strides = array<i32>} : memref<1408xf32, #tpu.memory_space<vmem>>, vector<16xf32>,
    %add3A_1329 = arith.addf %add3A_1320, %get3A_1328 : vector<16xf32>
    %get3A_1330 = arith.constant 864 : index
    %get3A_1331 = tpu.vector_load %arg10[%get3A_1330] {strides = array<i32>} : memref<1408xf32, #tpu.memory_space<vmem>>, vector<16xf32>,
    %add3A_1332 = arith.addf %add3A_1323, %get3A_1331 : vector<16xf32>
    %get3A_1333 = arith.constant 864 : index
    %get3A_1334 = tpu.vector_load %arg11[%get3A_1333] {strides = array<i32>} : memref<1408xf32, #tpu.memory_space<vmem>>, vector<16xf32>,
    %add3A_1335 = arith.addf %add3A_1326, %get3A_1334 : vector<16xf32>
    %get3A_1336 = arith.constant 1040 : index
    %get3A_1337 = tpu.vector_load %arg9[%get3A_1336] {strides = array<i32>} : memref<1408xf32, #tpu.memory_space<vmem>>, vector<16xf32>,
    %add3A_1338 = arith.addf %add3A_1329, %get3A_1337 : vector<16xf32>
    %get3A_1339 = arith.constant 1040 : index
    %get3A_1340 = tpu.vector_load %arg10[%get3A_1339] {strides = array<i32>} : memref<1408xf32, #tpu.memory_space<vmem>>, vector<16xf32>,
    %add3A_1341 = arith.addf %add3A_1332, %get3A_1340 : vector<16xf32>
    %get3A_1342 = arith.constant 1040 : index
    %get3A_1343 = tpu.vector_load %arg11[%get3A_1342] {strides = array<i32>} : memref<1408xf32, #tpu.memory_space<vmem>>, vector<16xf32>,
    %add3A_1344 = arith.addf %add3A_1335, %get3A_1343 : vector<16xf32>
    %get3A_1345 = arith.constant 1216 : index
    %get3A_1346 = tpu.vector_load %arg9[%get3A_1345] {strides = array<i32>} : memref<1408xf32, #tpu.memory_space<vmem>>, vector<16xf32>,
    %add3A_1347 = arith.addf %add3A_1338, %get3A_1346 : vector<16xf32>
    %get3A_1348 = arith.constant 1216 : index
    %get3A_1349 = tpu.vector_load %arg10[%get3A_1348] {strides = array<i32>} : memref<1408xf32, #tpu.memory_space<vmem>>, vector<16xf32>,
    %add3A_1350 = arith.addf %add3A_1341, %get3A_1349 : vector<16xf32>
    %get3A_1351 = arith.constant 1216 : index
    %get3A_1352 = tpu.vector_load %arg11[%get3A_1351] {strides = array<i32>} : memref<1408xf32, #tpu.memory_space<vmem>>, vector<16xf32>,
    %add3A_1353 = arith.addf %add3A_1344, %get3A_1352 : vector<16xf32>
    %get3A_1354 = arith.constant 1392 : index
    %get3A_1355 = tpu.vector_load %arg9[%get3A_1354] {strides = array<i32>} : memref<1408xf32, #tpu.memory_space<vmem>>, vector<16xf32>,
    %add3A_1356 = arith.addf %add3A_1347, %get3A_1355 : vector<16xf32>
    %get3A_1357 = arith.constant 1392 : index
    %get3A_1358 = tpu.vector_load %arg10[%get3A_1357] {strides = array<i32>} : memref<1408xf32, #tpu.memory_space<vmem>>, vector<16xf32>,
    %add3A_1359 = arith.addf %add3A_1350, %get3A_1358 : vector<16xf32>
    %get3A_1360 = arith.constant 1392 : index
    %get3A_1361 = tpu.vector_load %arg11[%get3A_1360] {strides = array<i32>} : memref<1408xf32, #tpu.memory_space<vmem>>, vector<16xf32>,
    %add3A_1362 = arith.addf %add3A_1353, %get3A_1361 : vector<16xf32>
    %swap3A_1363 = arith.constant 160 : index
    %swap3A_1364 = tpu.vector_load %arg9[%swap3A_1363] {strides = array<i32>} : memref<1408xf32, #tpu.memory_space<vmem>>, vector<16xf32>,
    tpu.vector_store %arg9[%swap3A_1363], %add3A_1356 {strides = array<i32>} : memref<1408xf32, #tpu.memory_space<vmem>>, vector<16xf32>,
    %swap3A_1365 = arith.constant 160 : index
    %swap3A_1366 = tpu.vector_load %arg10[%swap3A_1365] {strides = array<i32>} : memref<1408xf32, #tpu.memory_space<vmem>>, vector<16xf32>,
    tpu.vector_store %arg10[%swap3A_1365], %add3A_1359 {strides = array<i32>} : memref<1408xf32, #tpu.memory_space<vmem>>, vector<16xf32>,
    %swap3A_1367 = arith.constant 160 : index
    %swap3A_1368 = tpu.vector_load %arg11[%swap3A_1367] {strides = array<i32>} : memref<1408xf32, #tpu.memory_space<vmem>>, vector<16xf32>,
    tpu.vector_store %arg11[%swap3A_1367], %add3A_1362 {strides = array<i32>} : memref<1408xf32, #tpu.memory_space<vmem>>, vector<16xf32>,
    %mul3A_1369 = arith.constant 528 : i32
    %mul3A_1370 = arith.muli %add3A, %mul3A_1369 : i32
    "tpu.region"() ({
      %run_scoped3A = tpu.sem_alloc : memref<!tpu.dma_semaphore, #tpu.memory_space<semaphore_mem>>
      %dma_start3A_1375 = arith.constant 0 : i32
      %dma_start3A_1376 = tpu.memref_slice %arg9[%dma_start3A_1375] : memref<1408xf32, #tpu.memory_space<vmem>> -> memref<176xf32, #tpu.memory_space<vmem>>
      %dma_start3A_1377 = tpu.memref_slice %arg4[%mul3A_1370] : memref<16896xf32, #tpu.memory_space<hbm>> -> memref<176xf32, #tpu.memory_space<hbm>>
      %dma_start3A_1378 = tpu.memref_slice %arg4[%mul3A_1370] : memref<16896xf32, #tpu.memory_space<hbm>> -> memref<176xf32, #tpu.memory_space<hbm>>
      %dma_start3A_1379 = arith.constant 0 : i32
      %dma_start3A_1380 = tpu.memref_slice %arg9[%dma_start3A_1379] : memref<1408xf32, #tpu.memory_space<vmem>> -> memref<176xf32, #tpu.memory_space<vmem>>
      tpu.enqueue_dma source(%dma_start3A_1380 : memref<176xf32, #tpu.memory_space<vmem>>) target(%dma_start3A_1378 : memref<176xf32, #tpu.memory_space<hbm>>) target_semaphore(%run_scoped3A : memref<!tpu.dma_semaphore, #tpu.memory_space<semaphore_mem>>)
      %dma_wait3A = arith.constant 0 : i32
      %dma_wait3A_1381 = tpu.memref_slice %arg9[%dma_wait3A] : memref<1408xf32, #tpu.memory_space<vmem>> -> memref<176xf32, #tpu.memory_space<vmem>>
      %dma_wait3A_1382 = tpu.memref_slice %arg4[%mul3A_1370] : memref<16896xf32, #tpu.memory_space<hbm>> -> memref<176xf32, #tpu.memory_space<hbm>>
      %dma_wait3A_1383 = tpu.memref_slice %arg4[%mul3A_1370] : memref<16896xf32, #tpu.memory_space<hbm>> -> memref<176xf32, #tpu.memory_space<hbm>>
      %dma_wait3A_1384 = arith.constant 0 : i32
      %dma_wait3A_1385 = tpu.memref_slice %arg9[%dma_wait3A_1384] : memref<1408xf32, #tpu.memory_space<vmem>> -> memref<176xf32, #tpu.memory_space<vmem>>
      tpu.wait_dma2 semaphore(%run_scoped3A : memref<!tpu.dma_semaphore, #tpu.memory_space<semaphore_mem>>) src(%dma_wait3A_1385 : memref<176xf32, #tpu.memory_space<vmem>>) dst(%dma_wait3A_1383 : memref<176xf32, #tpu.memory_space<hbm>>)
      tpu.yield
    }) : () -> ()
    %add3A_1371 = arith.constant 176 : i32
    %add3A_1372 = arith.addi %mul3A_1370, %add3A_1371 : i32
    "tpu.region"() ({
      %run_scoped3A = tpu.sem_alloc : memref<!tpu.dma_semaphore, #tpu.memory_space<semaphore_mem>>
      %dma_start3A_1375 = arith.constant 0 : i32
      %dma_start3A_1376 = tpu.memref_slice %arg10[%dma_start3A_1375] : memref<1408xf32, #tpu.memory_space<vmem>> -> memref<176xf32, #tpu.memory_space<vmem>>
      %dma_start3A_1377 = tpu.memref_slice %arg4[%add3A_1372] : memref<16896xf32, #tpu.memory_space<hbm>> -> memref<176xf32, #tpu.memory_space<hbm>>
      %dma_start3A_1378 = tpu.memref_slice %arg4[%add3A_1372] : memref<16896xf32, #tpu.memory_space<hbm>> -> memref<176xf32, #tpu.memory_space<hbm>>
      %dma_start3A_1379 = arith.constant 0 : i32
      %dma_start3A_1380 = tpu.memref_slice %arg10[%dma_start3A_1379] : memref<1408xf32, #tpu.memory_space<vmem>> -> memref<176xf32, #tpu.memory_space<vmem>>
      tpu.enqueue_dma source(%dma_start3A_1380 : memref<176xf32, #tpu.memory_space<vmem>>) target(%dma_start3A_1378 : memref<176xf32, #tpu.memory_space<hbm>>) target_semaphore(%run_scoped3A : memref<!tpu.dma_semaphore, #tpu.memory_space<semaphore_mem>>)
      %dma_wait3A = arith.constant 0 : i32
      %dma_wait3A_1381 = tpu.memref_slice %arg10[%dma_wait3A] : memref<1408xf32, #tpu.memory_space<vmem>> -> memref<176xf32, #tpu.memory_space<vmem>>
      %dma_wait3A_1382 = tpu.memref_slice %arg4[%add3A_1372] : memref<16896xf32, #tpu.memory_space<hbm>> -> memref<176xf32, #tpu.memory_space<hbm>>
      %dma_wait3A_1383 = tpu.memref_slice %arg4[%add3A_1372] : memref<16896xf32, #tpu.memory_space<hbm>> -> memref<176xf32, #tpu.memory_space<hbm>>
      %dma_wait3A_1384 = arith.constant 0 : i32
      %dma_wait3A_1385 = tpu.memref_slice %arg10[%dma_wait3A_1384] : memref<1408xf32, #tpu.memory_space<vmem>> -> memref<176xf32, #tpu.memory_space<vmem>>
      tpu.wait_dma2 semaphore(%run_scoped3A : memref<!tpu.dma_semaphore, #tpu.memory_space<semaphore_mem>>) src(%dma_wait3A_1385 : memref<176xf32, #tpu.memory_space<vmem>>) dst(%dma_wait3A_1383 : memref<176xf32, #tpu.memory_space<hbm>>)
      tpu.yield
    }) : () -> ()
    %add3A_1373 = arith.constant 352 : i32
    %add3A_1374 = arith.addi %mul3A_1370, %add3A_1373 : i32
    "tpu.region"() ({
      %run_scoped3A = tpu.sem_alloc : memref<!tpu.dma_semaphore, #tpu.memory_space<semaphore_mem>>
      %dma_start3A_1375 = arith.constant 0 : i32
      %dma_start3A_1376 = tpu.memref_slice %arg11[%dma_start3A_1375] : memref<1408xf32, #tpu.memory_space<vmem>> -> memref<176xf32, #tpu.memory_space<vmem>>
      %dma_start3A_1377 = tpu.memref_slice %arg4[%add3A_1374] : memref<16896xf32, #tpu.memory_space<hbm>> -> memref<176xf32, #tpu.memory_space<hbm>>
      %dma_start3A_1378 = tpu.memref_slice %arg4[%add3A_1374] : memref<16896xf32, #tpu.memory_space<hbm>> -> memref<176xf32, #tpu.memory_space<hbm>>
      %dma_start3A_1379 = arith.constant 0 : i32
      %dma_start3A_1380 = tpu.memref_slice %arg11[%dma_start3A_1379] : memref<1408xf32, #tpu.memory_space<vmem>> -> memref<176xf32, #tpu.memory_space<vmem>>
      tpu.enqueue_dma source(%dma_start3A_1380 : memref<176xf32, #tpu.memory_space<vmem>>) target(%dma_start3A_1378 : memref<176xf32, #tpu.memory_space<hbm>>) target_semaphore(%run_scoped3A : memref<!tpu.dma_semaphore, #tpu.memory_space<semaphore_mem>>)
      %dma_wait3A = arith.constant 0 : i32
      %dma_wait3A_1381 = tpu.memref_slice %arg11[%dma_wait3A] : memref<1408xf32, #tpu.memory_space<vmem>> -> memref<176xf32, #tpu.memory_space<vmem>>
      %dma_wait3A_1382 = tpu.memref_slice %arg4[%add3A_1374] : memref<16896xf32, #tpu.memory_space<hbm>> -> memref<176xf32, #tpu.memory_space<hbm>>
      %dma_wait3A_1383 = tpu.memref_slice %arg4[%add3A_1374] : memref<16896xf32, #tpu.memory_space<hbm>> -> memref<176xf32, #tpu.memory_space<hbm>>
      %dma_wait3A_1384 = arith.constant 0 : i32
      %dma_wait3A_1385 = tpu.memref_slice %arg11[%dma_wait3A_1384] : memref<1408xf32, #tpu.memory_space<vmem>> -> memref<176xf32, #tpu.memory_space<vmem>>
      tpu.wait_dma2 semaphore(%run_scoped3A : memref<!tpu.dma_semaphore, #tpu.memory_space<semaphore_mem>>) src(%dma_wait3A_1385 : memref<176xf32, #tpu.memory_space<vmem>>) dst(%dma_wait3A_1383 : memref<176xf32, #tpu.memory_space<hbm>>)
      tpu.yield
    }) : () -> ()
    return
  }
}

module attributes {stable_mosaic.version = 14 : i64} {
  func.func @_tc_body(%arg0: i32, %arg1: memref<1024x128xf32, #tpu.memory_space<vmem>>, %arg2: memref<512x128xi32, #tpu.memory_space<vmem>>, %arg3: memref<22x8x128xf32, #tpu.memory_space<vmem>>, %arg4: memref<22x8x128xf32, #tpu.memory_space<vmem>>) attributes {dimension_semantics = [#tpu.dimension_semantics<arbitrary>], iteration_bounds = array<i64: 8>, scalar_prefetch = 0 : i64, scratch_operands = 1 : i64, tpu.core_type = #tpu.core_type<tc>, window_params = [{transform_indices = @transform_0, window_bounds = array<i64: 1024, 128>}, {transform_indices = @transform_1, window_bounds = array<i64: 512, 128>}, {pipeline_mode = #tpu.pipeline_mode<synchronous>, transform_indices = @transform_2, window_bounds = array<i64: 22, 8, 128>}]} {
    %iota3A = tpu.iota {dimensions = array<i32: 0>} : vector<8x128xi32>
    %jit3A = arith.constant 2 : i32
    %eq3A = arith.constant 0 : i32
    %eq3A_0 = arith.cmpi eq, %jit3A, %eq3A : i32
    %jit3A_1 = arith.constant 1 : i32
    %select_n3A = arith.select %eq3A_0, %jit3A_1, %jit3A : i32
    %rem3A = vector.broadcast %select_n3A : i32 to vector<8x128xi32>
    %rem3A_2 = arith.remsi %iota3A, %rem3A : vector<8x128xi32>
    %ne3A = arith.constant 0 : i32
    %ne3A_3 = vector.broadcast %ne3A : i32 to vector<8x128xi32>
    %ne3A_4 = arith.cmpi ne, %rem3A_2, %ne3A_3 : vector<8x128xi32>
    %lt3A = arith.constant 0 : i32
    %lt3A_5 = vector.broadcast %lt3A : i32 to vector<8x128xi32>
    %lt3A_6 = arith.cmpi slt, %rem3A_2, %lt3A_5 : vector<8x128xi32>
    %lt3A_7 = arith.constant 0 : i32
    %lt3A_8 = arith.cmpi slt, %select_n3A, %lt3A_7 : i32
    %ne3A_9 = vector.broadcast %lt3A_8 : i1 to vector<8x128xi1>
    %ne3A_10 = vector.broadcast %ne3A_9 : vector<8x128xi1> to vector<8x128xi1>
    %ne3A_11 = arith.xori %lt3A_6, %ne3A_10 : vector<8x128xi1>
    %and3A = arith.andi %ne3A_11, %ne3A_4 : vector<8x128xi1>
    %add3A = vector.broadcast %select_n3A : i32 to vector<8x128xi32>
    %add3A_12 = arith.addi %rem3A_2, %add3A : vector<8x128xi32>
    %select_n3A_13 = arith.select %and3A, %add3A_12, %rem3A_2 : vector<8x128xi1>, vector<8x128xi32>
    %eq3A_14 = arith.constant 0 : i32
    %eq3A_15 = vector.broadcast %eq3A_14 : i32 to vector<8x128xi32>
    %eq3A_16 = arith.cmpi eq, %select_n3A_13, %eq3A_15 : vector<8x128xi32>
    %iota3A_17 = tpu.iota {dimensions = array<i32: 0>} : vector<8x128xi32>
    %jit3A_18 = arith.constant 2 : i32
    %div3A = vector.broadcast %jit3A_18 : i32 to vector<8x128xi32>
    %div3A_19 = arith.divsi %iota3A_17, %div3A : vector<8x128xi32>
    %sign3A = arith.constant 0 : i32
    %sign3A_20 = vector.broadcast %sign3A : i32 to vector<8x128xi32>
    %sign3A_21 = arith.cmpi sgt, %iota3A_17, %sign3A_20 : vector<8x128xi32>
    %sign3A_22 = arith.extui %sign3A_21 : vector<8x128xi1> to vector<8x128xi32>
    %sign3A_23 = arith.constant 0 : i32
    %sign3A_24 = vector.broadcast %sign3A_23 : i32 to vector<8x128xi32>
    %sign3A_25 = arith.cmpi slt, %iota3A_17, %sign3A_24 : vector<8x128xi32>
    %sign3A_26 = arith.extui %sign3A_25 : vector<8x128xi1> to vector<8x128xi32>
    %sign3A_27 = arith.subi %sign3A_22, %sign3A_26 : vector<8x128xi32>
    %sign3A_28 = arith.constant 0 : i32
    %sign3A_29 = arith.cmpi sgt, %jit3A_18, %sign3A_28 : i32
    %sign3A_30 = arith.extui %sign3A_29 : i1 to i32
    %sign3A_31 = arith.constant 0 : i32
    %sign3A_32 = arith.cmpi slt, %jit3A_18, %sign3A_31 : i32
    %sign3A_33 = arith.extui %sign3A_32 : i1 to i32
    %sign3A_34 = arith.subi %sign3A_30, %sign3A_33 : i32
    %ne3A_35 = vector.broadcast %sign3A_34 : i32 to vector<8x128xi32>
    %ne3A_36 = arith.cmpi ne, %sign3A_27, %ne3A_35 : vector<8x128xi32>
    %rem3A_37 = vector.broadcast %jit3A_18 : i32 to vector<8x128xi32>
    %rem3A_38 = arith.remsi %iota3A_17, %rem3A_37 : vector<8x128xi32>
    %ne3A_39 = arith.constant 0 : i32
    %ne3A_40 = vector.broadcast %ne3A_39 : i32 to vector<8x128xi32>
    %ne3A_41 = arith.cmpi ne, %rem3A_38, %ne3A_40 : vector<8x128xi32>
    %and3A_42 = arith.andi %ne3A_36, %ne3A_41 : vector<8x128xi1>
    %sub3A = arith.constant 1 : i32
    %sub3A_43 = vector.broadcast %sub3A : i32 to vector<8x128xi32>
    %sub3A_44 = arith.subi %div3A_19, %sub3A_43 : vector<8x128xi32>
    %select_n3A_45 = arith.select %and3A_42, %sub3A_44, %div3A_19 : vector<8x128xi1>, vector<8x128xi32>
    %add3A_46 = arith.constant 4 : i32
    %add3A_47 = vector.broadcast %add3A_46 : i32 to vector<8x128xi32>
    %add3A_48 = arith.addi %select_n3A_45, %add3A_47 : vector<8x128xi32>
    %broadcast_in_dim3A = arith.constant 0.000000e+00 : f32
    %broadcast_in_dim3A_49 = vector.broadcast %broadcast_in_dim3A : f32 to vector<8x128xf32>
    %eq3A_50 = arith.constant 0 : i32
    %eq3A_51 = arith.cmpi eq, %arg0, %eq3A_50 : i32
    %convert_element_type3A = arith.extui %eq3A_51 : i1 to i32
    %cond3A = arith.constant 0 : i32
    %cond3A_52 = arith.cmpi ne, %convert_element_type3A, %cond3A : i32
    scf.if %cond3A_52 {
      %broadcast_in_dim3A_303 = arith.constant 0.000000e+00 : f32
      %broadcast_in_dim3A_304 = vector.broadcast %broadcast_in_dim3A_303 : f32 to vector<22x8x128xf32>
      %swap3A_305 = arith.constant 0 : index
      %swap3A_306 = arith.constant 0 : index
      %swap3A_307 = arith.constant 0 : index
      %swap3A_308 = vector.load %arg4[%swap3A_305, %swap3A_306, %swap3A_307] : memref<22x8x128xf32, #tpu.memory_space<vmem>>, vector<22x8x128xf32>
      tpu.vector_store %arg4[%swap3A_305, %swap3A_306, %swap3A_307], %broadcast_in_dim3A_304 {strides = array<i32>} : memref<22x8x128xf32, #tpu.memory_space<vmem>>, vector<22x8x128xf32>,
    } else {
    }
    %get3A = arith.constant 0 : index
    %get3A_53 = arith.constant 0 : index
    %get3A_54 = arith.constant 0 : index
    %get3A_55 = vector.load %arg4[%get3A, %get3A_53, %get3A_54] : memref<22x8x128xf32, #tpu.memory_space<vmem>>, vector<1x8x128xf32>
    %get3A_56 = vector.shape_cast %get3A_55 : vector<1x8x128xf32> to vector<8x128xf32>
    %get3A_57 = arith.constant 1 : index
    %get3A_58 = arith.constant 0 : index
    %get3A_59 = arith.constant 0 : index
    %get3A_60 = vector.load %arg4[%get3A_57, %get3A_58, %get3A_59] : memref<22x8x128xf32, #tpu.memory_space<vmem>>, vector<1x8x128xf32>
    %get3A_61 = vector.shape_cast %get3A_60 : vector<1x8x128xf32> to vector<8x128xf32>
    %get3A_62 = arith.constant 2 : index
    %get3A_63 = arith.constant 0 : index
    %get3A_64 = arith.constant 0 : index
    %get3A_65 = vector.load %arg4[%get3A_62, %get3A_63, %get3A_64] : memref<22x8x128xf32, #tpu.memory_space<vmem>>, vector<1x8x128xf32>
    %get3A_66 = vector.shape_cast %get3A_65 : vector<1x8x128xf32> to vector<8x128xf32>
    %get3A_67 = arith.constant 3 : index
    %get3A_68 = arith.constant 0 : index
    %get3A_69 = arith.constant 0 : index
    %get3A_70 = vector.load %arg4[%get3A_67, %get3A_68, %get3A_69] : memref<22x8x128xf32, #tpu.memory_space<vmem>>, vector<1x8x128xf32>
    %get3A_71 = vector.shape_cast %get3A_70 : vector<1x8x128xf32> to vector<8x128xf32>
    %get3A_72 = arith.constant 4 : index
    %get3A_73 = arith.constant 0 : index
    %get3A_74 = arith.constant 0 : index
    %get3A_75 = vector.load %arg4[%get3A_72, %get3A_73, %get3A_74] : memref<22x8x128xf32, #tpu.memory_space<vmem>>, vector<1x8x128xf32>
    %get3A_76 = vector.shape_cast %get3A_75 : vector<1x8x128xf32> to vector<8x128xf32>
    %get3A_77 = arith.constant 5 : index
    %get3A_78 = arith.constant 0 : index
    %get3A_79 = arith.constant 0 : index
    %get3A_80 = vector.load %arg4[%get3A_77, %get3A_78, %get3A_79] : memref<22x8x128xf32, #tpu.memory_space<vmem>>, vector<1x8x128xf32>
    %get3A_81 = vector.shape_cast %get3A_80 : vector<1x8x128xf32> to vector<8x128xf32>
    %get3A_82 = arith.constant 6 : index
    %get3A_83 = arith.constant 0 : index
    %get3A_84 = arith.constant 0 : index
    %get3A_85 = vector.load %arg4[%get3A_82, %get3A_83, %get3A_84] : memref<22x8x128xf32, #tpu.memory_space<vmem>>, vector<1x8x128xf32>
    %get3A_86 = vector.shape_cast %get3A_85 : vector<1x8x128xf32> to vector<8x128xf32>
    %get3A_87 = arith.constant 7 : index
    %get3A_88 = arith.constant 0 : index
    %get3A_89 = arith.constant 0 : index
    %get3A_90 = vector.load %arg4[%get3A_87, %get3A_88, %get3A_89] : memref<22x8x128xf32, #tpu.memory_space<vmem>>, vector<1x8x128xf32>
    %get3A_91 = vector.shape_cast %get3A_90 : vector<1x8x128xf32> to vector<8x128xf32>
    %get3A_92 = arith.constant 8 : index
    %get3A_93 = arith.constant 0 : index
    %get3A_94 = arith.constant 0 : index
    %get3A_95 = vector.load %arg4[%get3A_92, %get3A_93, %get3A_94] : memref<22x8x128xf32, #tpu.memory_space<vmem>>, vector<1x8x128xf32>
    %get3A_96 = vector.shape_cast %get3A_95 : vector<1x8x128xf32> to vector<8x128xf32>
    %get3A_97 = arith.constant 9 : index
    %get3A_98 = arith.constant 0 : index
    %get3A_99 = arith.constant 0 : index
    %get3A_100 = vector.load %arg4[%get3A_97, %get3A_98, %get3A_99] : memref<22x8x128xf32, #tpu.memory_space<vmem>>, vector<1x8x128xf32>
    %get3A_101 = vector.shape_cast %get3A_100 : vector<1x8x128xf32> to vector<8x128xf32>
    %get3A_102 = arith.constant 10 : index
    %get3A_103 = arith.constant 0 : index
    %get3A_104 = arith.constant 0 : index
    %get3A_105 = vector.load %arg4[%get3A_102, %get3A_103, %get3A_104] : memref<22x8x128xf32, #tpu.memory_space<vmem>>, vector<1x8x128xf32>
    %get3A_106 = vector.shape_cast %get3A_105 : vector<1x8x128xf32> to vector<8x128xf32>
    %get3A_107 = arith.constant 11 : index
    %get3A_108 = arith.constant 0 : index
    %get3A_109 = arith.constant 0 : index
    %get3A_110 = vector.load %arg4[%get3A_107, %get3A_108, %get3A_109] : memref<22x8x128xf32, #tpu.memory_space<vmem>>, vector<1x8x128xf32>
    %get3A_111 = vector.shape_cast %get3A_110 : vector<1x8x128xf32> to vector<8x128xf32>
    %get3A_112 = arith.constant 12 : index
    %get3A_113 = arith.constant 0 : index
    %get3A_114 = arith.constant 0 : index
    %get3A_115 = vector.load %arg4[%get3A_112, %get3A_113, %get3A_114] : memref<22x8x128xf32, #tpu.memory_space<vmem>>, vector<1x8x128xf32>
    %get3A_116 = vector.shape_cast %get3A_115 : vector<1x8x128xf32> to vector<8x128xf32>
    %get3A_117 = arith.constant 13 : index
    %get3A_118 = arith.constant 0 : index
    %get3A_119 = arith.constant 0 : index
    %get3A_120 = vector.load %arg4[%get3A_117, %get3A_118, %get3A_119] : memref<22x8x128xf32, #tpu.memory_space<vmem>>, vector<1x8x128xf32>
    %get3A_121 = vector.shape_cast %get3A_120 : vector<1x8x128xf32> to vector<8x128xf32>
    %get3A_122 = arith.constant 14 : index
    %get3A_123 = arith.constant 0 : index
    %get3A_124 = arith.constant 0 : index
    %get3A_125 = vector.load %arg4[%get3A_122, %get3A_123, %get3A_124] : memref<22x8x128xf32, #tpu.memory_space<vmem>>, vector<1x8x128xf32>
    %get3A_126 = vector.shape_cast %get3A_125 : vector<1x8x128xf32> to vector<8x128xf32>
    %get3A_127 = arith.constant 15 : index
    %get3A_128 = arith.constant 0 : index
    %get3A_129 = arith.constant 0 : index
    %get3A_130 = vector.load %arg4[%get3A_127, %get3A_128, %get3A_129] : memref<22x8x128xf32, #tpu.memory_space<vmem>>, vector<1x8x128xf32>
    %get3A_131 = vector.shape_cast %get3A_130 : vector<1x8x128xf32> to vector<8x128xf32>
    %get3A_132 = arith.constant 16 : index
    %get3A_133 = arith.constant 0 : index
    %get3A_134 = arith.constant 0 : index
    %get3A_135 = vector.load %arg4[%get3A_132, %get3A_133, %get3A_134] : memref<22x8x128xf32, #tpu.memory_space<vmem>>, vector<1x8x128xf32>
    %get3A_136 = vector.shape_cast %get3A_135 : vector<1x8x128xf32> to vector<8x128xf32>
    %get3A_137 = arith.constant 17 : index
    %get3A_138 = arith.constant 0 : index
    %get3A_139 = arith.constant 0 : index
    %get3A_140 = vector.load %arg4[%get3A_137, %get3A_138, %get3A_139] : memref<22x8x128xf32, #tpu.memory_space<vmem>>, vector<1x8x128xf32>
    %get3A_141 = vector.shape_cast %get3A_140 : vector<1x8x128xf32> to vector<8x128xf32>
    %get3A_142 = arith.constant 18 : index
    %get3A_143 = arith.constant 0 : index
    %get3A_144 = arith.constant 0 : index
    %get3A_145 = vector.load %arg4[%get3A_142, %get3A_143, %get3A_144] : memref<22x8x128xf32, #tpu.memory_space<vmem>>, vector<1x8x128xf32>
    %get3A_146 = vector.shape_cast %get3A_145 : vector<1x8x128xf32> to vector<8x128xf32>
    %get3A_147 = arith.constant 19 : index
    %get3A_148 = arith.constant 0 : index
    %get3A_149 = arith.constant 0 : index
    %get3A_150 = vector.load %arg4[%get3A_147, %get3A_148, %get3A_149] : memref<22x8x128xf32, #tpu.memory_space<vmem>>, vector<1x8x128xf32>
    %get3A_151 = vector.shape_cast %get3A_150 : vector<1x8x128xf32> to vector<8x128xf32>
    %get3A_152 = arith.constant 20 : index
    %get3A_153 = arith.constant 0 : index
    %get3A_154 = arith.constant 0 : index
    %get3A_155 = vector.load %arg4[%get3A_152, %get3A_153, %get3A_154] : memref<22x8x128xf32, #tpu.memory_space<vmem>>, vector<1x8x128xf32>
    %get3A_156 = vector.shape_cast %get3A_155 : vector<1x8x128xf32> to vector<8x128xf32>
    %get3A_157 = arith.constant 21 : index
    %get3A_158 = arith.constant 0 : index
    %get3A_159 = arith.constant 0 : index
    %get3A_160 = vector.load %arg4[%get3A_157, %get3A_158, %get3A_159] : memref<22x8x128xf32, #tpu.memory_space<vmem>>, vector<1x8x128xf32>
    %get3A_161 = vector.shape_cast %get3A_160 : vector<1x8x128xf32> to vector<8x128xf32>
    %scan3A = arith.constant 0 : i32
    %scan3A_162 = arith.constant 64 : i32
    %scan3A_163 = arith.addi %scan3A, %scan3A_162 : i32
    %scan3A_164 = arith.constant 1 : i32
    %scan3A_165:22 = scf.for %scan3A_303 = %scan3A to %scan3A_163 step %scan3A_164 iter_args(%scan3A_304 = %get3A_56, %scan3A_305 = %get3A_61, %scan3A_306 = %get3A_66, %scan3A_307 = %get3A_71, %scan3A_308 = %get3A_76, %scan3A_309 = %get3A_81, %scan3A_310 = %get3A_86, %scan3A_311 = %get3A_91, %scan3A_312 = %get3A_96, %scan3A_313 = %get3A_101, %scan3A_314 = %get3A_106, %scan3A_315 = %get3A_111, %scan3A_316 = %get3A_116, %scan3A_317 = %get3A_121, %scan3A_318 = %get3A_126, %scan3A_319 = %get3A_131, %scan3A_320 = %get3A_136, %scan3A_321 = %get3A_141, %scan3A_322 = %get3A_146, %scan3A_323 = %get3A_151, %scan3A_324 = %get3A_156, %scan3A_325 = %get3A_161) -> (vector<8x128xf32>, vector<8x128xf32>, vector<8x128xf32>, vector<8x128xf32>, vector<8x128xf32>, vector<8x128xf32>, vector<8x128xf32>, vector<8x128xf32>, vector<8x128xf32>, vector<8x128xf32>, vector<8x128xf32>, vector<8x128xf32>, vector<8x128xf32>, vector<8x128xf32>, vector<8x128xf32>, vector<8x128xf32>, vector<8x128xf32>, vector<8x128xf32>, vector<8x128xf32>, vector<8x128xf32>, vector<8x128xf32>, vector<8x128xf32>)  : i32 {
      %mul3A = arith.constant 16 : i32
      %mul3A_326 = arith.muli %mul3A, %scan3A_303 : i32
      %get3A_327 = arith.index_cast %mul3A_326 : i32 to index
      %get3A_328 = arith.constant 0 : index
      %get3A_329 = vector.load %arg1[%get3A_327, %get3A_328] : memref<1024x128xf32, #tpu.memory_space<vmem>>, vector<8x128xf32>
      %mul3A_330 = arith.constant 16 : i32
      %mul3A_331 = arith.muli %mul3A_330, %scan3A_303 : i32
      %add3A_332 = arith.constant 8 : i32
      %add3A_333 = arith.addi %mul3A_331, %add3A_332 : i32
      %get3A_334 = arith.index_cast %add3A_333 : i32 to index
      %get3A_335 = arith.constant 0 : index
      %get3A_336 = vector.load %arg1[%get3A_334, %get3A_335] : memref<1024x128xf32, #tpu.memory_space<vmem>>, vector<8x128xf32>
      %mul3A_337 = arith.constant 8 : i32
      %mul3A_338 = arith.muli %mul3A_337, %scan3A_303 : i32
      %get3A_339 = arith.index_cast %mul3A_338 : i32 to index
      %get3A_340 = arith.constant 0 : index
      %get3A_341 = vector.load %arg2[%get3A_339, %get3A_340] : memref<512x128xi32, #tpu.memory_space<vmem>>, vector<8x128xi32>
      %convert_element_type3A_342 = arith.sitofp %get3A_341 : vector<8x128xi32> to vector<8x128xf32>
      %lt3A_343 = arith.constant 0 : i32
      %lt3A_344 = vector.broadcast %lt3A_343 : i32 to vector<8x128xi32>
      %lt3A_345 = arith.cmpi slt, %select_n3A_45, %lt3A_344 : vector<8x128xi32>
      %add3A_346 = arith.constant 8 : i32
      %add3A_347 = vector.broadcast %add3A_346 : i32 to vector<8x128xi32>
      %add3A_348 = arith.addi %select_n3A_45, %add3A_347 : vector<8x128xi32>
      %select_n3A_349 = arith.select %lt3A_345, %add3A_348, %select_n3A_45 : vector<8x128xi1>, vector<8x128xi32>
      %reshape3A = vector.shape_cast %select_n3A_349 : vector<8x128xi32> to vector<8x128x1xi32>
      %gather3A = vector.shape_cast %reshape3A : vector<8x128x1xi32> to vector<8x128xi32>
      %gather3A_350 = tpu.dynamic_gather %convert_element_type3A_342[%gather3A] in [0] : vector<8x128xf32>, vector<8x128xi32> -> vector<8x128xf32>
      %mul3A_351 = arith.constant 2.048000e+03 : f32
      %mul3A_352 = vector.broadcast %mul3A_351 : f32 to vector<8x128xf32>
      %mul3A_353 = arith.mulf %mul3A_352, %gather3A_350 : vector<8x128xf32>
      %add3A_354 = arith.constant 1.000000e+00 : f32
      %add3A_355 = vector.broadcast %add3A_354 : f32 to vector<8x128xf32>
      %add3A_356 = arith.addf %add3A_355, %mul3A_353 : vector<8x128xf32>
      %lt3A_357 = arith.constant 0 : i32
      %lt3A_358 = vector.broadcast %lt3A_357 : i32 to vector<8x128xi32>
      %lt3A_359 = arith.cmpi slt, %add3A_48, %lt3A_358 : vector<8x128xi32>
      %add3A_360 = arith.constant 8 : i32
      %add3A_361 = vector.broadcast %add3A_360 : i32 to vector<8x128xi32>
      %add3A_362 = arith.addi %add3A_48, %add3A_361 : vector<8x128xi32>
      %select_n3A_363 = arith.select %lt3A_359, %add3A_362, %add3A_48 : vector<8x128xi1>, vector<8x128xi32>
      %reshape3A_364 = vector.shape_cast %select_n3A_363 : vector<8x128xi32> to vector<8x128x1xi32>
      %gather3A_365 = vector.shape_cast %reshape3A_364 : vector<8x128x1xi32> to vector<8x128xi32>
      %gather3A_366 = tpu.dynamic_gather %convert_element_type3A_342[%gather3A_365] in [0] : vector<8x128xf32>, vector<8x128xi32> -> vector<8x128xf32>
      %mul3A_367 = arith.constant 2.048000e+03 : f32
      %mul3A_368 = vector.broadcast %mul3A_367 : f32 to vector<8x128xf32>
      %mul3A_369 = arith.mulf %mul3A_368, %gather3A_366 : vector<8x128xf32>
      %add3A_370 = arith.constant 1.000000e+00 : f32
      %add3A_371 = vector.broadcast %add3A_370 : f32 to vector<8x128xf32>
      %add3A_372 = arith.addf %add3A_371, %mul3A_369 : vector<8x128xf32>
      %roll3A = arith.constant 7 : i32
      %roll3A_373 = tpu.dynamic_rotate %get3A_329 by %roll3A dim 0 : vector<8x128xf32>, i32 -> vector<8x128xf32>
      %sub3A_374 = arith.subf %get3A_329, %roll3A_373 : vector<8x128xf32>
      %exp3A = math.exp %sub3A_374 : vector<8x128xf32>
      %add3A_375 = arith.constant 1.000000e+00 : f32
      %add3A_376 = vector.broadcast %add3A_375 : f32 to vector<8x128xf32>
      %add3A_377 = arith.addf %add3A_376, %exp3A : vector<8x128xf32>
      %div3A_378 = arith.constant 1.000000e+00 : f32
      %div3A_379 = vector.broadcast %div3A_378 : f32 to vector<8x128xf32>
      %div3A_380 = arith.divf %div3A_379, %add3A_377 : vector<8x128xf32>
      %roll3A_381 = arith.constant 7 : i32
      %roll3A_382 = tpu.dynamic_rotate %get3A_336 by %roll3A_381 dim 0 : vector<8x128xf32>, i32 -> vector<8x128xf32>
      %sub3A_383 = arith.subf %get3A_336, %roll3A_382 : vector<8x128xf32>
      %exp3A_384 = math.exp %sub3A_383 : vector<8x128xf32>
      %add3A_385 = arith.constant 1.000000e+00 : f32
      %add3A_386 = vector.broadcast %add3A_385 : f32 to vector<8x128xf32>
      %add3A_387 = arith.addf %add3A_386, %exp3A_384 : vector<8x128xf32>
      %div3A_388 = arith.constant 1.000000e+00 : f32
      %div3A_389 = vector.broadcast %div3A_388 : f32 to vector<8x128xf32>
      %div3A_390 = arith.divf %div3A_389, %add3A_387 : vector<8x128xf32>
      %mul3A_391 = arith.constant 1.000000e+01 : f32
      %mul3A_392 = vector.broadcast %mul3A_391 : f32 to vector<8x128xf32>
      %mul3A_393 = arith.mulf %div3A_380, %mul3A_392 : vector<8x128xf32>
      %convert_element_type3A_394 = arith.fptosi %mul3A_393 : vector<8x128xf32> to vector<8x128xi32>
      %mul3A_395 = arith.constant 1.000000e+01 : f32
      %mul3A_396 = vector.broadcast %mul3A_395 : f32 to vector<8x128xf32>
      %mul3A_397 = arith.mulf %div3A_390, %mul3A_396 : vector<8x128xf32>
      %convert_element_type3A_398 = arith.fptosi %mul3A_397 : vector<8x128xf32> to vector<8x128xi32>
      %eq3A_399 = arith.constant 0 : i32
      %eq3A_400 = vector.broadcast %eq3A_399 : i32 to vector<8x128xi32>
      %eq3A_401 = arith.cmpi eq, %convert_element_type3A_394, %eq3A_400 : vector<8x128xi32>
      %and3A_402 = arith.andi %eq3A_401, %eq3A_16 : vector<8x128xi1>
      %eq3A_403 = arith.constant 0 : i32
      %eq3A_404 = vector.broadcast %eq3A_403 : i32 to vector<8x128xi32>
      %eq3A_405 = arith.cmpi eq, %convert_element_type3A_398, %eq3A_404 : vector<8x128xi32>
      %and3A_406 = arith.andi %eq3A_405, %eq3A_16 : vector<8x128xi1>
      %select_n3A_407 = arith.select %and3A_402, %add3A_356, %broadcast_in_dim3A_49 : vector<8x128xi1>, vector<8x128xf32>
      %add3A_408 = arith.addf %scan3A_304, %select_n3A_407 : vector<8x128xf32>
      %select_n3A_409 = arith.select %and3A_406, %add3A_372, %broadcast_in_dim3A_49 : vector<8x128xi1>, vector<8x128xf32>
      %add3A_410 = arith.addf %add3A_408, %select_n3A_409 : vector<8x128xf32>
      %select_n3A_411 = arith.select %and3A_402, %div3A_380, %broadcast_in_dim3A_49 : vector<8x128xi1>, vector<8x128xf32>
      %add3A_412 = arith.addf %scan3A_305, %select_n3A_411 : vector<8x128xf32>
      %select_n3A_413 = arith.select %and3A_406, %div3A_390, %broadcast_in_dim3A_49 : vector<8x128xi1>, vector<8x128xf32>
      %add3A_414 = arith.addf %add3A_412, %select_n3A_413 : vector<8x128xf32>
      %eq3A_415 = arith.constant 1 : i32
      %eq3A_416 = vector.broadcast %eq3A_415 : i32 to vector<8x128xi32>
      %eq3A_417 = arith.cmpi eq, %convert_element_type3A_394, %eq3A_416 : vector<8x128xi32>
      %and3A_418 = arith.andi %eq3A_417, %eq3A_16 : vector<8x128xi1>
      %eq3A_419 = arith.constant 1 : i32
      %eq3A_420 = vector.broadcast %eq3A_419 : i32 to vector<8x128xi32>
      %eq3A_421 = arith.cmpi eq, %convert_element_type3A_398, %eq3A_420 : vector<8x128xi32>
      %and3A_422 = arith.andi %eq3A_421, %eq3A_16 : vector<8x128xi1>
      %select_n3A_423 = arith.select %and3A_418, %add3A_356, %broadcast_in_dim3A_49 : vector<8x128xi1>, vector<8x128xf32>
      %add3A_424 = arith.addf %scan3A_306, %select_n3A_423 : vector<8x128xf32>
      %select_n3A_425 = arith.select %and3A_422, %add3A_372, %broadcast_in_dim3A_49 : vector<8x128xi1>, vector<8x128xf32>
      %add3A_426 = arith.addf %add3A_424, %select_n3A_425 : vector<8x128xf32>
      %select_n3A_427 = arith.select %and3A_418, %div3A_380, %broadcast_in_dim3A_49 : vector<8x128xi1>, vector<8x128xf32>
      %add3A_428 = arith.addf %scan3A_307, %select_n3A_427 : vector<8x128xf32>
      %select_n3A_429 = arith.select %and3A_422, %div3A_390, %broadcast_in_dim3A_49 : vector<8x128xi1>, vector<8x128xf32>
      %add3A_430 = arith.addf %add3A_428, %select_n3A_429 : vector<8x128xf32>
      %eq3A_431 = arith.constant 2 : i32
      %eq3A_432 = vector.broadcast %eq3A_431 : i32 to vector<8x128xi32>
      %eq3A_433 = arith.cmpi eq, %convert_element_type3A_394, %eq3A_432 : vector<8x128xi32>
      %and3A_434 = arith.andi %eq3A_433, %eq3A_16 : vector<8x128xi1>
      %eq3A_435 = arith.constant 2 : i32
      %eq3A_436 = vector.broadcast %eq3A_435 : i32 to vector<8x128xi32>
      %eq3A_437 = arith.cmpi eq, %convert_element_type3A_398, %eq3A_436 : vector<8x128xi32>
      %and3A_438 = arith.andi %eq3A_437, %eq3A_16 : vector<8x128xi1>
      %select_n3A_439 = arith.select %and3A_434, %add3A_356, %broadcast_in_dim3A_49 : vector<8x128xi1>, vector<8x128xf32>
      %add3A_440 = arith.addf %scan3A_308, %select_n3A_439 : vector<8x128xf32>
      %select_n3A_441 = arith.select %and3A_438, %add3A_372, %broadcast_in_dim3A_49 : vector<8x128xi1>, vector<8x128xf32>
      %add3A_442 = arith.addf %add3A_440, %select_n3A_441 : vector<8x128xf32>
      %select_n3A_443 = arith.select %and3A_434, %div3A_380, %broadcast_in_dim3A_49 : vector<8x128xi1>, vector<8x128xf32>
      %add3A_444 = arith.addf %scan3A_309, %select_n3A_443 : vector<8x128xf32>
      %select_n3A_445 = arith.select %and3A_438, %div3A_390, %broadcast_in_dim3A_49 : vector<8x128xi1>, vector<8x128xf32>
      %add3A_446 = arith.addf %add3A_444, %select_n3A_445 : vector<8x128xf32>
      %eq3A_447 = arith.constant 3 : i32
      %eq3A_448 = vector.broadcast %eq3A_447 : i32 to vector<8x128xi32>
      %eq3A_449 = arith.cmpi eq, %convert_element_type3A_394, %eq3A_448 : vector<8x128xi32>
      %and3A_450 = arith.andi %eq3A_449, %eq3A_16 : vector<8x128xi1>
      %eq3A_451 = arith.constant 3 : i32
      %eq3A_452 = vector.broadcast %eq3A_451 : i32 to vector<8x128xi32>
      %eq3A_453 = arith.cmpi eq, %convert_element_type3A_398, %eq3A_452 : vector<8x128xi32>
      %and3A_454 = arith.andi %eq3A_453, %eq3A_16 : vector<8x128xi1>
      %select_n3A_455 = arith.select %and3A_450, %add3A_356, %broadcast_in_dim3A_49 : vector<8x128xi1>, vector<8x128xf32>
      %add3A_456 = arith.addf %scan3A_310, %select_n3A_455 : vector<8x128xf32>
      %select_n3A_457 = arith.select %and3A_454, %add3A_372, %broadcast_in_dim3A_49 : vector<8x128xi1>, vector<8x128xf32>
      %add3A_458 = arith.addf %add3A_456, %select_n3A_457 : vector<8x128xf32>
      %select_n3A_459 = arith.select %and3A_450, %div3A_380, %broadcast_in_dim3A_49 : vector<8x128xi1>, vector<8x128xf32>
      %add3A_460 = arith.addf %scan3A_311, %select_n3A_459 : vector<8x128xf32>
      %select_n3A_461 = arith.select %and3A_454, %div3A_390, %broadcast_in_dim3A_49 : vector<8x128xi1>, vector<8x128xf32>
      %add3A_462 = arith.addf %add3A_460, %select_n3A_461 : vector<8x128xf32>
      %eq3A_463 = arith.constant 4 : i32
      %eq3A_464 = vector.broadcast %eq3A_463 : i32 to vector<8x128xi32>
      %eq3A_465 = arith.cmpi eq, %convert_element_type3A_394, %eq3A_464 : vector<8x128xi32>
      %and3A_466 = arith.andi %eq3A_465, %eq3A_16 : vector<8x128xi1>
      %eq3A_467 = arith.constant 4 : i32
      %eq3A_468 = vector.broadcast %eq3A_467 : i32 to vector<8x128xi32>
      %eq3A_469 = arith.cmpi eq, %convert_element_type3A_398, %eq3A_468 : vector<8x128xi32>
      %and3A_470 = arith.andi %eq3A_469, %eq3A_16 : vector<8x128xi1>
      %select_n3A_471 = arith.select %and3A_466, %add3A_356, %broadcast_in_dim3A_49 : vector<8x128xi1>, vector<8x128xf32>
      %add3A_472 = arith.addf %scan3A_312, %select_n3A_471 : vector<8x128xf32>
      %select_n3A_473 = arith.select %and3A_470, %add3A_372, %broadcast_in_dim3A_49 : vector<8x128xi1>, vector<8x128xf32>
      %add3A_474 = arith.addf %add3A_472, %select_n3A_473 : vector<8x128xf32>
      %select_n3A_475 = arith.select %and3A_466, %div3A_380, %broadcast_in_dim3A_49 : vector<8x128xi1>, vector<8x128xf32>
      %add3A_476 = arith.addf %scan3A_313, %select_n3A_475 : vector<8x128xf32>
      %select_n3A_477 = arith.select %and3A_470, %div3A_390, %broadcast_in_dim3A_49 : vector<8x128xi1>, vector<8x128xf32>
      %add3A_478 = arith.addf %add3A_476, %select_n3A_477 : vector<8x128xf32>
      %eq3A_479 = arith.constant 5 : i32
      %eq3A_480 = vector.broadcast %eq3A_479 : i32 to vector<8x128xi32>
      %eq3A_481 = arith.cmpi eq, %convert_element_type3A_394, %eq3A_480 : vector<8x128xi32>
      %and3A_482 = arith.andi %eq3A_481, %eq3A_16 : vector<8x128xi1>
      %eq3A_483 = arith.constant 5 : i32
      %eq3A_484 = vector.broadcast %eq3A_483 : i32 to vector<8x128xi32>
      %eq3A_485 = arith.cmpi eq, %convert_element_type3A_398, %eq3A_484 : vector<8x128xi32>
      %and3A_486 = arith.andi %eq3A_485, %eq3A_16 : vector<8x128xi1>
      %select_n3A_487 = arith.select %and3A_482, %add3A_356, %broadcast_in_dim3A_49 : vector<8x128xi1>, vector<8x128xf32>
      %add3A_488 = arith.addf %scan3A_314, %select_n3A_487 : vector<8x128xf32>
      %select_n3A_489 = arith.select %and3A_486, %add3A_372, %broadcast_in_dim3A_49 : vector<8x128xi1>, vector<8x128xf32>
      %add3A_490 = arith.addf %add3A_488, %select_n3A_489 : vector<8x128xf32>
      %select_n3A_491 = arith.select %and3A_482, %div3A_380, %broadcast_in_dim3A_49 : vector<8x128xi1>, vector<8x128xf32>
      %add3A_492 = arith.addf %scan3A_315, %select_n3A_491 : vector<8x128xf32>
      %select_n3A_493 = arith.select %and3A_486, %div3A_390, %broadcast_in_dim3A_49 : vector<8x128xi1>, vector<8x128xf32>
      %add3A_494 = arith.addf %add3A_492, %select_n3A_493 : vector<8x128xf32>
      %eq3A_495 = arith.constant 6 : i32
      %eq3A_496 = vector.broadcast %eq3A_495 : i32 to vector<8x128xi32>
      %eq3A_497 = arith.cmpi eq, %convert_element_type3A_394, %eq3A_496 : vector<8x128xi32>
      %and3A_498 = arith.andi %eq3A_497, %eq3A_16 : vector<8x128xi1>
      %eq3A_499 = arith.constant 6 : i32
      %eq3A_500 = vector.broadcast %eq3A_499 : i32 to vector<8x128xi32>
      %eq3A_501 = arith.cmpi eq, %convert_element_type3A_398, %eq3A_500 : vector<8x128xi32>
      %and3A_502 = arith.andi %eq3A_501, %eq3A_16 : vector<8x128xi1>
      %select_n3A_503 = arith.select %and3A_498, %add3A_356, %broadcast_in_dim3A_49 : vector<8x128xi1>, vector<8x128xf32>
      %add3A_504 = arith.addf %scan3A_316, %select_n3A_503 : vector<8x128xf32>
      %select_n3A_505 = arith.select %and3A_502, %add3A_372, %broadcast_in_dim3A_49 : vector<8x128xi1>, vector<8x128xf32>
      %add3A_506 = arith.addf %add3A_504, %select_n3A_505 : vector<8x128xf32>
      %select_n3A_507 = arith.select %and3A_498, %div3A_380, %broadcast_in_dim3A_49 : vector<8x128xi1>, vector<8x128xf32>
      %add3A_508 = arith.addf %scan3A_317, %select_n3A_507 : vector<8x128xf32>
      %select_n3A_509 = arith.select %and3A_502, %div3A_390, %broadcast_in_dim3A_49 : vector<8x128xi1>, vector<8x128xf32>
      %add3A_510 = arith.addf %add3A_508, %select_n3A_509 : vector<8x128xf32>
      %eq3A_511 = arith.constant 7 : i32
      %eq3A_512 = vector.broadcast %eq3A_511 : i32 to vector<8x128xi32>
      %eq3A_513 = arith.cmpi eq, %convert_element_type3A_394, %eq3A_512 : vector<8x128xi32>
      %and3A_514 = arith.andi %eq3A_513, %eq3A_16 : vector<8x128xi1>
      %eq3A_515 = arith.constant 7 : i32
      %eq3A_516 = vector.broadcast %eq3A_515 : i32 to vector<8x128xi32>
      %eq3A_517 = arith.cmpi eq, %convert_element_type3A_398, %eq3A_516 : vector<8x128xi32>
      %and3A_518 = arith.andi %eq3A_517, %eq3A_16 : vector<8x128xi1>
      %select_n3A_519 = arith.select %and3A_514, %add3A_356, %broadcast_in_dim3A_49 : vector<8x128xi1>, vector<8x128xf32>
      %add3A_520 = arith.addf %scan3A_318, %select_n3A_519 : vector<8x128xf32>
      %select_n3A_521 = arith.select %and3A_518, %add3A_372, %broadcast_in_dim3A_49 : vector<8x128xi1>, vector<8x128xf32>
      %add3A_522 = arith.addf %add3A_520, %select_n3A_521 : vector<8x128xf32>
      %select_n3A_523 = arith.select %and3A_514, %div3A_380, %broadcast_in_dim3A_49 : vector<8x128xi1>, vector<8x128xf32>
      %add3A_524 = arith.addf %scan3A_319, %select_n3A_523 : vector<8x128xf32>
      %select_n3A_525 = arith.select %and3A_518, %div3A_390, %broadcast_in_dim3A_49 : vector<8x128xi1>, vector<8x128xf32>
      %add3A_526 = arith.addf %add3A_524, %select_n3A_525 : vector<8x128xf32>
      %eq3A_527 = arith.constant 8 : i32
      %eq3A_528 = vector.broadcast %eq3A_527 : i32 to vector<8x128xi32>
      %eq3A_529 = arith.cmpi eq, %convert_element_type3A_394, %eq3A_528 : vector<8x128xi32>
      %and3A_530 = arith.andi %eq3A_529, %eq3A_16 : vector<8x128xi1>
      %eq3A_531 = arith.constant 8 : i32
      %eq3A_532 = vector.broadcast %eq3A_531 : i32 to vector<8x128xi32>
      %eq3A_533 = arith.cmpi eq, %convert_element_type3A_398, %eq3A_532 : vector<8x128xi32>
      %and3A_534 = arith.andi %eq3A_533, %eq3A_16 : vector<8x128xi1>
      %select_n3A_535 = arith.select %and3A_530, %add3A_356, %broadcast_in_dim3A_49 : vector<8x128xi1>, vector<8x128xf32>
      %add3A_536 = arith.addf %scan3A_320, %select_n3A_535 : vector<8x128xf32>
      %select_n3A_537 = arith.select %and3A_534, %add3A_372, %broadcast_in_dim3A_49 : vector<8x128xi1>, vector<8x128xf32>
      %add3A_538 = arith.addf %add3A_536, %select_n3A_537 : vector<8x128xf32>
      %select_n3A_539 = arith.select %and3A_530, %div3A_380, %broadcast_in_dim3A_49 : vector<8x128xi1>, vector<8x128xf32>
      %add3A_540 = arith.addf %scan3A_321, %select_n3A_539 : vector<8x128xf32>
      %select_n3A_541 = arith.select %and3A_534, %div3A_390, %broadcast_in_dim3A_49 : vector<8x128xi1>, vector<8x128xf32>
      %add3A_542 = arith.addf %add3A_540, %select_n3A_541 : vector<8x128xf32>
      %eq3A_543 = arith.constant 9 : i32
      %eq3A_544 = vector.broadcast %eq3A_543 : i32 to vector<8x128xi32>
      %eq3A_545 = arith.cmpi eq, %convert_element_type3A_394, %eq3A_544 : vector<8x128xi32>
      %and3A_546 = arith.andi %eq3A_545, %eq3A_16 : vector<8x128xi1>
      %eq3A_547 = arith.constant 9 : i32
      %eq3A_548 = vector.broadcast %eq3A_547 : i32 to vector<8x128xi32>
      %eq3A_549 = arith.cmpi eq, %convert_element_type3A_398, %eq3A_548 : vector<8x128xi32>
      %and3A_550 = arith.andi %eq3A_549, %eq3A_16 : vector<8x128xi1>
      %select_n3A_551 = arith.select %and3A_546, %add3A_356, %broadcast_in_dim3A_49 : vector<8x128xi1>, vector<8x128xf32>
      %add3A_552 = arith.addf %scan3A_322, %select_n3A_551 : vector<8x128xf32>
      %select_n3A_553 = arith.select %and3A_550, %add3A_372, %broadcast_in_dim3A_49 : vector<8x128xi1>, vector<8x128xf32>
      %add3A_554 = arith.addf %add3A_552, %select_n3A_553 : vector<8x128xf32>
      %select_n3A_555 = arith.select %and3A_546, %div3A_380, %broadcast_in_dim3A_49 : vector<8x128xi1>, vector<8x128xf32>
      %add3A_556 = arith.addf %scan3A_323, %select_n3A_555 : vector<8x128xf32>
      %select_n3A_557 = arith.select %and3A_550, %div3A_390, %broadcast_in_dim3A_49 : vector<8x128xi1>, vector<8x128xf32>
      %add3A_558 = arith.addf %add3A_556, %select_n3A_557 : vector<8x128xf32>
      %eq3A_559 = arith.constant 10 : i32
      %eq3A_560 = vector.broadcast %eq3A_559 : i32 to vector<8x128xi32>
      %eq3A_561 = arith.cmpi eq, %convert_element_type3A_394, %eq3A_560 : vector<8x128xi32>
      %and3A_562 = arith.andi %eq3A_561, %eq3A_16 : vector<8x128xi1>
      %eq3A_563 = arith.constant 10 : i32
      %eq3A_564 = vector.broadcast %eq3A_563 : i32 to vector<8x128xi32>
      %eq3A_565 = arith.cmpi eq, %convert_element_type3A_398, %eq3A_564 : vector<8x128xi32>
      %and3A_566 = arith.andi %eq3A_565, %eq3A_16 : vector<8x128xi1>
      %select_n3A_567 = arith.select %and3A_562, %add3A_356, %broadcast_in_dim3A_49 : vector<8x128xi1>, vector<8x128xf32>
      %add3A_568 = arith.addf %scan3A_324, %select_n3A_567 : vector<8x128xf32>
      %select_n3A_569 = arith.select %and3A_566, %add3A_372, %broadcast_in_dim3A_49 : vector<8x128xi1>, vector<8x128xf32>
      %add3A_570 = arith.addf %add3A_568, %select_n3A_569 : vector<8x128xf32>
      %select_n3A_571 = arith.select %and3A_562, %div3A_380, %broadcast_in_dim3A_49 : vector<8x128xi1>, vector<8x128xf32>
      %add3A_572 = arith.addf %scan3A_325, %select_n3A_571 : vector<8x128xf32>
      %select_n3A_573 = arith.select %and3A_566, %div3A_390, %broadcast_in_dim3A_49 : vector<8x128xi1>, vector<8x128xf32>
      %add3A_574 = arith.addf %add3A_572, %select_n3A_573 : vector<8x128xf32>
      scf.yield %add3A_410, %add3A_414, %add3A_426, %add3A_430, %add3A_442, %add3A_446, %add3A_458, %add3A_462, %add3A_474, %add3A_478, %add3A_490, %add3A_494, %add3A_506, %add3A_510, %add3A_522, %add3A_526, %add3A_538, %add3A_542, %add3A_554, %add3A_558, %add3A_570, %add3A_574 : vector<8x128xf32>, vector<8x128xf32>, vector<8x128xf32>, vector<8x128xf32>, vector<8x128xf32>, vector<8x128xf32>, vector<8x128xf32>, vector<8x128xf32>, vector<8x128xf32>, vector<8x128xf32>, vector<8x128xf32>, vector<8x128xf32>, vector<8x128xf32>, vector<8x128xf32>, vector<8x128xf32>, vector<8x128xf32>, vector<8x128xf32>, vector<8x128xf32>, vector<8x128xf32>, vector<8x128xf32>, vector<8x128xf32>, vector<8x128xf32>
    }
    %scan3A_166 = arith.constant 64 : i32
    %swap3A = arith.constant 0 : index
    %swap3A_167 = arith.constant 0 : index
    %swap3A_168 = arith.constant 0 : index
    %swap3A_169 = vector.load %arg4[%swap3A, %swap3A_167, %swap3A_168] : memref<22x8x128xf32, #tpu.memory_space<vmem>>, vector<1x8x128xf32>
    %swap3A_170 = vector.shape_cast %swap3A_169 : vector<1x8x128xf32> to vector<8x128xf32>
    %swap3A_171 = vector.shape_cast %scan3A_165#0 : vector<8x128xf32> to vector<1x8x128xf32>
    tpu.vector_store %arg4[%swap3A, %swap3A_167, %swap3A_168], %swap3A_171 {strides = array<i32>} : memref<22x8x128xf32, #tpu.memory_space<vmem>>, vector<1x8x128xf32>,
    %swap3A_172 = arith.constant 1 : index
    %swap3A_173 = arith.constant 0 : index
    %swap3A_174 = arith.constant 0 : index
    %swap3A_175 = vector.load %arg4[%swap3A_172, %swap3A_173, %swap3A_174] : memref<22x8x128xf32, #tpu.memory_space<vmem>>, vector<1x8x128xf32>
    %swap3A_176 = vector.shape_cast %swap3A_175 : vector<1x8x128xf32> to vector<8x128xf32>
    %swap3A_177 = vector.shape_cast %scan3A_165#1 : vector<8x128xf32> to vector<1x8x128xf32>
    tpu.vector_store %arg4[%swap3A_172, %swap3A_173, %swap3A_174], %swap3A_177 {strides = array<i32>} : memref<22x8x128xf32, #tpu.memory_space<vmem>>, vector<1x8x128xf32>,
    %swap3A_178 = arith.constant 2 : index
    %swap3A_179 = arith.constant 0 : index
    %swap3A_180 = arith.constant 0 : index
    %swap3A_181 = vector.load %arg4[%swap3A_178, %swap3A_179, %swap3A_180] : memref<22x8x128xf32, #tpu.memory_space<vmem>>, vector<1x8x128xf32>
    %swap3A_182 = vector.shape_cast %swap3A_181 : vector<1x8x128xf32> to vector<8x128xf32>
    %swap3A_183 = vector.shape_cast %scan3A_165#2 : vector<8x128xf32> to vector<1x8x128xf32>
    tpu.vector_store %arg4[%swap3A_178, %swap3A_179, %swap3A_180], %swap3A_183 {strides = array<i32>} : memref<22x8x128xf32, #tpu.memory_space<vmem>>, vector<1x8x128xf32>,
    %swap3A_184 = arith.constant 3 : index
    %swap3A_185 = arith.constant 0 : index
    %swap3A_186 = arith.constant 0 : index
    %swap3A_187 = vector.load %arg4[%swap3A_184, %swap3A_185, %swap3A_186] : memref<22x8x128xf32, #tpu.memory_space<vmem>>, vector<1x8x128xf32>
    %swap3A_188 = vector.shape_cast %swap3A_187 : vector<1x8x128xf32> to vector<8x128xf32>
    %swap3A_189 = vector.shape_cast %scan3A_165#3 : vector<8x128xf32> to vector<1x8x128xf32>
    tpu.vector_store %arg4[%swap3A_184, %swap3A_185, %swap3A_186], %swap3A_189 {strides = array<i32>} : memref<22x8x128xf32, #tpu.memory_space<vmem>>, vector<1x8x128xf32>,
    %swap3A_190 = arith.constant 4 : index
    %swap3A_191 = arith.constant 0 : index
    %swap3A_192 = arith.constant 0 : index
    %swap3A_193 = vector.load %arg4[%swap3A_190, %swap3A_191, %swap3A_192] : memref<22x8x128xf32, #tpu.memory_space<vmem>>, vector<1x8x128xf32>
    %swap3A_194 = vector.shape_cast %swap3A_193 : vector<1x8x128xf32> to vector<8x128xf32>
    %swap3A_195 = vector.shape_cast %scan3A_165#4 : vector<8x128xf32> to vector<1x8x128xf32>
    tpu.vector_store %arg4[%swap3A_190, %swap3A_191, %swap3A_192], %swap3A_195 {strides = array<i32>} : memref<22x8x128xf32, #tpu.memory_space<vmem>>, vector<1x8x128xf32>,
    %swap3A_196 = arith.constant 5 : index
    %swap3A_197 = arith.constant 0 : index
    %swap3A_198 = arith.constant 0 : index
    %swap3A_199 = vector.load %arg4[%swap3A_196, %swap3A_197, %swap3A_198] : memref<22x8x128xf32, #tpu.memory_space<vmem>>, vector<1x8x128xf32>
    %swap3A_200 = vector.shape_cast %swap3A_199 : vector<1x8x128xf32> to vector<8x128xf32>
    %swap3A_201 = vector.shape_cast %scan3A_165#5 : vector<8x128xf32> to vector<1x8x128xf32>
    tpu.vector_store %arg4[%swap3A_196, %swap3A_197, %swap3A_198], %swap3A_201 {strides = array<i32>} : memref<22x8x128xf32, #tpu.memory_space<vmem>>, vector<1x8x128xf32>,
    %swap3A_202 = arith.constant 6 : index
    %swap3A_203 = arith.constant 0 : index
    %swap3A_204 = arith.constant 0 : index
    %swap3A_205 = vector.load %arg4[%swap3A_202, %swap3A_203, %swap3A_204] : memref<22x8x128xf32, #tpu.memory_space<vmem>>, vector<1x8x128xf32>
    %swap3A_206 = vector.shape_cast %swap3A_205 : vector<1x8x128xf32> to vector<8x128xf32>
    %swap3A_207 = vector.shape_cast %scan3A_165#6 : vector<8x128xf32> to vector<1x8x128xf32>
    tpu.vector_store %arg4[%swap3A_202, %swap3A_203, %swap3A_204], %swap3A_207 {strides = array<i32>} : memref<22x8x128xf32, #tpu.memory_space<vmem>>, vector<1x8x128xf32>,
    %swap3A_208 = arith.constant 7 : index
    %swap3A_209 = arith.constant 0 : index
    %swap3A_210 = arith.constant 0 : index
    %swap3A_211 = vector.load %arg4[%swap3A_208, %swap3A_209, %swap3A_210] : memref<22x8x128xf32, #tpu.memory_space<vmem>>, vector<1x8x128xf32>
    %swap3A_212 = vector.shape_cast %swap3A_211 : vector<1x8x128xf32> to vector<8x128xf32>
    %swap3A_213 = vector.shape_cast %scan3A_165#7 : vector<8x128xf32> to vector<1x8x128xf32>
    tpu.vector_store %arg4[%swap3A_208, %swap3A_209, %swap3A_210], %swap3A_213 {strides = array<i32>} : memref<22x8x128xf32, #tpu.memory_space<vmem>>, vector<1x8x128xf32>,
    %swap3A_214 = arith.constant 8 : index
    %swap3A_215 = arith.constant 0 : index
    %swap3A_216 = arith.constant 0 : index
    %swap3A_217 = vector.load %arg4[%swap3A_214, %swap3A_215, %swap3A_216] : memref<22x8x128xf32, #tpu.memory_space<vmem>>, vector<1x8x128xf32>
    %swap3A_218 = vector.shape_cast %swap3A_217 : vector<1x8x128xf32> to vector<8x128xf32>
    %swap3A_219 = vector.shape_cast %scan3A_165#8 : vector<8x128xf32> to vector<1x8x128xf32>
    tpu.vector_store %arg4[%swap3A_214, %swap3A_215, %swap3A_216], %swap3A_219 {strides = array<i32>} : memref<22x8x128xf32, #tpu.memory_space<vmem>>, vector<1x8x128xf32>,
    %swap3A_220 = arith.constant 9 : index
    %swap3A_221 = arith.constant 0 : index
    %swap3A_222 = arith.constant 0 : index
    %swap3A_223 = vector.load %arg4[%swap3A_220, %swap3A_221, %swap3A_222] : memref<22x8x128xf32, #tpu.memory_space<vmem>>, vector<1x8x128xf32>
    %swap3A_224 = vector.shape_cast %swap3A_223 : vector<1x8x128xf32> to vector<8x128xf32>
    %swap3A_225 = vector.shape_cast %scan3A_165#9 : vector<8x128xf32> to vector<1x8x128xf32>
    tpu.vector_store %arg4[%swap3A_220, %swap3A_221, %swap3A_222], %swap3A_225 {strides = array<i32>} : memref<22x8x128xf32, #tpu.memory_space<vmem>>, vector<1x8x128xf32>,
    %swap3A_226 = arith.constant 10 : index
    %swap3A_227 = arith.constant 0 : index
    %swap3A_228 = arith.constant 0 : index
    %swap3A_229 = vector.load %arg4[%swap3A_226, %swap3A_227, %swap3A_228] : memref<22x8x128xf32, #tpu.memory_space<vmem>>, vector<1x8x128xf32>
    %swap3A_230 = vector.shape_cast %swap3A_229 : vector<1x8x128xf32> to vector<8x128xf32>
    %swap3A_231 = vector.shape_cast %scan3A_165#10 : vector<8x128xf32> to vector<1x8x128xf32>
    tpu.vector_store %arg4[%swap3A_226, %swap3A_227, %swap3A_228], %swap3A_231 {strides = array<i32>} : memref<22x8x128xf32, #tpu.memory_space<vmem>>, vector<1x8x128xf32>,
    %swap3A_232 = arith.constant 11 : index
    %swap3A_233 = arith.constant 0 : index
    %swap3A_234 = arith.constant 0 : index
    %swap3A_235 = vector.load %arg4[%swap3A_232, %swap3A_233, %swap3A_234] : memref<22x8x128xf32, #tpu.memory_space<vmem>>, vector<1x8x128xf32>
    %swap3A_236 = vector.shape_cast %swap3A_235 : vector<1x8x128xf32> to vector<8x128xf32>
    %swap3A_237 = vector.shape_cast %scan3A_165#11 : vector<8x128xf32> to vector<1x8x128xf32>
    tpu.vector_store %arg4[%swap3A_232, %swap3A_233, %swap3A_234], %swap3A_237 {strides = array<i32>} : memref<22x8x128xf32, #tpu.memory_space<vmem>>, vector<1x8x128xf32>,
    %swap3A_238 = arith.constant 12 : index
    %swap3A_239 = arith.constant 0 : index
    %swap3A_240 = arith.constant 0 : index
    %swap3A_241 = vector.load %arg4[%swap3A_238, %swap3A_239, %swap3A_240] : memref<22x8x128xf32, #tpu.memory_space<vmem>>, vector<1x8x128xf32>
    %swap3A_242 = vector.shape_cast %swap3A_241 : vector<1x8x128xf32> to vector<8x128xf32>
    %swap3A_243 = vector.shape_cast %scan3A_165#12 : vector<8x128xf32> to vector<1x8x128xf32>
    tpu.vector_store %arg4[%swap3A_238, %swap3A_239, %swap3A_240], %swap3A_243 {strides = array<i32>} : memref<22x8x128xf32, #tpu.memory_space<vmem>>, vector<1x8x128xf32>,
    %swap3A_244 = arith.constant 13 : index
    %swap3A_245 = arith.constant 0 : index
    %swap3A_246 = arith.constant 0 : index
    %swap3A_247 = vector.load %arg4[%swap3A_244, %swap3A_245, %swap3A_246] : memref<22x8x128xf32, #tpu.memory_space<vmem>>, vector<1x8x128xf32>
    %swap3A_248 = vector.shape_cast %swap3A_247 : vector<1x8x128xf32> to vector<8x128xf32>
    %swap3A_249 = vector.shape_cast %scan3A_165#13 : vector<8x128xf32> to vector<1x8x128xf32>
    tpu.vector_store %arg4[%swap3A_244, %swap3A_245, %swap3A_246], %swap3A_249 {strides = array<i32>} : memref<22x8x128xf32, #tpu.memory_space<vmem>>, vector<1x8x128xf32>,
    %swap3A_250 = arith.constant 14 : index
    %swap3A_251 = arith.constant 0 : index
    %swap3A_252 = arith.constant 0 : index
    %swap3A_253 = vector.load %arg4[%swap3A_250, %swap3A_251, %swap3A_252] : memref<22x8x128xf32, #tpu.memory_space<vmem>>, vector<1x8x128xf32>
    %swap3A_254 = vector.shape_cast %swap3A_253 : vector<1x8x128xf32> to vector<8x128xf32>
    %swap3A_255 = vector.shape_cast %scan3A_165#14 : vector<8x128xf32> to vector<1x8x128xf32>
    tpu.vector_store %arg4[%swap3A_250, %swap3A_251, %swap3A_252], %swap3A_255 {strides = array<i32>} : memref<22x8x128xf32, #tpu.memory_space<vmem>>, vector<1x8x128xf32>,
    %swap3A_256 = arith.constant 15 : index
    %swap3A_257 = arith.constant 0 : index
    %swap3A_258 = arith.constant 0 : index
    %swap3A_259 = vector.load %arg4[%swap3A_256, %swap3A_257, %swap3A_258] : memref<22x8x128xf32, #tpu.memory_space<vmem>>, vector<1x8x128xf32>
    %swap3A_260 = vector.shape_cast %swap3A_259 : vector<1x8x128xf32> to vector<8x128xf32>
    %swap3A_261 = vector.shape_cast %scan3A_165#15 : vector<8x128xf32> to vector<1x8x128xf32>
    tpu.vector_store %arg4[%swap3A_256, %swap3A_257, %swap3A_258], %swap3A_261 {strides = array<i32>} : memref<22x8x128xf32, #tpu.memory_space<vmem>>, vector<1x8x128xf32>,
    %swap3A_262 = arith.constant 16 : index
    %swap3A_263 = arith.constant 0 : index
    %swap3A_264 = arith.constant 0 : index
    %swap3A_265 = vector.load %arg4[%swap3A_262, %swap3A_263, %swap3A_264] : memref<22x8x128xf32, #tpu.memory_space<vmem>>, vector<1x8x128xf32>
    %swap3A_266 = vector.shape_cast %swap3A_265 : vector<1x8x128xf32> to vector<8x128xf32>
    %swap3A_267 = vector.shape_cast %scan3A_165#16 : vector<8x128xf32> to vector<1x8x128xf32>
    tpu.vector_store %arg4[%swap3A_262, %swap3A_263, %swap3A_264], %swap3A_267 {strides = array<i32>} : memref<22x8x128xf32, #tpu.memory_space<vmem>>, vector<1x8x128xf32>,
    %swap3A_268 = arith.constant 17 : index
    %swap3A_269 = arith.constant 0 : index
    %swap3A_270 = arith.constant 0 : index
    %swap3A_271 = vector.load %arg4[%swap3A_268, %swap3A_269, %swap3A_270] : memref<22x8x128xf32, #tpu.memory_space<vmem>>, vector<1x8x128xf32>
    %swap3A_272 = vector.shape_cast %swap3A_271 : vector<1x8x128xf32> to vector<8x128xf32>
    %swap3A_273 = vector.shape_cast %scan3A_165#17 : vector<8x128xf32> to vector<1x8x128xf32>
    tpu.vector_store %arg4[%swap3A_268, %swap3A_269, %swap3A_270], %swap3A_273 {strides = array<i32>} : memref<22x8x128xf32, #tpu.memory_space<vmem>>, vector<1x8x128xf32>,
    %swap3A_274 = arith.constant 18 : index
    %swap3A_275 = arith.constant 0 : index
    %swap3A_276 = arith.constant 0 : index
    %swap3A_277 = vector.load %arg4[%swap3A_274, %swap3A_275, %swap3A_276] : memref<22x8x128xf32, #tpu.memory_space<vmem>>, vector<1x8x128xf32>
    %swap3A_278 = vector.shape_cast %swap3A_277 : vector<1x8x128xf32> to vector<8x128xf32>
    %swap3A_279 = vector.shape_cast %scan3A_165#18 : vector<8x128xf32> to vector<1x8x128xf32>
    tpu.vector_store %arg4[%swap3A_274, %swap3A_275, %swap3A_276], %swap3A_279 {strides = array<i32>} : memref<22x8x128xf32, #tpu.memory_space<vmem>>, vector<1x8x128xf32>,
    %swap3A_280 = arith.constant 19 : index
    %swap3A_281 = arith.constant 0 : index
    %swap3A_282 = arith.constant 0 : index
    %swap3A_283 = vector.load %arg4[%swap3A_280, %swap3A_281, %swap3A_282] : memref<22x8x128xf32, #tpu.memory_space<vmem>>, vector<1x8x128xf32>
    %swap3A_284 = vector.shape_cast %swap3A_283 : vector<1x8x128xf32> to vector<8x128xf32>
    %swap3A_285 = vector.shape_cast %scan3A_165#19 : vector<8x128xf32> to vector<1x8x128xf32>
    tpu.vector_store %arg4[%swap3A_280, %swap3A_281, %swap3A_282], %swap3A_285 {strides = array<i32>} : memref<22x8x128xf32, #tpu.memory_space<vmem>>, vector<1x8x128xf32>,
    %swap3A_286 = arith.constant 20 : index
    %swap3A_287 = arith.constant 0 : index
    %swap3A_288 = arith.constant 0 : index
    %swap3A_289 = vector.load %arg4[%swap3A_286, %swap3A_287, %swap3A_288] : memref<22x8x128xf32, #tpu.memory_space<vmem>>, vector<1x8x128xf32>
    %swap3A_290 = vector.shape_cast %swap3A_289 : vector<1x8x128xf32> to vector<8x128xf32>
    %swap3A_291 = vector.shape_cast %scan3A_165#20 : vector<8x128xf32> to vector<1x8x128xf32>
    tpu.vector_store %arg4[%swap3A_286, %swap3A_287, %swap3A_288], %swap3A_291 {strides = array<i32>} : memref<22x8x128xf32, #tpu.memory_space<vmem>>, vector<1x8x128xf32>,
    %swap3A_292 = arith.constant 21 : index
    %swap3A_293 = arith.constant 0 : index
    %swap3A_294 = arith.constant 0 : index
    %swap3A_295 = vector.load %arg4[%swap3A_292, %swap3A_293, %swap3A_294] : memref<22x8x128xf32, #tpu.memory_space<vmem>>, vector<1x8x128xf32>
    %swap3A_296 = vector.shape_cast %swap3A_295 : vector<1x8x128xf32> to vector<8x128xf32>
    %swap3A_297 = vector.shape_cast %scan3A_165#21 : vector<8x128xf32> to vector<1x8x128xf32>
    tpu.vector_store %arg4[%swap3A_292, %swap3A_293, %swap3A_294], %swap3A_297 {strides = array<i32>} : memref<22x8x128xf32, #tpu.memory_space<vmem>>, vector<1x8x128xf32>,
    %eq3A_298 = arith.constant 7 : i32
    %eq3A_299 = arith.cmpi eq, %arg0, %eq3A_298 : i32
    %convert_element_type3A_300 = arith.extui %eq3A_299 : i1 to i32
    %cond3A_301 = arith.constant 0 : i32
    %cond3A_302 = arith.cmpi ne, %convert_element_type3A_300, %cond3A_301 : i32
    scf.if %cond3A_302 {
      %get3A_303 = arith.constant 0 : index
      %get3A_304 = arith.constant 0 : index
      %get3A_305 = arith.constant 0 : index
      %get3A_306 = vector.load %arg4[%get3A_303, %get3A_304, %get3A_305] : memref<22x8x128xf32, #tpu.memory_space<vmem>>, vector<22x8x128xf32>
      %swap3A_307 = arith.constant 0 : index
      %swap3A_308 = arith.constant 0 : index
      %swap3A_309 = arith.constant 0 : index
      %swap3A_310 = vector.load %arg3[%swap3A_307, %swap3A_308, %swap3A_309] : memref<22x8x128xf32, #tpu.memory_space<vmem>>, vector<22x8x128xf32>
      tpu.vector_store %arg3[%swap3A_307, %swap3A_308, %swap3A_309], %get3A_306 {strides = array<i32>} : memref<22x8x128xf32, #tpu.memory_space<vmem>>, vector<22x8x128xf32>,
    } else {
    }
    return
  }
  func.func @transform_0(%arg0: i32) -> (i32, i32) {
    %add3A = arith.constant 24 : i32
    %add3A_0 = arith.addi %add3A, %arg0 : i32
    %c0_i32 = arith.constant 0 : i32
    %c0_i32_1 = arith.constant 0 : i32
    return %add3A_0, %c0_i32 : i32, i32
  }
  func.func @transform_1(%arg0: i32) -> (i32, i32) {
    %add3A = arith.constant 24 : i32
    %add3A_0 = arith.addi %add3A, %arg0 : i32
    %c0_i32 = arith.constant 0 : i32
    %c0_i32_1 = arith.constant 0 : i32
    return %add3A_0, %c0_i32 : i32, i32
  }
  func.func @transform_2(%arg0: i32) -> (i32, i32, i32) {
    %c0_i32 = arith.constant 0 : i32
    %c0_i32_0 = arith.constant 0 : i32
    %c0_i32_1 = arith.constant 0 : i32
    %c0_i32_2 = arith.constant 0 : i32
    return %c0_i32, %c0_i32_0, %c0_i32_1 : i32, i32, i32
  }
}

</mosaic_0001>

<sc_bundles>
// kernel: kernel.4.cloned.1.call-start
scs
__scs_entry_jumppad:
0x0: {  	(pc) =	sbr.rel $0x88, $3  }
0x1: {  	(tag) =	ssettag $0x0;
	lr =	simm.s32 $0x1  }
0x2: {  	[smem:$0x3F9F] =	sst lr;
	_ =	strace $0xD0000000  }
0x3: {  	_ = 	snop  }
0x4: {  	_ = 	snop  }
0x5: {  	_ = 	snop  }
0x6: {  	_ = 	snop  }
0x7: {  	_ = 	snop  }
__scs_overlays_trampoline_lowered:
0x8: {  	[smem:$0x3FAE] =	sst s0  }
0x9: {  	[smem:$0x3FAF] =	sst s1  }
0xa: {  	[smem:$0x3FB0] =	sst s2  }
0xb: {  	[smem:$0x3FB1] =	sst s3  }
0xc: {  	[smem:$0x3FB2] =	sst s4  }
0xd: {  	[smem:$0x3FB3] =	sst s5  }
0xe: {  	[smem:$0x3FB4] =	sst s6  }
0xf: {  	[smem:$0x3FB5] =	sst s7  }
0x10: {  	[smem:$0x3FB6] =	sst s8  }
0x11: {  	[smem:$0x3FB7] =	sst s9;
	s0 =	simm.s32 @!p0 $0x0  }
0x12: {  	s1 =	sld [smem:$0x3F9D];
	s0 =	simm.s32 @p0 $0x1  }
0x13: {  	[smem:$0x3FB8] =	sst s0;
	s0 =	simm.s32 @!p1 $0x0  }
0x14: {  	s2 =	sld [smem:$0x3F9C];
	s0 =	simm.s32 @p1 $0x1  }
0x15: {  	[smem:$0x3FB9] =	sst s0;
	s0 =	simm.s32 @!p2 $0x0  }
0x16: {  	s3 =	sld [smem:$0x3FDB];
	s0 =	simm.s32 @p2 $0x1  }
0x17: {  	s4 =	simm.s32 $0x1BF5;
	[smem:$0x3FBB] =	sst s0  }
0x18: {  	s0 =	sld [smem:$0x3F9E];
	_ =	swait.ge [sflag:s4], $0x0  }
0x19: {  	s7 =	sld [smem:$0x3F9F]  }
0x1a: {  	s8 =	sadd.s32 $0xFFFFE003, lr  }
0x1b: {  	s9 =	sadd.s32 $0xFFFFFEF7, lr;
	s5 =	simm.s32 $0xFFFFFFFF;
	p2 =	slt.u32 s8, $0xFFFFF086  }
0x1c: {  	p1 =	slt.u32 s9, $0xF7A;
	s5 =	simm.s32 @!p2 $0x0  }
0x1d: {  	s5 =	simm.s32 @p1 $0x1;
	p0 =	seq.s32 s7, s2  }
0x1e: {  	s7 =	smul.u32 @!p0 $0xF7A, s2;
	p2 =	seq.s32 @!p0 s5, $0x0  }
0x1f: {  	s9 =	smul.u32 $0xF7A, s1;
	s8 =	simm.s32 @!p0 $0x1BF5;
	p2 =	por !p2, p0  }
0x20: {  	[sflag:s8] =	ssyncset.s32 @!p0 $0xFFFFF086;
	s6 =	sadd.s32 @!p0 s3, s7;
	s7 =	simm.s32 @!p0 $0x108  }
0x21: {  	s3 =	sadd.s32 s3, s9;
	s6 =	sadd.s32 @!p0 $0x88, s6;
	s7 =	simm.s32 @p2 $0x1082  }
0x22: {  	[simem:s7], [sflag:s8] =	dma.local @!p0 [hbm:s6], $0xF7A  }
0x23: {  	s9 =	sor.u32 $0xD0000000, s2;
	s6 =	simm.s32 $0x108;
	_ =	swait.ge @!p0 [sflag:s8], $0x0  }
0x24: {  	s3 =	sadd.s32 $0x88, s3;
	s6 =	simm.s32 @!p1 $0x1082;
	[sflag:s4] =	ssyncset.s32 $0xFFFFF086  }
0x25: {  	[simem:s6], [sflag:s4] =	dma.local [hbm:s3], $0xF7A  }
0x26: {  	[smem:$0x3F9F] =	sst s1;
	(tag) =	ssettag s2;
	_ =	strace s9  }
0x27: {  	s1 =	sld [smem:$0x3FAF]  }
0x28: {  	s2 =	sld [smem:$0x3FB0]  }
0x29: {  	s4 =	sld [smem:$0x3FB2]  }
0x2a: {  	p0 =	seq.s32 s5, $0x0;
	s5 =	sld [smem:$0x3FB3]  }
0x2b: {  	s6 =	sld [smem:$0x3FB4]  }
0x2c: {  	s7 =	sld [smem:$0x3FB5]  }
0x2d: {  	s3 =	simm.s32 $0x108;
	s8 =	sld [smem:$0x3FB6]  }
0x2e: {  	s3 =	simm.s32 @!p0 $0x1082;
	s9 =	sld [smem:$0x3FB7]  }
0x2f: {  	lr =	sadd.s32 s0, s3;
	s0 =	sld [smem:$0x3FAE]  }
0x30: {  	s3 =	sld [smem:$0x3FB1]  }
0x31: {  	[smem:$0x3FBA] =	sst s10  }
0x32: {  	s10 =	sld [smem:$0x3FB8];
	_ =	sdelay $0x3  }
0x33: {  	p0 =	seq.s32 s10, $0x1;
	s10 =	sld [smem:$0x3FBA];
	_ =	sdelay $0x3  }
0x34: {  	[smem:$0x3FBA] =	sst s10  }
0x35: {  	s10 =	sld [smem:$0x3FB9];
	_ =	sdelay $0x3  }
0x36: {  	p1 =	seq.s32 s10, $0x1;
	s10 =	sld [smem:$0x3FBA];
	_ =	sdelay $0x3  }
0x37: {  	[smem:$0x3FBA] =	sst s10  }
0x38: {  	s10 =	sld [smem:$0x3FBB]  }
0x39: {  	_ = 	snop;
	(pc) =	sbr.ind lr, $3  }
0x3a: {  	_ = 	snop  }
0x3b: {  	_ = 	snop  }
0x3c: {  	p2 =	seq.s32 s10, $0x1;
	s10 =	sld [smem:$0x3FBA]  }
0x3d: {  	_ =	shalt  }
0x3e: {  	_ =	shalt  }
0x3f: {  	_ =	shalt  }
0x40: {  	_ =	shalt  }
0x41: {  	_ =	shalt  }
0x42: {  	_ =	shalt  }
0x43: {  	_ =	shalt  }
0x44: {  	_ =	shalt  }
0x45: {  	_ =	shalt  }
0x46: {  	_ =	shalt  }
0x47: {  	_ =	shalt  }
0x48: {  	_ =	shalt  }
0x49: {  	_ =	shalt  }
0x4a: {  	_ =	shalt  }
0x4b: {  	_ =	shalt  }
0x4c: {  	_ =	shalt  }
0x4d: {  	_ =	shalt  }
0x4e: {  	_ =	shalt  }
0x4f: {  	_ =	shalt  }
0x50: {  	_ =	shalt  }
0x51: {  	_ =	shalt  }
0x52: {  	_ =	shalt  }
0x53: {  	_ =	shalt  }
0x54: {  	_ =	shalt  }
0x55: {  	_ =	shalt  }
0x56: {  	_ =	shalt  }
0x57: {  	_ =	shalt  }
0x58: {  	_ =	shalt  }
0x59: {  	_ =	shalt  }
0x5a: {  	_ =	shalt  }
0x5b: {  	_ =	shalt  }
0x5c: {  	_ =	shalt  }
0x5d: {  	_ =	shalt  }
0x5e: {  	_ =	shalt  }
0x5f: {  	_ =	shalt  }
0x60: {  	_ =	shalt  }
0x61: {  	_ =	shalt  }
0x62: {  	_ =	shalt  }
0x63: {  	_ =	shalt  }
0x64: {  	_ =	shalt  }
0x65: {  	_ =	shalt  }
0x66: {  	_ =	shalt  }
0x67: {  	_ =	shalt  }
0x68: {  	_ =	shalt  }
0x69: {  	_ =	shalt  }
0x6a: {  	_ =	shalt  }
0x6b: {  	_ =	shalt  }
0x6c: {  	_ =	shalt  }
0x6d: {  	_ =	shalt  }
0x6e: {  	_ =	shalt  }
0x6f: {  	_ =	shalt  }
0x70: {  	_ =	shalt  }
0x71: {  	_ =	shalt  }
0x72: {  	_ =	shalt  }
0x73: {  	_ =	shalt  }
0x74: {  	_ =	shalt  }
0x75: {  	_ =	shalt  }
0x76: {  	_ =	shalt  }
0x77: {  	_ =	shalt  }
0x78: {  	_ =	shalt  }
0x79: {  	_ =	shalt  }
0x7a: {  	_ =	shalt  }
0x7b: {  	_ =	shalt  }
0x7c: {  	_ =	shalt  }
0x7d: {  	_ =	shalt  }
0x7e: {  	_ =	shalt  }
0x7f: {  	_ =	shalt  }
0x80: {  	_ =	shalt  }
0x81: {  	_ =	shalt  }
0x82: {  	_ =	shalt  }
0x83: {  	_ =	shalt  }
0x84: {  	_ =	shalt  }
0x85: {  	_ =	shalt  }
0x86: {  	_ =	shalt  }
0x87: {  	_ =	shalt  }
.Lfunc_end0:
.L_simem_size_0:
called_computation_lowered:
.L_overlay_start_0:
0x88: {  	s2 =	sld [smem:$0x3FD9]  }
0x89: {  	s3 =	sld [smem:$0x3FFE];
	_ =	sdelay $0x1  }
0x8a: {  	s1 =	srdreg.scid  }
0x8b: {  	s0 =	sand.u32 $0x1, s1  }
0x8c: {  	s17 =	sshll.u32 s0, $0xA;
	s2 =	sadd.s32 s3, s2  }
0x8d: {  	s2 =	sadd.s32 s2, s17  }
0x8e: {  	[smem:$0x3FC6] =	sst s2  }
0x8f: {  	_ = 	snop  }
0x90: {  	s2 =	sld [smem:$0x3FC9]  }
0x91: {  	s18 =	sld [smem:$0x3FC8];
	(tm) =	ssettm $0x1  }
0x92: {  	s4 =	sld [smem:$0x3FFB];
	_ =	sdelay $0x3  }
0x93: {  	_ =	strace s4  }
0x94: {  	s4 =	sld [smem:$0x3FFC];
	_ =	sdelay $0x3  }
0x95: {  	_ =	strace s4  }
0x96: {  	s4 =	sld [smem:$0x3FFD];
	_ =	sdelay $0x3  }
0x97: {  	_ =	strace s4  }
0x98: {  	_ =	strace $0x8FFFFFFF  }
0x99: {  	s19 =	sld [smem:$0x3FDB];
	_ =	sdelay $0x1  }
0x9a: {  	s5 =	simm.s32 $_scs_section_size  }
0x9b: {  	s6 =	simm.s32 $_size__tile_overlayer_lowered;
	s7 =	simm.s32 $_tile_overlayer_lowered  }
0x9c: {  	s22 =	simm.s32 $0x1BFF;
	s21 =	sshll.u32 s7, $0x1;
	s4 =	sadd.s32 s5, s19  }
0x9d: {  	s8 =	simm.s32 $0x0;
	s20 =	sshll.u32 s6, $0x1;
	s6 =	sadd.s32 s21, s4  }
0x9e: {  	[timem:s8], [sflag:s22] =	dma.local [hbm:s6], s20  }
0x9f: {  	_ =	swait.ge [sflag:s22], s20  }
0xa0: {  	s5 =	ssub.s32 $0x0, s20;
	[sflag:s22] =	ssyncset.done $0x0  }
0xa1: {  	[sflag:s22] =	ssyncadd.s32 s5;
	_ =	sdelay $0x1  }
0xa2: {  	s23 =	simm.s32 $0x1B8B  }
0xa3: {  	_ =	swait.ge [sflag:s23], $0x1  }
0xa4: {  	[sflag:s23] =	ssyncset.done $0x0  }
0xa5: {  	s25 =	simm.s32 $0x1B8E;
	s24 =	sld [smem:$0x3FFE];
	[sflag:s23] =	ssyncadd.s32 $0xFFFFFFFF  }
0xa6: {  	s26 =	simm.s32 $execute0_lowered;
	[smem:$0x3FD2] =	sst s25  }
0xa7: {  	s6 =	sshll.u32 s26, $0x1;
	_ =	strace $0x80000046;
	[dreg:$0x1] =	wrdreg $0xFFFFFFFF  }
0xa8: {  	s28 =	simm.s32 $_size_execute0_lowered;
	s4 =	sadd.s32 s4, s6;
	[dreg:$0x0] =	wrdreg $0x0  }
0xa9: {  	s6 =	sshll.u32 s28, $0x1;
	[dreg:$0x2] =	wrdreg s4  }
0xaa: {  	[dreg:$0x3] =	wrdreg s6  }
0xab: {  	[dreg:$0x4] =	wrdreg $0xC0  }
0xac: {  	_ =	task [dreg:s8], $0x5FFFF  }
0xad: {  	[dreg:$0x1] =	wrdreg $0xFFFFFFFF  }
0xae: {  	[dreg:$0x0] =	wrdreg $0x60  }
0xaf: {  	[dreg:$0x2] =	wrdreg s2  }
0xb0: {  	[dreg:$0x3] =	wrdreg s18  }
0xb1: {  	[dreg:$0x4] =	wrdreg s24  }
0xb2: {  	[dreg:$0x5] =	wrdreg $0x9  }
0xb3: {  	_ =	task.clear_ibuf [dreg:s8], $0x6FFFF;
	_ =	strace $0x90000046  }
0xb4: {  	s29 =	simm.s32 $0x9;
	_ =	strace $0x80000048  }
0xb5: {  	_ =	swait.ge [sflag:s29], $0x1  }
0xb6: {  	[sflag:s29] =	ssyncadd.s32 $0xFFFFFFFF  }
0xb7: {  	_ =	strace $0x90000048  }
0xb8: {  	_ =	sfence  }
0xb9: {  	s30 =	sld [smem:$0x0];
	_ =	sdelay $0x2  }
0xba: {  	s31 =	sshll.u32 s1, $0xD;
	s1 =	sshrl.u32 s1, $0x2  }
0xbb: {  	s3 =	sand.u32 $0x4000, s31;
	s1 =	sadd.s32 s1, s30  }
0xbc: {  	s0 =	sor.u32 s3, s0;
	s1 =	sshll.u32 s1, $0x11  }
0xbd: {  	s0 =	sor.u32 s1, s0  }
0xbe: {  	s0 =	sadd.s32 $0x8F2B, s0  }
0xbf: {  	[sflag:s0] =	ssyncadd.remote.s32 $0x1  }
0xc0: {  	_ =	sfence.sel $0xFFFF  }
0xc1: {  	[dreg:$0x0] =	wrdreg $0xFFFFFFFF;
	(pc) =	sbr.abs _section_cstart, $3  }
0xc2: {  	[dreg:$0x1] =	wrdreg $0xFFFFFFFF  }
0xc3: {  	_ =	task.clear_ibuf [dreg:s8], $0x2FFFF;
	_ =	strace $0x9FFFFFFF  }
0xc4: {  	(tm) =	ssettm $0x7FFFFFFF  }
0xc5: {  	_ =	shalt  }
tec
execute0_lowered:
.L_overlay_start_1:
0x0: {  	(tag) =	ssettag $0x1  }
0x1: {  	s5 =	rddreg [dreg:$0x0];
	s0 =	srdreg.scid  }
0x2: {  	s1 =	stileid.u32;
	s6 =	rddreg [dreg:$0x1]  }
0x3: {  	s2 =	rddreg [dreg:$0x2];
	s9 =	simm.s32 $0x0;
	s29 =	simm.s32 $0xC000  }
0x4: {  	s30 =	simm.s32 $0xC580;
	s10 =	simm.s32 $0xCB00;
	s12 =	simm.s32 $0xC630  }
0x5: {  	s11 =	simm.s32 $0xC160;
	s0 =	sand.u32 $0x1, s0;
	s1 =	sshll.u32 s1, $0x1  }
0x6: {  	s13 =	simm.s32 $0xC6E0;
	s14 =	simm.s32 $0xCC60;
	s1 =	sor.u32 s0, s1  }
0x7: {  	s8 =	simm.s32 $0xC210;
	s31 =	simm.s32 $0xC790;
	s7 =	smul.u32 $0xC000, s1  }
0x8: {  	s17 =	simm.s32 $0xC840;
	s21 =	simm.s32 $0xCDC0;
	s3 =	smul.u32 $0x210, s1  }
0x9: {  	[smem:$0x7FF] =	sst s9;
	s0 =	ssub.s32 $0x2, s0;
	s1 =	smul.u32 $0x3000, s1  }
0xa: {  	s28 =	simm.s32 $0xC8F0;
	_ =	strace $0x80000047;
	s4 =	sshrl.u32 s0, $0x1  }
0xb: {  	s0 =	ssub.s32 s0, s4;
	s1 =	sadd.s32 s5, s1;
	[dreg:$0x4] =	wrdreg s7  }
0xc: {  	s4 =	simm.s32 $0x0;
	s24 =	sadd.s32 $0x4000, s7;
	[dreg:$0x5] =	wrdreg s1  }
0xd: {  	s23 =	sshrl.u32 s7, $0x3;
	s0 =	smax.u32 s0, $0x1;
	[dreg:$0x8] =	wrdreg s24  }
0xe: {  	s3 =	sshrl.u32 s3, $0x3;
	s1 =	sadd.s32 s6, s23;
	[dreg:$0xb] =	wrdreg s0  }
0xf: {  	s5 =	simm.s32 $0xCBB0;
	s2 =	sadd.s32 s2, s3;
	[dreg:$0x7] =	wrdreg s1  }
0x10: {  	s7 =	simm.s32 $0xCD10;
	s25 =	sadd.s32 $0x16, s2;
	[dreg:$0x6] =	wrdreg s2  }
0x11: {  	s6 =	simm.s32 $0xC2C0;
	s26 =	sadd.s32 $0x2C, s2;
	[dreg:$0x9] =	wrdreg s25  }
0x12: {  	v54 =	vimm.f32 $0.0e+00;
	v1 =	vimm.f32 $1.000000000e+00;
	v2 =	vlaneseq.u32;
	s2 =	simm.s32 $0xC0B0;
	[dreg:$0xa] =	wrdreg s26;
	s26 =	simm.s32 $0xC370  }
.LBB2_1:
0x13: {  	[tilespmem:$0xC000] =	vst v54  }
0x14: {  	[tilespmem:$0xC580] =	vst v54  }
0x15: {  	[tilespmem:$0xCB00] =	vst v54  }
0x16: {  	[tilespmem:$0xC010] =	vst v54  }
0x17: {  	[tilespmem:$0xC590] =	vst v54  }
0x18: {  	[tilespmem:$0xCB10] =	vst v54  }
0x19: {  	[tilespmem:$0xC020] =	vst v54  }
0x1a: {  	[tilespmem:$0xC5A0] =	vst v54  }
0x1b: {  	[tilespmem:$0xCB20] =	vst v54  }
0x1c: {  	[tilespmem:$0xC030] =	vst v54  }
0x1d: {  	[tilespmem:$0xC5B0] =	vst v54  }
0x1e: {  	[tilespmem:$0xCB30] =	vst v54  }
0x1f: {  	[tilespmem:$0xC040] =	vst v54  }
0x20: {  	[tilespmem:$0xC5C0] =	vst v54  }
0x21: {  	[tilespmem:$0xCB40] =	vst v54  }
0x22: {  	[tilespmem:$0xC050] =	vst v54  }
0x23: {  	[tilespmem:$0xC5D0] =	vst v54  }
0x24: {  	[tilespmem:$0xCB50] =	vst v54  }
0x25: {  	[tilespmem:$0xC060] =	vst v54  }
0x26: {  	[tilespmem:$0xC5E0] =	vst v54  }
0x27: {  	[tilespmem:$0xCB60] =	vst v54  }
0x28: {  	[tilespmem:$0xC070] =	vst v54  }
0x29: {  	[tilespmem:$0xC5F0] =	vst v54  }
0x2a: {  	[tilespmem:$0xCB70] =	vst v54  }
0x2b: {  	[tilespmem:$0xC080] =	vst v54  }
0x2c: {  	[tilespmem:$0xC600] =	vst v54  }
0x2d: {  	[tilespmem:$0xCB80] =	vst v54  }
0x2e: {  	[tilespmem:$0xC090] =	vst v54  }
0x2f: {  	[tilespmem:$0xC610] =	vst v54  }
0x30: {  	[tilespmem:$0xCB90] =	vst v54  }
0x31: {  	[tilespmem:$0xC0A0] =	vst v54  }
0x32: {  	[tilespmem:$0xC620] =	vst v54  }
0x33: {  	[tilespmem:$0xCBA0] =	vst v54  }
0x34: {  	[tilespmem:$0xC0B0] =	vst v54  }
0x35: {  	[tilespmem:$0xC630] =	vst v54  }
0x36: {  	[tilespmem:$0xCBB0] =	vst v54  }
0x37: {  	[tilespmem:$0xC0C0] =	vst v54  }
0x38: {  	[tilespmem:$0xC640] =	vst v54  }
0x39: {  	[tilespmem:$0xCBC0] =	vst v54  }
0x3a: {  	[tilespmem:$0xC0D0] =	vst v54  }
0x3b: {  	[tilespmem:$0xC650] =	vst v54  }
0x3c: {  	[tilespmem:$0xCBD0] =	vst v54  }
0x3d: {  	[tilespmem:$0xC0E0] =	vst v54  }
0x3e: {  	[tilespmem:$0xC660] =	vst v54  }
0x3f: {  	[tilespmem:$0xCBE0] =	vst v54  }
0x40: {  	[tilespmem:$0xC0F0] =	vst v54  }
0x41: {  	[tilespmem:$0xC670] =	vst v54  }
0x42: {  	[tilespmem:$0xCBF0] =	vst v54  }
0x43: {  	[tilespmem:$0xC100] =	vst v54  }
0x44: {  	[tilespmem:$0xC680] =	vst v54  }
0x45: {  	[tilespmem:$0xCC00] =	vst v54  }
0x46: {  	[tilespmem:$0xC110] =	vst v54  }
0x47: {  	[tilespmem:$0xC690] =	vst v54  }
0x48: {  	[tilespmem:$0xCC10] =	vst v54  }
0x49: {  	[tilespmem:$0xC120] =	vst v54  }
0x4a: {  	[tilespmem:$0xC6A0] =	vst v54  }
0x4b: {  	[tilespmem:$0xCC20] =	vst v54  }
0x4c: {  	[tilespmem:$0xC130] =	vst v54  }
0x4d: {  	[tilespmem:$0xC6B0] =	vst v54  }
0x4e: {  	[tilespmem:$0xCC30] =	vst v54  }
0x4f: {  	[tilespmem:$0xC140] =	vst v54  }
0x50: {  	[tilespmem:$0xC6C0] =	vst v54  }
0x51: {  	[tilespmem:$0xCC40] =	vst v54  }
0x52: {  	[tilespmem:$0xC150] =	vst v54  }
0x53: {  	[tilespmem:$0xC6D0] =	vst v54  }
0x54: {  	[tilespmem:$0xCC50] =	vst v54  }
0x55: {  	[tilespmem:$0xC160] =	vst v54  }
0x56: {  	[tilespmem:$0xC6E0] =	vst v54  }
0x57: {  	[tilespmem:$0xCC60] =	vst v54  }
0x58: {  	[tilespmem:$0xC170] =	vst v54  }
0x59: {  	[tilespmem:$0xC6F0] =	vst v54  }
0x5a: {  	[tilespmem:$0xCC70] =	vst v54  }
0x5b: {  	[tilespmem:$0xC180] =	vst v54  }
0x5c: {  	[tilespmem:$0xC700] =	vst v54  }
0x5d: {  	[tilespmem:$0xCC80] =	vst v54  }
0x5e: {  	[tilespmem:$0xC190] =	vst v54  }
0x5f: {  	[tilespmem:$0xC710] =	vst v54  }
0x60: {  	[tilespmem:$0xCC90] =	vst v54  }
0x61: {  	[tilespmem:$0xC1A0] =	vst v54  }
0x62: {  	[tilespmem:$0xC720] =	vst v54  }
0x63: {  	[tilespmem:$0xCCA0] =	vst v54  }
0x64: {  	[tilespmem:$0xC1B0] =	vst v54  }
0x65: {  	[tilespmem:$0xC730] =	vst v54  }
0x66: {  	[tilespmem:$0xCCB0] =	vst v54  }
0x67: {  	[tilespmem:$0xC1C0] =	vst v54  }
0x68: {  	[tilespmem:$0xC740] =	vst v54  }
0x69: {  	[tilespmem:$0xCCC0] =	vst v54  }
0x6a: {  	[tilespmem:$0xC1D0] =	vst v54  }
0x6b: {  	[tilespmem:$0xC750] =	vst v54  }
0x6c: {  	[tilespmem:$0xCCD0] =	vst v54  }
0x6d: {  	[tilespmem:$0xC1E0] =	vst v54  }
0x6e: {  	[tilespmem:$0xC760] =	vst v54  }
0x6f: {  	[tilespmem:$0xCCE0] =	vst v54  }
0x70: {  	[tilespmem:$0xC1F0] =	vst v54  }
0x71: {  	[tilespmem:$0xC770] =	vst v54  }
0x72: {  	[tilespmem:$0xCCF0] =	vst v54  }
0x73: {  	[tilespmem:$0xC200] =	vst v54  }
0x74: {  	[tilespmem:$0xC780] =	vst v54  }
0x75: {  	[tilespmem:$0xCD00] =	vst v54  }
0x76: {  	[tilespmem:$0xC210] =	vst v54  }
0x77: {  	[tilespmem:$0xC790] =	vst v54  }
0x78: {  	[tilespmem:$0xCD10] =	vst v54  }
0x79: {  	[tilespmem:$0xC220] =	vst v54  }
0x7a: {  	[tilespmem:$0xC7A0] =	vst v54  }
0x7b: {  	[tilespmem:$0xCD20] =	vst v54  }
0x7c: {  	[tilespmem:$0xC230] =	vst v54  }
0x7d: {  	[tilespmem:$0xC7B0] =	vst v54  }
0x7e: {  	[tilespmem:$0xCD30] =	vst v54  }
0x7f: {  	[tilespmem:$0xC240] =	vst v54  }
0x80: {  	[tilespmem:$0xC7C0] =	vst v54  }
0x81: {  	[tilespmem:$0xCD40] =	vst v54  }
0x82: {  	[tilespmem:$0xC250] =	vst v54  }
0x83: {  	[tilespmem:$0xC7D0] =	vst v54  }
0x84: {  	[tilespmem:$0xCD50] =	vst v54  }
0x85: {  	[tilespmem:$0xC260] =	vst v54  }
0x86: {  	[tilespmem:$0xC7E0] =	vst v54  }
0x87: {  	[tilespmem:$0xCD60] =	vst v54  }
0x88: {  	[tilespmem:$0xC270] =	vst v54  }
0x89: {  	[tilespmem:$0xC7F0] =	vst v54  }
0x8a: {  	[tilespmem:$0xCD70] =	vst v54  }
0x8b: {  	[tilespmem:$0xC280] =	vst v54  }
0x8c: {  	[tilespmem:$0xC800] =	vst v54  }
0x8d: {  	[tilespmem:$0xCD80] =	vst v54  }
0x8e: {  	[tilespmem:$0xC290] =	vst v54  }
0x8f: {  	[tilespmem:$0xC810] =	vst v54  }
0x90: {  	[tilespmem:$0xCD90] =	vst v54  }
0x91: {  	[tilespmem:$0xC2A0] =	vst v54  }
0x92: {  	[tilespmem:$0xC820] =	vst v54  }
0x93: {  	[tilespmem:$0xCDA0] =	vst v54  }
0x94: {  	[tilespmem:$0xC2B0] =	vst v54  }
0x95: {  	[tilespmem:$0xC830] =	vst v54  }
0x96: {  	[tilespmem:$0xCDB0] =	vst v54  }
0x97: {  	[tilespmem:$0xC2C0] =	vst v54  }
0x98: {  	[tilespmem:$0xC840] =	vst v54  }
0x99: {  	[tilespmem:$0xCDC0] =	vst v54  }
0x9a: {  	[tilespmem:$0xC2D0] =	vst v54  }
0x9b: {  	[tilespmem:$0xC850] =	vst v54  }
0x9c: {  	[tilespmem:$0xCDD0] =	vst v54  }
0x9d: {  	[tilespmem:$0xC2E0] =	vst v54  }
0x9e: {  	[tilespmem:$0xC860] =	vst v54  }
0x9f: {  	[tilespmem:$0xCDE0] =	vst v54  }
0xa0: {  	[tilespmem:$0xC2F0] =	vst v54  }
0xa1: {  	[tilespmem:$0xC870] =	vst v54  }
0xa2: {  	[tilespmem:$0xCDF0] =	vst v54  }
0xa3: {  	[tilespmem:$0xC300] =	vst v54  }
0xa4: {  	[tilespmem:$0xC880] =	vst v54  }
0xa5: {  	[tilespmem:$0xCE00] =	vst v54  }
0xa6: {  	[tilespmem:$0xC310] =	vst v54  }
0xa7: {  	[tilespmem:$0xC890] =	vst v54  }
0xa8: {  	[tilespmem:$0xCE10] =	vst v54  }
0xa9: {  	[tilespmem:$0xC320] =	vst v54  }
0xaa: {  	[tilespmem:$0xC8A0] =	vst v54  }
0xab: {  	[tilespmem:$0xCE20] =	vst v54  }
0xac: {  	[tilespmem:$0xC330] =	vst v54  }
0xad: {  	[tilespmem:$0xC8B0] =	vst v54  }
0xae: {  	[tilespmem:$0xCE30] =	vst v54  }
0xaf: {  	[tilespmem:$0xC340] =	vst v54  }
0xb0: {  	[tilespmem:$0xC8C0] =	vst v54  }
0xb1: {  	[tilespmem:$0xCE40] =	vst v54  }
0xb2: {  	[tilespmem:$0xC350] =	vst v54  }
0xb3: {  	[tilespmem:$0xC8D0] =	vst v54  }
0xb4: {  	[tilespmem:$0xCE50] =	vst v54  }
0xb5: {  	[tilespmem:$0xC360] =	vst v54  }
0xb6: {  	[tilespmem:$0xC8E0] =	vst v54  }
0xb7: {  	[tilespmem:$0xCE60] =	vst v54  }
0xb8: {  	[tilespmem:$0xC370] =	vst v54  }
0xb9: {  	[tilespmem:$0xC8F0] =	vst v54  }
0xba: {  	[tilespmem:$0xCE70] =	vst v54  }
0xbb: {  	[tilespmem:$0xC380] =	vst v54  }
0xbc: {  	[tilespmem:$0xC900] =	vst v54  }
0xbd: {  	[tilespmem:$0xCE80] =	vst v54  }
0xbe: {  	[tilespmem:$0xC390] =	vst v54  }
0xbf: {  	[tilespmem:$0xC910] =	vst v54  }
0xc0: {  	[tilespmem:$0xCE90] =	vst v54  }
0xc1: {  	[tilespmem:$0xC3A0] =	vst v54  }
0xc2: {  	[tilespmem:$0xC920] =	vst v54  }
0xc3: {  	[tilespmem:$0xCEA0] =	vst v54  }
0xc4: {  	[tilespmem:$0xC3B0] =	vst v54  }
0xc5: {  	[tilespmem:$0xC930] =	vst v54  }
0xc6: {  	[tilespmem:$0xCEB0] =	vst v54  }
0xc7: {  	[tilespmem:$0xC3C0] =	vst v54  }
0xc8: {  	[tilespmem:$0xC940] =	vst v54  }
0xc9: {  	[tilespmem:$0xCEC0] =	vst v54  }
0xca: {  	[tilespmem:$0xC3D0] =	vst v54  }
0xcb: {  	[tilespmem:$0xC950] =	vst v54  }
0xcc: {  	[tilespmem:$0xCED0] =	vst v54  }
0xcd: {  	[tilespmem:$0xC3E0] =	vst v54  }
0xce: {  	[tilespmem:$0xC960] =	vst v54  }
0xcf: {  	[tilespmem:$0xCEE0] =	vst v54  }
0xd0: {  	[tilespmem:$0xC3F0] =	vst v54  }
0xd1: {  	[tilespmem:$0xC970] =	vst v54  }
0xd2: {  	[tilespmem:$0xCEF0] =	vst v54  }
0xd3: {  	[tilespmem:$0xC400] =	vst v54  }
0xd4: {  	[tilespmem:$0xC980] =	vst v54  }
0xd5: {  	[tilespmem:$0xCF00] =	vst v54  }
0xd6: {  	[tilespmem:$0xC410] =	vst v54  }
0xd7: {  	[tilespmem:$0xC990] =	vst v54  }
0xd8: {  	[tilespmem:$0xCF10] =	vst v54  }
0xd9: {  	[tilespmem:$0xC420] =	vst v54  }
0xda: {  	[tilespmem:$0xC9A0] =	vst v54  }
0xdb: {  	[tilespmem:$0xCF20] =	vst v54  }
0xdc: {  	[tilespmem:$0xC430] =	vst v54  }
0xdd: {  	[tilespmem:$0xC9B0] =	vst v54  }
0xde: {  	[tilespmem:$0xCF30] =	vst v54  }
0xdf: {  	[tilespmem:$0xC440] =	vst v54  }
0xe0: {  	[tilespmem:$0xC9C0] =	vst v54  }
0xe1: {  	[tilespmem:$0xCF40] =	vst v54  }
0xe2: {  	[tilespmem:$0xC450] =	vst v54  }
0xe3: {  	[tilespmem:$0xC9D0] =	vst v54  }
0xe4: {  	[tilespmem:$0xCF50] =	vst v54  }
0xe5: {  	[tilespmem:$0xC460] =	vst v54  }
0xe6: {  	[tilespmem:$0xC9E0] =	vst v54  }
0xe7: {  	[tilespmem:$0xCF60] =	vst v54  }
0xe8: {  	[tilespmem:$0xC470] =	vst v54  }
0xe9: {  	[tilespmem:$0xC9F0] =	vst v54  }
0xea: {  	[tilespmem:$0xCF70] =	vst v54  }
0xeb: {  	[tilespmem:$0xC480] =	vst v54  }
0xec: {  	[tilespmem:$0xCA00] =	vst v54  }
0xed: {  	[tilespmem:$0xCF80] =	vst v54  }
0xee: {  	[tilespmem:$0xC490] =	vst v54  }
0xef: {  	[tilespmem:$0xCA10] =	vst v54  }
0xf0: {  	[tilespmem:$0xCF90] =	vst v54  }
0xf1: {  	[tilespmem:$0xC4A0] =	vst v54  }
0xf2: {  	[tilespmem:$0xCA20] =	vst v54  }
0xf3: {  	[tilespmem:$0xCFA0] =	vst v54  }
0xf4: {  	[tilespmem:$0xC4B0] =	vst v54  }
0xf5: {  	[tilespmem:$0xCA30] =	vst v54  }
0xf6: {  	[tilespmem:$0xCFB0] =	vst v54  }
0xf7: {  	[tilespmem:$0xC4C0] =	vst v54  }
0xf8: {  	[tilespmem:$0xCA40] =	vst v54  }
0xf9: {  	[tilespmem:$0xCFC0] =	vst v54  }
0xfa: {  	[tilespmem:$0xC4D0] =	vst v54  }
0xfb: {  	[tilespmem:$0xCA50] =	vst v54  }
0xfc: {  	[tilespmem:$0xCFD0] =	vst v54  }
0xfd: {  	[tilespmem:$0xC4E0] =	vst v54  }
0xfe: {  	[tilespmem:$0xCA60] =	vst v54  }
0xff: {  	[tilespmem:$0xCFE0] =	vst v54  }
0x100: {  	[tilespmem:$0xC4F0] =	vst v54  }
0x101: {  	[tilespmem:$0xCA70] =	vst v54  }
0x102: {  	[tilespmem:$0xCFF0] =	vst v54  }
0x103: {  	[tilespmem:$0xC500] =	vst v54  }
0x104: {  	[tilespmem:$0xCA80] =	vst v54  }
0x105: {  	[tilespmem:$0xD000] =	vst v54  }
0x106: {  	[tilespmem:$0xC510] =	vst v54  }
0x107: {  	[tilespmem:$0xCA90] =	vst v54  }
0x108: {  	[tilespmem:$0xD010] =	vst v54  }
0x109: {  	[tilespmem:$0xC520] =	vst v54  }
0x10a: {  	[tilespmem:$0xCAA0] =	vst v54  }
0x10b: {  	[tilespmem:$0xD020] =	vst v54  }
0x10c: {  	[tilespmem:$0xC530] =	vst v54  }
0x10d: {  	[tilespmem:$0xCAB0] =	vst v54  }
0x10e: {  	[tilespmem:$0xD030] =	vst v54  }
0x10f: {  	[tilespmem:$0xC540] =	vst v54  }
0x110: {  	[tilespmem:$0xCAC0] =	vst v54  }
0x111: {  	[tilespmem:$0xC570] =	vst v54  }
0x112: {  	[tilespmem:$0xD070] =	vst v54  }
0x113: {  	[tilespmem:$0xC550] =	vst v54  }
0x114: {  	[tilespmem:$0xCAD0] =	vst v54  }
0x115: {  	[tilespmem:$0xD050] =	vst v54  }
0x116: {  	[tilespmem:$0xC560] =	vst v54  }
0x117: {  	[tilespmem:$0xCAE0] =	vst v54  }
0x118: {  	[tilespmem:$0xD060] =	vst v54  }
0x119: {  	[dreg:$0xc] =	wrdreg s4;
	[tilespmem:$0xCAF0] =	vst v54  }
0x11a: {  	[tilespmem:$0xD040] =	vst v54;
	s1 =	rddreg [dreg:$0x5]  }
0x11b: {  	[tilespmem:s9], [sflag:$0x1] =	stream.linear.gather [hbm4b:s1+s9], $0x4000, $0x38;
	[tilespmem:$0xD080] =	vst v63  }
0x11c: {  	s25 =	rddreg [dreg:$0x7];
	s3 =	simm.s32 $0x8000;
	s1 =	simm.s32 $0x0  }
0x11d: {  	[tilespmem:s3], [sflag:$0x1] =	stream.linear.gather [hbm4b:s25+s9], $0x2000, $0x38;
	[tilespmem:$0xD080] =	vst v63  }
.LBB2_2:
0x11e: {  	s4 =	simm.s32 $0x1  }
0x11f: {  	_ =	swait.ge [sflag:s4], $0x4000  }
0x120: {  	s0 =	sshll.u32 s1, $0xE;
	[dreg:$0xd] =	wrdreg s1;
	[sflag:s4] =	ssyncset.done $0x0  }
0x121: {  	[dreg:$0xe] =	wrdreg s0;
	[sflag:s4] =	ssyncadd.s32 $0xFFFFC000  }
0x122: {  	s24 =	rddreg [dreg:$0x4];
	_ =	swait.ge [sflag:s4], $0x2000  }
0x123: {  	s1 =	sadd.s32 s0, s24;
	[sflag:s4] =	ssyncset.done $0x0  }
0x124: {  	s25 =	simm.s32 $0x0;
	s1 =	sadd.s32 $0x2000, s1;
	[sflag:s4] =	ssyncadd.s32 $0xFFFFE000  }
0x125: {  	s9 =	simm.s32 $0x4000;
	s3 =	sshrl.u32 s1, $0x2;
	s4 =	rddreg [dreg:$0x0]  }
0x126: {  	s1 =	sshrl.u32 s1, $0x3;
	s0 =	rddreg [dreg:$0x1];
	s3 =	sadd.s32 s4, s3  }
0x127: {  	[tilespmem:s9], [sflag:$0x2] =	stream.linear.gather [hbm4b:s3+s25], $0x4000, $0x38;
	[tilespmem:$0xD080] =	vst v63  }
0x128: {  	s24 =	simm.s32 $0x80;
	s1 =	sadd.s32 s0, s1;
	s9 =	simm.s32 $0xA000  }
0x129: {  	[tilespmem:s9], [sflag:$0x2] =	stream.linear.gather [hbm4b:s1+s25], $0x2000, $0x38;
	[tilespmem:$0xD080] =	vst v63  }
0x12a: {  	v3 =	vld [tilespmem:s24+$0xFFFFFF80]  }
0x12b: {  	v4 =	vld [tilespmem:s24+$0x0];
	_ =	sdelay $0x4  }
0x12c: {  	v3 =	vsub.f32 v3, v4;
	_ =	sdelay $0x1  }
0x12d: {  	v3 =	vmul.f32 $1.442695020e+00, v3;
	_ =	sdelay $0x1  }
0x12e: {  	(erf) = vpow2.f32 v3;
	_ =	sdelay $0x8  }
0x12f: {  	v3 =	vpop (erf)  }
0x130: {  	v3 =	vadd.f32 $1.000000000e+00, v3;
	_ =	sdelay $0x1  }
0x131: {  	(erf) = vrcp.f32 v3;
	_ =	sdelay $0x8  }
0x132: {  	v3 =	vpop (erf)  }
0x133: {  	v4 =	vmul.f32 $1.000000000e+01, v3;
	_ =	sdelay $0x1  }
0x134: {  	v4 =	vtrunc.f32 v4  }
0x135: {  	v4 =	vcvt.f32.s32 v4  }
0x136: {  	s15 =	simm.s32 $0x0  }
0x137: {  	v5 =	vld [tilespmem:s15+$0x8000];
	v4 =	vshll.u32 v4, $0x4  }
0x138: {  	v4 =	vor.u32 v2, v4;
	_ =	sdelay $0x1  }
0x139: {  	s23 =	simm.s32 $0x180  }
0x13a: {  	v6 =	vld [tilespmem:s23+$0xFFFFFF80]  }
0x13b: {  	v7 =	vld [tilespmem:s23+$0x0];
	v5 =	vcvt.s32.f32 v5  }
0x13c: {  	[tilespmem:v4+s29+$0x0] =	vst.idx.add.f32.msk $0xffff, v1  }
0x13d: {  	[tilespmem:v4+s30+$0x0] =	vst.idx.add.f32.msk $0xffff, v5  }
0x13e: {  	[tilespmem:v4+s10+$0x0] =	vst.idx.add.f32.msk $0xffff, v3  }
0x13f: {  	v3 =	vld [tilespmem:s24+$0xFFFFFF90]  }
0x140: {  	v5 =	vsub.f32 v6, v7;
	v4 =	vld [tilespmem:s24+$0x10];
	_ =	sdelay $0x1  }
0x141: {  	v5 =	vmul.f32 $1.442695020e+00, v5;
	_ =	sdelay $0x1  }
0x142: {  	(erf) = vpow2.f32 v5  }
0x143: {  	v3 =	vsub.f32 v3, v4;
	_ =	sdelay $0x1  }
0x144: {  	v3 =	vmul.f32 $1.442695020e+00, v3;
	_ =	sdelay $0x1  }
0x145: {  	(erf) = vpow2.f32 v3;
	_ =	sdelay $0x3  }
0x146: {  	v3 =	vpop (erf)  }
0x147: {  	v3 =	vadd.f32 $1.000000000e+00, v3;
	_ =	sdelay $0x1  }
0x148: {  	(erf) = vrcp.f32 v3;
	_ =	sdelay $0x1  }
0x149: {  	v3 =	vpop (erf)  }
0x14a: {  	v3 =	vadd.f32 $1.000000000e+00, v3;
	_ =	sdelay $0x1  }
0x14b: {  	(erf) = vrcp.f32 v3;
	_ =	sdelay $0x3  }
0x14c: {  	v3 =	vpop (erf)  }
0x14d: {  	v4 =	vmul.f32 $1.000000000e+01, v3;
	_ =	sdelay $0x1  }
0x14e: {  	v4 =	vtrunc.f32 v4  }
0x14f: {  	v4 =	vcvt.f32.s32 v4  }
0x150: {  	s19 =	simm.s32 $0x80;
	v5 =	vpop (erf)  }
0x151: {  	v6 =	vld [tilespmem:s19+$0x8000];
	v4 =	vshll.u32 v4, $0x4;
	v7 =	vmul.f32 $1.000000000e+01, v5  }
0x152: {  	v4 =	vor.u32 v2, v4  }
0x153: {  	s20 =	simm.s32 $0x280;
	v7 =	vtrunc.f32 v7  }
0x154: {  	v8 =	vld [tilespmem:s20+$0xFFFFFF80];
	v7 =	vcvt.f32.s32 v7  }
0x155: {  	s16 =	simm.s32 $0x0;
	v9 =	vld [tilespmem:s20+$0x0]  }
0x156: {  	v10 =	vld [tilespmem:s16+$0x8010];
	v6 =	vcvt.s32.f32 v6;
	v7 =	vshll.u32 v7, $0x4  }
0x157: {  	[tilespmem:v4+s29+$0x0] =	vst.idx.add.f32.msk $0xffff, v1;
	v7 =	vor.u32 v2, v7  }
0x158: {  	[tilespmem:v4+s30+$0x0] =	vst.idx.add.f32.msk $0xffff, v6  }
0x159: {  	[tilespmem:v4+s10+$0x0] =	vst.idx.add.f32.msk $0xffff, v3  }
0x15a: {  	v4 =	vsub.f32 v8, v9;
	v3 =	vld [tilespmem:s23+$0xFFFFFF90]  }
0x15b: {  	v8 =	vcvt.s32.f32 v10;
	v6 =	vld [tilespmem:s23+$0x10]  }
0x15c: {  	v4 =	vmul.f32 $1.442695020e+00, v4;
	[tilespmem:v7+s2+$0x0] =	vst.idx.add.f32.msk $0xffff, v1  }
0x15d: {  	[tilespmem:v7+s12+$0x0] =	vst.idx.add.f32.msk $0xffff, v8  }
0x15e: {  	(erf) = vpow2.f32 v4;
	[tilespmem:v7+s5+$0x0] =	vst.idx.add.f32.msk $0xffff, v5  }
0x15f: {  	v4 =	vld [tilespmem:s24+$0xFFFFFFA0]  }
0x160: {  	v3 =	vsub.f32 v3, v6;
	v5 =	vld [tilespmem:s24+$0x20];
	_ =	sdelay $0x1  }
0x161: {  	v3 =	vmul.f32 $1.442695020e+00, v3;
	_ =	sdelay $0x1  }
0x162: {  	(erf) = vpow2.f32 v3  }
0x163: {  	v3 =	vsub.f32 v4, v5;
	_ =	sdelay $0x1  }
0x164: {  	v4 =	vpop (erf);
	v3 =	vmul.f32 $1.442695020e+00, v3  }
0x165: {  	v4 =	vadd.f32 $1.000000000e+00, v4  }
0x166: {  	(erf) = vpow2.f32 v3  }
0x167: {  	(erf) = vrcp.f32 v4;
	_ =	sdelay $0x2  }
0x168: {  	v3 =	vpop (erf)  }
0x169: {  	v3 =	vadd.f32 $1.000000000e+00, v3;
	_ =	sdelay $0x1  }
0x16a: {  	(erf) = vrcp.f32 v3;
	_ =	sdelay $0x1  }
0x16b: {  	v3 =	vpop (erf)  }
0x16c: {  	v4 =	vpop (erf)  }
0x16d: {  	v3 =	vadd.f32 $1.000000000e+00, v3;
	v5 =	vmul.f32 $1.000000000e+01, v4;
	_ =	sdelay $0x1  }
0x16e: {  	(erf) = vrcp.f32 v3;
	v3 =	vtrunc.f32 v5  }
0x16f: {  	v3 =	vcvt.f32.s32 v3  }
0x170: {  	s15 =	simm.s32 $0x100  }
0x171: {  	v5 =	vld [tilespmem:s15+$0x8000];
	v6 =	vpop (erf);
	v3 =	vshll.u32 v3, $0x4  }
0x172: {  	s16 =	simm.s32 $0x380;
	v7 =	vmul.f32 $1.000000000e+01, v6;
	v3 =	vor.u32 v2, v3  }
0x173: {  	v11 =	vld [tilespmem:s16+$0x0]  }
0x174: {  	v9 =	vld [tilespmem:s16+$0xFFFFFF80];
	v7 =	vtrunc.f32 v7  }
0x175: {  	v7 =	vcvt.f32.s32 v7  }
0x176: {  	v8 =	vld [tilespmem:s19+$0x8010];
	v5 =	vcvt.s32.f32 v5  }
0x177: {  	v7 =	vshll.u32 v7, $0x4;
	v10 =	vpop (erf);
	[tilespmem:v3+s29+$0x0] =	vst.idx.add.f32.msk $0xffff, v1  }
0x178: {  	s18 =	simm.s32 $0x0;
	v12 =	vmul.f32 $1.000000000e+01, v10;
	[tilespmem:v3+s30+$0x0] =	vst.idx.add.f32.msk $0xffff, v5;
	v5 =	vor.u32 v2, v7  }
0x179: {  	v9 =	vsub.f32 v9, v11;
	v11 =	vld [tilespmem:s18+$0x8020]  }
0x17a: {  	v7 =	vtrunc.f32 v12;
	[tilespmem:v3+s10+$0x0] =	vst.idx.add.f32.msk $0xffff, v4  }
0x17b: {  	v3 =	vcvt.f32.s32 v7;
	v4 =	vld [tilespmem:s20+$0xFFFFFF90]  }
0x17c: {  	v8 =	vcvt.s32.f32 v8;
	v7 =	vld [tilespmem:s20+$0x10]  }
0x17d: {  	v9 =	vmul.f32 $1.442695020e+00, v9;
	v3 =	vshll.u32 v3, $0x4;
	[tilespmem:v5+s2+$0x0] =	vst.idx.add.f32.msk $0xffff, v1  }
0x17e: {  	v3 =	vor.u32 v2, v3;
	[tilespmem:v5+s12+$0x0] =	vst.idx.add.f32.msk $0xffff, v8  }
0x17f: {  	(erf) = vpow2.f32 v9;
	[tilespmem:v5+s5+$0x0] =	vst.idx.add.f32.msk $0xffff, v6  }
0x180: {  	v5 =	vld [tilespmem:s23+$0xFFFFFFA0]  }
0x181: {  	v4 =	vsub.f32 v4, v7;
	v7 =	vld [tilespmem:s23+$0x20]  }
0x182: {  	v6 =	vcvt.s32.f32 v11  }
0x183: {  	v4 =	vmul.f32 $1.442695020e+00, v4;
	[tilespmem:v3+s11+$0x0] =	vst.idx.add.f32.msk $0xffff, v1  }
0x184: {  	[tilespmem:v3+s13+$0x0] =	vst.idx.add.f32.msk $0xffff, v6  }
0x185: {  	(erf) = vpow2.f32 v4;
	[tilespmem:v3+s14+$0x0] =	vst.idx.add.f32.msk $0xffff, v10  }
0x186: {  	v3 =	vld [tilespmem:s24+$0xFFFFFFB0];
	v4 =	vsub.f32 v5, v7  }
0x187: {  	v5 =	vld [tilespmem:s24+$0x30]  }
0x188: {  	v6 =	vpop (erf);
	v4 =	vmul.f32 $1.442695020e+00, v4  }
0x189: {  	v6 =	vadd.f32 $1.000000000e+00, v6  }
0x18a: {  	(erf) = vpow2.f32 v4  }
0x18b: {  	(erf) = vrcp.f32 v6  }
0x18c: {  	v3 =	vsub.f32 v3, v5;
	_ =	sdelay $0x1  }
0x18d: {  	v3 =	vmul.f32 $1.442695020e+00, v3;
	v4 =	vpop (erf)  }
0x18e: {  	v4 =	vadd.f32 $1.000000000e+00, v4  }
0x18f: {  	(erf) = vpow2.f32 v3  }
0x190: {  	(erf) = vrcp.f32 v4;
	_ =	sdelay $0x1  }
0x191: {  	v3 =	vpop (erf)  }
0x192: {  	v4 =	vpop (erf)  }
0x193: {  	v3 =	vadd.f32 $1.000000000e+00, v3;
	v5 =	vmul.f32 $1.000000000e+01, v4;
	_ =	sdelay $0x1  }
0x194: {  	(erf) = vrcp.f32 v3  }
0x195: {  	v3 =	vtrunc.f32 v5  }
0x196: {  	v3 =	vcvt.f32.s32 v3;
	v5 =	vpop (erf)  }
0x197: {  	s14 =	simm.s32 $0x180;
	v6 =	vpop (erf);
	v5 =	vadd.f32 $1.000000000e+00, v5  }
0x198: {  	v7 =	vld [tilespmem:s14+$0x8000];
	v3 =	vshll.u32 v3, $0x4;
	v8 =	vmul.f32 $1.000000000e+01, v6  }
0x199: {  	s4 =	simm.s32 $0x480;
	v3 =	vor.u32 v2, v3;
	(erf) = vrcp.f32 v5  }
0x19a: {  	v9 =	vld [tilespmem:s4+$0xFFFFFF80];
	v5 =	vtrunc.f32 v8  }
0x19b: {  	v11 =	vld [tilespmem:s15+$0x8010];
	v5 =	vcvt.f32.s32 v5  }
0x19c: {  	v10 =	vld [tilespmem:s4+$0x0]  }
0x19d: {  	v7 =	vcvt.s32.f32 v7;
	v8 =	vld [tilespmem:s19+$0x8020];
	v12 =	vpop (erf);
	v5 =	vshll.u32 v5, $0x4  }
0x19e: {  	[tilespmem:v3+s29+$0x0] =	vst.idx.add.f32.msk $0xffff, v1;
	v13 =	vmul.f32 $1.000000000e+01, v12;
	v5 =	vor.u32 v2, v5  }
0x19f: {  	[tilespmem:v3+s30+$0x0] =	vst.idx.add.f32.msk $0xffff, v7  }
0x1a0: {  	[tilespmem:v3+s10+$0x0] =	vst.idx.add.f32.msk $0xffff, v4;
	v3 =	vtrunc.f32 v13  }
0x1a1: {  	v4 =	vld [tilespmem:s16+$0xFFFFFF90];
	v3 =	vcvt.f32.s32 v3  }
0x1a2: {  	v7 =	vsub.f32 v9, v10;
	v10 =	vcvt.s32.f32 v11;
	v9 =	vld [tilespmem:s16+$0x10];
	v11 =	vpop (erf)  }
0x1a3: {  	v3 =	vshll.u32 v3, $0x4;
	[tilespmem:v5+s2+$0x0] =	vst.idx.add.f32.msk $0xffff, v1;
	v13 =	vmul.f32 $1.000000000e+01, v11  }
0x1a4: {  	v7 =	vmul.f32 $1.442695020e+00, v7;
	v3 =	vor.u32 v2, v3;
	[tilespmem:v5+s12+$0x0] =	vst.idx.add.f32.msk $0xffff, v10  }
0x1a5: {  	[tilespmem:v5+s5+$0x0] =	vst.idx.add.f32.msk $0xffff, v6;
	v5 =	vtrunc.f32 v13  }
0x1a6: {  	(erf) = vpow2.f32 v7;
	v6 =	vld [tilespmem:s20+$0xFFFFFFA0];
	v5 =	vcvt.f32.s32 v5  }
0x1a7: {  	s22 =	simm.s32 $0x0;
	v7 =	vld [tilespmem:s20+$0x20]  }
0x1a8: {  	v8 =	vcvt.s32.f32 v8;
	v4 =	vsub.f32 v4, v9;
	v9 =	vld [tilespmem:s22+$0x8030];
	v5 =	vshll.u32 v5, $0x4  }
0x1a9: {  	[tilespmem:v3+s11+$0x0] =	vst.idx.add.f32.msk $0xffff, v1;
	v5 =	vor.u32 v2, v5  }
0x1aa: {  	s25 =	simm.s32 $0xCC60;
	v4 =	vmul.f32 $1.442695020e+00, v4;
	[tilespmem:v3+s13+$0x0] =	vst.idx.add.f32.msk $0xffff, v8  }
0x1ab: {  	[tilespmem:v3+s25+$0x0] =	vst.idx.add.f32.msk $0xffff, v12  }
0x1ac: {  	(erf) = vpow2.f32 v4;
	v3 =	vsub.f32 v6, v7;
	v4 =	vld [tilespmem:s23+$0xFFFFFFB0]  }
0x1ad: {  	v6 =	vcvt.s32.f32 v9;
	v7 =	vld [tilespmem:s23+$0x30]  }
0x1ae: {  	v3 =	vmul.f32 $1.442695020e+00, v3;
	[tilespmem:v5+s8+$0x0] =	vst.idx.add.f32.msk $0xffff, v1  }
0x1af: {  	v8 =	vpop (erf);
	[tilespmem:v5+s31+$0x0] =	vst.idx.add.f32.msk $0xffff, v6  }
0x1b0: {  	v8 =	vadd.f32 $1.000000000e+00, v8;
	(erf) = vpow2.f32 v3;
	[tilespmem:v5+s7+$0x0] =	vst.idx.add.f32.msk $0xffff, v11  }
0x1b1: {  	v3 =	vld [tilespmem:s24+$0xFFFFFFC0]  }
0x1b2: {  	(erf) = vrcp.f32 v8;
	v5 =	vld [tilespmem:s24+$0x40]  }
0x1b3: {  	v4 =	vsub.f32 v4, v7;
	_ =	sdelay $0x1  }
0x1b4: {  	v4 =	vmul.f32 $1.442695020e+00, v4;
	v6 =	vpop (erf)  }
0x1b5: {  	v6 =	vadd.f32 $1.000000000e+00, v6  }
0x1b6: {  	(erf) = vpow2.f32 v4;
	v3 =	vsub.f32 v3, v5  }
0x1b7: {  	(erf) = vrcp.f32 v6  }
0x1b8: {  	v4 =	vpop (erf);
	v3 =	vmul.f32 $1.442695020e+00, v3  }
0x1b9: {  	v4 =	vadd.f32 $1.000000000e+00, v4  }
0x1ba: {  	v5 =	vpop (erf);
	(erf) = vpow2.f32 v3  }
0x1bb: {  	v6 =	vmul.f32 $1.000000000e+01, v5;
	(erf) = vrcp.f32 v4;
	_ =	sdelay $0x1  }
0x1bc: {  	v3 =	vtrunc.f32 v6  }
0x1bd: {  	v3 =	vcvt.f32.s32 v3  }
0x1be: {  	v4 =	vpop (erf)  }
0x1bf: {  	s18 =	simm.s32 $0x200;
	v6 =	vpop (erf);
	v3 =	vshll.u32 v3, $0x4  }
0x1c0: {  	v7 =	vld [tilespmem:s18+$0x8000];
	v4 =	vadd.f32 $1.000000000e+00, v4;
	v8 =	vmul.f32 $1.000000000e+01, v6;
	v3 =	vor.u32 v2, v3  }
0x1c1: {  	s9 =	simm.s32 $0x580  }
0x1c2: {  	v14 =	vld [tilespmem:s9+$0xFFFFFF80];
	(erf) = vrcp.f32 v4;
	v8 =	vtrunc.f32 v8;
	v10 =	vpop (erf)  }
0x1c3: {  	v9 =	vld [tilespmem:s15+$0x8020];
	v8 =	vcvt.f32.s32 v8;
	v12 =	vpop (erf)  }
0x1c4: {  	v11 =	vld [tilespmem:s14+$0x8010];
	v10 =	vadd.f32 $1.000000000e+00, v10;
	v13 =	vmul.f32 $1.000000000e+01, v12  }
0x1c5: {  	v7 =	vcvt.s32.f32 v7;
	v8 =	vshll.u32 v8, $0x4;
	[tilespmem:v3+s29+$0x0] =	vst.idx.add.f32.msk $0xffff, v1  }
0x1c6: {  	v8 =	vor.u32 v2, v8;
	(erf) = vrcp.f32 v10;
	v10 =	vld [tilespmem:s9+$0x0];
	v13 =	vtrunc.f32 v13  }
0x1c7: {  	[tilespmem:v3+s30+$0x0] =	vst.idx.add.f32.msk $0xffff, v7;
	v7 =	vcvt.f32.s32 v13  }
0x1c8: {  	[tilespmem:v3+s10+$0x0] =	vst.idx.add.f32.msk $0xffff, v5  }
0x1c9: {  	v3 =	vld [tilespmem:s4+$0xFFFFFF90]  }
0x1ca: {  	v11 =	vcvt.s32.f32 v11;
	v13 =	vld [tilespmem:s4+$0x10]  }
0x1cb: {  	v5 =	vshll.u32 v7, $0x4;
	[tilespmem:v8+s2+$0x0] =	vst.idx.add.f32.msk $0xffff, v1;
	v7 =	vpop (erf)  }
0x1cc: {  	v5 =	vor.u32 v2, v5;
	v10 =	vsub.f32 v14, v10;
	[tilespmem:v8+s12+$0x0] =	vst.idx.add.f32.msk $0xffff, v11;
	v15 =	vmul.f32 $1.000000000e+01, v7  }
0x1cd: {  	[tilespmem:v8+s5+$0x0] =	vst.idx.add.f32.msk $0xffff, v6  }
0x1ce: {  	v6 =	vmul.f32 $1.442695020e+00, v10;
	v10 =	vld [tilespmem:s16+$0xFFFFFFA0];
	v11 =	vtrunc.f32 v15  }
0x1cf: {  	v14 =	vld [tilespmem:s16+$0x20];
	v8 =	vcvt.f32.s32 v11  }
0x1d0: {  	v9 =	vcvt.s32.f32 v9;
	v4 =	vld [tilespmem:s19+$0x8030];
	v3 =	vsub.f32 v3, v13  }
0x1d1: {  	(erf) = vpow2.f32 v6;
	[tilespmem:v5+s11+$0x0] =	vst.idx.add.f32.msk $0xffff, v1;
	v6 =	vshll.u32 v8, $0x4  }
0x1d2: {  	s22 =	simm.s32 $0xCC60;
	v3 =	vmul.f32 $1.442695020e+00, v3;
	[tilespmem:v5+s13+$0x0] =	vst.idx.add.f32.msk $0xffff, v9;
	v11 =	vpop (erf);
	v6 =	vor.u32 v2, v6  }
0x1d3: {  	s3 =	simm.s32 $0x0;
	[tilespmem:v5+s22+$0x0] =	vst.idx.add.f32.msk $0xffff, v12;
	v8 =	vmul.f32 $1.000000000e+01, v11  }
0x1d4: {  	(erf) = vpow2.f32 v3;
	v3 =	vsub.f32 v10, v14;
	v10 =	vld [tilespmem:s3+$0x8040]  }
0x1d5: {  	v9 =	vld [tilespmem:s20+$0x30];
	v8 =	vtrunc.f32 v8  }
0x1d6: {  	v4 =	vcvt.s32.f32 v4;
	v5 =	vcvt.f32.s32 v8;
	v8 =	vld [tilespmem:s20+$0xFFFFFFB0]  }
0x1d7: {  	[tilespmem:v6+s8+$0x0] =	vst.idx.add.f32.msk $0xffff, v1  }
0x1d8: {  	v3 =	vmul.f32 $1.442695020e+00, v3;
	[tilespmem:v6+s31+$0x0] =	vst.idx.add.f32.msk $0xffff, v4  }
0x1d9: {  	[tilespmem:v6+s7+$0x0] =	vst.idx.add.f32.msk $0xffff, v7  }
0x1da: {  	v5 =	vshll.u32 v5, $0x4;
	v4 =	vld [tilespmem:s23+$0xFFFFFFC0]  }
0x1db: {  	(erf) = vpow2.f32 v3;
	v5 =	vor.u32 v2, v5;
	v6 =	vsub.f32 v8, v9;
	v8 =	vld [tilespmem:s23+$0x40]  }
0x1dc: {  	v3 =	vpop (erf)  }
0x1dd: {  	v3 =	vadd.f32 $1.000000000e+00, v3;
	_ =	sdelay $0x1  }
0x1de: {  	v7 =	vcvt.s32.f32 v10  }
0x1df: {  	(erf) = vrcp.f32 v3;
	[tilespmem:v5+s6+$0x0] =	vst.idx.add.f32.msk $0xffff, v1;
	v4 =	vsub.f32 v4, v8  }
0x1e0: {  	v6 =	vmul.f32 $1.442695020e+00, v6;
	v3 =	vpop (erf);
	[tilespmem:v5+s17+$0x0] =	vst.idx.add.f32.msk $0xffff, v7  }
0x1e1: {  	v3 =	vadd.f32 $1.000000000e+00, v3;
	[tilespmem:v5+s21+$0x0] =	vst.idx.add.f32.msk $0xffff, v11  }
0x1e2: {  	(erf) = vpow2.f32 v6;
	v5 =	vld [tilespmem:s24+$0xFFFFFFD0]  }
0x1e3: {  	(erf) = vrcp.f32 v3;
	v6 =	vld [tilespmem:s24+$0x50];
	v3 =	vmul.f32 $1.442695020e+00, v4;
	v4 =	vpop (erf)  }
0x1e4: {  	v4 =	vadd.f32 $1.000000000e+00, v4;
	_ =	sdelay $0x2  }
0x1e5: {  	(erf) = vpow2.f32 v3  }
0x1e6: {  	v3 =	vsub.f32 v5, v6;
	(erf) = vrcp.f32 v4;
	v4 =	vpop (erf)  }
0x1e7: {  	v5 =	vmul.f32 $1.000000000e+01, v4  }
0x1e8: {  	v3 =	vmul.f32 $1.442695020e+00, v3  }
0x1e9: {  	v6 =	vpop (erf);
	v5 =	vtrunc.f32 v5  }
0x1ea: {  	(erf) = vpow2.f32 v3;
	v6 =	vadd.f32 $1.000000000e+00, v6;
	v3 =	vcvt.f32.s32 v5  }
0x1eb: {  	v7 =	vld [tilespmem:s3+$0x8050];
	s3 =	simm.s32 $0x280;
	v8 =	vpop (erf)  }
0x1ec: {  	s1 =	simm.s32 $0x680;
	v5 =	vld [tilespmem:s3+$0x8000];
	(erf) = vrcp.f32 v6;
	v6 =	vmul.f32 $1.000000000e+01, v8;
	v3 =	vshll.u32 v3, $0x4  }
0x1ed: {  	v16 =	vld [tilespmem:s1+$0x0];
	v3 =	vor.u32 v2, v3  }
0x1ee: {  	v17 =	vld [tilespmem:s18+$0x8010];
	v11 =	vpop (erf);
	v6 =	vtrunc.f32 v6  }
0x1ef: {  	v12 =	vld [tilespmem:s14+$0x8020];
	v11 =	vadd.f32 $1.000000000e+00, v11;
	v6 =	vcvt.f32.s32 v6;
	v13 =	vpop (erf)  }
0x1f0: {  	v14 =	vld [tilespmem:s1+$0xFFFFFF80];
	v15 =	vmul.f32 $1.000000000e+01, v13  }
0x1f1: {  	v10 =	vld [tilespmem:s15+$0x8030];
	(erf) = vrcp.f32 v11;
	v5 =	vcvt.s32.f32 v5;
	v6 =	vshll.u32 v6, $0x4  }
0x1f2: {  	v6 =	vor.u32 v2, v6;
	[tilespmem:v3+s29+$0x0] =	vst.idx.add.f32.msk $0xffff, v1  }
0x1f3: {  	v11 =	vtrunc.f32 v15;
	[tilespmem:v3+s30+$0x0] =	vst.idx.add.f32.msk $0xffff, v5  }
0x1f4: {  	v15 =	vpop (erf);
	v5 =	vcvt.f32.s32 v11;
	[tilespmem:v3+s10+$0x0] =	vst.idx.add.f32.msk $0xffff, v4  }
0x1f5: {  	v11 =	vadd.f32 $1.000000000e+00, v15;
	v4 =	vld [tilespmem:s9+$0xFFFFFF90]  }
0x1f6: {  	v17 =	vcvt.s32.f32 v17;
	v14 =	vsub.f32 v14, v16;
	v15 =	vpop (erf);
	v5 =	vshll.u32 v5, $0x4;
	v41 =	vld [tilespmem:s9+$0x10]  }
0x1f7: {  	v3 =	vmul.f32 $1.000000000e+01, v15;
	(erf) = vrcp.f32 v11;
	[tilespmem:v6+s2+$0x0] =	vst.idx.add.f32.msk $0xffff, v1;
	v5 =	vor.u32 v2, v5  }
0x1f8: {  	v11 =	vmul.f32 $1.442695020e+00, v14;
	[tilespmem:v6+s12+$0x0] =	vst.idx.add.f32.msk $0xffff, v17  }
0x1f9: {  	v3 =	vtrunc.f32 v3;
	[tilespmem:v6+s5+$0x0] =	vst.idx.add.f32.msk $0xffff, v8  }
0x1fa: {  	v3 =	vcvt.f32.s32 v3;
	(erf) = vpow2.f32 v11;
	v8 =	vpop (erf);
	v6 =	vld [tilespmem:s4+$0xFFFFFFA0]  }
0x1fb: {  	v11 =	vcvt.s32.f32 v12;
	v12 =	vld [tilespmem:s4+$0x20];
	v14 =	vmul.f32 $1.000000000e+01, v8  }
0x1fc: {  	v3 =	vshll.u32 v3, $0x4;
	v4 =	vsub.f32 v4, v41;
	[tilespmem:v5+s11+$0x0] =	vst.idx.add.f32.msk $0xffff, v1  }
0x1fd: {  	v3 =	vor.u32 v2, v3;
	[tilespmem:v5+s13+$0x0] =	vst.idx.add.f32.msk $0xffff, v11;
	v11 =	vtrunc.f32 v14  }
0x1fe: {  	s25 =	simm.s32 $0xCC60;
	v9 =	vld [tilespmem:s19+$0x8040];
	v4 =	vmul.f32 $1.442695020e+00, v4  }
0x1ff: {  	[tilespmem:v5+s25+$0x0] =	vst.idx.add.f32.msk $0xffff, v13  }
0x200: {  	v5 =	vcvt.f32.s32 v11;
	(erf) = vpow2.f32 v4;
	v4 =	vld [tilespmem:s16+$0xFFFFFFB0];
	v11 =	vpop (erf)  }
0x201: {  	v10 =	vcvt.s32.f32 v10;
	v6 =	vsub.f32 v6, v12;
	v12 =	vld [tilespmem:s16+$0x30];
	v13 =	vmul.f32 $1.000000000e+01, v11  }
0x202: {  	[tilespmem:v3+s8+$0x0] =	vst.idx.add.f32.msk $0xffff, v1  }
0x203: {  	v5 =	vshll.u32 v5, $0x4;
	v6 =	vmul.f32 $1.442695020e+00, v6;
	[tilespmem:v3+s31+$0x0] =	vst.idx.add.f32.msk $0xffff, v10  }
0x204: {  	v5 =	vor.u32 v2, v5;
	[tilespmem:v3+s7+$0x0] =	vst.idx.add.f32.msk $0xffff, v15  }
0x205: {  	(erf) = vpow2.f32 v6;
	v10 =	vtrunc.f32 v13;
	v6 =	vld [tilespmem:s20+$0xFFFFFFC0];
	v13 =	vpop (erf)  }
0x206: {  	v3 =	vcvt.f32.s32 v10;
	v4 =	vsub.f32 v4, v12;
	v12 =	vld [tilespmem:s20+$0x40];
	v10 =	vadd.f32 $1.000000000e+00, v13  }
0x207: {  	v9 =	vcvt.s32.f32 v9  }
0x208: {  	v3 =	vshll.u32 v3, $0x4;
	(erf) = vrcp.f32 v10  }
0x209: {  	[tilespmem:v5+s6+$0x0] =	vst.idx.add.f32.msk $0xffff, v1;
	v3 =	vor.u32 v2, v3  }
0x20a: {  	v4 =	vmul.f32 $1.442695020e+00, v4;
	[tilespmem:v5+s17+$0x0] =	vst.idx.add.f32.msk $0xffff, v9  }
0x20b: {  	v9 =	vpop (erf);
	[tilespmem:v5+s21+$0x0] =	vst.idx.add.f32.msk $0xffff, v8;
	v6 =	vsub.f32 v6, v12  }
0x20c: {  	v5 =	vadd.f32 $1.000000000e+00, v9;
	(erf) = vpow2.f32 v4;
	v4 =	vld [tilespmem:s23+$0xFFFFFFD0]  }
0x20d: {  	v7 =	vcvt.s32.f32 v7;
	v8 =	vld [tilespmem:s23+$0x50]  }
0x20e: {  	(erf) = vrcp.f32 v5;
	[tilespmem:v3+s26+$0x0] =	vst.idx.add.f32.msk $0xffff, v1  }
0x20f: {  	s2 =	simm.s32 $0xCE70;
	v5 =	vmul.f32 $1.442695020e+00, v6;
	[tilespmem:v3+s28+$0x0] =	vst.idx.add.f32.msk $0xffff, v7;
	v6 =	vpop (erf)  }
0x210: {  	[tilespmem:v3+s2+$0x0] =	vst.idx.add.f32.msk $0xffff, v11;
	v6 =	vadd.f32 $1.000000000e+00, v6  }
0x211: {  	(erf) = vpow2.f32 v5;
	v3 =	vld [tilespmem:s24+$0xFFFFFFE0];
	v7 =	vpop (erf)  }
0x212: {  	v4 =	vsub.f32 v4, v8;
	v5 =	vld [tilespmem:s24+$0x60];
	(erf) = vrcp.f32 v6;
	v9 =	vmul.f32 $1.000000000e+01, v7;
	_ =	sdelay $0x1  }
0x213: {  	v4 =	vmul.f32 $1.442695020e+00, v4;
	v6 =	vtrunc.f32 v9  }
0x214: {  	v6 =	vcvt.f32.s32 v6  }
0x215: {  	v14 =	vld [tilespmem:s18+$0x8020];
	s17 =	simm.s32 $0x300;
	v8 =	vpop (erf);
	(erf) = vpow2.f32 v4  }
0x216: {  	v4 =	vld [tilespmem:s17+$0x8000];
	v8 =	vadd.f32 $1.000000000e+00, v8;
	v10 =	vpop (erf);
	v3 =	vsub.f32 v3, v5;
	v5 =	vshll.u32 v6, $0x4  }
0x217: {  	s21 =	simm.s32 $0x780;
	v12 =	vld [tilespmem:s14+$0x8030];
	v11 =	vmul.f32 $1.000000000e+01, v10;
	v5 =	vor.u32 v2, v5  }
0x218: {  	v44 =	vld [tilespmem:s21+$0x0];
	(erf) = vrcp.f32 v8;
	v3 =	vmul.f32 $1.442695020e+00, v3  }
0x219: {  	v9 =	vld [tilespmem:s19+$0x8050];
	v13 =	vpop (erf);
	v11 =	vtrunc.f32 v11  }
0x21a: {  	v8 =	vld [tilespmem:s15+$0x8040];
	v11 =	vcvt.f32.s32 v11;
	(erf) = vpow2.f32 v3;
	v15 =	vpop (erf)  }
0x21b: {  	v13 =	vadd.f32 $1.000000000e+00, v13;
	v3 =	vcvt.s32.f32 v4;
	v4 =	vld [tilespmem:s3+$0x8010];
	v42 =	vmul.f32 $1.000000000e+01, v15  }
0x21c: {  	[tilespmem:v5+s29+$0x0] =	vst.idx.add.f32.msk $0xffff, v1  }
0x21d: {  	(erf) = vrcp.f32 v13;
	v13 =	vtrunc.f32 v42;
	[tilespmem:v5+s30+$0x0] =	vst.idx.add.f32.msk $0xffff, v3;
	v3 =	vshll.u32 v11, $0x4  }
0x21e: {  	s22 =	simm.s32 $0x0;
	v11 =	vld [tilespmem:s21+$0xFFFFFF80];
	v13 =	vcvt.f32.s32 v13;
	v3 =	vor.u32 v2, v3  }
0x21f: {  	s28 =	simm.s32 $0xCB00;
	v6 =	vld [tilespmem:s22+$0x8060];
	v43 =	vpop (erf)  }
0x220: {  	v16 =	vadd.f32 $1.000000000e+00, v43;
	[tilespmem:v5+s28+$0x0] =	vst.idx.add.f32.msk $0xffff, v7;
	v13 =	vshll.u32 v13, $0x4  }
0x221: {  	v4 =	vcvt.s32.f32 v4;
	v18 =	vpop (erf);
	v7 =	vld [tilespmem:s1+$0xFFFFFF90];
	v13 =	vor.u32 v2, v13  }
0x222: {  	s31 =	simm.s32 $0xC0B0;
	(erf) = vrcp.f32 v16;
	v5 =	vmul.f32 $1.000000000e+01, v18;
	v19 =	vld [tilespmem:s1+$0x10]  }
0x223: {  	s0 =	simm.s32 $0xC630;
	v45 =	vpop (erf);
	v11 =	vsub.f32 v11, v44;
	[tilespmem:v3+s31+$0x0] =	vst.idx.add.f32.msk $0xffff, v1  }
0x224: {  	s2 =	simm.s32 $0xCBB0;
	v5 =	vtrunc.f32 v5;
	[tilespmem:v3+s0+$0x0] =	vst.idx.add.f32.msk $0xffff, v4;
	v4 =	vadd.f32 $1.000000000e+00, v45  }
0x225: {  	s5 =	simm.s32 $0xC160;
	v5 =	vcvt.f32.s32 v5;
	[tilespmem:v3+s2+$0x0] =	vst.idx.add.f32.msk $0xffff, v10;
	v3 =	vmul.f32 $1.442695020e+00, v11  }
0x226: {  	v11 =	vcvt.s32.f32 v14;
	v14 =	vpop (erf);
	[tilespmem:v13+s5+$0x0] =	vst.idx.add.f32.msk $0xffff, v1;
	(erf) = vrcp.f32 v4  }
0x227: {  	v5 =	vshll.u32 v5, $0x4;
	v10 =	vld [tilespmem:s9+$0xFFFFFFA0];
	v47 =	vmul.f32 $1.000000000e+01, v14;
	(erf) = vpow2.f32 v3  }
0x228: {  	s26 =	simm.s32 $0xC6E0;
	v46 =	vld [tilespmem:s9+$0x20];
	v3 =	vor.u32 v2, v5  }
0x229: {  	s5 =	simm.s32 $0xCC60;
	[tilespmem:v13+s26+$0x0] =	vst.idx.add.f32.msk $0xffff, v11;
	v5 =	vtrunc.f32 v47  }
0x22a: {  	v4 =	vsub.f32 v7, v19;
	[tilespmem:v13+s5+$0x0] =	vst.idx.add.f32.msk $0xffff, v15;
	v5 =	vcvt.f32.s32 v5  }
0x22b: {  	v12 =	vcvt.s32.f32 v12;
	v7 =	vld [tilespmem:s4+$0xFFFFFFB0];
	v11 =	vpop (erf)  }
0x22c: {  	s8 =	simm.s32 $0xC210;
	v4 =	vmul.f32 $1.442695020e+00, v4;
	v13 =	vld [tilespmem:s4+$0x30];
	v15 =	vmul.f32 $1.000000000e+01, v11;
	v5 =	vshll.u32 v5, $0x4  }
0x22d: {  	s10 =	simm.s32 $0xC790;
	[tilespmem:v3+s8+$0x0] =	vst.idx.add.f32.msk $0xffff, v1;
	v5 =	vor.u32 v2, v5  }
0x22e: {  	s13 =	simm.s32 $0xCD10;
	(erf) = vpow2.f32 v4;
	v4 =	vsub.f32 v10, v46;
	v10 =	vtrunc.f32 v15;
	[tilespmem:v3+s10+$0x0] =	vst.idx.add.f32.msk $0xffff, v12  }
0x22f: {  	[tilespmem:v3+s13+$0x0] =	vst.idx.add.f32.msk $0xffff, v18;
	v3 =	vcvt.f32.s32 v10;
	v12 =	vpop (erf)  }
0x230: {  	v4 =	vmul.f32 $1.442695020e+00, v4;
	v10 =	vld [tilespmem:s16+$0xFFFFFFC0];
	v15 =	vpop (erf)  }
0x231: {  	s6 =	simm.s32 $0xC2C0;
	v8 =	vcvt.s32.f32 v8;
	v48 =	vld [tilespmem:s16+$0x40];
	v3 =	vshll.u32 v3, $0x4;
	v15 =	vadd.f32 $1.000000000e+00, v15  }
0x232: {  	s12 =	simm.s32 $0xC840;
	(erf) = vpow2.f32 v4;
	v49 =	vmul.f32 $1.000000000e+01, v12;
	[tilespmem:v5+s6+$0x0] =	vst.idx.add.f32.msk $0xffff, v1;
	v3 =	vor.u32 v2, v3  }
0x233: {  	s7 =	simm.s32 $0xCDC0;
	v7 =	vsub.f32 v7, v13;
	[tilespmem:v5+s12+$0x0] =	vst.idx.add.f32.msk $0xffff, v8;
	(erf) = vrcp.f32 v15  }
0x234: {  	v4 =	vtrunc.f32 v49;
	[tilespmem:v5+s7+$0x0] =	vst.idx.add.f32.msk $0xffff, v14  }
0x235: {  	v7 =	vmul.f32 $1.442695020e+00, v7;
	v4 =	vcvt.f32.s32 v4;
	v5 =	vld [tilespmem:s20+$0xFFFFFFD0]  }
0x236: {  	s11 =	simm.s32 $0xC370;
	v8 =	vcvt.s32.f32 v9;
	v9 =	vld [tilespmem:s20+$0x50]  }
0x237: {  	s22 =	simm.s32 $0xC8F0;
	v13 =	vpop (erf);
	(erf) = vpow2.f32 v7;
	v4 =	vshll.u32 v4, $0x4;
	[tilespmem:v3+s11+$0x0] =	vst.idx.add.f32.msk $0xffff, v1  }
0x238: {  	s25 =	simm.s32 $0xCE70;
	v14 =	vor.u32 v2, v4;
	v4 =	vadd.f32 $1.000000000e+00, v13;
	[tilespmem:v3+s22+$0x0] =	vst.idx.add.f32.msk $0xffff, v8  }
0x239: {  	[tilespmem:v3+s25+$0x0] =	vst.idx.add.f32.msk $0xffff, v11;
	v3 =	vsub.f32 v10, v48  }
0x23a: {  	(erf) = vrcp.f32 v4  }
0x23b: {  	v51 =	vld [tilespmem:s3+$0x8020];
	v4 =	vcvt.s32.f32 v6;
	v6 =	vpop (erf);
	v3 =	vmul.f32 $1.442695020e+00, v3  }
0x23c: {  	v7 =	vld [tilespmem:s23+$0xFFFFFFE0];
	v5 =	vsub.f32 v5, v9;
	v10 =	vpop (erf)  }
0x23d: {  	v8 =	vld [tilespmem:s23+$0x60];
	v6 =	vadd.f32 $1.000000000e+00, v6;
	(erf) = vpow2.f32 v3;
	v3 =	vmul.f32 $1.000000000e+01, v10  }
0x23e: {  	v15 =	vld [tilespmem:s18+$0x8030];
	v5 =	vmul.f32 $1.442695020e+00, v5  }
0x23f: {  	v13 =	vld [tilespmem:s14+$0x8040];
	s22 =	simm.s32 $0xC420;
	(erf) = vrcp.f32 v6;
	v3 =	vtrunc.f32 v3  }
0x240: {  	s25 =	simm.s32 $0xC9A0;
	[tilespmem:v14+s22+$0x0] =	vst.idx.add.f32.msk $0xffff, v1;
	v9 =	vpop (erf);
	v3 =	vcvt.f32.s32 v3  }
0x241: {  	s22 =	simm.s32 $0x380;
	[tilespmem:v14+s25+$0x0] =	vst.idx.add.f32.msk $0xffff, v4;
	v9 =	vadd.f32 $1.000000000e+00, v9  }
0x242: {  	s7 =	simm.s32 $0xCF20;
	v6 =	vld [tilespmem:s22+$0x8000];
	(erf) = vpow2.f32 v5;
	v7 =	vsub.f32 v7, v8;
	v3 =	vshll.u32 v3, $0x4  }
0x243: {  	[tilespmem:v14+s7+$0x0] =	vst.idx.add.f32.msk $0xffff, v12;
	v5 =	vpop (erf);
	(erf) = vrcp.f32 v9;
	v9 =	vor.u32 v2, v3  }
0x244: {  	v8 =	vld [tilespmem:s24+$0xFFFFFFF0];
	v7 =	vmul.f32 $1.442695020e+00, v7;
	v12 =	vmul.f32 $1.000000000e+01, v5  }
0x245: {  	v14 =	vld [tilespmem:s24+$0x70]  }
0x246: {  	v11 =	vld [tilespmem:s15+$0x8050];
	(erf) = vpow2.f32 v7;
	v12 =	vtrunc.f32 v12;
	v50 =	vpop (erf)  }
0x247: {  	v6 =	vcvt.s32.f32 v6;
	v7 =	vld [tilespmem:s17+$0x8010];
	v12 =	vcvt.f32.s32 v12;
	v16 =	vadd.f32 $1.000000000e+00, v50  }
0x248: {  	v52 =	vpop (erf);
	[tilespmem:v9+s29+$0x0] =	vst.idx.add.f32.msk $0xffff, v1  }
0x249: {  	s25 =	simm.s32 $0x880;
	v53 =	vmul.f32 $1.000000000e+01, v52;
	(erf) = vrcp.f32 v16;
	[tilespmem:v9+s30+$0x0] =	vst.idx.add.f32.msk $0xffff, v6;
	v6 =	vshll.u32 v12, $0x4  }
0x24a: {  	v8 =	vsub.f32 v8, v14;
	v14 =	vld [tilespmem:s25+$0x0];
	v6 =	vor.u32 v2, v6  }
0x24b: {  	v56 =	vpop (erf);
	v12 =	vld [tilespmem:s25+$0xFFFFFF80];
	v55 =	vtrunc.f32 v53  }
0x24c: {  	v16 =	vcvt.f32.s32 v55;
	v20 =	vpop (erf);
	[tilespmem:v9+s28+$0x0] =	vst.idx.add.f32.msk $0xffff, v10  }
0x24d: {  	v8 =	vmul.f32 $1.442695020e+00, v8;
	v9 =	vmul.f32 $1.000000000e+01, v20;
	v10 =	vld [tilespmem:s21+$0xFFFFFF90]  }
0x24e: {  	v7 =	vcvt.s32.f32 v7;
	v19 =	vadd.f32 $1.000000000e+00, v56;
	v21 =	vld [tilespmem:s21+$0x10];
	v16 =	vshll.u32 v16, $0x4  }
0x24f: {  	s13 =	simm.s32 $0xC630;
	(erf) = vpow2.f32 v8;
	v9 =	vtrunc.f32 v9;
	v8 =	vor.u32 v2, v16;
	[tilespmem:v6+s31+$0x0] =	vst.idx.add.f32.msk $0xffff, v1  }
0x250: {  	s24 =	simm.s32 $0xCBB0;
	v57 =	vpop (erf);
	(erf) = vrcp.f32 v19;
	v9 =	vcvt.f32.s32 v9;
	v12 =	vsub.f32 v12, v14;
	[tilespmem:v6+s13+$0x0] =	vst.idx.add.f32.msk $0xffff, v7  }
0x251: {  	[tilespmem:v6+s24+$0x0] =	vst.idx.add.f32.msk $0xffff, v5  }
0x252: {  	v7 =	vadd.f32 $1.000000000e+00, v57;
	v5 =	vshll.u32 v9, $0x4;
	v6 =	vmul.f32 $1.442695020e+00, v12;
	v14 =	vpop (erf);
	v9 =	vld [tilespmem:s1+$0xFFFFFFA0]  }
0x253: {  	s29 =	simm.s32 $0xC160;
	v12 =	vcvt.s32.f32 v51;
	v58 =	vld [tilespmem:s1+$0x20];
	v59 =	vmul.f32 $1.000000000e+01, v14  }
0x254: {  	s30 =	simm.s32 $0xC6E0;
	v10 =	vsub.f32 v10, v21;
	(erf) = vrcp.f32 v7;
	[tilespmem:v8+s29+$0x0] =	vst.idx.add.f32.msk $0xffff, v1;
	v5 =	vor.u32 v2, v5  }
0x255: {  	s2 =	simm.s32 $0xCC60;
	(erf) = vpow2.f32 v6;
	[tilespmem:v8+s30+$0x0] =	vst.idx.add.f32.msk $0xffff, v12;
	v7 =	vtrunc.f32 v59  }
0x256: {  	v6 =	vmul.f32 $1.442695020e+00, v10;
	[tilespmem:v8+s2+$0x0] =	vst.idx.add.f32.msk $0xffff, v52;
	v7 =	vcvt.f32.s32 v7  }
0x257: {  	v10 =	vld [tilespmem:s9+$0xFFFFFFB0]  }
0x258: {  	s0 =	simm.s32 $0xC210;
	(erf) = vpow2.f32 v6;
	v12 =	vpop (erf);
	v6 =	vcvt.s32.f32 v15;
	v15 =	vld [tilespmem:s9+$0x30];
	v7 =	vshll.u32 v7, $0x4  }
0x259: {  	s10 =	simm.s32 $0xC790;
	v8 =	vpop (erf);
	[tilespmem:v5+s0+$0x0] =	vst.idx.add.f32.msk $0xffff, v1;
	v60 =	vor.u32 v2, v7;
	v7 =	vsub.f32 v9, v58  }
0x25a: {  	v9 =	vmul.f32 $1.000000000e+01, v8;
	[tilespmem:v5+s10+$0x0] =	vst.idx.add.f32.msk $0xffff, v6;
	v6 =	vcvt.s32.f32 v11;
	v11 =	vadd.f32 $1.000000000e+00, v12  }
0x25b: {  	s26 =	simm.s32 $0xCD10;
	v4 =	vld [tilespmem:s19+$0x8060]  }
0x25c: {  	s11 =	simm.s32 $0x0;
	[tilespmem:v5+s26+$0x0] =	vst.idx.add.f32.msk $0xffff, v20;
	v5 =	vtrunc.f32 v9;
	(erf) = vrcp.f32 v11  }
0x25d: {  	v3 =	vld [tilespmem:s11+$0x8070];
	v12 =	vmul.f32 $1.442695020e+00, v7;
	v61 =	vcvt.f32.s32 v5  }
0x25e: {  	s5 =	simm.s32 $0xC2C0;
	v13 =	vcvt.s32.f32 v13;
	v9 =	vld [tilespmem:s4+$0xFFFFFFC0];
	v7 =	vpop (erf)  }
0x25f: {  	s8 =	simm.s32 $0xC210;
	s6 =	simm.s32 $0xCDC0;
	s12 =	simm.s32 $0xC840;
	v10 =	vsub.f32 v10, v15;
	v5 =	vld [tilespmem:s4+$0x40];
	(erf) = vpow2.f32 v12;
	v62 =	vpop (erf);
	v12 =	vshll.u32 v61, $0x4  }
0x260: {  	s11 =	simm.s32 $0xC6E0;
	s28 =	simm.s32 $0x1200;
	s31 =	simm.s32 $0xCD10;
	v11 =	vmul.f32 $1.000000000e+01, v7;
	[tilespmem:v60+s5+$0x0] =	vst.idx.add.f32.msk $0xffff, v1;
	v15 =	vadd.f32 $1.000000000e+00, v62  }
0x261: {  	s13 =	simm.s32 $0xCBB0;
	s24 =	simm.s32 $0x880;
	s2 =	simm.s32 $0xC630;
	v63 =	vmul.f32 $1.442695020e+00, v10;
	[tilespmem:v60+s12+$0x0] =	vst.idx.add.f32.msk $0xffff, v13;
	v10 =	vor.u32 v2, v12  }
0x262: {  	s0 =	simm.s32 $0xC160;
	s10 =	simm.s32 $0xCC60;
	s26 =	simm.s32 $0x1000;
	v11 =	vtrunc.f32 v11;
	[tilespmem:v60+s6+$0x0] =	vst.idx.add.f32.msk $0xffff, v14;
	(erf) = vrcp.f32 v15;
	v12 =	vpop (erf)  }
0x263: {  	s5 =	simm.s32 $0xC2C0;
	s12 =	simm.s32 $0xC840;
	s6 =	simm.s32 $0xC790;
	v13 =	vcvt.f32.s32 v11;
	v11 =	vld [tilespmem:s16+$0xFFFFFFD0];
	v12 =	vadd.f32 $1.000000000e+00, v12;
	(erf) = vpow2.f32 v63  }
.LBB2_3:
0x264: {  	p0 =	sne.s32 s28, $0x7E00  }
0x265: {  	v5 =	vsub.f32 v9, v5;
	v9 =	vld [tilespmem:s16+$0x50];
	v13 =	vshll.u32 v13, $0x4;
	v14 =	vpop (erf);
	s29 =	smov.u32 s28;
	s28 =	sadd.s32 $0x200, s28;
	s7 =	simm.s32 $0xC370  }
0x266: {  	(erf) = vrcp.f32 v12;
	[tilespmem:v10+s7+$0x0] =	vst.idx.add.f32.msk $0xffff, v1;
	v12 =	vor.u32 v2, v13;
	v13 =	vmul.f32 $1.000000000e+01, v14;
	s7 =	simm.s32 $0xC8F0  }
0x267: {  	v5 =	vmul.f32 $1.442695020e+00, v5;
	[tilespmem:v10+s7+$0x0] =	vst.idx.add.f32.msk $0xffff, v6;
	s7 =	simm.s32 $0xCE70  }
0x268: {  	v6 =	vpop (erf);
	[tilespmem:v10+s7+$0x0] =	vst.idx.add.f32.msk $0xffff, v8;
	v8 =	vtrunc.f32 v13  }
0x269: {  	v6 =	vadd.f32 $1.000000000e+00, v6;
	(erf) = vpow2.f32 v5;
	v5 =	vld [tilespmem:s20+$0xFFFFFFE0];
	v0 =	vcvt.f32.s32 v8  }
0x26a: {  	v13 =	vcvt.s32.f32 v4;
	s7 =	simm.s32 $0xC420;
	v9 =	vsub.f32 v11, v9;
	v10 =	vld [tilespmem:s20+$0x60]  }
0x26b: {  	(erf) = vrcp.f32 v6;
	[tilespmem:v12+s7+$0x0] =	vst.idx.add.f32.msk $0xffff, v1;
	v6 =	vshll.u32 v0, $0x4;
	s7 =	simm.s32 $0xC9A0  }
0x26c: {  	v8 =	vpop (erf);
	v9 =	vmul.f32 $1.442695020e+00, v9;
	[tilespmem:v12+s7+$0x0] =	vst.idx.add.f32.msk $0xffff, v13;
	v11 =	vor.u32 v2, v6  }
0x26d: {  	v6 =	vmul.f32 $1.000000000e+01, v8;
	v4 =	vpop (erf);
	v13 =	vld [tilespmem:s14+$0x8050]  }
0x26e: {  	s30 =	sshra.s32 s26, $0x2;
	s26 =	smov.u32 s29;
	s29 =	simm.s32 $0xC000;
	v15 =	vadd.f32 $1.000000000e+00, v4;
	(erf) = vpow2.f32 v9;
	v4 =	vld [tilespmem:s15+$0x8060]  }
0x26f: {  	v3 =	vcvt.s32.f32 v3;
	v9 =	vld [tilespmem:s30+$0x8000];
	v6 =	vtrunc.f32 v6;
	v16 =	vpop (erf);
	v10 =	vsub.f32 v5, v10  }
0x270: {  	s7 =	simm.s32 $0xC4D0;
	v6 =	vcvt.f32.s32 v6;
	v17 =	vmul.f32 $1.000000000e+01, v16;
	v5 =	vld [tilespmem:s18+$0x8040]  }
0x271: {  	(erf) = vrcp.f32 v15;
	v10 =	vmul.f32 $1.442695020e+00, v10;
	[tilespmem:v11+s7+$0x0] =	vst.idx.add.f32.msk $0xffff, v1;
	s7 =	simm.s32 $0xCA50  }
0x272: {  	v15 =	vshll.u32 v6, $0x4;
	v17 =	vtrunc.f32 v17;
	v18 =	vpop (erf);
	v6 =	vcvt.s32.f32 v13;
	[tilespmem:v11+s7+$0x0] =	vst.idx.add.f32.msk $0xffff, v3;
	s7 =	simm.s32 $0xCF20  }
0x273: {  	v13 =	vor.u32 v2, v15;
	v15 =	vcvt.f32.s32 v17;
	(erf) = vpow2.f32 v10;
	[tilespmem:v12+s7+$0x0] =	vst.idx.add.f32.msk $0xffff, v7  }
0x274: {  	s7 =	simm.s32 $0xCFD0;
	v7 =	vpop (erf);
	v10 =	vld [tilespmem:s23+$0xFFFFFFF0]  }
0x275: {  	s25 =	sadd.s32 $0x100, s25;
	v0 =	vmul.f32 $1.000000000e+01, v7;
	[tilespmem:v11+s7+$0x0] =	vst.idx.add.f32.msk $0xffff, v14  }
0x276: {  	v3 =	vld [tilespmem:s19+$0x8070];
	s19 =	smov.u32 s15;
	s15 =	smov.u32 s14;
	s14 =	smov.u32 s18  }
0x277: {  	s18 =	smov.u32 s3;
	s3 =	smov.u32 s17;
	s17 =	smov.u32 s22;
	v11 =	vtrunc.f32 v0;
	v12 =	vpop (erf);
	v14 =	vld [tilespmem:s23+$0x70]  }
0x278: {  	s22 =	smov.u32 s30;
	s30 =	simm.s32 $0xC580;
	s23 =	smov.u32 s20;
	v11 =	vcvt.f32.s32 v11;
	v17 =	vld [tilespmem:s18+$0x8030];
	v12 =	vadd.f32 $1.000000000e+00, v12  }
0x279: {  	s20 =	smov.u32 s16;
	s16 =	smov.u32 s4;
	s4 =	smov.u32 s9;
	v19 =	vld [tilespmem:s3+$0x8020]  }
0x27a: {  	v18 =	vadd.f32 $1.000000000e+00, v18;
	v9 =	vcvt.s32.f32 v9;
	s9 =	smov.u32 s1;
	s1 =	smov.u32 s21;
	s21 =	smov.u32 s24;
	v20 =	vld [tilespmem:s17+$0x8010];
	v11 =	vshll.u32 v11, $0x4;
	v21 =	vpop (erf)  }
0x27b: {  	s24 =	smov.u32 s25;
	[tilespmem:v13+s29+$0x0] =	vst.idx.add.f32.msk $0xffff, v1;
	v22 =	vmul.f32 $1.000000000e+01, v21  }
0x27c: {  	[tilespmem:v13+s30+$0x0] =	vst.idx.add.f32.msk $0xffff, v9;
	v9 =	vshll.u32 v15, $0x4;
	(erf) = vrcp.f32 v18;
	v15 =	vpop (erf);
	v10 =	vsub.f32 v10, v14  }
0x27d: {  	v14 =	vld [tilespmem:s25+$0xFFFFFF80];
	v9 =	vor.u32 v2, v9;
	v18 =	vtrunc.f32 v22;
	v15 =	vadd.f32 $1.000000000e+00, v15  }
0x27e: {  	s7 =	simm.s32 $0xCB00;
	v22 =	vld [tilespmem:s25+$0x0];
	v18 =	vcvt.f32.s32 v18;
	v10 =	vmul.f32 $1.442695020e+00, v10  }
0x27f: {  	[tilespmem:v13+s7+$0x0] =	vst.idx.add.f32.msk $0xffff, v8  }
0x280: {  	v8 =	vld [tilespmem:s21+$0xFFFFFF90];
	v13 =	vshll.u32 v18, $0x4;
	(erf) = vpow2.f32 v10  }
0x281: {  	s7 =	simm.s32 $0xC0B0;
	v18 =	vcvt.s32.f32 v20;
	v10 =	vld [tilespmem:s21+$0x10];
	(erf) = vrcp.f32 v12  }
0x282: {  	v11 =	vor.u32 v2, v11;
	[tilespmem:v9+s7+$0x0] =	vst.idx.add.f32.msk $0xffff, v1  }
0x283: {  	v12 =	vsub.f32 v14, v22;
	[tilespmem:v9+s2+$0x0] =	vst.idx.add.f32.msk $0xffff, v18  }
0x284: {  	[tilespmem:v9+s13+$0x0] =	vst.idx.add.f32.msk $0xffff, v16  }
0x285: {  	v14 =	vcvt.s32.f32 v19;
	v9 =	vmul.f32 $1.442695020e+00, v12;
	v12 =	vld [tilespmem:s1+$0xFFFFFFA0];
	v16 =	vpop (erf)  }
0x286: {  	v8 =	vsub.f32 v8, v10;
	v10 =	vld [tilespmem:s1+$0x20];
	v18 =	vmul.f32 $1.000000000e+01, v16;
	(erf) = vrcp.f32 v15  }
0x287: {  	(erf) = vpow2.f32 v9;
	[tilespmem:v11+s0+$0x0] =	vst.idx.add.f32.msk $0xffff, v1;
	v9 =	vor.u32 v2, v13  }
0x288: {  	v0 =	vmul.f32 $1.442695020e+00, v8;
	[tilespmem:v11+s11+$0x0] =	vst.idx.add.f32.msk $0xffff, v14;
	v13 =	vtrunc.f32 v18  }
0x289: {  	[tilespmem:v11+s10+$0x0] =	vst.idx.add.f32.msk $0xffff, v7;
	v7 =	vcvt.f32.s32 v13;
	v11 =	vpop (erf)  }
0x28a: {  	v14 =	vcvt.s32.f32 v17;
	(erf) = vpow2.f32 v0;
	v13 =	vld [tilespmem:s9+$0xFFFFFFB0];
	v8 =	vpop (erf);
	v11 =	vadd.f32 $1.000000000e+00, v11  }
0x28b: {  	v10 =	vsub.f32 v12, v10;
	v12 =	vld [tilespmem:s9+$0x30];
	v7 =	vshll.u32 v7, $0x4;
	v15 =	vmul.f32 $1.000000000e+01, v8  }
0x28c: {  	[tilespmem:v9+s8+$0x0] =	vst.idx.add.f32.msk $0xffff, v1;
	v17 =	vor.u32 v2, v7;
	(erf) = vrcp.f32 v11  }
0x28d: {  	v0 =	vmul.f32 $1.442695020e+00, v10;
	[tilespmem:v9+s6+$0x0] =	vst.idx.add.f32.msk $0xffff, v14;
	v10 =	vtrunc.f32 v15  }
0x28e: {  	[tilespmem:v9+s31+$0x0] =	vst.idx.add.f32.msk $0xffff, v21;
	v10 =	vcvt.f32.s32 v10  }
0x28f: {  	v11 =	vcvt.s32.f32 v5;
	(erf) = vpow2.f32 v0;
	v9 =	vld [tilespmem:s4+$0xFFFFFFC0];
	v7 =	vpop (erf)  }
.Ltmp0:
0x290: {  	v14 =	vpop (erf);
	v0 =	vsub.f32 v13, v12;
	v5 =	vld [tilespmem:s4+$0x40];
	v10 =	vshll.u32 v10, $0x4;
	v13 =	vmul.f32 $1.000000000e+01, v7;
	(pc) =	sbr.rel @p0 .LBB2_3-.Ltmp0, $4  }
0x291: {  	v14 =	vadd.f32 $1.000000000e+00, v14;
	[tilespmem:v17+s5+$0x0] =	vst.idx.add.f32.msk $0xffff, v1;
	v10 =	vor.u32 v2, v10  }
0x292: {  	s7 =	simm.s32 $0xCDC0;
	v15 =	vmul.f32 $1.442695020e+00, v0;
	[tilespmem:v17+s12+$0x0] =	vst.idx.add.f32.msk $0xffff, v11;
	v11 =	vtrunc.f32 v13  }
0x293: {  	(erf) = vrcp.f32 v14;
	v12 =	vpop (erf);
	[tilespmem:v17+s7+$0x0] =	vst.idx.add.f32.msk $0xffff, v16;
	v13 =	vcvt.f32.s32 v11  }
0x294: {  	v12 =	vadd.f32 $1.000000000e+00, v12;
	(erf) = vpow2.f32 v15;
	v11 =	vld [tilespmem:s16+$0xFFFFFFD0]  }
0x295: {  	_ = 	snop  }
0x296: {  	v9 =	vsub.f32 v9, v5  }
0x297: {  	v14 =	vld [tilespmem:s16+$0x50];
	v5 =	vshll.u32 v13, $0x4  }
0x298: {  	s0 =	simm.s32 $0xC370;
	v9 =	vmul.f32 $1.442695020e+00, v9  }
0x299: {  	s8 =	simm.s32 $0xC8F0;
	(erf) = vrcp.f32 v12;
	[tilespmem:v10+s0+$0x0] =	vst.idx.add.f32.msk $0xffff, v1;
	v12 =	vor.u32 v2, v5  }
0x29a: {  	s10 =	simm.s32 $0xCE70;
	[tilespmem:v10+s8+$0x0] =	vst.idx.add.f32.msk $0xffff, v6;
	v5 =	vpop (erf)  }
0x29b: {  	[tilespmem:v10+s10+$0x0] =	vst.idx.add.f32.msk $0xffff, v8;
	v6 =	vpop (erf)  }
0x29c: {  	(erf) = vpow2.f32 v9;
	v8 =	vld [tilespmem:s20+$0xFFFFFFE0];
	v6 =	vadd.f32 $1.000000000e+00, v6;
	v11 =	vsub.f32 v11, v14;
	v9 =	vpop (erf)  }
0x29d: {  	v4 =	vcvt.s32.f32 v4;
	s11 =	simm.s32 $0xC420;
	v10 =	vld [tilespmem:s20+$0x60];
	v13 =	vmul.f32 $1.000000000e+01, v9  }
0x29e: {  	s12 =	simm.s32 $0xC9A0;
	[tilespmem:v12+s11+$0x0] =	vst.idx.add.f32.msk $0xffff, v1;
	(erf) = vrcp.f32 v6;
	v6 =	vmul.f32 $1.442695020e+00, v11  }
0x29f: {  	[tilespmem:v12+s12+$0x0] =	vst.idx.add.f32.msk $0xffff, v4;
	v4 =	vtrunc.f32 v13  }
0x2a0: {  	s8 =	sshra.s32 s26, $0x2;
	v4 =	vcvt.f32.s32 v4  }
0x2a1: {  	s13 =	simm.s32 $0xCF20;
	v14 =	vld [tilespmem:s8+$0x8000];
	v13 =	vpop (erf)  }
0x2a2: {  	[tilespmem:v12+s13+$0x0] =	vst.idx.add.f32.msk $0xffff, v7;
	(erf) = vpow2.f32 v6;
	v13 =	vadd.f32 $1.000000000e+00, v13;
	v6 =	vpop (erf);
	v4 =	vshll.u32 v4, $0x4  }
0x2a3: {  	v12 =	vld [tilespmem:s23+$0xFFFFFFF0];
	v8 =	vsub.f32 v8, v10;
	v7 =	vmul.f32 $1.000000000e+01, v6;
	v4 =	vor.u32 v2, v4  }
0x2a4: {  	v10 =	vld [tilespmem:s23+$0x70];
	(erf) = vrcp.f32 v13  }
0x2a5: {  	v16 =	vld [tilespmem:s3+$0x8030];
	v8 =	vmul.f32 $1.442695020e+00, v8;
	v15 =	vpop (erf);
	v7 =	vtrunc.f32 v7  }
0x2a6: {  	v18 =	vld [tilespmem:s22+$0x8010];
	v15 =	vadd.f32 $1.000000000e+00, v15;
	v7 =	vcvt.f32.s32 v7  }
0x2a7: {  	v25 =	vld [tilespmem:s18+$0x8040];
	v14 =	vcvt.s32.f32 v14;
	(erf) = vpow2.f32 v8  }
0x2a8: {  	v17 =	vpop (erf);
	(erf) = vrcp.f32 v15;
	[tilespmem:v4+s29+$0x0] =	vst.idx.add.f32.msk $0xffff, v1;
	v7 =	vshll.u32 v7, $0x4  }
0x2a9: {  	s23 =	simm.s32 $0xCB00;
	v10 =	vsub.f32 v12, v10;
	v8 =	vmul.f32 $1.000000000e+01, v17;
	[tilespmem:v4+s30+$0x0] =	vst.idx.add.f32.msk $0xffff, v14;
	v7 =	vor.u32 v2, v7  }
0x2aa: {  	[tilespmem:v4+s23+$0x0] =	vst.idx.add.f32.msk $0xffff, v9  }
0x2ab: {  	v8 =	vtrunc.f32 v8;
	v9 =	vmul.f32 $1.442695020e+00, v10;
	v10 =	vld [tilespmem:s24+$0xFFFFFF90]  }
0x2ac: {  	v8 =	vcvt.f32.s32 v8;
	v4 =	vpop (erf);
	v12 =	vld [tilespmem:s24+$0x10]  }
0x2ad: {  	s25 =	simm.s32 $0xC0B0;
	v14 =	vld [tilespmem:s17+$0x8020];
	v4 =	vadd.f32 $1.000000000e+00, v4;
	(erf) = vpow2.f32 v9;
	v9 =	vcvt.s32.f32 v18;
	v15 =	vpop (erf)  }
0x2ae: {  	s26 =	simm.s32 $0xC630;
	v22 =	vmul.f32 $1.000000000e+01, v15;
	[tilespmem:v7+s25+$0x0] =	vst.idx.add.f32.msk $0xffff, v1  }
0x2af: {  	s2 =	simm.s32 $0xCBB0;
	v8 =	vshll.u32 v8, $0x4;
	(erf) = vrcp.f32 v4;
	[tilespmem:v7+s26+$0x0] =	vst.idx.add.f32.msk $0xffff, v9  }
0x2b0: {  	v4 =	vor.u32 v2, v8;
	v8 =	vtrunc.f32 v22;
	[tilespmem:v7+s2+$0x0] =	vst.idx.add.f32.msk $0xffff, v6;
	v6 =	vpop (erf)  }
0x2b1: {  	v11 =	vld [tilespmem:s14+$0x8050];
	v9 =	vsub.f32 v10, v12;
	v7 =	vcvt.f32.s32 v8;
	v12 =	vpop (erf)  }
0x2b2: {  	v8 =	vld [tilespmem:s21+$0xFFFFFFA0];
	v6 =	vadd.f32 $1.000000000e+00, v6;
	v23 =	vmul.f32 $1.000000000e+01, v12  }
0x2b3: {  	v10 =	vcvt.s32.f32 v14;
	v14 =	vld [tilespmem:s21+$0x20];
	v7 =	vshll.u32 v7, $0x4  }
0x2b4: {  	s5 =	simm.s32 $0xC160;
	v13 =	vld [tilespmem:s15+$0x8060];
	(erf) = vrcp.f32 v6;
	v6 =	vor.u32 v2, v7;
	v7 =	vtrunc.f32 v23  }
0x2b5: {  	s7 =	simm.s32 $0xC6E0;
	[tilespmem:v4+s5+$0x0] =	vst.idx.add.f32.msk $0xffff, v1;
	v9 =	vmul.f32 $1.442695020e+00, v9  }
0x2b6: {  	s10 =	simm.s32 $0xCC60;
	[tilespmem:v4+s7+$0x0] =	vst.idx.add.f32.msk $0xffff, v10  }
0x2b7: {  	[tilespmem:v4+s10+$0x0] =	vst.idx.add.f32.msk $0xffff, v17;
	(erf) = vpow2.f32 v9;
	v4 =	vcvt.f32.s32 v7;
	v7 =	vpop (erf)  }
0x2b8: {  	v10 =	vcvt.s32.f32 v16;
	v9 =	vld [tilespmem:s1+$0xFFFFFFB0];
	v8 =	vsub.f32 v8, v14;
	v24 =	vpop (erf)  }
0x2b9: {  	s12 =	simm.s32 $0xC210;
	v14 =	vld [tilespmem:s1+$0x30];
	v4 =	vshll.u32 v4, $0x4;
	v7 =	vadd.f32 $1.000000000e+00, v7;
	v26 =	vmul.f32 $1.000000000e+01, v24  }
0x2ba: {  	s13 =	simm.s32 $0xC790;
	v4 =	vor.u32 v2, v4;
	v8 =	vmul.f32 $1.442695020e+00, v8;
	[tilespmem:v6+s12+$0x0] =	vst.idx.add.f32.msk $0xffff, v1  }
0x2bb: {  	s5 =	simm.s32 $0xCD10;
	(erf) = vrcp.f32 v7;
	[tilespmem:v6+s13+$0x0] =	vst.idx.add.f32.msk $0xffff, v10;
	v7 =	vtrunc.f32 v26  }
0x2bc: {  	[tilespmem:v6+s5+$0x0] =	vst.idx.add.f32.msk $0xffff, v15;
	v6 =	vcvt.f32.s32 v7  }
0x2bd: {  	(erf) = vpow2.f32 v8;
	v7 =	vld [tilespmem:s9+$0xFFFFFFC0]  }
0x2be: {  	v8 =	vsub.f32 v9, v14;
	v9 =	vcvt.s32.f32 v25;
	s5 =	simm.s32 $0xC2C0;
	v10 =	vpop (erf);
	v14 =	vld [tilespmem:s9+$0x40];
	v6 =	vshll.u32 v6, $0x4  }
0x2bf: {  	s10 =	simm.s32 $0xC840;
	v15 =	vmul.f32 $1.000000000e+01, v10;
	[tilespmem:v4+s5+$0x0] =	vst.idx.add.f32.msk $0xffff, v1;
	v6 =	vor.u32 v2, v6  }
0x2c0: {  	s0 =	simm.s32 $0xCDC0;
	v8 =	vmul.f32 $1.442695020e+00, v8;
	v27 =	vpop (erf);
	[tilespmem:v4+s10+$0x0] =	vst.idx.add.f32.msk $0xffff, v9  }
0x2c1: {  	v9 =	vadd.f32 $1.000000000e+00, v27;
	v15 =	vtrunc.f32 v15;
	[tilespmem:v4+s0+$0x0] =	vst.idx.add.f32.msk $0xffff, v12  }
0x2c2: {  	(erf) = vpow2.f32 v8;
	v4 =	vcvt.f32.s32 v15;
	v8 =	vld [tilespmem:s4+$0xFFFFFFD0]  }
0x2c3: {  	s5 =	simm.s32 $0xC370;
	(erf) = vrcp.f32 v9;
	v9 =	vcvt.s32.f32 v11;
	v11 =	vld [tilespmem:s4+$0x50];
	v7 =	vsub.f32 v7, v14  }
0x2c4: {  	s31 =	simm.s32 $0xC8F0;
	[tilespmem:v6+s5+$0x0] =	vst.idx.add.f32.msk $0xffff, v1  }
0x2c5: {  	v7 =	vmul.f32 $1.442695020e+00, v7;
	[tilespmem:v6+s31+$0x0] =	vst.idx.add.f32.msk $0xffff, v9;
	s31 =	simm.s32 $0xCE70  }
0x2c6: {  	v12 =	vshll.u32 v4, $0x4;
	v4 =	vpop (erf);
	[tilespmem:v6+s31+$0x0] =	vst.idx.add.f32.msk $0xffff, v24  }
0x2c7: {  	v12 =	vor.u32 v2, v12;
	v9 =	vpop (erf);
	(erf) = vpow2.f32 v7;
	v7 =	vld [tilespmem:s16+$0xFFFFFFE0]  }
0x2c8: {  	v6 =	vadd.f32 $1.000000000e+00, v9;
	v9 =	vld [tilespmem:s16+$0x60];
	_ =	sdelay $0x1  }
0x2c9: {  	v8 =	vsub.f32 v8, v11;
	(erf) = vrcp.f32 v6  }
0x2ca: {  	s11 =	simm.s32 $0xC420;
	v6 =	vcvt.s32.f32 v13  }
0x2cb: {  	v8 =	vmul.f32 $1.442695020e+00, v8;
	[tilespmem:v12+s11+$0x0] =	vst.idx.add.f32.msk $0xffff, v1;
	v11 =	vpop (erf);
	s11 =	simm.s32 $0xC9A0  }
0x2cc: {  	s28 =	simm.s32 $0xCF20;
	[tilespmem:v12+s11+$0x0] =	vst.idx.add.f32.msk $0xffff, v6;
	v6 =	vadd.f32 $1.000000000e+00, v11;
	v11 =	vpop (erf);
	v7 =	vsub.f32 v7, v9  }
0x2cd: {  	(erf) = vpow2.f32 v8;
	v8 =	vmul.f32 $1.000000000e+01, v11;
	[tilespmem:v12+s28+$0x0] =	vst.idx.add.f32.msk $0xffff, v10  }
0x2ce: {  	(erf) = vrcp.f32 v6;
	v6 =	vld [tilespmem:s20+$0xFFFFFFF0];
	v7 =	vmul.f32 $1.442695020e+00, v7  }
0x2cf: {  	v9 =	vld [tilespmem:s20+$0x70];
	v8 =	vtrunc.f32 v8  }
0x2d0: {  	v8 =	vcvt.f32.s32 v8  }
0x2d1: {  	v10 =	vpop (erf)  }
0x2d2: {  	v12 =	vld [tilespmem:s8+$0x8010];
	v10 =	vadd.f32 $1.000000000e+00, v10;
	(erf) = vpow2.f32 v7;
	v8 =	vshll.u32 v8, $0x4;
	v7 =	vpop (erf)  }
0x2d3: {  	v8 =	vor.u32 v2, v8;
	v13 =	vmul.f32 $1.000000000e+01, v7  }
0x2d4: {  	v28 =	vld [tilespmem:s22+$0x8020];
	v6 =	vsub.f32 v6, v9;
	(erf) = vrcp.f32 v10  }
0x2d5: {  	v14 =	vld [tilespmem:s19+$0x8070];
	v10 =	vtrunc.f32 v13  }
0x2d6: {  	v33 =	vld [tilespmem:s14+$0x8060];
	v15 =	vpop (erf);
	v6 =	vmul.f32 $1.442695020e+00, v6;
	v10 =	vcvt.f32.s32 v10  }
0x2d7: {  	s6 =	simm.s32 $0xC0B0;
	v12 =	vcvt.s32.f32 v12;
	v15 =	vadd.f32 $1.000000000e+00, v15;
	v13 =	vld [tilespmem:s3+$0x8040];
	v29 =	vpop (erf)  }
0x2d8: {  	s26 =	simm.s32 $0xC630;
	(erf) = vpow2.f32 v6;
	v30 =	vmul.f32 $1.000000000e+01, v29;
	[tilespmem:v8+s6+$0x0] =	vst.idx.add.f32.msk $0xffff, v1;
	v10 =	vshll.u32 v10, $0x4  }
0x2d9: {  	s25 =	simm.s32 $0xCBB0;
	(erf) = vrcp.f32 v15;
	[tilespmem:v8+s26+$0x0] =	vst.idx.add.f32.msk $0xffff, v12;
	v6 =	vor.u32 v2, v10  }
0x2da: {  	[tilespmem:v8+s25+$0x0] =	vst.idx.add.f32.msk $0xffff, v11;
	v10 =	vtrunc.f32 v30  }
0x2db: {  	v8 =	vpop (erf);
	v11 =	vld [tilespmem:s24+$0xFFFFFFA0];
	v10 =	vcvt.f32.s32 v10  }
0x2dc: {  	v12 =	vld [tilespmem:s24+$0x20];
	v8 =	vadd.f32 $1.000000000e+00, v8  }
0x2dd: {  	v16 =	vcvt.s32.f32 v28;
	s20 =	simm.s32 $0xC160;
	v15 =	vld [tilespmem:s17+$0x8030];
	v31 =	vpop (erf);
	v10 =	vshll.u32 v10, $0x4  }
0x2de: {  	s25 =	simm.s32 $0xC6E0;
	v19 =	vmul.f32 $1.000000000e+01, v31;
	(erf) = vrcp.f32 v8;
	v8 =	vor.u32 v2, v10;
	[tilespmem:v6+s20+$0x0] =	vst.idx.add.f32.msk $0xffff, v1  }
0x2df: {  	s23 =	simm.s32 $0xCC60;
	[tilespmem:v6+s25+$0x0] =	vst.idx.add.f32.msk $0xffff, v16  }
0x2e0: {  	v10 =	vtrunc.f32 v19;
	[tilespmem:v6+s23+$0x0] =	vst.idx.add.f32.msk $0xffff, v7  }
0x2e1: {  	v11 =	vsub.f32 v11, v12;
	v6 =	vcvt.f32.s32 v10;
	v7 =	vpop (erf);
	v10 =	vld [tilespmem:s21+$0xFFFFFFB0]  }
0x2e2: {  	s2 =	simm.s32 $0xC210;
	v12 =	vcvt.s32.f32 v15;
	v15 =	vpop (erf);
	v7 =	vadd.f32 $1.000000000e+00, v7;
	v16 =	vld [tilespmem:s21+$0x30]  }
0x2e3: {  	s7 =	simm.s32 $0xC790;
	v11 =	vmul.f32 $1.442695020e+00, v11;
	v6 =	vshll.u32 v6, $0x4;
	v32 =	vmul.f32 $1.000000000e+01, v15;
	[tilespmem:v8+s2+$0x0] =	vst.idx.add.f32.msk $0xffff, v1  }
0x2e4: {  	s12 =	simm.s32 $0xCD10;
	v6 =	vor.u32 v2, v6;
	(erf) = vrcp.f32 v7;
	[tilespmem:v8+s7+$0x0] =	vst.idx.add.f32.msk $0xffff, v12  }
0x2e5: {  	v7 =	vtrunc.f32 v32;
	[tilespmem:v8+s12+$0x0] =	vst.idx.add.f32.msk $0xffff, v29;
	(erf) = vpow2.f32 v11  }
0x2e6: {  	v7 =	vcvt.f32.s32 v7;
	v8 =	vld [tilespmem:s1+$0xFFFFFFC0]  }
0x2e7: {  	v13 =	vcvt.s32.f32 v13;
	v11 =	vpop (erf);
	v12 =	vld [tilespmem:s1+$0x40]  }
0x2e8: {  	s13 =	simm.s32 $0xC2C0;
	v9 =	vld [tilespmem:s18+$0x8050];
	v10 =	vsub.f32 v10, v16;
	v34 =	vmul.f32 $1.000000000e+01, v11;
	v7 =	vshll.u32 v7, $0x4  }
0x2e9: {  	s10 =	simm.s32 $0xC840;
	[tilespmem:v6+s13+$0x0] =	vst.idx.add.f32.msk $0xffff, v1;
	v7 =	vor.u32 v2, v7  }
0x2ea: {  	s0 =	simm.s32 $0xCDC0;
	v10 =	vmul.f32 $1.442695020e+00, v10;
	[tilespmem:v6+s10+$0x0] =	vst.idx.add.f32.msk $0xffff, v13;
	v13 =	vtrunc.f32 v34  }
0x2eb: {  	[tilespmem:v6+s0+$0x0] =	vst.idx.add.f32.msk $0xffff, v31;
	v6 =	vcvt.f32.s32 v13  }
0x2ec: {  	(erf) = vpow2.f32 v10;
	v10 =	vmul.f32 $1.000000000e+01, v5;
	v8 =	vsub.f32 v8, v12;
	v13 =	vld [tilespmem:s9+$0xFFFFFFD0]  }
0x2ed: {  	v9 =	vcvt.s32.f32 v9;
	v12 =	vld [tilespmem:s9+$0x50];
	v6 =	vshll.u32 v6, $0x4;
	v35 =	vpop (erf)  }
0x2ee: {  	s10 =	simm.s32 $0xC8F0;
	v10 =	vtrunc.f32 v10;
	v8 =	vmul.f32 $1.442695020e+00, v8;
	[tilespmem:v7+s5+$0x0] =	vst.idx.add.f32.msk $0xffff, v1;
	v6 =	vor.u32 v2, v6;
	v36 =	vpop (erf)  }
0x2ef: {  	s12 =	simm.s32 $0xCE70;
	v10 =	vcvt.f32.s32 v10;
	[tilespmem:v7+s10+$0x0] =	vst.idx.add.f32.msk $0xffff, v9;
	v9 =	vadd.f32 $1.000000000e+00, v36  }
0x2f0: {  	v37 =	vmul.f32 $1.000000000e+01, v4;
	(erf) = vpow2.f32 v8;
	[tilespmem:v7+s12+$0x0] =	vst.idx.add.f32.msk $0xffff, v15  }
0x2f1: {  	v7 =	vshll.u32 v10, $0x4;
	v8 =	vld [tilespmem:s4+$0xFFFFFFE0];
	(erf) = vrcp.f32 v9  }
0x2f2: {  	s13 =	simm.s32 $0xC420;
	v9 =	vtrunc.f32 v37;
	v10 =	vsub.f32 v13, v12;
	v12 =	vld [tilespmem:s4+$0x60];
	v13 =	vcvt.s32.f32 v33  }
0x2f3: {  	v7 =	vor.u32 v2, v7;
	v9 =	vcvt.f32.s32 v9;
	[tilespmem:v6+s13+$0x0] =	vst.idx.add.f32.msk $0xffff, v1  }
0x2f4: {  	s28 =	simm.s32 $0xCF20;
	v10 =	vmul.f32 $1.442695020e+00, v10;
	[tilespmem:v6+s11+$0x0] =	vst.idx.add.f32.msk $0xffff, v13  }
0x2f5: {  	v9 =	vshll.u32 v9, $0x4;
	[tilespmem:v6+s28+$0x0] =	vst.idx.add.f32.msk $0xffff, v11  }
0x2f6: {  	v6 =	vor.u32 v2, v9;
	(erf) = vpow2.f32 v10;
	v10 =	vmul.f32 $1.000000000e+01, v35;
	v9 =	vld [tilespmem:s16+$0xFFFFFFF0]  }
0x2f7: {  	v3 =	vcvt.s32.f32 v3;
	s7 =	simm.s32 $0xC4D0;
	v13 =	vpop (erf);
	v11 =	vld [tilespmem:s16+$0x70]  }
0x2f8: {  	s5 =	simm.s32 $0xCA50;
	v13 =	vadd.f32 $1.000000000e+00, v13;
	v8 =	vsub.f32 v8, v12;
	[tilespmem:v7+s7+$0x0] =	vst.idx.add.f32.msk $0xffff, v1  }
0x2f9: {  	[tilespmem:v7+s5+$0x0] =	vst.idx.add.f32.msk $0xffff, v3;
	v3 =	vtrunc.f32 v10  }
0x2fa: {  	s16 =	simm.s32 $0xCFD0;
	(erf) = vrcp.f32 v13;
	v8 =	vmul.f32 $1.442695020e+00, v8;
	v10 =	vpop (erf)  }
0x2fb: {  	[tilespmem:v7+s16+$0x0] =	vst.idx.add.f32.msk $0xffff, v5;
	v5 =	vcvt.s32.f32 v14;
	v7 =	vpop (erf)  }
0x2fc: {  	[tilespmem:v6+s7+$0x0] =	vst.idx.add.f32.msk $0xffff, v1;
	(erf) = vpow2.f32 v8;
	v8 =	vmul.f32 $1.000000000e+01, v7  }
0x2fd: {  	v10 =	vadd.f32 $1.000000000e+00, v10;
	[tilespmem:v6+s5+$0x0] =	vst.idx.add.f32.msk $0xffff, v5  }
0x2fe: {  	v3 =	vcvt.f32.s32 v3;
	v5 =	vsub.f32 v9, v11;
	v9 =	vld [tilespmem:s15+$0x8070];
	v8 =	vtrunc.f32 v8  }
0x2ff: {  	(erf) = vrcp.f32 v10  }
0x300: {  	v3 =	vshll.u32 v3, $0x4  }
0x301: {  	v3 =	vor.u32 v2, v3;
	[tilespmem:v6+s16+$0x0] =	vst.idx.add.f32.msk $0xffff, v4;
	v5 =	vmul.f32 $1.442695020e+00, v5;
	v4 =	vcvt.f32.s32 v8;
	v8 =	vpop (erf)  }
0x302: {  	v13 =	vld [tilespmem:s17+$0x8040];
	v8 =	vadd.f32 $1.000000000e+00, v8  }
0x303: {  	v6 =	vld [tilespmem:s3+$0x8050];
	(erf) = vpow2.f32 v5;
	v9 =	vcvt.s32.f32 v9;
	v11 =	vpop (erf)  }
0x304: {  	v10 =	vld [tilespmem:s8+$0x8020];
	v4 =	vshll.u32 v4, $0x4;
	v12 =	vmul.f32 $1.000000000e+01, v11;
	(erf) = vrcp.f32 v8  }
0x305: {  	v5 =	vld [tilespmem:s18+$0x8060];
	v4 =	vor.u32 v2, v4  }
0x306: {  	[tilespmem:v3+s7+$0x0] =	vst.idx.add.f32.msk $0xffff, v1;
	v8 =	vtrunc.f32 v12  }
0x307: {  	[tilespmem:v3+s5+$0x0] =	vst.idx.add.f32.msk $0xffff, v9;
	v9 =	vpop (erf);
	v8 =	vcvt.f32.s32 v8  }
0x308: {  	v12 =	vld [tilespmem:s22+$0x8030];
	v9 =	vadd.f32 $1.000000000e+00, v9;
	v14 =	vpop (erf)  }
0x309: {  	v10 =	vcvt.s32.f32 v10;
	[tilespmem:v3+s16+$0x0] =	vst.idx.add.f32.msk $0xffff, v35;
	v15 =	vmul.f32 $1.000000000e+01, v14;
	v8 =	vshll.u32 v8, $0x4  }
0x30a: {  	[tilespmem:v4+s20+$0x0] =	vst.idx.add.f32.msk $0xffff, v1;
	(erf) = vrcp.f32 v9;
	v8 =	vor.u32 v2, v8  }
0x30b: {  	s31 =	simm.s32 $0xCC60;
	[tilespmem:v4+s25+$0x0] =	vst.idx.add.f32.msk $0xffff, v10;
	v9 =	vtrunc.f32 v15  }
0x30c: {  	[tilespmem:v4+s31+$0x0] =	vst.idx.add.f32.msk $0xffff, v7;
	v4 =	vcvt.f32.s32 v9;
	v7 =	vpop (erf)  }
0x30d: {  	v9 =	vld [tilespmem:s24+$0xFFFFFFB0];
	v3 =	vcvt.s32.f32 v12;
	v7 =	vadd.f32 $1.000000000e+00, v7;
	v12 =	vpop (erf)  }
0x30e: {  	s15 =	simm.s32 $0xC210;
	v10 =	vld [tilespmem:s24+$0x30];
	v4 =	vshll.u32 v4, $0x4;
	v15 =	vmul.f32 $1.000000000e+01, v12  }
0x30f: {  	s20 =	simm.s32 $0xC790;
	v4 =	vor.u32 v2, v4;
	(erf) = vrcp.f32 v7;
	[tilespmem:v8+s15+$0x0] =	vst.idx.add.f32.msk $0xffff, v1  }
0x310: {  	s6 =	simm.s32 $0xCD10;
	[tilespmem:v8+s20+$0x0] =	vst.idx.add.f32.msk $0xffff, v3;
	v3 =	vtrunc.f32 v15  }
0x311: {  	[tilespmem:v8+s6+$0x0] =	vst.idx.add.f32.msk $0xffff, v11;
	v3 =	vcvt.f32.s32 v3  }
0x312: {  	v7 =	vld [tilespmem:s21+$0xFFFFFFC0]  }
0x313: {  	s23 =	simm.s32 $0xC2C0;
	v8 =	vsub.f32 v9, v10;
	v9 =	vcvt.s32.f32 v13;
	v10 =	vpop (erf);
	v11 =	vld [tilespmem:s21+$0x40];
	v3 =	vshll.u32 v3, $0x4  }
0x314: {  	s26 =	simm.s32 $0xC840;
	v13 =	vmul.f32 $1.000000000e+01, v10;
	[tilespmem:v4+s23+$0x0] =	vst.idx.add.f32.msk $0xffff, v1;
	v3 =	vor.u32 v2, v3  }
0x315: {  	s2 =	simm.s32 $0xCDC0;
	v8 =	vmul.f32 $1.442695020e+00, v8;
	[tilespmem:v4+s26+$0x0] =	vst.idx.add.f32.msk $0xffff, v9  }
0x316: {  	[tilespmem:v4+s2+$0x0] =	vst.idx.add.f32.msk $0xffff, v14  }
0x317: {  	v9 =	vtrunc.f32 v13;
	(erf) = vpow2.f32 v8;
	v8 =	vld [tilespmem:s1+$0xFFFFFFD0]  }
0x318: {  	s19 =	simm.s32 $0xC370;
	v6 =	vcvt.s32.f32 v6;
	v4 =	vcvt.f32.s32 v9;
	v9 =	vld [tilespmem:s1+$0x50];
	v13 =	vpop (erf)  }
0x319: {  	v7 =	vsub.f32 v7, v11;
	v15 =	vmul.f32 $1.000000000e+01, v13;
	[tilespmem:v3+s19+$0x0] =	vst.idx.add.f32.msk $0xffff, v1  }
0x31a: {  	v4 =	vshll.u32 v4, $0x4;
	[tilespmem:v3+s10+$0x0] =	vst.idx.add.f32.msk $0xffff, v6  }
0x31b: {  	v4 =	vor.u32 v2, v4;
	v7 =	vmul.f32 $1.442695020e+00, v7;
	v6 =	vtrunc.f32 v15;
	[tilespmem:v3+s12+$0x0] =	vst.idx.add.f32.msk $0xffff, v12  }
0x31c: {  	v3 =	vcvt.f32.s32 v6;
	v6 =	vld [tilespmem:s9+$0xFFFFFFE0]  }
0x31d: {  	v8 =	vsub.f32 v8, v9;
	(erf) = vpow2.f32 v7;
	v9 =	vld [tilespmem:s9+$0x60];
	_ =	sdelay $0x1  }
0x31e: {  	v5 =	vcvt.s32.f32 v5;
	v14 =	vld [tilespmem:s14+$0x8070];
	v3 =	vshll.u32 v3, $0x4  }
0x31f: {  	s26 =	simm.s32 $0xC9A0;
	[tilespmem:v4+s13+$0x0] =	vst.idx.add.f32.msk $0xffff, v1;
	v3 =	vor.u32 v2, v3  }
0x320: {  	s2 =	simm.s32 $0xCF20;
	v8 =	vmul.f32 $1.442695020e+00, v8;
	v11 =	vpop (erf);
	[tilespmem:v4+s26+$0x0] =	vst.idx.add.f32.msk $0xffff, v5  }
0x321: {  	v5 =	vadd.f32 $1.000000000e+00, v11;
	[tilespmem:v4+s2+$0x0] =	vst.idx.add.f32.msk $0xffff, v10;
	v6 =	vsub.f32 v6, v9  }
0x322: {  	(erf) = vpow2.f32 v8;
	v10 =	vld [tilespmem:s4+$0xFFFFFFF0]  }
0x323: {  	v4 =	vcvt.s32.f32 v14;
	(erf) = vrcp.f32 v5;
	v9 =	vld [tilespmem:s4+$0x70]  }
0x324: {  	[tilespmem:v3+s7+$0x0] =	vst.idx.add.f32.msk $0xffff, v1  }
0x325: {  	[tilespmem:v3+s5+$0x0] =	vst.idx.add.f32.msk $0xffff, v4;
	v4 =	vmul.f32 $1.442695020e+00, v6;
	v6 =	vpop (erf)  }
0x326: {  	v6 =	vadd.f32 $1.000000000e+00, v6  }
0x327: {  	(erf) = vpow2.f32 v4  }
0x328: {  	(erf) = vrcp.f32 v6  }
0x329: {  	v6 =	vsub.f32 v10, v9;
	_ =	sdelay $0x1  }
0x32a: {  	v11 =	vpop (erf);
	v6 =	vmul.f32 $1.442695020e+00, v6  }
0x32b: {  	v9 =	vadd.f32 $1.000000000e+00, v11;
	v12 =	vpop (erf)  }
0x32c: {  	v10 =	vmul.f32 $1.000000000e+01, v12;
	(erf) = vpow2.f32 v6  }
0x32d: {  	(erf) = vrcp.f32 v9  }
0x32e: {  	v7 =	vld [tilespmem:s17+$0x8050];
	v6 =	vtrunc.f32 v10  }
0x32f: {  	v8 =	vld [tilespmem:s3+$0x8060];
	v6 =	vcvt.f32.s32 v6;
	v9 =	vpop (erf)  }
0x330: {  	v5 =	vld [tilespmem:s22+$0x8040];
	v10 =	vpop (erf)  }
0x331: {  	v4 =	vld [tilespmem:s8+$0x8030];
	v6 =	vshll.u32 v6, $0x4;
	v9 =	vadd.f32 $1.000000000e+00, v9;
	v11 =	vmul.f32 $1.000000000e+01, v10  }
0x332: {  	[tilespmem:v3+s16+$0x0] =	vst.idx.add.f32.msk $0xffff, v13;
	v6 =	vor.u32 v2, v6  }
0x333: {  	v3 =	vld [tilespmem:s18+$0x8070];
	(erf) = vrcp.f32 v9  }
0x334: {  	v9 =	vtrunc.f32 v11  }
0x335: {  	v9 =	vcvt.f32.s32 v9;
	v11 =	vpop (erf)  }
0x336: {  	v4 =	vcvt.s32.f32 v4;
	v13 =	vpop (erf)  }
0x337: {  	[tilespmem:v6+s15+$0x0] =	vst.idx.add.f32.msk $0xffff, v1;
	v9 =	vshll.u32 v9, $0x4;
	v14 =	vmul.f32 $1.000000000e+01, v13  }
0x338: {  	[tilespmem:v6+s20+$0x0] =	vst.idx.add.f32.msk $0xffff, v4;
	v9 =	vor.u32 v2, v9  }
0x339: {  	[tilespmem:v6+s6+$0x0] =	vst.idx.add.f32.msk $0xffff, v12;
	v4 =	vtrunc.f32 v14  }
0x33a: {  	v6 =	vld [tilespmem:s24+$0xFFFFFFC0];
	v4 =	vcvt.f32.s32 v4  }
0x33b: {  	v12 =	vld [tilespmem:s24+$0x40]  }
0x33c: {  	v5 =	vcvt.s32.f32 v5;
	s20 =	simm.s32 $0xC2C0;
	v14 =	vpop (erf);
	v4 =	vshll.u32 v4, $0x4  }
0x33d: {  	s23 =	simm.s32 $0xC840;
	v15 =	vmul.f32 $1.000000000e+01, v14;
	[tilespmem:v9+s20+$0x0] =	vst.idx.add.f32.msk $0xffff, v1;
	v4 =	vor.u32 v2, v4  }
0x33e: {  	s25 =	simm.s32 $0xCDC0;
	[tilespmem:v9+s23+$0x0] =	vst.idx.add.f32.msk $0xffff, v5  }
0x33f: {  	v5 =	vtrunc.f32 v15;
	[tilespmem:v9+s25+$0x0] =	vst.idx.add.f32.msk $0xffff, v10  }
0x340: {  	v6 =	vsub.f32 v6, v12;
	v5 =	vcvt.f32.s32 v5;
	v9 =	vld [tilespmem:s21+$0xFFFFFFD0]  }
0x341: {  	v7 =	vcvt.s32.f32 v7;
	v10 =	vadd.f32 $1.000000000e+00, v11;
	v11 =	vld [tilespmem:s21+$0x50]  }
0x342: {  	s11 =	simm.s32 $0xC8F0;
	v6 =	vmul.f32 $1.442695020e+00, v6;
	v5 =	vshll.u32 v5, $0x4;
	[tilespmem:v4+s19+$0x0] =	vst.idx.add.f32.msk $0xffff, v1  }
0x343: {  	s10 =	simm.s32 $0xCE70;
	(erf) = vrcp.f32 v10;
	v5 =	vor.u32 v2, v5;
	[tilespmem:v4+s11+$0x0] =	vst.idx.add.f32.msk $0xffff, v7  }
0x344: {  	(erf) = vpow2.f32 v6;
	[tilespmem:v4+s10+$0x0] =	vst.idx.add.f32.msk $0xffff, v13  }
0x345: {  	v4 =	vld [tilespmem:s1+$0xFFFFFFE0]  }
0x346: {  	v6 =	vsub.f32 v9, v11;
	v7 =	vld [tilespmem:s1+$0x60]  }
0x347: {  	s14 =	simm.s32 $0xC420;
	v8 =	vcvt.s32.f32 v8  }
0x348: {  	v6 =	vmul.f32 $1.442695020e+00, v6;
	[tilespmem:v5+s14+$0x0] =	vst.idx.add.f32.msk $0xffff, v1  }
0x349: {  	[tilespmem:v5+s26+$0x0] =	vst.idx.add.f32.msk $0xffff, v8  }
0x34a: {  	(erf) = vpow2.f32 v6;
	[tilespmem:v5+s2+$0x0] =	vst.idx.add.f32.msk $0xffff, v14  }
0x34b: {  	v5 =	vsub.f32 v4, v7;
	v6 =	vld [tilespmem:s9+$0xFFFFFFF0]  }
0x34c: {  	v4 =	vpop (erf);
	v7 =	vld [tilespmem:s9+$0x70]  }
0x34d: {  	v8 =	vpop (erf);
	v5 =	vmul.f32 $1.442695020e+00, v5  }
0x34e: {  	v8 =	vadd.f32 $1.000000000e+00, v8  }
0x34f: {  	(erf) = vpow2.f32 v5  }
0x350: {  	(erf) = vrcp.f32 v8  }
0x351: {  	v5 =	vsub.f32 v6, v7;
	_ =	sdelay $0x1  }
0x352: {  	v6 =	vpop (erf);
	v5 =	vmul.f32 $1.442695020e+00, v5  }
0x353: {  	v6 =	vadd.f32 $1.000000000e+00, v6  }
0x354: {  	(erf) = vpow2.f32 v5  }
0x355: {  	(erf) = vrcp.f32 v6;
	_ =	sdelay $0x1  }
0x356: {  	v5 =	vpop (erf)  }
0x357: {  	v5 =	vadd.f32 $1.000000000e+00, v5;
	v6 =	vpop (erf)  }
0x358: {  	v7 =	vmul.f32 $1.000000000e+01, v6  }
0x359: {  	(erf) = vrcp.f32 v5  }
0x35a: {  	v5 =	vtrunc.f32 v7  }
0x35b: {  	v5 =	vcvt.f32.s32 v5  }
0x35c: {  	v7 =	vpop (erf)  }
0x35d: {  	v8 =	vld [tilespmem:s8+$0x8040];
	v9 =	vpop (erf);
	v5 =	vshll.u32 v5, $0x4  }
0x35e: {  	v10 =	vmul.f32 $1.000000000e+01, v9;
	v5 =	vor.u32 v2, v5;
	_ =	sdelay $0x1  }
0x35f: {  	v10 =	vtrunc.f32 v10  }
0x360: {  	v10 =	vcvt.f32.s32 v10  }
0x361: {  	v11 =	vld [tilespmem:s22+$0x8050];
	v8 =	vcvt.s32.f32 v8;
	v12 =	vpop (erf)  }
0x362: {  	v10 =	vshll.u32 v10, $0x4;
	v13 =	vmul.f32 $1.000000000e+01, v12;
	[tilespmem:v5+s20+$0x0] =	vst.idx.add.f32.msk $0xffff, v1  }
0x363: {  	v10 =	vor.u32 v2, v10;
	[tilespmem:v5+s23+$0x0] =	vst.idx.add.f32.msk $0xffff, v8  }
0x364: {  	v8 =	vtrunc.f32 v13;
	[tilespmem:v5+s25+$0x0] =	vst.idx.add.f32.msk $0xffff, v6  }
0x365: {  	v5 =	vcvt.f32.s32 v8;
	v6 =	vld [tilespmem:s24+$0xFFFFFFD0]  }
0x366: {  	v8 =	vld [tilespmem:s24+$0x50]  }
0x367: {  	s12 =	simm.s32 $0xC370;
	v11 =	vcvt.s32.f32 v11;
	v13 =	vld [tilespmem:s17+$0x8060];
	v5 =	vshll.u32 v5, $0x4  }
0x368: {  	s13 =	simm.s32 $0xC8F0;
	[tilespmem:v10+s12+$0x0] =	vst.idx.add.f32.msk $0xffff, v1;
	v5 =	vor.u32 v2, v5  }
0x369: {  	s14 =	simm.s32 $0xCE70;
	[tilespmem:v10+s13+$0x0] =	vst.idx.add.f32.msk $0xffff, v11  }
0x36a: {  	[tilespmem:v10+s14+$0x0] =	vst.idx.add.f32.msk $0xffff, v9  }
0x36b: {  	v6 =	vsub.f32 v6, v8;
	v9 =	vld [tilespmem:s21+$0xFFFFFFE0]  }
0x36c: {  	s15 =	simm.s32 $0xC420;
	v7 =	vadd.f32 $1.000000000e+00, v7;
	v10 =	vcvt.s32.f32 v13;
	v8 =	vld [tilespmem:s21+$0x60]  }
0x36d: {  	s26 =	simm.s32 $0xC9A0;
	v6 =	vmul.f32 $1.442695020e+00, v6;
	[tilespmem:v5+s15+$0x0] =	vst.idx.add.f32.msk $0xffff, v1  }
0x36e: {  	s6 =	simm.s32 $0xCF20;
	(erf) = vrcp.f32 v7;
	[tilespmem:v5+s26+$0x0] =	vst.idx.add.f32.msk $0xffff, v10  }
0x36f: {  	(erf) = vpow2.f32 v6;
	[tilespmem:v5+s6+$0x0] =	vst.idx.add.f32.msk $0xffff, v12  }
0x370: {  	v5 =	vld [tilespmem:s1+$0xFFFFFFF0]  }
0x371: {  	v6 =	vld [tilespmem:s1+$0x70];
	_ =	sdelay $0x3  }
0x372: {  	v7 =	vsub.f32 v9, v8  }
0x373: {  	v5 =	vsub.f32 v5, v6  }
0x374: {  	v7 =	vmul.f32 $1.442695020e+00, v7;
	v6 =	vpop (erf)  }
0x375: {  	v8 =	vpop (erf);
	v5 =	vmul.f32 $1.442695020e+00, v5  }
0x376: {  	(erf) = vpow2.f32 v7;
	v7 =	vadd.f32 $1.000000000e+00, v8  }
0x377: {  	(erf) = vpow2.f32 v5  }
0x378: {  	(erf) = vrcp.f32 v7;
	_ =	sdelay $0x6  }
0x379: {  	v5 =	vpop (erf)  }
0x37a: {  	v7 =	vpop (erf)  }
0x37b: {  	v5 =	vadd.f32 $1.000000000e+00, v5;
	v8 =	vpop (erf)  }
0x37c: {  	v9 =	vmul.f32 $1.000000000e+01, v8  }
0x37d: {  	(erf) = vrcp.f32 v5  }
0x37e: {  	v5 =	vtrunc.f32 v9  }
0x37f: {  	v5 =	vcvt.f32.s32 v5;
	_ =	sdelay $0x1  }
0x380: {  	v9 =	vld [tilespmem:s8+$0x8050];
	v5 =	vshll.u32 v5, $0x4  }
0x381: {  	v5 =	vor.u32 v2, v5;
	_ =	sdelay $0x3  }
0x382: {  	v10 =	vpop (erf);
	v9 =	vcvt.s32.f32 v9  }
0x383: {  	v11 =	vmul.f32 $1.000000000e+01, v10;
	[tilespmem:v5+s12+$0x0] =	vst.idx.add.f32.msk $0xffff, v1  }
0x384: {  	[tilespmem:v5+s13+$0x0] =	vst.idx.add.f32.msk $0xffff, v9  }
0x385: {  	v9 =	vtrunc.f32 v11;
	[tilespmem:v5+s14+$0x0] =	vst.idx.add.f32.msk $0xffff, v8  }
0x386: {  	v5 =	vcvt.f32.s32 v9;
	v8 =	vld [tilespmem:s24+$0xFFFFFFE0]  }
0x387: {  	v9 =	vld [tilespmem:s24+$0x60]  }
0x388: {  	v11 =	vld [tilespmem:s22+$0x8060];
	v5 =	vshll.u32 v5, $0x4  }
0x389: {  	v5 =	vor.u32 v2, v5;
	_ =	sdelay $0x2  }
0x38a: {  	v8 =	vsub.f32 v8, v9  }
0x38b: {  	v7 =	vadd.f32 $1.000000000e+00, v7;
	v9 =	vcvt.s32.f32 v11  }
0x38c: {  	s19 =	simm.s32 $0xC9A0;
	[tilespmem:v5+s15+$0x0] =	vst.idx.add.f32.msk $0xffff, v1;
	v8 =	vmul.f32 $1.442695020e+00, v8  }
0x38d: {  	s20 =	simm.s32 $0xCF20;
	(erf) = vrcp.f32 v7;
	[tilespmem:v5+s19+$0x0] =	vst.idx.add.f32.msk $0xffff, v9  }
0x38e: {  	(erf) = vpow2.f32 v8;
	[tilespmem:v5+s20+$0x0] =	vst.idx.add.f32.msk $0xffff, v10  }
0x38f: {  	v5 =	vld [tilespmem:s21+$0xFFFFFFF0]  }
0x390: {  	v7 =	vld [tilespmem:s21+$0x70];
	_ =	sdelay $0x4  }
0x391: {  	v5 =	vsub.f32 v5, v7  }
0x392: {  	v7 =	vpop (erf)  }
0x393: {  	v5 =	vmul.f32 $1.442695020e+00, v5;
	v8 =	vpop (erf)  }
0x394: {  	v8 =	vadd.f32 $1.000000000e+00, v8  }
0x395: {  	(erf) = vpow2.f32 v5  }
0x396: {  	(erf) = vrcp.f32 v8;
	_ =	sdelay $0x7  }
0x397: {  	v5 =	vpop (erf)  }
0x398: {  	v8 =	vpop (erf)  }
0x399: {  	v9 =	vmul.f32 $1.000000000e+01, v8;
	_ =	sdelay $0x1  }
0x39a: {  	v9 =	vtrunc.f32 v9  }
0x39b: {  	v9 =	vcvt.f32.s32 v9;
	_ =	sdelay $0x1  }
0x39c: {  	v10 =	vld [tilespmem:s8+$0x8060];
	v9 =	vshll.u32 v9, $0x4  }
0x39d: {  	v9 =	vor.u32 v2, v9;
	_ =	sdelay $0x3  }
0x39e: {  	s18 =	simm.s32 $0xC420;
	v10 =	vcvt.s32.f32 v10  }
0x39f: {  	[tilespmem:v9+s18+$0x0] =	vst.idx.add.f32.msk $0xffff, v1  }
0x3a0: {  	[tilespmem:v9+s19+$0x0] =	vst.idx.add.f32.msk $0xffff, v10  }
0x3a1: {  	[tilespmem:v9+s20+$0x0] =	vst.idx.add.f32.msk $0xffff, v8  }
0x3a2: {  	v8 =	vld [tilespmem:s24+$0xFFFFFFF0]  }
0x3a3: {  	v9 =	vld [tilespmem:s24+$0x70];
	_ =	sdelay $0x4  }
0x3a4: {  	v8 =	vsub.f32 v8, v9  }
0x3a5: {  	v5 =	vadd.f32 $1.000000000e+00, v5  }
0x3a6: {  	v8 =	vmul.f32 $1.442695020e+00, v8  }
0x3a7: {  	(erf) = vrcp.f32 v5  }
0x3a8: {  	(erf) = vpow2.f32 v8;
	_ =	sdelay $0x6  }
0x3a9: {  	v5 =	vmul.f32 $1.000000000e+01, v4  }
0x3aa: {  	v8 =	vpop (erf)  }
0x3ab: {  	v5 =	vtrunc.f32 v5;
	v9 =	vpop (erf)  }
0x3ac: {  	v5 =	vcvt.f32.s32 v5;
	v9 =	vadd.f32 $1.000000000e+00, v9  }
0x3ad: {  	v10 =	vmul.f32 $1.000000000e+01, v6  }
0x3ae: {  	v5 =	vshll.u32 v5, $0x4;
	(erf) = vrcp.f32 v9  }
0x3af: {  	v5 =	vor.u32 v2, v5;
	v9 =	vtrunc.f32 v10  }
0x3b0: {  	v9 =	vcvt.f32.s32 v9  }
0x3b1: {  	v10 =	vmul.f32 $1.000000000e+01, v7  }
0x3b2: {  	v11 =	vld [tilespmem:s3+$0x8070];
	v9 =	vshll.u32 v9, $0x4  }
0x3b3: {  	v3 =	vcvt.s32.f32 v3;
	v10 =	vtrunc.f32 v10;
	v9 =	vor.u32 v2, v9  }
0x3b4: {  	[tilespmem:v5+s7+$0x0] =	vst.idx.add.f32.msk $0xffff, v1;
	v10 =	vcvt.f32.s32 v10  }
0x3b5: {  	[tilespmem:v5+s5+$0x0] =	vst.idx.add.f32.msk $0xffff, v3;
	v3 =	vmul.f32 $1.000000000e+01, v8  }
0x3b6: {  	[tilespmem:v5+s16+$0x0] =	vst.idx.add.f32.msk $0xffff, v4;
	v4 =	vshll.u32 v10, $0x4  }
0x3b7: {  	v5 =	vcvt.s32.f32 v11;
	v3 =	vtrunc.f32 v3;
	v10 =	vld [tilespmem:s17+$0x8070];
	v4 =	vor.u32 v2, v4;
	v11 =	vpop (erf)  }
0x3b8: {  	v3 =	vcvt.f32.s32 v3;
	[tilespmem:v9+s7+$0x0] =	vst.idx.add.f32.msk $0xffff, v1;
	v12 =	vmul.f32 $1.000000000e+01, v11  }
0x3b9: {  	[tilespmem:v9+s5+$0x0] =	vst.idx.add.f32.msk $0xffff, v5  }
0x3ba: {  	v3 =	vshll.u32 v3, $0x4;
	v5 =	vld [tilespmem:s22+$0x8070];
	v12 =	vtrunc.f32 v12  }
0x3bb: {  	v3 =	vor.u32 v2, v3;
	[tilespmem:v9+s16+$0x0] =	vst.idx.add.f32.msk $0xffff, v6;
	v6 =	vcvt.f32.s32 v12  }
0x3bc: {  	v9 =	vcvt.s32.f32 v10;
	[tilespmem:v4+s7+$0x0] =	vst.idx.add.f32.msk $0xffff, v1  }
0x3bd: {  	v10 =	vld [tilespmem:s8+$0x8070];
	v6 =	vshll.u32 v6, $0x4  }
0x3be: {  	[tilespmem:v4+s5+$0x0] =	vst.idx.add.f32.msk $0xffff, v9;
	v6 =	vor.u32 v2, v6  }
0x3bf: {  	[tilespmem:v4+s16+$0x0] =	vst.idx.add.f32.msk $0xffff, v7;
	v4 =	vcvt.s32.f32 v5  }
0x3c0: {  	[tilespmem:v3+s7+$0x0] =	vst.idx.add.f32.msk $0xffff, v1  }
0x3c1: {  	[tilespmem:v3+s5+$0x0] =	vst.idx.add.f32.msk $0xffff, v4  }
0x3c2: {  	[tilespmem:v3+s16+$0x0] =	vst.idx.add.f32.msk $0xffff, v8;
	v3 =	vcvt.s32.f32 v10  }
0x3c3: {  	[tilespmem:v6+s7+$0x0] =	vst.idx.add.f32.msk $0xffff, v1  }
0x3c4: {  	[tilespmem:v6+s5+$0x0] =	vst.idx.add.f32.msk $0xffff, v3  }
0x3c5: {  	s21 =	simm.s32 $0x2;
	[tilespmem:v6+s16+$0x0] =	vst.idx.add.f32.msk $0xffff, v11  }
0x3c6: {  	_ =	swait.ge [sflag:s21], $0x4000  }
0x3c7: {  	[sflag:s21] =	ssyncset.done $0x0  }
0x3c8: {  	[sflag:s21] =	ssyncadd.s32 $0xFFFFC000  }
0x3c9: {  	s22 =	rddreg [dreg:$0xd];
	_ =	swait.ge [sflag:s21], $0x2000  }
0x3ca: {  	s1 =	rddreg [dreg:$0x8]  }
0x3cb: {  	p0 =	seq.s32 s22, $0x2;
	s3 =	rddreg [dreg:$0xe];
	[sflag:s21] =	ssyncset.done $0x0  }
0x3cc: {  	s1 =	sadd.s32 @!p0 s3, s1;
	[sflag:s21] =	ssyncadd.s32 $0xFFFFE000  }
0x3cd: {  	s3 =	sshrl.u32 @!p0 s1, $0x2;
	s4 =	rddreg [dreg:$0x0]  }
0x3ce: {  	s3 =	sadd.s32 @!p0 s4, s3;
	s4 =	simm.s32 @!p0 $0x0  }
0x3cf: {  	[tilespmem:s4], [sflag:$0x1] =	stream.linear.gather @!p0 [hbm4b:s3+s4], $0x4000, $0x38;
	[tilespmem:$0xD080] =	vst v63  }
0x3d0: {  	s1 =	sshrl.u32 @!p0 s1, $0x3;
	s3 =	rddreg [dreg:$0x1]  }
0x3d1: {  	s24 =	simm.s32 $0x4080;
	s1 =	sadd.s32 @!p0 s3, s1;
	s3 =	simm.s32 @!p0 $0x8000  }
0x3d2: {  	[tilespmem:s3], [sflag:$0x1] =	stream.linear.gather @!p0 [hbm4b:s1+s4], $0x2000, $0x38;
	[tilespmem:$0xD080] =	vst v63  }
0x3d3: {  	v3 =	vld [tilespmem:s24+$0xFFFFFF80]  }
0x3d4: {  	v4 =	vld [tilespmem:s24+$0x0];
	_ =	sdelay $0x4  }
0x3d5: {  	v3 =	vsub.f32 v3, v4;
	_ =	sdelay $0x1  }
0x3d6: {  	v3 =	vmul.f32 $1.442695020e+00, v3;
	_ =	sdelay $0x1  }
0x3d7: {  	(erf) = vpow2.f32 v3;
	_ =	sdelay $0x8  }
0x3d8: {  	v3 =	vpop (erf)  }
0x3d9: {  	v3 =	vadd.f32 $1.000000000e+00, v3;
	_ =	sdelay $0x1  }
0x3da: {  	(erf) = vrcp.f32 v3;
	_ =	sdelay $0x8  }
0x3db: {  	v3 =	vpop (erf)  }
0x3dc: {  	v4 =	vmul.f32 $1.000000000e+01, v3;
	_ =	sdelay $0x1  }
0x3dd: {  	v4 =	vtrunc.f32 v4  }
0x3de: {  	v4 =	vcvt.f32.s32 v4  }
0x3df: {  	s23 =	simm.s32 $0x0  }
0x3e0: {  	v5 =	vld [tilespmem:s23+$0xA000];
	v4 =	vshll.u32 v4, $0x4  }
0x3e1: {  	v4 =	vor.u32 v2, v4;
	_ =	sdelay $0x1  }
0x3e2: {  	s23 =	simm.s32 $0x4180  }
0x3e3: {  	v6 =	vld [tilespmem:s23+$0xFFFFFF80]  }
0x3e4: {  	v7 =	vld [tilespmem:s23+$0x0];
	v5 =	vcvt.s32.f32 v5  }
0x3e5: {  	[tilespmem:v4+s29+$0x0] =	vst.idx.add.f32.msk $0xffff, v1  }
0x3e6: {  	s26 =	simm.s32 $0xCB00;
	[tilespmem:v4+s30+$0x0] =	vst.idx.add.f32.msk $0xffff, v5  }
0x3e7: {  	[tilespmem:v4+s26+$0x0] =	vst.idx.add.f32.msk $0xffff, v3  }
0x3e8: {  	v3 =	vld [tilespmem:s24+$0xFFFFFF90]  }
0x3e9: {  	v5 =	vsub.f32 v6, v7;
	v4 =	vld [tilespmem:s24+$0x10];
	_ =	sdelay $0x1  }
0x3ea: {  	v5 =	vmul.f32 $1.442695020e+00, v5;
	_ =	sdelay $0x1  }
0x3eb: {  	(erf) = vpow2.f32 v5  }
0x3ec: {  	v3 =	vsub.f32 v3, v4;
	_ =	sdelay $0x1  }
0x3ed: {  	v3 =	vmul.f32 $1.442695020e+00, v3;
	_ =	sdelay $0x1  }
0x3ee: {  	(erf) = vpow2.f32 v3;
	_ =	sdelay $0x3  }
0x3ef: {  	v3 =	vpop (erf)  }
0x3f0: {  	v3 =	vadd.f32 $1.000000000e+00, v3;
	_ =	sdelay $0x1  }
0x3f1: {  	(erf) = vrcp.f32 v3;
	_ =	sdelay $0x1  }
0x3f2: {  	v3 =	vpop (erf)  }
0x3f3: {  	v3 =	vadd.f32 $1.000000000e+00, v3;
	_ =	sdelay $0x1  }
0x3f4: {  	(erf) = vrcp.f32 v3;
	_ =	sdelay $0x3  }
0x3f5: {  	v3 =	vpop (erf)  }
0x3f6: {  	v4 =	vmul.f32 $1.000000000e+01, v3;
	_ =	sdelay $0x1  }
0x3f7: {  	v4 =	vtrunc.f32 v4  }
0x3f8: {  	v4 =	vcvt.f32.s32 v4  }
0x3f9: {  	s1 =	simm.s32 $0x80;
	v5 =	vpop (erf)  }
0x3fa: {  	v6 =	vld [tilespmem:s1+$0xA000];
	v4 =	vshll.u32 v4, $0x4;
	v7 =	vmul.f32 $1.000000000e+01, v5  }
0x3fb: {  	v4 =	vor.u32 v2, v4  }
0x3fc: {  	s20 =	simm.s32 $0x4280;
	v7 =	vtrunc.f32 v7  }
0x3fd: {  	v8 =	vld [tilespmem:s20+$0xFFFFFF80];
	v7 =	vcvt.f32.s32 v7  }
0x3fe: {  	s25 =	simm.s32 $0x0;
	v9 =	vld [tilespmem:s20+$0x0]  }
0x3ff: {  	v10 =	vld [tilespmem:s25+$0xA010];
	v6 =	vcvt.s32.f32 v6;
	v7 =	vshll.u32 v7, $0x4  }
0x400: {  	[tilespmem:v4+s29+$0x0] =	vst.idx.add.f32.msk $0xffff, v1;
	v7 =	vor.u32 v2, v7  }
0x401: {  	[tilespmem:v4+s30+$0x0] =	vst.idx.add.f32.msk $0xffff, v6  }
0x402: {  	[tilespmem:v4+s26+$0x0] =	vst.idx.add.f32.msk $0xffff, v3  }
0x403: {  	v4 =	vsub.f32 v8, v9;
	v3 =	vld [tilespmem:s23+$0xFFFFFF90]  }
0x404: {  	s7 =	simm.s32 $0xC0B0;
	v8 =	vcvt.s32.f32 v10;
	v6 =	vld [tilespmem:s23+$0x10]  }
0x405: {  	s8 =	simm.s32 $0xC630;
	v4 =	vmul.f32 $1.442695020e+00, v4;
	[tilespmem:v7+s7+$0x0] =	vst.idx.add.f32.msk $0xffff, v1  }
0x406: {  	s9 =	simm.s32 $0xCBB0;
	[tilespmem:v7+s8+$0x0] =	vst.idx.add.f32.msk $0xffff, v8  }
0x407: {  	(erf) = vpow2.f32 v4;
	[tilespmem:v7+s9+$0x0] =	vst.idx.add.f32.msk $0xffff, v5  }
0x408: {  	v4 =	vld [tilespmem:s24+$0xFFFFFFA0]  }
0x409: {  	v3 =	vsub.f32 v3, v6;
	v5 =	vld [tilespmem:s24+$0x20];
	_ =	sdelay $0x1  }
0x40a: {  	v3 =	vmul.f32 $1.442695020e+00, v3;
	_ =	sdelay $0x1  }
0x40b: {  	(erf) = vpow2.f32 v3  }
0x40c: {  	v3 =	vsub.f32 v4, v5;
	_ =	sdelay $0x1  }
0x40d: {  	v4 =	vpop (erf);
	v3 =	vmul.f32 $1.442695020e+00, v3  }
0x40e: {  	v4 =	vadd.f32 $1.000000000e+00, v4  }
0x40f: {  	(erf) = vpow2.f32 v3  }
0x410: {  	(erf) = vrcp.f32 v4;
	_ =	sdelay $0x2  }
0x411: {  	v3 =	vpop (erf)  }
0x412: {  	v3 =	vadd.f32 $1.000000000e+00, v3;
	_ =	sdelay $0x1  }
0x413: {  	(erf) = vrcp.f32 v3;
	_ =	sdelay $0x1  }
0x414: {  	v3 =	vpop (erf)  }
0x415: {  	v4 =	vpop (erf)  }
0x416: {  	v3 =	vadd.f32 $1.000000000e+00, v3;
	v5 =	vmul.f32 $1.000000000e+01, v4;
	_ =	sdelay $0x1  }
0x417: {  	(erf) = vrcp.f32 v3;
	v3 =	vtrunc.f32 v5  }
0x418: {  	v3 =	vcvt.f32.s32 v3  }
0x419: {  	s3 =	simm.s32 $0x100  }
0x41a: {  	v5 =	vld [tilespmem:s3+$0xA000];
	v6 =	vpop (erf);
	v3 =	vshll.u32 v3, $0x4  }
0x41b: {  	s17 =	simm.s32 $0x4380;
	v7 =	vmul.f32 $1.000000000e+01, v6;
	v3 =	vor.u32 v2, v3  }
0x41c: {  	v11 =	vld [tilespmem:s17+$0x0]  }
0x41d: {  	v9 =	vld [tilespmem:s17+$0xFFFFFF80];
	v7 =	vtrunc.f32 v7  }
0x41e: {  	v7 =	vcvt.f32.s32 v7  }
0x41f: {  	v8 =	vld [tilespmem:s1+$0xA010];
	v5 =	vcvt.s32.f32 v5  }
0x420: {  	v7 =	vshll.u32 v7, $0x4;
	v10 =	vpop (erf);
	[tilespmem:v3+s29+$0x0] =	vst.idx.add.f32.msk $0xffff, v1  }
0x421: {  	s2 =	simm.s32 $0x0;
	v12 =	vmul.f32 $1.000000000e+01, v10;
	[tilespmem:v3+s30+$0x0] =	vst.idx.add.f32.msk $0xffff, v5;
	v5 =	vor.u32 v2, v7  }
0x422: {  	s4 =	simm.s32 $0xCB00;
	v9 =	vsub.f32 v9, v11;
	v11 =	vld [tilespmem:s2+$0xA020]  }
0x423: {  	v7 =	vtrunc.f32 v12;
	[tilespmem:v3+s4+$0x0] =	vst.idx.add.f32.msk $0xffff, v4  }
0x424: {  	v3 =	vcvt.f32.s32 v7;
	v4 =	vld [tilespmem:s20+$0xFFFFFF90]  }
0x425: {  	v8 =	vcvt.s32.f32 v8;
	v7 =	vld [tilespmem:s20+$0x10]  }
0x426: {  	v9 =	vmul.f32 $1.442695020e+00, v9;
	v3 =	vshll.u32 v3, $0x4;
	[tilespmem:v5+s7+$0x0] =	vst.idx.add.f32.msk $0xffff, v1  }
0x427: {  	v3 =	vor.u32 v2, v3;
	[tilespmem:v5+s8+$0x0] =	vst.idx.add.f32.msk $0xffff, v8  }
0x428: {  	(erf) = vpow2.f32 v9;
	[tilespmem:v5+s9+$0x0] =	vst.idx.add.f32.msk $0xffff, v6  }
0x429: {  	v5 =	vld [tilespmem:s23+$0xFFFFFFA0]  }
0x42a: {  	v4 =	vsub.f32 v4, v7;
	v7 =	vld [tilespmem:s23+$0x20]  }
0x42b: {  	s16 =	simm.s32 $0xC160;
	v6 =	vcvt.s32.f32 v11  }
0x42c: {  	s18 =	simm.s32 $0xC6E0;
	v4 =	vmul.f32 $1.442695020e+00, v4;
	[tilespmem:v3+s16+$0x0] =	vst.idx.add.f32.msk $0xffff, v1  }
0x42d: {  	s19 =	simm.s32 $0xCC60;
	[tilespmem:v3+s18+$0x0] =	vst.idx.add.f32.msk $0xffff, v6  }
0x42e: {  	(erf) = vpow2.f32 v4;
	[tilespmem:v3+s19+$0x0] =	vst.idx.add.f32.msk $0xffff, v10  }
0x42f: {  	v3 =	vld [tilespmem:s24+$0xFFFFFFB0];
	v4 =	vsub.f32 v5, v7  }
0x430: {  	v5 =	vld [tilespmem:s24+$0x30]  }
0x431: {  	v6 =	vpop (erf);
	v4 =	vmul.f32 $1.442695020e+00, v4  }
0x432: {  	v6 =	vadd.f32 $1.000000000e+00, v6  }
0x433: {  	(erf) = vpow2.f32 v4  }
0x434: {  	(erf) = vrcp.f32 v6  }
0x435: {  	v3 =	vsub.f32 v3, v5;
	_ =	sdelay $0x1  }
0x436: {  	v3 =	vmul.f32 $1.442695020e+00, v3;
	v4 =	vpop (erf)  }
0x437: {  	v4 =	vadd.f32 $1.000000000e+00, v4  }
0x438: {  	(erf) = vpow2.f32 v3  }
0x439: {  	(erf) = vrcp.f32 v4;
	_ =	sdelay $0x1  }
0x43a: {  	v3 =	vpop (erf)  }
0x43b: {  	v4 =	vpop (erf)  }
0x43c: {  	v3 =	vadd.f32 $1.000000000e+00, v3;
	v5 =	vmul.f32 $1.000000000e+01, v4;
	_ =	sdelay $0x1  }
0x43d: {  	(erf) = vrcp.f32 v3  }
0x43e: {  	v3 =	vtrunc.f32 v5  }
0x43f: {  	v3 =	vcvt.f32.s32 v3;
	v5 =	vpop (erf)  }
0x440: {  	s4 =	simm.s32 $0x180;
	v6 =	vpop (erf);
	v5 =	vadd.f32 $1.000000000e+00, v5  }
0x441: {  	v7 =	vld [tilespmem:s4+$0xA000];
	v3 =	vshll.u32 v3, $0x4;
	v8 =	vmul.f32 $1.000000000e+01, v6  }
0x442: {  	s15 =	simm.s32 $0x4480;
	v3 =	vor.u32 v2, v3;
	(erf) = vrcp.f32 v5  }
0x443: {  	v9 =	vld [tilespmem:s15+$0xFFFFFF80];
	v5 =	vtrunc.f32 v8  }
0x444: {  	v11 =	vld [tilespmem:s3+$0xA010];
	v5 =	vcvt.f32.s32 v5  }
0x445: {  	v10 =	vld [tilespmem:s15+$0x0]  }
0x446: {  	v7 =	vcvt.s32.f32 v7;
	v8 =	vld [tilespmem:s1+$0xA020];
	v12 =	vpop (erf);
	v5 =	vshll.u32 v5, $0x4  }
0x447: {  	[tilespmem:v3+s29+$0x0] =	vst.idx.add.f32.msk $0xffff, v1;
	v13 =	vmul.f32 $1.000000000e+01, v12;
	v5 =	vor.u32 v2, v5  }
0x448: {  	s10 =	simm.s32 $0xCB00;
	[tilespmem:v3+s30+$0x0] =	vst.idx.add.f32.msk $0xffff, v7  }
0x449: {  	[tilespmem:v3+s10+$0x0] =	vst.idx.add.f32.msk $0xffff, v4;
	v3 =	vtrunc.f32 v13  }
0x44a: {  	v4 =	vld [tilespmem:s17+$0xFFFFFF90];
	v3 =	vcvt.f32.s32 v3  }
0x44b: {  	s12 =	simm.s32 $0xC0B0;
	v7 =	vsub.f32 v9, v10;
	v10 =	vcvt.s32.f32 v11;
	v9 =	vld [tilespmem:s17+$0x10];
	v11 =	vpop (erf)  }
0x44c: {  	s13 =	simm.s32 $0xC630;
	v3 =	vshll.u32 v3, $0x4;
	[tilespmem:v5+s12+$0x0] =	vst.idx.add.f32.msk $0xffff, v1;
	v13 =	vmul.f32 $1.000000000e+01, v11  }
0x44d: {  	s14 =	simm.s32 $0xCBB0;
	v7 =	vmul.f32 $1.442695020e+00, v7;
	v3 =	vor.u32 v2, v3;
	[tilespmem:v5+s13+$0x0] =	vst.idx.add.f32.msk $0xffff, v10  }
0x44e: {  	[tilespmem:v5+s14+$0x0] =	vst.idx.add.f32.msk $0xffff, v6;
	v5 =	vtrunc.f32 v13  }
0x44f: {  	(erf) = vpow2.f32 v7;
	v6 =	vld [tilespmem:s20+$0xFFFFFFA0];
	v5 =	vcvt.f32.s32 v5  }
0x450: {  	s11 =	simm.s32 $0x0;
	v7 =	vld [tilespmem:s20+$0x20]  }
0x451: {  	v8 =	vcvt.s32.f32 v8;
	v4 =	vsub.f32 v4, v9;
	v9 =	vld [tilespmem:s11+$0xA030];
	v5 =	vshll.u32 v5, $0x4  }
0x452: {  	[tilespmem:v3+s16+$0x0] =	vst.idx.add.f32.msk $0xffff, v1;
	v5 =	vor.u32 v2, v5  }
0x453: {  	v4 =	vmul.f32 $1.442695020e+00, v4;
	[tilespmem:v3+s18+$0x0] =	vst.idx.add.f32.msk $0xffff, v8  }
0x454: {  	[tilespmem:v3+s19+$0x0] =	vst.idx.add.f32.msk $0xffff, v12  }
0x455: {  	(erf) = vpow2.f32 v4;
	v3 =	vsub.f32 v6, v7;
	v4 =	vld [tilespmem:s23+$0xFFFFFFB0]  }
0x456: {  	s19 =	simm.s32 $0xC210;
	v6 =	vcvt.s32.f32 v9;
	v7 =	vld [tilespmem:s23+$0x30]  }
0x457: {  	s8 =	simm.s32 $0xC790;
	v3 =	vmul.f32 $1.442695020e+00, v3;
	[tilespmem:v5+s19+$0x0] =	vst.idx.add.f32.msk $0xffff, v1  }
0x458: {  	s18 =	simm.s32 $0xCD10;
	v8 =	vpop (erf);
	[tilespmem:v5+s8+$0x0] =	vst.idx.add.f32.msk $0xffff, v6  }
0x459: {  	v8 =	vadd.f32 $1.000000000e+00, v8;
	(erf) = vpow2.f32 v3;
	[tilespmem:v5+s18+$0x0] =	vst.idx.add.f32.msk $0xffff, v11  }
0x45a: {  	v3 =	vld [tilespmem:s24+$0xFFFFFFC0]  }
0x45b: {  	(erf) = vrcp.f32 v8;
	v5 =	vld [tilespmem:s24+$0x40]  }
0x45c: {  	v4 =	vsub.f32 v4, v7;
	_ =	sdelay $0x1  }
0x45d: {  	v4 =	vmul.f32 $1.442695020e+00, v4;
	v6 =	vpop (erf)  }
0x45e: {  	v6 =	vadd.f32 $1.000000000e+00, v6  }
0x45f: {  	(erf) = vpow2.f32 v4;
	v3 =	vsub.f32 v3, v5  }
0x460: {  	(erf) = vrcp.f32 v6  }
0x461: {  	v4 =	vpop (erf);
	v3 =	vmul.f32 $1.442695020e+00, v3  }
0x462: {  	v4 =	vadd.f32 $1.000000000e+00, v4  }
0x463: {  	v5 =	vpop (erf);
	(erf) = vpow2.f32 v3  }
0x464: {  	v6 =	vmul.f32 $1.000000000e+01, v5;
	(erf) = vrcp.f32 v4;
	_ =	sdelay $0x1  }
0x465: {  	v3 =	vtrunc.f32 v6  }
0x466: {  	v3 =	vcvt.f32.s32 v3  }
0x467: {  	v4 =	vpop (erf)  }
0x468: {  	s9 =	simm.s32 $0x200;
	v6 =	vpop (erf);
	v3 =	vshll.u32 v3, $0x4  }
0x469: {  	v7 =	vld [tilespmem:s9+$0xA000];
	v4 =	vadd.f32 $1.000000000e+00, v4;
	v8 =	vmul.f32 $1.000000000e+01, v6;
	v3 =	vor.u32 v2, v3  }
0x46a: {  	s16 =	simm.s32 $0x4580  }
0x46b: {  	v14 =	vld [tilespmem:s16+$0xFFFFFF80];
	(erf) = vrcp.f32 v4;
	v8 =	vtrunc.f32 v8;
	v10 =	vpop (erf)  }
0x46c: {  	v9 =	vld [tilespmem:s3+$0xA020];
	v8 =	vcvt.f32.s32 v8;
	v12 =	vpop (erf)  }
0x46d: {  	v11 =	vld [tilespmem:s4+$0xA010];
	v10 =	vadd.f32 $1.000000000e+00, v10;
	v13 =	vmul.f32 $1.000000000e+01, v12  }
0x46e: {  	v7 =	vcvt.s32.f32 v7;
	v8 =	vshll.u32 v8, $0x4;
	[tilespmem:v3+s29+$0x0] =	vst.idx.add.f32.msk $0xffff, v1  }
0x46f: {  	v8 =	vor.u32 v2, v8;
	(erf) = vrcp.f32 v10;
	v10 =	vld [tilespmem:s16+$0x0];
	v13 =	vtrunc.f32 v13  }
0x470: {  	s21 =	simm.s32 $0xCB00;
	[tilespmem:v3+s30+$0x0] =	vst.idx.add.f32.msk $0xffff, v7;
	v7 =	vcvt.f32.s32 v13  }
0x471: {  	[tilespmem:v3+s21+$0x0] =	vst.idx.add.f32.msk $0xffff, v5  }
0x472: {  	v3 =	vld [tilespmem:s15+$0xFFFFFF90]  }
0x473: {  	s22 =	simm.s32 $0xC0B0;
	v11 =	vcvt.s32.f32 v11;
	v13 =	vld [tilespmem:s15+$0x10]  }
0x474: {  	s25 =	simm.s32 $0xC630;
	v5 =	vshll.u32 v7, $0x4;
	[tilespmem:v8+s22+$0x0] =	vst.idx.add.f32.msk $0xffff, v1;
	v7 =	vpop (erf)  }
0x475: {  	s26 =	simm.s32 $0xCBB0;
	v5 =	vor.u32 v2, v5;
	v10 =	vsub.f32 v14, v10;
	[tilespmem:v8+s25+$0x0] =	vst.idx.add.f32.msk $0xffff, v11;
	v15 =	vmul.f32 $1.000000000e+01, v7  }
0x476: {  	[tilespmem:v8+s26+$0x0] =	vst.idx.add.f32.msk $0xffff, v6  }
0x477: {  	v6 =	vmul.f32 $1.442695020e+00, v10;
	v10 =	vld [tilespmem:s17+$0xFFFFFFA0];
	v11 =	vtrunc.f32 v15  }
0x478: {  	v14 =	vld [tilespmem:s17+$0x20];
	v8 =	vcvt.f32.s32 v11  }
0x479: {  	s2 =	simm.s32 $0xC160;
	v9 =	vcvt.s32.f32 v9;
	v4 =	vld [tilespmem:s1+$0xA030];
	v3 =	vsub.f32 v3, v13  }
0x47a: {  	s11 =	simm.s32 $0xC6E0;
	(erf) = vpow2.f32 v6;
	[tilespmem:v5+s2+$0x0] =	vst.idx.add.f32.msk $0xffff, v1;
	v6 =	vshll.u32 v8, $0x4  }
0x47b: {  	s13 =	simm.s32 $0xCC60;
	v3 =	vmul.f32 $1.442695020e+00, v3;
	[tilespmem:v5+s11+$0x0] =	vst.idx.add.f32.msk $0xffff, v9;
	v11 =	vpop (erf);
	v6 =	vor.u32 v2, v6  }
0x47c: {  	s10 =	simm.s32 $0x0;
	[tilespmem:v5+s13+$0x0] =	vst.idx.add.f32.msk $0xffff, v12;
	v8 =	vmul.f32 $1.000000000e+01, v11  }
0x47d: {  	(erf) = vpow2.f32 v3;
	v3 =	vsub.f32 v10, v14;
	v10 =	vld [tilespmem:s10+$0xA040]  }
0x47e: {  	v9 =	vld [tilespmem:s20+$0x30];
	v8 =	vtrunc.f32 v8  }
0x47f: {  	v4 =	vcvt.s32.f32 v4;
	v5 =	vcvt.f32.s32 v8;
	v8 =	vld [tilespmem:s20+$0xFFFFFFB0]  }
0x480: {  	[tilespmem:v6+s19+$0x0] =	vst.idx.add.f32.msk $0xffff, v1  }
0x481: {  	v3 =	vmul.f32 $1.442695020e+00, v3;
	[tilespmem:v6+s8+$0x0] =	vst.idx.add.f32.msk $0xffff, v4  }
0x482: {  	[tilespmem:v6+s18+$0x0] =	vst.idx.add.f32.msk $0xffff, v7  }
0x483: {  	v5 =	vshll.u32 v5, $0x4;
	v4 =	vld [tilespmem:s23+$0xFFFFFFC0]  }
0x484: {  	(erf) = vpow2.f32 v3;
	v5 =	vor.u32 v2, v5;
	v6 =	vsub.f32 v8, v9;
	v8 =	vld [tilespmem:s23+$0x40]  }
0x485: {  	v3 =	vpop (erf)  }
0x486: {  	v3 =	vadd.f32 $1.000000000e+00, v3;
	_ =	sdelay $0x1  }
0x487: {  	s13 =	simm.s32 $0xC2C0;
	v7 =	vcvt.s32.f32 v10  }
0x488: {  	s11 =	simm.s32 $0xC840;
	(erf) = vrcp.f32 v3;
	[tilespmem:v5+s13+$0x0] =	vst.idx.add.f32.msk $0xffff, v1;
	v4 =	vsub.f32 v4, v8  }
0x489: {  	s8 =	simm.s32 $0xCDC0;
	v6 =	vmul.f32 $1.442695020e+00, v6;
	v3 =	vpop (erf);
	[tilespmem:v5+s11+$0x0] =	vst.idx.add.f32.msk $0xffff, v7  }
0x48a: {  	v3 =	vadd.f32 $1.000000000e+00, v3;
	[tilespmem:v5+s8+$0x0] =	vst.idx.add.f32.msk $0xffff, v11  }
0x48b: {  	(erf) = vpow2.f32 v6;
	v5 =	vld [tilespmem:s24+$0xFFFFFFD0]  }
0x48c: {  	(erf) = vrcp.f32 v3;
	v6 =	vld [tilespmem:s24+$0x50];
	v3 =	vmul.f32 $1.442695020e+00, v4;
	v4 =	vpop (erf)  }
0x48d: {  	v4 =	vadd.f32 $1.000000000e+00, v4;
	_ =	sdelay $0x2  }
0x48e: {  	(erf) = vpow2.f32 v3  }
0x48f: {  	v3 =	vsub.f32 v5, v6;
	(erf) = vrcp.f32 v4;
	v4 =	vpop (erf)  }
0x490: {  	v5 =	vmul.f32 $1.000000000e+01, v4  }
0x491: {  	v3 =	vmul.f32 $1.442695020e+00, v3  }
0x492: {  	v6 =	vpop (erf);
	v5 =	vtrunc.f32 v5  }
0x493: {  	(erf) = vpow2.f32 v3;
	v6 =	vadd.f32 $1.000000000e+00, v6;
	v3 =	vcvt.f32.s32 v5  }
0x494: {  	s14 =	simm.s32 $0x280;
	v8 =	vpop (erf)  }
0x495: {  	v5 =	vld [tilespmem:s14+$0xA000];
	(erf) = vrcp.f32 v6;
	v6 =	vmul.f32 $1.000000000e+01, v8;
	v3 =	vshll.u32 v3, $0x4  }
0x496: {  	v39 =	vld [tilespmem:s9+$0xA010];
	v3 =	vor.u32 v2, v3  }
0x497: {  	v12 =	vld [tilespmem:s4+$0xA020];
	v11 =	vpop (erf);
	v6 =	vtrunc.f32 v6  }
0x498: {  	v10 =	vld [tilespmem:s3+$0xA030];
	s18 =	simm.s32 $0x4680;
	v11 =	vadd.f32 $1.000000000e+00, v11;
	v6 =	vcvt.f32.s32 v6;
	v13 =	vpop (erf)  }
0x499: {  	v14 =	vld [tilespmem:s18+$0xFFFFFF80];
	v15 =	vmul.f32 $1.000000000e+01, v13  }
0x49a: {  	v38 =	vld [tilespmem:s18+$0x0];
	(erf) = vrcp.f32 v11;
	v5 =	vcvt.s32.f32 v5;
	v6 =	vshll.u32 v6, $0x4  }
0x49b: {  	v6 =	vor.u32 v2, v6;
	[tilespmem:v3+s29+$0x0] =	vst.idx.add.f32.msk $0xffff, v1  }
0x49c: {  	s5 =	simm.s32 $0xCB00;
	v11 =	vtrunc.f32 v15;
	[tilespmem:v3+s30+$0x0] =	vst.idx.add.f32.msk $0xffff, v5  }
0x49d: {  	v15 =	vpop (erf);
	v5 =	vcvt.f32.s32 v11;
	[tilespmem:v3+s5+$0x0] =	vst.idx.add.f32.msk $0xffff, v4  }
0x49e: {  	v11 =	vadd.f32 $1.000000000e+00, v15;
	v4 =	vld [tilespmem:s16+$0xFFFFFF90]  }
0x49f: {  	s7 =	simm.s32 $0xC0B0;
	v17 =	vcvt.s32.f32 v39;
	v14 =	vsub.f32 v14, v38;
	v15 =	vpop (erf);
	v5 =	vshll.u32 v5, $0x4;
	v40 =	vld [tilespmem:s16+$0x10]  }
0x4a0: {  	s6 =	simm.s32 $0xC630;
	v3 =	vmul.f32 $1.000000000e+01, v15;
	(erf) = vrcp.f32 v11;
	[tilespmem:v6+s7+$0x0] =	vst.idx.add.f32.msk $0xffff, v1;
	v5 =	vor.u32 v2, v5  }
0x4a1: {  	s22 =	simm.s32 $0xCBB0;
	v11 =	vmul.f32 $1.442695020e+00, v14;
	[tilespmem:v6+s6+$0x0] =	vst.idx.add.f32.msk $0xffff, v17  }
0x4a2: {  	v3 =	vtrunc.f32 v3;
	[tilespmem:v6+s22+$0x0] =	vst.idx.add.f32.msk $0xffff, v8  }
0x4a3: {  	v3 =	vcvt.f32.s32 v3;
	(erf) = vpow2.f32 v11;
	v8 =	vpop (erf);
	v6 =	vld [tilespmem:s15+$0xFFFFFFA0]  }
0x4a4: {  	s25 =	simm.s32 $0xC160;
	v11 =	vcvt.s32.f32 v12;
	v12 =	vld [tilespmem:s15+$0x20];
	v14 =	vmul.f32 $1.000000000e+01, v8  }
0x4a5: {  	s26 =	simm.s32 $0xC6E0;
	v3 =	vshll.u32 v3, $0x4;
	v4 =	vsub.f32 v4, v40;
	[tilespmem:v5+s25+$0x0] =	vst.idx.add.f32.msk $0xffff, v1  }
0x4a6: {  	v3 =	vor.u32 v2, v3;
	[tilespmem:v5+s26+$0x0] =	vst.idx.add.f32.msk $0xffff, v11;
	v11 =	vtrunc.f32 v14  }
0x4a7: {  	s21 =	simm.s32 $0xCC60;
	v9 =	vld [tilespmem:s1+$0xA040];
	v4 =	vmul.f32 $1.442695020e+00, v4  }
0x4a8: {  	[tilespmem:v5+s21+$0x0] =	vst.idx.add.f32.msk $0xffff, v13  }
0x4a9: {  	v5 =	vcvt.f32.s32 v11;
	(erf) = vpow2.f32 v4;
	v4 =	vld [tilespmem:s17+$0xFFFFFFB0];
	v11 =	vpop (erf)  }
0x4aa: {  	s19 =	simm.s32 $0xC210;
	v10 =	vcvt.s32.f32 v10;
	v6 =	vsub.f32 v6, v12;
	v12 =	vld [tilespmem:s17+$0x30];
	v13 =	vmul.f32 $1.000000000e+01, v11  }
0x4ab: {  	s12 =	simm.s32 $0xC790;
	[tilespmem:v3+s19+$0x0] =	vst.idx.add.f32.msk $0xffff, v1  }
0x4ac: {  	s2 =	simm.s32 $0xCD10;
	v5 =	vshll.u32 v5, $0x4;
	v6 =	vmul.f32 $1.442695020e+00, v6;
	[tilespmem:v3+s12+$0x0] =	vst.idx.add.f32.msk $0xffff, v10  }
0x4ad: {  	v5 =	vor.u32 v2, v5;
	[tilespmem:v3+s2+$0x0] =	vst.idx.add.f32.msk $0xffff, v15  }
0x4ae: {  	(erf) = vpow2.f32 v6;
	v10 =	vtrunc.f32 v13;
	v6 =	vld [tilespmem:s20+$0xFFFFFFC0];
	v13 =	vpop (erf)  }
0x4af: {  	v3 =	vcvt.f32.s32 v10;
	v4 =	vsub.f32 v4, v12;
	v12 =	vld [tilespmem:s20+$0x40];
	v10 =	vadd.f32 $1.000000000e+00, v13  }
0x4b0: {  	v9 =	vcvt.s32.f32 v9  }
0x4b1: {  	v7 =	vld [tilespmem:s10+$0xA050];
	v3 =	vshll.u32 v3, $0x4;
	(erf) = vrcp.f32 v10  }
0x4b2: {  	[tilespmem:v5+s13+$0x0] =	vst.idx.add.f32.msk $0xffff, v1;
	v3 =	vor.u32 v2, v3  }
0x4b3: {  	v4 =	vmul.f32 $1.442695020e+00, v4;
	[tilespmem:v5+s11+$0x0] =	vst.idx.add.f32.msk $0xffff, v9  }
0x4b4: {  	v9 =	vpop (erf);
	[tilespmem:v5+s8+$0x0] =	vst.idx.add.f32.msk $0xffff, v8;
	v6 =	vsub.f32 v6, v12  }
0x4b5: {  	v5 =	vadd.f32 $1.000000000e+00, v9;
	(erf) = vpow2.f32 v4;
	v4 =	vld [tilespmem:s23+$0xFFFFFFD0]  }
0x4b6: {  	v7 =	vcvt.s32.f32 v7;
	s13 =	simm.s32 $0xC370;
	v8 =	vld [tilespmem:s23+$0x50]  }
0x4b7: {  	s8 =	simm.s32 $0xC8F0;
	(erf) = vrcp.f32 v5;
	[tilespmem:v3+s13+$0x0] =	vst.idx.add.f32.msk $0xffff, v1  }
0x4b8: {  	s11 =	simm.s32 $0xCE70;
	v5 =	vmul.f32 $1.442695020e+00, v6;
	[tilespmem:v3+s8+$0x0] =	vst.idx.add.f32.msk $0xffff, v7;
	v6 =	vpop (erf)  }
0x4b9: {  	[tilespmem:v3+s11+$0x0] =	vst.idx.add.f32.msk $0xffff, v11;
	v6 =	vadd.f32 $1.000000000e+00, v6  }
0x4ba: {  	(erf) = vpow2.f32 v5;
	v3 =	vld [tilespmem:s24+$0xFFFFFFE0];
	v7 =	vpop (erf)  }
0x4bb: {  	v4 =	vsub.f32 v4, v8;
	v5 =	vld [tilespmem:s24+$0x60];
	(erf) = vrcp.f32 v6;
	v9 =	vmul.f32 $1.000000000e+01, v7;
	_ =	sdelay $0x1  }
0x4bc: {  	v4 =	vmul.f32 $1.442695020e+00, v4;
	v6 =	vtrunc.f32 v9  }
0x4bd: {  	s19 =	simm.s32 $0x300;
	v6 =	vcvt.f32.s32 v6  }
0x4be: {  	v8 =	vpop (erf);
	(erf) = vpow2.f32 v4;
	v4 =	vld [tilespmem:s19+$0xA000]  }
0x4bf: {  	v14 =	vld [tilespmem:s9+$0xA020];
	v8 =	vadd.f32 $1.000000000e+00, v8;
	v10 =	vpop (erf);
	v3 =	vsub.f32 v3, v5;
	v5 =	vshll.u32 v6, $0x4  }
0x4c0: {  	v12 =	vld [tilespmem:s4+$0xA030];
	v11 =	vmul.f32 $1.000000000e+01, v10;
	v5 =	vor.u32 v2, v5  }
0x4c1: {  	s21 =	simm.s32 $0x0;
	v9 =	vld [tilespmem:s1+$0xA050];
	(erf) = vrcp.f32 v8;
	v3 =	vmul.f32 $1.442695020e+00, v3  }
0x4c2: {  	v13 =	vpop (erf);
	v6 =	vld [tilespmem:s21+$0xA060];
	v11 =	vtrunc.f32 v11  }
0x4c3: {  	s21 =	simm.s32 $0x4780;
	(erf) = vpow2.f32 v3;
	v3 =	vcvt.s32.f32 v4;
	v4 =	vld [tilespmem:s14+$0xA010];
	v15 =	vpop (erf)  }
0x4c4: {  	v13 =	vadd.f32 $1.000000000e+00, v13;
	v11 =	vcvt.f32.s32 v11;
	v43 =	vld [tilespmem:s21+$0x0];
	v41 =	vmul.f32 $1.000000000e+01, v15  }
0x4c5: {  	[tilespmem:v5+s29+$0x0] =	vst.idx.add.f32.msk $0xffff, v1  }
0x4c6: {  	(erf) = vrcp.f32 v13;
	v13 =	vtrunc.f32 v41;
	[tilespmem:v5+s30+$0x0] =	vst.idx.add.f32.msk $0xffff, v3;
	v3 =	vshll.u32 v11, $0x4  }
0x4c7: {  	v11 =	vld [tilespmem:s21+$0xFFFFFF80];
	v13 =	vcvt.f32.s32 v13;
	v3 =	vor.u32 v2, v3  }
0x4c8: {  	s10 =	simm.s32 $0xCB00;
	v8 =	vld [tilespmem:s3+$0xA040];
	v42 =	vpop (erf)  }
0x4c9: {  	v16 =	vadd.f32 $1.000000000e+00, v42;
	[tilespmem:v5+s10+$0x0] =	vst.idx.add.f32.msk $0xffff, v7;
	v13 =	vshll.u32 v13, $0x4  }
0x4ca: {  	v4 =	vcvt.s32.f32 v4;
	v44 =	vpop (erf);
	v7 =	vld [tilespmem:s18+$0xFFFFFF90];
	v13 =	vor.u32 v2, v13  }
0x4cb: {  	s5 =	simm.s32 $0xC0B0;
	(erf) = vrcp.f32 v16;
	v5 =	vmul.f32 $1.000000000e+01, v44;
	v45 =	vld [tilespmem:s18+$0x10]  }
0x4cc: {  	s6 =	simm.s32 $0xC630;
	v46 =	vpop (erf);
	v11 =	vsub.f32 v11, v43;
	[tilespmem:v3+s5+$0x0] =	vst.idx.add.f32.msk $0xffff, v1  }
0x4cd: {  	s28 =	simm.s32 $0xCBB0;
	v5 =	vtrunc.f32 v5;
	[tilespmem:v3+s6+$0x0] =	vst.idx.add.f32.msk $0xffff, v4;
	v4 =	vadd.f32 $1.000000000e+00, v46  }
0x4ce: {  	s25 =	simm.s32 $0xC160;
	v5 =	vcvt.f32.s32 v5;
	[tilespmem:v3+s28+$0x0] =	vst.idx.add.f32.msk $0xffff, v10;
	v3 =	vmul.f32 $1.442695020e+00, v11  }
0x4cf: {  	v11 =	vcvt.s32.f32 v14;
	v14 =	vpop (erf);
	[tilespmem:v13+s25+$0x0] =	vst.idx.add.f32.msk $0xffff, v1;
	(erf) = vrcp.f32 v4  }
0x4d0: {  	v5 =	vshll.u32 v5, $0x4;
	v10 =	vld [tilespmem:s16+$0xFFFFFFA0];
	v48 =	vmul.f32 $1.000000000e+01, v14;
	(erf) = vpow2.f32 v3  }
0x4d1: {  	s26 =	simm.s32 $0xC6E0;
	v47 =	vld [tilespmem:s16+$0x20];
	v3 =	vor.u32 v2, v5  }
0x4d2: {  	s31 =	simm.s32 $0xCC60;
	v4 =	vsub.f32 v7, v45;
	[tilespmem:v13+s26+$0x0] =	vst.idx.add.f32.msk $0xffff, v11;
	v5 =	vtrunc.f32 v48  }
0x4d3: {  	[tilespmem:v13+s31+$0x0] =	vst.idx.add.f32.msk $0xffff, v15;
	v5 =	vcvt.f32.s32 v5  }
0x4d4: {  	v12 =	vcvt.s32.f32 v12;
	v4 =	vmul.f32 $1.442695020e+00, v4;
	v7 =	vld [tilespmem:s15+$0xFFFFFFB0];
	v11 =	vpop (erf)  }
0x4d5: {  	s7 =	simm.s32 $0xC210;
	v13 =	vld [tilespmem:s15+$0x30];
	v15 =	vmul.f32 $1.000000000e+01, v11;
	v5 =	vshll.u32 v5, $0x4  }
0x4d6: {  	s22 =	simm.s32 $0xC790;
	(erf) = vpow2.f32 v4;
	[tilespmem:v3+s7+$0x0] =	vst.idx.add.f32.msk $0xffff, v1;
	v5 =	vor.u32 v2, v5  }
0x4d7: {  	s0 =	simm.s32 $0xCD10;
	v4 =	vsub.f32 v10, v47;
	v10 =	vtrunc.f32 v15;
	[tilespmem:v3+s22+$0x0] =	vst.idx.add.f32.msk $0xffff, v12  }
0x4d8: {  	[tilespmem:v3+s0+$0x0] =	vst.idx.add.f32.msk $0xffff, v44;
	v3 =	vcvt.f32.s32 v10;
	v12 =	vpop (erf)  }
0x4d9: {  	v8 =	vcvt.s32.f32 v8;
	v4 =	vmul.f32 $1.442695020e+00, v4;
	v10 =	vld [tilespmem:s17+$0xFFFFFFC0];
	v15 =	vpop (erf)  }
0x4da: {  	s12 =	simm.s32 $0xC2C0;
	v49 =	vld [tilespmem:s17+$0x40];
	v3 =	vshll.u32 v3, $0x4;
	v50 =	vmul.f32 $1.000000000e+01, v12;
	v15 =	vadd.f32 $1.000000000e+00, v15  }
0x4db: {  	s2 =	simm.s32 $0xC840;
	(erf) = vpow2.f32 v4;
	[tilespmem:v5+s12+$0x0] =	vst.idx.add.f32.msk $0xffff, v1;
	v3 =	vor.u32 v2, v3  }
0x4dc: {  	s7 =	simm.s32 $0xCDC0;
	[tilespmem:v5+s2+$0x0] =	vst.idx.add.f32.msk $0xffff, v8;
	v4 =	vtrunc.f32 v50;
	(erf) = vrcp.f32 v15  }
0x4dd: {  	v7 =	vsub.f32 v7, v13;
	[tilespmem:v5+s7+$0x0] =	vst.idx.add.f32.msk $0xffff, v14;
	v4 =	vcvt.f32.s32 v4  }
0x4de: {  	v5 =	vld [tilespmem:s20+$0xFFFFFFD0]  }
0x4df: {  	v7 =	vmul.f32 $1.442695020e+00, v7;
	v8 =	vcvt.s32.f32 v9;
	v13 =	vpop (erf);
	v9 =	vld [tilespmem:s20+$0x50];
	v4 =	vshll.u32 v4, $0x4  }
0x4e0: {  	v13 =	vadd.f32 $1.000000000e+00, v13;
	[tilespmem:v3+s13+$0x0] =	vst.idx.add.f32.msk $0xffff, v1;
	v4 =	vor.u32 v2, v4  }
0x4e1: {  	(erf) = vpow2.f32 v7;
	[tilespmem:v3+s8+$0x0] =	vst.idx.add.f32.msk $0xffff, v8  }
0x4e2: {  	(erf) = vrcp.f32 v13;
	[tilespmem:v3+s11+$0x0] =	vst.idx.add.f32.msk $0xffff, v11;
	v3 =	vsub.f32 v10, v49  }
0x4e3: {  	v7 =	vld [tilespmem:s23+$0xFFFFFFE0]  }
0x4e4: {  	v6 =	vcvt.s32.f32 v6;
	s22 =	simm.s32 $0xC420;
	v10 =	vpop (erf);
	v8 =	vld [tilespmem:s23+$0x60];
	v3 =	vmul.f32 $1.442695020e+00, v3  }
0x4e5: {  	s25 =	simm.s32 $0xC9A0;
	[tilespmem:v4+s22+$0x0] =	vst.idx.add.f32.msk $0xffff, v1;
	v11 =	vpop (erf)  }
0x4e6: {  	[tilespmem:v4+s25+$0x0] =	vst.idx.add.f32.msk $0xffff, v6;
	v6 =	vadd.f32 $1.000000000e+00, v10;
	(erf) = vpow2.f32 v3;
	v3 =	vmul.f32 $1.000000000e+01, v11;
	_ =	sdelay $0x1  }
0x4e7: {  	v52 =	vld [tilespmem:s14+$0xA020];
	v9 =	vsub.f32 v5, v9;
	(erf) = vrcp.f32 v6;
	v3 =	vtrunc.f32 v3  }
0x4e8: {  	s0 =	simm.s32 $0xCF20;
	v14 =	vld [tilespmem:s4+$0xA040];
	v3 =	vcvt.f32.s32 v3  }
0x4e9: {  	s22 =	simm.s32 $0x380;
	v9 =	vmul.f32 $1.442695020e+00, v9;
	v13 =	vpop (erf);
	[tilespmem:v4+s0+$0x0] =	vst.idx.add.f32.msk $0xffff, v12  }
0x4ea: {  	v6 =	vld [tilespmem:s22+$0xA000];
	v13 =	vadd.f32 $1.000000000e+00, v13;
	v7 =	vsub.f32 v7, v8;
	v4 =	vpop (erf);
	v3 =	vshll.u32 v3, $0x4  }
0x4eb: {  	v15 =	vld [tilespmem:s9+$0xA030];
	(erf) = vpow2.f32 v9;
	v9 =	vmul.f32 $1.000000000e+01, v4;
	v12 =	vor.u32 v2, v3  }
0x4ec: {  	v8 =	vld [tilespmem:s24+$0xFFFFFFF0];
	(erf) = vrcp.f32 v13;
	v7 =	vmul.f32 $1.442695020e+00, v7  }
0x4ed: {  	v13 =	vld [tilespmem:s24+$0x70]  }
0x4ee: {  	v10 =	vld [tilespmem:s3+$0xA050];
	v9 =	vtrunc.f32 v9;
	(erf) = vpow2.f32 v7;
	v51 =	vpop (erf)  }
0x4ef: {  	v7 =	vld [tilespmem:s19+$0xA010];
	v9 =	vcvt.f32.s32 v9;
	v6 =	vcvt.s32.f32 v6;
	v16 =	vadd.f32 $1.000000000e+00, v51  }
0x4f0: {  	v53 =	vpop (erf);
	[tilespmem:v12+s29+$0x0] =	vst.idx.add.f32.msk $0xffff, v1  }
0x4f1: {  	s25 =	simm.s32 $0x4880;
	v55 =	vmul.f32 $1.000000000e+01, v53;
	(erf) = vrcp.f32 v16;
	[tilespmem:v12+s30+$0x0] =	vst.idx.add.f32.msk $0xffff, v6;
	v6 =	vshll.u32 v9, $0x4  }
0x4f2: {  	v8 =	vsub.f32 v8, v13;
	v13 =	vld [tilespmem:s25+$0x0];
	v6 =	vor.u32 v2, v6  }
0x4f3: {  	s13 =	simm.s32 $0xCB00;
	v9 =	vld [tilespmem:s25+$0xFFFFFF80];
	v56 =	vtrunc.f32 v55  }
0x4f4: {  	v57 =	vpop (erf);
	[tilespmem:v12+s13+$0x0] =	vst.idx.add.f32.msk $0xffff, v11;
	v16 =	vcvt.f32.s32 v56  }
0x4f5: {  	v8 =	vmul.f32 $1.442695020e+00, v8;
	v20 =	vpop (erf);
	v12 =	vld [tilespmem:s21+$0xFFFFFF90]  }
0x4f6: {  	s24 =	simm.s32 $0xC0B0;
	v7 =	vcvt.s32.f32 v7;
	v11 =	vmul.f32 $1.000000000e+01, v20;
	v21 =	vld [tilespmem:s21+$0x10];
	v16 =	vshll.u32 v16, $0x4  }
0x4f7: {  	s10 =	simm.s32 $0xC630;
	v19 =	vadd.f32 $1.000000000e+00, v57;
	(erf) = vpow2.f32 v8;
	v8 =	vor.u32 v2, v16;
	[tilespmem:v6+s24+$0x0] =	vst.idx.add.f32.msk $0xffff, v1  }
0x4f8: {  	s28 =	simm.s32 $0xCBB0;
	v11 =	vtrunc.f32 v11;
	v9 =	vsub.f32 v9, v13;
	[tilespmem:v6+s10+$0x0] =	vst.idx.add.f32.msk $0xffff, v7  }
0x4f9: {  	v58 =	vpop (erf);
	(erf) = vrcp.f32 v19;
	v11 =	vcvt.f32.s32 v11;
	[tilespmem:v6+s28+$0x0] =	vst.idx.add.f32.msk $0xffff, v4  }
0x4fa: {  	v7 =	vadd.f32 $1.000000000e+00, v58;
	v6 =	vmul.f32 $1.442695020e+00, v9;
	v13 =	vpop (erf);
	v9 =	vld [tilespmem:s18+$0xFFFFFFA0]  }
0x4fb: {  	s5 =	simm.s32 $0xC160;
	v4 =	vshll.u32 v11, $0x4;
	v11 =	vcvt.s32.f32 v52;
	v59 =	vld [tilespmem:s18+$0x20];
	v60 =	vmul.f32 $1.000000000e+01, v13  }
0x4fc: {  	s6 =	simm.s32 $0xC6E0;
	v12 =	vsub.f32 v12, v21;
	(erf) = vrcp.f32 v7;
	v4 =	vor.u32 v2, v4;
	[tilespmem:v8+s5+$0x0] =	vst.idx.add.f32.msk $0xffff, v1  }
0x4fd: {  	s31 =	simm.s32 $0xCC60;
	(erf) = vpow2.f32 v6;
	[tilespmem:v8+s6+$0x0] =	vst.idx.add.f32.msk $0xffff, v11;
	v7 =	vtrunc.f32 v60  }
0x4fe: {  	v6 =	vmul.f32 $1.442695020e+00, v12;
	[tilespmem:v8+s31+$0x0] =	vst.idx.add.f32.msk $0xffff, v53;
	v7 =	vcvt.f32.s32 v7  }
0x4ff: {  	v11 =	vld [tilespmem:s16+$0xFFFFFFB0]  }
0x500: {  	s29 =	simm.s32 $0xC210;
	(erf) = vpow2.f32 v6;
	v6 =	vcvt.s32.f32 v15;
	v15 =	vld [tilespmem:s16+$0x30];
	v7 =	vshll.u32 v7, $0x4  }
0x501: {  	s26 =	simm.s32 $0xC790;
	v12 =	vpop (erf);
	[tilespmem:v4+s29+$0x0] =	vst.idx.add.f32.msk $0xffff, v1;
	v61 =	vor.u32 v2, v7  }
0x502: {  	v8 =	vpop (erf);
	v7 =	vsub.f32 v9, v59;
	[tilespmem:v4+s26+$0x0] =	vst.idx.add.f32.msk $0xffff, v6;
	v6 =	vcvt.s32.f32 v10;
	v10 =	vadd.f32 $1.000000000e+00, v12  }
0x503: {  	s11 =	simm.s32 $0x0;
	v5 =	vld [tilespmem:s1+$0xA060];
	v9 =	vmul.f32 $1.000000000e+01, v8  }
0x504: {  	v3 =	vld [tilespmem:s11+$0xA070];
	s30 =	simm.s32 $0xCD10;
	(erf) = vrcp.f32 v10  }
0x505: {  	[tilespmem:v4+s30+$0x0] =	vst.idx.add.f32.msk $0xffff, v20;
	v12 =	vmul.f32 $1.442695020e+00, v7;
	v4 =	vtrunc.f32 v9  }
0x506: {  	s12 =	simm.s32 $0xC2C0;
	v14 =	vcvt.s32.f32 v14;
	v9 =	vld [tilespmem:s15+$0xFFFFFFC0];
	v62 =	vcvt.f32.s32 v4;
	v7 =	vpop (erf)  }
0x507: {  	s2 =	simm.s32 $0xC840;
	s7 =	simm.s32 $0xCDC0;
	s8 =	simm.s32 $0xC6E0;
	v11 =	vsub.f32 v11, v15;
	v4 =	vld [tilespmem:s15+$0x40];
	(erf) = vpow2.f32 v12;
	v63 =	vpop (erf)  }
0x508: {  	s0 =	simm.s32 $0xC790;
	s11 =	simm.s32 $0xCBB0;
	s13 =	simm.s32 $0xC210;
	v15 =	vmul.f32 $1.000000000e+01, v7;
	[tilespmem:v61+s12+$0x0] =	vst.idx.add.f32.msk $0xffff, v1;
	v10 =	vshll.u32 v62, $0x4;
	v18 =	vadd.f32 $1.000000000e+00, v63  }
0x509: {  	s24 =	simm.s32 $0x4880;
	s10 =	simm.s32 $0xC160;
	s28 =	simm.s32 $0x1200;
	v11 =	vmul.f32 $1.442695020e+00, v11;
	[tilespmem:v61+s2+$0x0] =	vst.idx.add.f32.msk $0xffff, v14;
	v10 =	vor.u32 v2, v10  }
0x50a: {  	s5 =	simm.s32 $0xC2C0;
	s6 =	simm.s32 $0xCC60;
	s31 =	simm.s32 $0xCD10;
	v14 =	vpop (erf);
	v12 =	vtrunc.f32 v15;
	[tilespmem:v61+s7+$0x0] =	vst.idx.add.f32.msk $0xffff, v13;
	(erf) = vrcp.f32 v18  }
0x50b: {  	s26 =	simm.s32 $0x1000;
	s12 =	simm.s32 $0xC840;
	s2 =	simm.s32 $0xCDC0;
	v13 =	vcvt.f32.s32 v12;
	v12 =	vadd.f32 $1.000000000e+00, v14;
	(erf) = vpow2.f32 v11;
	v11 =	vld [tilespmem:s17+$0xFFFFFFD0]  }
.LBB2_5:
0x50c: {  	p0 =	sne.s32 s28, $0x7E00  }
0x50d: {  	v4 =	vsub.f32 v9, v4;
	v9 =	vld [tilespmem:s17+$0x50];
	v13 =	vshll.u32 v13, $0x4;
	v14 =	vpop (erf);
	s29 =	smov.u32 s28;
	s28 =	sadd.s32 $0x200, s28;
	s7 =	simm.s32 $0xC370  }
0x50e: {  	(erf) = vrcp.f32 v12;
	[tilespmem:v10+s7+$0x0] =	vst.idx.add.f32.msk $0xffff, v1;
	v12 =	vor.u32 v2, v13;
	v13 =	vmul.f32 $1.000000000e+01, v14;
	s7 =	simm.s32 $0xC8F0  }
0x50f: {  	v4 =	vmul.f32 $1.442695020e+00, v4;
	[tilespmem:v10+s7+$0x0] =	vst.idx.add.f32.msk $0xffff, v6;
	s7 =	simm.s32 $0xCE70  }
0x510: {  	v6 =	vpop (erf);
	[tilespmem:v10+s7+$0x0] =	vst.idx.add.f32.msk $0xffff, v8;
	v8 =	vtrunc.f32 v13  }
0x511: {  	v6 =	vadd.f32 $1.000000000e+00, v6;
	(erf) = vpow2.f32 v4;
	v4 =	vld [tilespmem:s20+$0xFFFFFFE0];
	v0 =	vcvt.f32.s32 v8  }
0x512: {  	v13 =	vcvt.s32.f32 v5;
	s7 =	simm.s32 $0xC420;
	v9 =	vsub.f32 v11, v9;
	v10 =	vld [tilespmem:s20+$0x60]  }
0x513: {  	(erf) = vrcp.f32 v6;
	[tilespmem:v12+s7+$0x0] =	vst.idx.add.f32.msk $0xffff, v1;
	v6 =	vshll.u32 v0, $0x4;
	s7 =	simm.s32 $0xC9A0  }
0x514: {  	v8 =	vpop (erf);
	v9 =	vmul.f32 $1.442695020e+00, v9;
	[tilespmem:v12+s7+$0x0] =	vst.idx.add.f32.msk $0xffff, v13;
	v11 =	vor.u32 v2, v6  }
0x515: {  	v6 =	vmul.f32 $1.000000000e+01, v8;
	v5 =	vpop (erf);
	v13 =	vld [tilespmem:s4+$0xA050]  }
0x516: {  	s30 =	sshra.s32 s26, $0x2;
	s26 =	smov.u32 s29;
	s29 =	simm.s32 $0xC000;
	v15 =	vadd.f32 $1.000000000e+00, v5;
	(erf) = vpow2.f32 v9;
	v5 =	vld [tilespmem:s3+$0xA060]  }
0x517: {  	v3 =	vcvt.s32.f32 v3;
	v9 =	vld [tilespmem:s30+$0xA000];
	v6 =	vtrunc.f32 v6;
	v16 =	vpop (erf);
	v10 =	vsub.f32 v4, v10  }
0x518: {  	s7 =	simm.s32 $0xC4D0;
	v6 =	vcvt.f32.s32 v6;
	v17 =	vmul.f32 $1.000000000e+01, v16;
	v4 =	vld [tilespmem:s9+$0xA040]  }
0x519: {  	(erf) = vrcp.f32 v15;
	v10 =	vmul.f32 $1.442695020e+00, v10;
	[tilespmem:v11+s7+$0x0] =	vst.idx.add.f32.msk $0xffff, v1;
	s7 =	simm.s32 $0xCA50  }
0x51a: {  	v15 =	vshll.u32 v6, $0x4;
	v17 =	vtrunc.f32 v17;
	v18 =	vpop (erf);
	v6 =	vcvt.s32.f32 v13;
	[tilespmem:v11+s7+$0x0] =	vst.idx.add.f32.msk $0xffff, v3;
	s7 =	simm.s32 $0xCF20  }
0x51b: {  	v13 =	vor.u32 v2, v15;
	v15 =	vcvt.f32.s32 v17;
	(erf) = vpow2.f32 v10;
	[tilespmem:v12+s7+$0x0] =	vst.idx.add.f32.msk $0xffff, v7  }
0x51c: {  	s7 =	simm.s32 $0xCFD0;
	v7 =	vpop (erf);
	v10 =	vld [tilespmem:s23+$0xFFFFFFF0]  }
0x51d: {  	s25 =	sadd.s32 $0x100, s25;
	v0 =	vmul.f32 $1.000000000e+01, v7;
	[tilespmem:v11+s7+$0x0] =	vst.idx.add.f32.msk $0xffff, v14  }
0x51e: {  	v3 =	vld [tilespmem:s1+$0xA070];
	s1 =	smov.u32 s3;
	s3 =	smov.u32 s4;
	s4 =	smov.u32 s9  }
0x51f: {  	s9 =	smov.u32 s14;
	s14 =	smov.u32 s19;
	s19 =	smov.u32 s22;
	v11 =	vtrunc.f32 v0;
	v12 =	vpop (erf);
	v14 =	vld [tilespmem:s23+$0x70]  }
0x520: {  	s22 =	smov.u32 s30;
	s30 =	simm.s32 $0xC580;
	s23 =	smov.u32 s20;
	v11 =	vcvt.f32.s32 v11;
	v17 =	vld [tilespmem:s9+$0xA030];
	v12 =	vadd.f32 $1.000000000e+00, v12  }
0x521: {  	s20 =	smov.u32 s17;
	s17 =	smov.u32 s15;
	s15 =	smov.u32 s16;
	v19 =	vld [tilespmem:s14+$0xA020]  }
0x522: {  	v18 =	vadd.f32 $1.000000000e+00, v18;
	v9 =	vcvt.s32.f32 v9;
	s16 =	smov.u32 s18;
	s18 =	smov.u32 s21;
	s21 =	smov.u32 s24;
	v20 =	vld [tilespmem:s19+$0xA010];
	v11 =	vshll.u32 v11, $0x4;
	v21 =	vpop (erf)  }
0x523: {  	s24 =	smov.u32 s25;
	[tilespmem:v13+s29+$0x0] =	vst.idx.add.f32.msk $0xffff, v1;
	v22 =	vmul.f32 $1.000000000e+01, v21  }
0x524: {  	[tilespmem:v13+s30+$0x0] =	vst.idx.add.f32.msk $0xffff, v9;
	v9 =	vshll.u32 v15, $0x4;
	(erf) = vrcp.f32 v18;
	v15 =	vpop (erf);
	v10 =	vsub.f32 v10, v14  }
0x525: {  	v14 =	vld [tilespmem:s25+$0xFFFFFF80];
	v9 =	vor.u32 v2, v9;
	v18 =	vtrunc.f32 v22;
	v15 =	vadd.f32 $1.000000000e+00, v15  }
0x526: {  	s7 =	simm.s32 $0xCB00;
	v22 =	vld [tilespmem:s25+$0x0];
	v18 =	vcvt.f32.s32 v18;
	v10 =	vmul.f32 $1.442695020e+00, v10  }
0x527: {  	[tilespmem:v13+s7+$0x0] =	vst.idx.add.f32.msk $0xffff, v8  }
0x528: {  	v8 =	vld [tilespmem:s21+$0xFFFFFF90];
	v13 =	vshll.u32 v18, $0x4;
	(erf) = vpow2.f32 v10  }
0x529: {  	s7 =	simm.s32 $0xC0B0;
	v18 =	vcvt.s32.f32 v20;
	v10 =	vld [tilespmem:s21+$0x10];
	(erf) = vrcp.f32 v12  }
0x52a: {  	v11 =	vor.u32 v2, v11;
	[tilespmem:v9+s7+$0x0] =	vst.idx.add.f32.msk $0xffff, v1;
	s7 =	simm.s32 $0xC630  }
0x52b: {  	v12 =	vsub.f32 v14, v22;
	[tilespmem:v9+s7+$0x0] =	vst.idx.add.f32.msk $0xffff, v18  }
0x52c: {  	[tilespmem:v9+s11+$0x0] =	vst.idx.add.f32.msk $0xffff, v16  }
0x52d: {  	v14 =	vcvt.s32.f32 v19;
	v9 =	vmul.f32 $1.442695020e+00, v12;
	v12 =	vld [tilespmem:s18+$0xFFFFFFA0];
	v16 =	vpop (erf)  }
0x52e: {  	v8 =	vsub.f32 v8, v10;
	v10 =	vld [tilespmem:s18+$0x20];
	v18 =	vmul.f32 $1.000000000e+01, v16;
	(erf) = vrcp.f32 v15  }
0x52f: {  	(erf) = vpow2.f32 v9;
	[tilespmem:v11+s10+$0x0] =	vst.idx.add.f32.msk $0xffff, v1;
	v9 =	vor.u32 v2, v13  }
0x530: {  	v0 =	vmul.f32 $1.442695020e+00, v8;
	[tilespmem:v11+s8+$0x0] =	vst.idx.add.f32.msk $0xffff, v14;
	v13 =	vtrunc.f32 v18  }
0x531: {  	[tilespmem:v11+s6+$0x0] =	vst.idx.add.f32.msk $0xffff, v7;
	v7 =	vcvt.f32.s32 v13;
	v11 =	vpop (erf)  }
0x532: {  	v14 =	vcvt.s32.f32 v17;
	(erf) = vpow2.f32 v0;
	v13 =	vld [tilespmem:s16+$0xFFFFFFB0];
	v8 =	vpop (erf);
	v11 =	vadd.f32 $1.000000000e+00, v11  }
0x533: {  	v10 =	vsub.f32 v12, v10;
	v12 =	vld [tilespmem:s16+$0x30];
	v7 =	vshll.u32 v7, $0x4;
	v15 =	vmul.f32 $1.000000000e+01, v8  }
0x534: {  	[tilespmem:v9+s13+$0x0] =	vst.idx.add.f32.msk $0xffff, v1;
	v17 =	vor.u32 v2, v7;
	(erf) = vrcp.f32 v11  }
0x535: {  	v0 =	vmul.f32 $1.442695020e+00, v10;
	[tilespmem:v9+s0+$0x0] =	vst.idx.add.f32.msk $0xffff, v14;
	v10 =	vtrunc.f32 v15  }
0x536: {  	[tilespmem:v9+s31+$0x0] =	vst.idx.add.f32.msk $0xffff, v21;
	v10 =	vcvt.f32.s32 v10  }
0x537: {  	v11 =	vcvt.s32.f32 v4;
	(erf) = vpow2.f32 v0;
	v9 =	vld [tilespmem:s15+$0xFFFFFFC0];
	v7 =	vpop (erf)  }
.Ltmp1:
0x538: {  	v14 =	vpop (erf);
	v0 =	vsub.f32 v13, v12;
	v4 =	vld [tilespmem:s15+$0x40];
	v10 =	vshll.u32 v10, $0x4;
	v13 =	vmul.f32 $1.000000000e+01, v7;
	(pc) =	sbr.rel @p0 .LBB2_5-.Ltmp1, $4  }
0x539: {  	v14 =	vadd.f32 $1.000000000e+00, v14;
	[tilespmem:v17+s5+$0x0] =	vst.idx.add.f32.msk $0xffff, v1;
	v10 =	vor.u32 v2, v10  }
0x53a: {  	v15 =	vmul.f32 $1.442695020e+00, v0;
	[tilespmem:v17+s12+$0x0] =	vst.idx.add.f32.msk $0xffff, v11;
	v11 =	vtrunc.f32 v13  }
0x53b: {  	(erf) = vrcp.f32 v14;
	v12 =	vpop (erf);
	[tilespmem:v17+s2+$0x0] =	vst.idx.add.f32.msk $0xffff, v16;
	v13 =	vcvt.f32.s32 v11  }
0x53c: {  	v12 =	vadd.f32 $1.000000000e+00, v12;
	(erf) = vpow2.f32 v15;
	v11 =	vld [tilespmem:s17+$0xFFFFFFD0]  }
0x53d: {  	_ =	sdelay $0x3  }
0x53e: {  	v9 =	vsub.f32 v9, v4;
	v14 =	vld [tilespmem:s17+$0x50];
	(erf) = vrcp.f32 v12  }
0x53f: {  	v4 =	vpop (erf);
	s0 =	simm.s32 $0xC370;
	v49 =	vld [tilespmem:s4+$0xA050]  }
0x540: {  	v13 =	vshll.u32 v13, $0x4;
	s8 =	simm.s32 $0xC8F0;
	[tilespmem:v10+s0+$0x0] =	vst.idx.add.f32.msk $0xffff, v1;
	v9 =	vmul.f32 $1.442695020e+00, v9;
	v38 =	vpop (erf)  }
0x541: {  	s10 =	simm.s32 $0xCE70;
	v37 =	vor.u32 v2, v13;
	[tilespmem:v10+s8+$0x0] =	vst.idx.add.f32.msk $0xffff, v6;
	v6 =	vadd.f32 $1.000000000e+00, v38;
	v39 =	vpop (erf)  }
0x542: {  	[tilespmem:v10+s10+$0x0] =	vst.idx.add.f32.msk $0xffff, v8;
	(erf) = vpow2.f32 v9;
	v41 =	vmul.f32 $1.000000000e+01, v39  }
0x543: {  	v40 =	vld [tilespmem:s20+$0xFFFFFFE0];
	(erf) = vrcp.f32 v6  }
0x544: {  	s2 =	sshra.s32 s26, $0x2;
	v42 =	vld [tilespmem:s20+$0x60];
	v43 =	vsub.f32 v11, v14;
	v10 =	vtrunc.f32 v41  }
0x545: {  	v5 =	vcvt.s32.f32 v5;
	s12 =	simm.s32 $0xC420;
	v46 =	vld [tilespmem:s2+$0xA000];
	v44 =	vcvt.f32.s32 v10  }
0x546: {  	s10 =	simm.s32 $0xC9A0;
	[tilespmem:v37+s12+$0x0] =	vst.idx.add.f32.msk $0xffff, v1;
	v6 =	vmul.f32 $1.442695020e+00, v43;
	v45 =	vpop (erf)  }
0x547: {  	s7 =	simm.s32 $0xCF20;
	[tilespmem:v37+s10+$0x0] =	vst.idx.add.f32.msk $0xffff, v5;
	v47 =	vpop (erf);
	v10 =	vadd.f32 $1.000000000e+00, v45;
	v5 =	vshll.u32 v44, $0x4  }
0x548: {  	[tilespmem:v37+s7+$0x0] =	vst.idx.add.f32.msk $0xffff, v7;
	(erf) = vpow2.f32 v6;
	v48 =	vmul.f32 $1.000000000e+01, v47;
	v5 =	vor.u32 v2, v5  }
0x549: {  	v7 =	vld [tilespmem:s23+$0xFFFFFFF0];
	v9 =	vsub.f32 v40, v42;
	(erf) = vrcp.f32 v10  }
0x54a: {  	v12 =	vld [tilespmem:s23+$0x70];
	v6 =	vtrunc.f32 v48  }
0x54b: {  	v15 =	vld [tilespmem:s14+$0xA030];
	v9 =	vmul.f32 $1.442695020e+00, v9;
	v50 =	vpop (erf);
	v6 =	vcvt.f32.s32 v6  }
0x54c: {  	v17 =	vld [tilespmem:s22+$0xA010];
	v11 =	vcvt.s32.f32 v46;
	v13 =	vadd.f32 $1.000000000e+00, v50;
	v16 =	vpop (erf)  }
0x54d: {  	(erf) = vpow2.f32 v9;
	v51 =	vmul.f32 $1.000000000e+01, v16;
	v6 =	vshll.u32 v6, $0x4;
	[tilespmem:v5+s29+$0x0] =	vst.idx.add.f32.msk $0xffff, v1  }
0x54e: {  	s11 =	simm.s32 $0xCB00;
	(erf) = vrcp.f32 v13;
	v6 =	vor.u32 v2, v6;
	[tilespmem:v5+s30+$0x0] =	vst.idx.add.f32.msk $0xffff, v11  }
0x54f: {  	v7 =	vsub.f32 v7, v12;
	v9 =	vtrunc.f32 v51;
	[tilespmem:v5+s11+$0x0] =	vst.idx.add.f32.msk $0xffff, v39  }
0x550: {  	v52 =	vcvt.f32.s32 v9;
	v8 =	vld [tilespmem:s24+$0xFFFFFF90]  }
0x551: {  	v7 =	vmul.f32 $1.442695020e+00, v7;
	v53 =	vpop (erf);
	v11 =	vld [tilespmem:s24+$0x10]  }
0x552: {  	v55 =	vld [tilespmem:s19+$0xA020];
	s5 =	simm.s32 $0xC0B0;
	v17 =	vcvt.s32.f32 v17;
	v9 =	vadd.f32 $1.000000000e+00, v53;
	v5 =	vshll.u32 v52, $0x4;
	v56 =	vpop (erf)  }
0x553: {  	s6 =	simm.s32 $0xC630;
	(erf) = vpow2.f32 v7;
	[tilespmem:v6+s5+$0x0] =	vst.idx.add.f32.msk $0xffff, v1;
	v5 =	vor.u32 v2, v5;
	v18 =	vmul.f32 $1.000000000e+01, v56  }
0x554: {  	s0 =	simm.s32 $0xCBB0;
	(erf) = vrcp.f32 v9;
	[tilespmem:v6+s6+$0x0] =	vst.idx.add.f32.msk $0xffff, v17  }
0x555: {  	[tilespmem:v6+s0+$0x0] =	vst.idx.add.f32.msk $0xffff, v47;
	v57 =	vtrunc.f32 v18  }
0x556: {  	v58 =	vpop (erf);
	v59 =	vld [tilespmem:s21+$0xFFFFFFA0];
	v7 =	vcvt.f32.s32 v57;
	v8 =	vsub.f32 v8, v11  }
0x557: {  	s31 =	simm.s32 $0xC160;
	v60 =	vcvt.s32.f32 v55;
	v6 =	vadd.f32 $1.000000000e+00, v58;
	v61 =	vpop (erf);
	v14 =	vld [tilespmem:s21+$0x20]  }
0x558: {  	s28 =	simm.s32 $0xC6E0;
	v62 =	vmul.f32 $1.000000000e+01, v61;
	[tilespmem:v5+s31+$0x0] =	vst.idx.add.f32.msk $0xffff, v1;
	v7 =	vshll.u32 v7, $0x4;
	v8 =	vmul.f32 $1.442695020e+00, v8  }
0x559: {  	s26 =	simm.s32 $0xCC60;
	(erf) = vrcp.f32 v6;
	[tilespmem:v5+s28+$0x0] =	vst.idx.add.f32.msk $0xffff, v60;
	v63 =	vor.u32 v2, v7  }
0x55a: {  	v20 =	vtrunc.f32 v62;
	[tilespmem:v5+s26+$0x0] =	vst.idx.add.f32.msk $0xffff, v16;
	(erf) = vpow2.f32 v8  }
0x55b: {  	v21 =	vcvt.f32.s32 v20;
	v22 =	vld [tilespmem:s18+$0xFFFFFFB0]  }
0x55c: {  	v23 =	vpop (erf);
	v9 =	vsub.f32 v59, v14;
	v11 =	vld [tilespmem:s18+$0x30]  }
0x55d: {  	v24 =	vld [tilespmem:s9+$0xA040];
	s8 =	simm.s32 $0xC210;
	v15 =	vcvt.s32.f32 v15;
	v25 =	vpop (erf);
	v8 =	vadd.f32 $1.000000000e+00, v23;
	v5 =	vshll.u32 v21, $0x4  }
0x55e: {  	s13 =	simm.s32 $0xC790;
	v26 =	vmul.f32 $1.000000000e+01, v25;
	v5 =	vor.u32 v2, v5;
	v9 =	vmul.f32 $1.442695020e+00, v9;
	[tilespmem:v63+s8+$0x0] =	vst.idx.add.f32.msk $0xffff, v1  }
0x55f: {  	s25 =	simm.s32 $0xCD10;
	(erf) = vrcp.f32 v8;
	[tilespmem:v63+s13+$0x0] =	vst.idx.add.f32.msk $0xffff, v15  }
0x560: {  	v27 =	vtrunc.f32 v26;
	(erf) = vpow2.f32 v9;
	[tilespmem:v63+s25+$0x0] =	vst.idx.add.f32.msk $0xffff, v56  }
0x561: {  	v28 =	vcvt.f32.s32 v27;
	v7 =	vsub.f32 v22, v11;
	v29 =	vld [tilespmem:s16+$0xFFFFFFC0]  }
0x562: {  	v30 =	vcvt.s32.f32 v24;
	v31 =	vpop (erf);
	s13 =	simm.s32 $0xC2C0;
	v13 =	vld [tilespmem:s16+$0x40]  }
0x563: {  	s11 =	simm.s32 $0xC840;
	v32 =	vmul.f32 $1.000000000e+01, v31;
	v6 =	vshll.u32 v28, $0x4;
	[tilespmem:v5+s13+$0x0] =	vst.idx.add.f32.msk $0xffff, v1;
	v7 =	vmul.f32 $1.442695020e+00, v7;
	v33 =	vpop (erf)  }
0x564: {  	s8 =	simm.s32 $0xCDC0;
	v6 =	vor.u32 v2, v6;
	[tilespmem:v5+s11+$0x0] =	vst.idx.add.f32.msk $0xffff, v30;
	v34 =	vadd.f32 $1.000000000e+00, v33  }
0x565: {  	v14 =	vtrunc.f32 v32;
	[tilespmem:v5+s8+$0x0] =	vst.idx.add.f32.msk $0xffff, v61;
	(erf) = vpow2.f32 v7  }
0x566: {  	v35 =	vcvt.f32.s32 v14;
	v36 =	vld [tilespmem:s15+$0xFFFFFFD0];
	(erf) = vrcp.f32 v34  }
0x567: {  	v37 =	vld [tilespmem:s15+$0x50];
	v8 =	vsub.f32 v29, v13  }
0x568: {  	v38 =	vld [tilespmem:s3+$0xA060];
	s23 =	simm.s32 $0xC370;
	v10 =	vcvt.s32.f32 v49;
	v39 =	vshll.u32 v35, $0x4;
	v5 =	vpop (erf)  }
0x569: {  	v13 =	vor.u32 v2, v39;
	[tilespmem:v6+s23+$0x0] =	vst.idx.add.f32.msk $0xffff, v1;
	v40 =	vpop (erf);
	s23 =	simm.s32 $0xC8F0;
	v8 =	vmul.f32 $1.442695020e+00, v8  }
0x56a: {  	[tilespmem:v6+s23+$0x0] =	vst.idx.add.f32.msk $0xffff, v10;
	v41 =	vadd.f32 $1.000000000e+00, v40;
	s23 =	simm.s32 $0xCE70  }
0x56b: {  	[tilespmem:v6+s23+$0x0] =	vst.idx.add.f32.msk $0xffff, v25;
	(erf) = vpow2.f32 v8  }
0x56c: {  	v7 =	vsub.f32 v36, v37;
	v6 =	vld [tilespmem:s17+$0xFFFFFFE0];
	(erf) = vrcp.f32 v41  }
0x56d: {  	v43 =	vcvt.s32.f32 v38;
	v42 =	vld [tilespmem:s17+$0x60]  }
0x56e: {  	[tilespmem:v13+s12+$0x0] =	vst.idx.add.f32.msk $0xffff, v1;
	v7 =	vmul.f32 $1.442695020e+00, v7;
	v44 =	vpop (erf)  }
0x56f: {  	[tilespmem:v13+s10+$0x0] =	vst.idx.add.f32.msk $0xffff, v43;
	v45 =	vadd.f32 $1.000000000e+00, v44;
	v46 =	vpop (erf)  }
0x570: {  	(erf) = vpow2.f32 v7;
	[tilespmem:v13+s7+$0x0] =	vst.idx.add.f32.msk $0xffff, v31;
	v47 =	vmul.f32 $1.000000000e+01, v46  }
0x571: {  	v48 =	vld [tilespmem:s20+$0xFFFFFFF0];
	(erf) = vrcp.f32 v45  }
0x572: {  	v11 =	vld [tilespmem:s20+$0x70];
	v6 =	vsub.f32 v6, v42;
	v7 =	vtrunc.f32 v47  }
0x573: {  	v7 =	vcvt.f32.s32 v7  }
0x574: {  	v6 =	vmul.f32 $1.442695020e+00, v6;
	v49 =	vpop (erf)  }
0x575: {  	v51 =	vld [tilespmem:s2+$0xA010];
	v50 =	vpop (erf);
	v8 =	vadd.f32 $1.000000000e+00, v49;
	v7 =	vshll.u32 v7, $0x4  }
0x576: {  	(erf) = vpow2.f32 v6;
	v52 =	vmul.f32 $1.000000000e+01, v50;
	v7 =	vor.u32 v2, v7  }
0x577: {  	v53 =	vsub.f32 v48, v11;
	(erf) = vrcp.f32 v8  }
0x578: {  	v58 =	vld [tilespmem:s22+$0xA020];
	v6 =	vtrunc.f32 v52  }
0x579: {  	v21 =	vld [tilespmem:s19+$0xA030];
	v57 =	vpop (erf);
	v8 =	vmul.f32 $1.442695020e+00, v53;
	v6 =	vcvt.f32.s32 v6  }
0x57a: {  	v56 =	vld [tilespmem:s14+$0xA040];
	v13 =	vcvt.s32.f32 v51;
	v14 =	vadd.f32 $1.000000000e+00, v57;
	v59 =	vpop (erf)  }
0x57b: {  	(erf) = vpow2.f32 v8;
	v6 =	vshll.u32 v6, $0x4;
	v60 =	vmul.f32 $1.000000000e+01, v59;
	[tilespmem:v7+s5+$0x0] =	vst.idx.add.f32.msk $0xffff, v1  }
0x57c: {  	(erf) = vrcp.f32 v14;
	v6 =	vor.u32 v2, v6;
	[tilespmem:v7+s6+$0x0] =	vst.idx.add.f32.msk $0xffff, v13  }
0x57d: {  	v61 =	vtrunc.f32 v60;
	[tilespmem:v7+s0+$0x0] =	vst.idx.add.f32.msk $0xffff, v46  }
0x57e: {  	v62 =	vcvt.f32.s32 v61;
	v63 =	vld [tilespmem:s24+$0xFFFFFFA0]  }
0x57f: {  	v20 =	vpop (erf);
	v13 =	vld [tilespmem:s24+$0x20]  }
0x580: {  	v15 =	vcvt.s32.f32 v58;
	v55 =	vld [tilespmem:s9+$0xA050];
	v10 =	vadd.f32 $1.000000000e+00, v20;
	v7 =	vshll.u32 v62, $0x4;
	v22 =	vpop (erf)  }
0x581: {  	v23 =	vmul.f32 $1.000000000e+01, v22;
	[tilespmem:v6+s31+$0x0] =	vst.idx.add.f32.msk $0xffff, v1;
	v7 =	vor.u32 v2, v7  }
0x582: {  	(erf) = vrcp.f32 v10;
	[tilespmem:v6+s28+$0x0] =	vst.idx.add.f32.msk $0xffff, v15  }
0x583: {  	v24 =	vtrunc.f32 v23;
	[tilespmem:v6+s26+$0x0] =	vst.idx.add.f32.msk $0xffff, v50  }
0x584: {  	v26 =	vpop (erf);
	v25 =	vcvt.f32.s32 v24;
	v12 =	vld [tilespmem:s21+$0xFFFFFFB0];
	v8 =	vsub.f32 v63, v13  }
0x585: {  	v27 =	vcvt.s32.f32 v21;
	s20 =	simm.s32 $0xC210;
	v28 =	vpop (erf);
	v10 =	vadd.f32 $1.000000000e+00, v26;
	v15 =	vld [tilespmem:s21+$0x30]  }
0x586: {  	s23 =	simm.s32 $0xC790;
	v29 =	vmul.f32 $1.000000000e+01, v28;
	v6 =	vshll.u32 v25, $0x4;
	[tilespmem:v7+s20+$0x0] =	vst.idx.add.f32.msk $0xffff, v1;
	v8 =	vmul.f32 $1.442695020e+00, v8  }
0x587: {  	(erf) = vrcp.f32 v10;
	v6 =	vor.u32 v2, v6;
	[tilespmem:v7+s23+$0x0] =	vst.idx.add.f32.msk $0xffff, v27  }
0x588: {  	v30 =	vtrunc.f32 v29;
	[tilespmem:v7+s25+$0x0] =	vst.idx.add.f32.msk $0xffff, v59;
	(erf) = vpow2.f32 v8  }
0x589: {  	v31 =	vcvt.f32.s32 v30;
	v32 =	vld [tilespmem:s18+$0xFFFFFFC0]  }
0x58a: {  	v33 =	vsub.f32 v12, v15;
	v34 =	vld [tilespmem:s18+$0x40]  }
0x58b: {  	v35 =	vld [tilespmem:s4+$0xA060];
	v11 =	vcvt.s32.f32 v56;
	v36 =	vpop (erf);
	v7 =	vshll.u32 v31, $0x4  }
0x58c: {  	v37 =	vmul.f32 $1.000000000e+01, v36;
	v7 =	vor.u32 v2, v7;
	v10 =	vmul.f32 $1.442695020e+00, v33;
	[tilespmem:v6+s13+$0x0] =	vst.idx.add.f32.msk $0xffff, v1  }
0x58d: {  	[tilespmem:v6+s11+$0x0] =	vst.idx.add.f32.msk $0xffff, v11  }
0x58e: {  	v38 =	vtrunc.f32 v37;
	(erf) = vpow2.f32 v10;
	[tilespmem:v6+s8+$0x0] =	vst.idx.add.f32.msk $0xffff, v22  }
0x58f: {  	v39 =	vcvt.f32.s32 v38;
	v8 =	vsub.f32 v32, v34;
	v40 =	vld [tilespmem:s16+$0xFFFFFFD0]  }
0x590: {  	v9 =	vcvt.s32.f32 v55;
	s5 =	simm.s32 $0xC370;
	v6 =	vpop (erf);
	v41 =	vld [tilespmem:s16+$0x50]  }
0x591: {  	s0 =	simm.s32 $0xC8F0;
	v10 =	vshll.u32 v39, $0x4;
	[tilespmem:v7+s5+$0x0] =	vst.idx.add.f32.msk $0xffff, v1;
	v8 =	vmul.f32 $1.442695020e+00, v8;
	v42 =	vpop (erf)  }
0x592: {  	s6 =	simm.s32 $0xCE70;
	v10 =	vor.u32 v2, v10;
	[tilespmem:v7+s0+$0x0] =	vst.idx.add.f32.msk $0xffff, v9;
	v43 =	vadd.f32 $1.000000000e+00, v42  }
0x593: {  	[tilespmem:v7+s6+$0x0] =	vst.idx.add.f32.msk $0xffff, v28;
	(erf) = vpow2.f32 v8  }
0x594: {  	v7 =	vld [tilespmem:s15+$0xFFFFFFE0];
	(erf) = vrcp.f32 v43  }
0x595: {  	v45 =	vld [tilespmem:s15+$0x60];
	v44 =	vsub.f32 v40, v41  }
0x596: {  	v46 =	vcvt.s32.f32 v35  }
0x597: {  	[tilespmem:v10+s12+$0x0] =	vst.idx.add.f32.msk $0xffff, v1;
	v8 =	vmul.f32 $1.442695020e+00, v44;
	v47 =	vpop (erf)  }
0x598: {  	[tilespmem:v10+s10+$0x0] =	vst.idx.add.f32.msk $0xffff, v46;
	v48 =	vadd.f32 $1.000000000e+00, v47  }
0x599: {  	[tilespmem:v10+s7+$0x0] =	vst.idx.add.f32.msk $0xffff, v36;
	(erf) = vpow2.f32 v8  }
0x59a: {  	v7 =	vsub.f32 v7, v45;
	v49 =	vld [tilespmem:s17+$0xFFFFFFF0];
	(erf) = vrcp.f32 v48  }
0x59b: {  	v50 =	vld [tilespmem:s17+$0x70]  }
0x59c: {  	v7 =	vmul.f32 $1.442695020e+00, v7;
	v51 =	vpop (erf)  }
0x59d: {  	v10 =	vadd.f32 $1.000000000e+00, v51;
	v52 =	vpop (erf)  }
0x59e: {  	(erf) = vpow2.f32 v7;
	v53 =	vmul.f32 $1.000000000e+01, v52  }
0x59f: {  	(erf) = vrcp.f32 v10  }
0x5a0: {  	v8 =	vsub.f32 v49, v50;
	v7 =	vtrunc.f32 v53  }
0x5a1: {  	v7 =	vcvt.f32.s32 v7  }
0x5a2: {  	v8 =	vmul.f32 $1.442695020e+00, v8;
	v55 =	vpop (erf)  }
0x5a3: {  	v56 =	vld [tilespmem:s2+$0xA020];
	v9 =	vadd.f32 $1.000000000e+00, v55;
	v57 =	vpop (erf);
	v7 =	vshll.u32 v7, $0x4  }
0x5a4: {  	(erf) = vpow2.f32 v8;
	v58 =	vmul.f32 $1.000000000e+01, v57;
	v7 =	vor.u32 v2, v7  }
0x5a5: {  	(erf) = vrcp.f32 v9  }
0x5a6: {  	v59 =	vtrunc.f32 v58  }
0x5a7: {  	v62 =	vld [tilespmem:s22+$0xA030];
	v61 =	vpop (erf);
	v8 =	vcvt.f32.s32 v59  }
0x5a8: {  	v26 =	vld [tilespmem:s19+$0xA040];
	v10 =	vcvt.s32.f32 v56;
	v13 =	vadd.f32 $1.000000000e+00, v61;
	v63 =	vpop (erf)  }
0x5a9: {  	v8 =	vshll.u32 v8, $0x4;
	v20 =	vmul.f32 $1.000000000e+01, v63;
	[tilespmem:v7+s31+$0x0] =	vst.idx.add.f32.msk $0xffff, v1  }
0x5aa: {  	(erf) = vrcp.f32 v13;
	v8 =	vor.u32 v2, v8;
	[tilespmem:v7+s28+$0x0] =	vst.idx.add.f32.msk $0xffff, v10  }
0x5ab: {  	v21 =	vtrunc.f32 v20;
	[tilespmem:v7+s26+$0x0] =	vst.idx.add.f32.msk $0xffff, v52  }
0x5ac: {  	v22 =	vcvt.f32.s32 v21;
	v23 =	vld [tilespmem:s24+$0xFFFFFFB0]  }
0x5ad: {  	v24 =	vpop (erf);
	v25 =	vld [tilespmem:s24+$0x30]  }
0x5ae: {  	v14 =	vcvt.s32.f32 v62;
	v60 =	vld [tilespmem:s14+$0xA050];
	v27 =	vpop (erf);
	v7 =	vshll.u32 v22, $0x4  }
0x5af: {  	v28 =	vmul.f32 $1.000000000e+01, v27;
	[tilespmem:v8+s20+$0x0] =	vst.idx.add.f32.msk $0xffff, v1;
	v7 =	vor.u32 v2, v7  }
0x5b0: {  	[tilespmem:v8+s23+$0x0] =	vst.idx.add.f32.msk $0xffff, v14  }
0x5b1: {  	v29 =	vtrunc.f32 v28;
	[tilespmem:v8+s25+$0x0] =	vst.idx.add.f32.msk $0xffff, v57  }
0x5b2: {  	v30 =	vcvt.f32.s32 v29;
	v12 =	vld [tilespmem:s21+$0xFFFFFFC0];
	v10 =	vsub.f32 v23, v25  }
0x5b3: {  	v31 =	vcvt.s32.f32 v26;
	v11 =	vadd.f32 $1.000000000e+00, v24;
	v32 =	vpop (erf);
	v33 =	vld [tilespmem:s21+$0x40]  }
0x5b4: {  	v34 =	vmul.f32 $1.000000000e+01, v32;
	v8 =	vshll.u32 v30, $0x4;
	[tilespmem:v7+s13+$0x0] =	vst.idx.add.f32.msk $0xffff, v1;
	v10 =	vmul.f32 $1.442695020e+00, v10  }
0x5b5: {  	(erf) = vrcp.f32 v11;
	v8 =	vor.u32 v2, v8;
	[tilespmem:v7+s11+$0x0] =	vst.idx.add.f32.msk $0xffff, v31  }
0x5b6: {  	v35 =	vtrunc.f32 v34;
	[tilespmem:v7+s8+$0x0] =	vst.idx.add.f32.msk $0xffff, v63;
	(erf) = vpow2.f32 v10  }
0x5b7: {  	v36 =	vcvt.f32.s32 v35;
	v37 =	vld [tilespmem:s18+$0xFFFFFFD0]  }
0x5b8: {  	v38 =	vsub.f32 v12, v33;
	v39 =	vld [tilespmem:s18+$0x50]  }
0x5b9: {  	v40 =	vld [tilespmem:s9+$0xA060];
	v9 =	vcvt.s32.f32 v60;
	v7 =	vshll.u32 v36, $0x4  }
0x5ba: {  	v41 =	vor.u32 v2, v7;
	v42 =	vmul.f32 $1.442695020e+00, v38;
	[tilespmem:v8+s5+$0x0] =	vst.idx.add.f32.msk $0xffff, v1  }
0x5bb: {  	[tilespmem:v8+s0+$0x0] =	vst.idx.add.f32.msk $0xffff, v9  }
0x5bc: {  	(erf) = vpow2.f32 v42;
	[tilespmem:v8+s6+$0x0] =	vst.idx.add.f32.msk $0xffff, v27  }
0x5bd: {  	v43 =	vsub.f32 v37, v39;
	v8 =	vld [tilespmem:s16+$0xFFFFFFE0]  }
0x5be: {  	v45 =	vcvt.s32.f32 v40;
	v7 =	vpop (erf);
	v44 =	vld [tilespmem:s16+$0x60]  }
0x5bf: {  	[tilespmem:v41+s12+$0x0] =	vst.idx.add.f32.msk $0xffff, v1;
	v9 =	vmul.f32 $1.442695020e+00, v43;
	v46 =	vpop (erf)  }
0x5c0: {  	[tilespmem:v41+s10+$0x0] =	vst.idx.add.f32.msk $0xffff, v45;
	v47 =	vadd.f32 $1.000000000e+00, v46  }
0x5c1: {  	[tilespmem:v41+s7+$0x0] =	vst.idx.add.f32.msk $0xffff, v32;
	(erf) = vpow2.f32 v9  }
0x5c2: {  	v48 =	vld [tilespmem:s15+$0xFFFFFFF0];
	(erf) = vrcp.f32 v47  }
0x5c3: {  	v49 =	vld [tilespmem:s15+$0x70];
	v8 =	vsub.f32 v8, v44;
	_ =	sdelay $0x1  }
0x5c4: {  	v8 =	vmul.f32 $1.442695020e+00, v8;
	v50 =	vpop (erf)  }
0x5c5: {  	v10 =	vadd.f32 $1.000000000e+00, v50  }
0x5c6: {  	(erf) = vpow2.f32 v8  }
0x5c7: {  	v51 =	vsub.f32 v48, v49;
	(erf) = vrcp.f32 v10;
	_ =	sdelay $0x1  }
0x5c8: {  	v8 =	vmul.f32 $1.442695020e+00, v51;
	v52 =	vpop (erf)  }
0x5c9: {  	v9 =	vadd.f32 $1.000000000e+00, v52;
	v53 =	vpop (erf)  }
0x5ca: {  	(erf) = vpow2.f32 v8;
	v55 =	vmul.f32 $1.000000000e+01, v53  }
0x5cb: {  	(erf) = vrcp.f32 v9  }
0x5cc: {  	v56 =	vtrunc.f32 v55  }
0x5cd: {  	v8 =	vcvt.f32.s32 v56  }
0x5ce: {  	v57 =	vpop (erf)  }
0x5cf: {  	v58 =	vld [tilespmem:s2+$0xA030];
	v9 =	vadd.f32 $1.000000000e+00, v57;
	v59 =	vpop (erf);
	v8 =	vshll.u32 v8, $0x4  }
0x5d0: {  	v60 =	vmul.f32 $1.000000000e+01, v59;
	v8 =	vor.u32 v2, v8  }
0x5d1: {  	(erf) = vrcp.f32 v9  }
0x5d2: {  	v61 =	vtrunc.f32 v60  }
0x5d3: {  	v21 =	vld [tilespmem:s22+$0xA040];
	v63 =	vpop (erf);
	v9 =	vcvt.f32.s32 v61  }
0x5d4: {  	s17 =	simm.s32 $0xC210;
	v11 =	vcvt.s32.f32 v58;
	v62 =	vld [tilespmem:s19+$0xA050];
	v22 =	vpop (erf)  }
0x5d5: {  	s20 =	simm.s32 $0xC790;
	v9 =	vshll.u32 v9, $0x4;
	v23 =	vmul.f32 $1.000000000e+01, v22;
	[tilespmem:v8+s17+$0x0] =	vst.idx.add.f32.msk $0xffff, v1  }
0x5d6: {  	v9 =	vor.u32 v2, v9;
	[tilespmem:v8+s20+$0x0] =	vst.idx.add.f32.msk $0xffff, v11  }
0x5d7: {  	v24 =	vtrunc.f32 v23;
	[tilespmem:v8+s25+$0x0] =	vst.idx.add.f32.msk $0xffff, v53  }
0x5d8: {  	v25 =	vcvt.f32.s32 v24;
	v10 =	vld [tilespmem:s24+$0xFFFFFFC0]  }
0x5d9: {  	v26 =	vld [tilespmem:s24+$0x40]  }
0x5da: {  	v15 =	vcvt.s32.f32 v21;
	v27 =	vld [tilespmem:s14+$0xA060];
	v28 =	vpop (erf);
	v8 =	vshll.u32 v25, $0x4  }
0x5db: {  	v19 =	vmul.f32 $1.000000000e+01, v28;
	[tilespmem:v9+s13+$0x0] =	vst.idx.add.f32.msk $0xffff, v1;
	v8 =	vor.u32 v2, v8  }
0x5dc: {  	[tilespmem:v9+s11+$0x0] =	vst.idx.add.f32.msk $0xffff, v15  }
0x5dd: {  	v29 =	vtrunc.f32 v19;
	[tilespmem:v9+s8+$0x0] =	vst.idx.add.f32.msk $0xffff, v59  }
0x5de: {  	v30 =	vcvt.f32.s32 v29;
	v12 =	vld [tilespmem:s21+$0xFFFFFFD0];
	v10 =	vsub.f32 v10, v26  }
0x5df: {  	s23 =	simm.s32 $0xC370;
	v31 =	vcvt.s32.f32 v62;
	v32 =	vadd.f32 $1.000000000e+00, v63;
	v33 =	vld [tilespmem:s21+$0x50]  }
0x5e0: {  	s26 =	simm.s32 $0xC8F0;
	v9 =	vshll.u32 v30, $0x4;
	[tilespmem:v8+s23+$0x0] =	vst.idx.add.f32.msk $0xffff, v1;
	v10 =	vmul.f32 $1.442695020e+00, v10  }
0x5e1: {  	s15 =	simm.s32 $0xCE70;
	(erf) = vrcp.f32 v32;
	v9 =	vor.u32 v2, v9;
	[tilespmem:v8+s26+$0x0] =	vst.idx.add.f32.msk $0xffff, v31  }
0x5e2: {  	[tilespmem:v8+s15+$0x0] =	vst.idx.add.f32.msk $0xffff, v22;
	(erf) = vpow2.f32 v10  }
0x5e3: {  	v8 =	vld [tilespmem:s18+$0xFFFFFFE0]  }
0x5e4: {  	v34 =	vsub.f32 v12, v33;
	v11 =	vld [tilespmem:s18+$0x60]  }
0x5e5: {  	v35 =	vcvt.s32.f32 v27  }
0x5e6: {  	v10 =	vmul.f32 $1.442695020e+00, v34;
	[tilespmem:v9+s12+$0x0] =	vst.idx.add.f32.msk $0xffff, v1  }
0x5e7: {  	[tilespmem:v9+s10+$0x0] =	vst.idx.add.f32.msk $0xffff, v35  }
0x5e8: {  	(erf) = vpow2.f32 v10;
	[tilespmem:v9+s7+$0x0] =	vst.idx.add.f32.msk $0xffff, v28  }
0x5e9: {  	v36 =	vsub.f32 v8, v11;
	v37 =	vld [tilespmem:s16+$0xFFFFFFF0]  }
0x5ea: {  	v8 =	vpop (erf);
	v38 =	vld [tilespmem:s16+$0x70]  }
0x5eb: {  	v9 =	vmul.f32 $1.442695020e+00, v36;
	v39 =	vpop (erf)  }
0x5ec: {  	v12 =	vadd.f32 $1.000000000e+00, v39  }
0x5ed: {  	(erf) = vpow2.f32 v9  }
0x5ee: {  	(erf) = vrcp.f32 v12  }
0x5ef: {  	v40 =	vsub.f32 v37, v38;
	_ =	sdelay $0x1  }
0x5f0: {  	v41 =	vpop (erf);
	v9 =	vmul.f32 $1.442695020e+00, v40  }
0x5f1: {  	v10 =	vadd.f32 $1.000000000e+00, v41  }
0x5f2: {  	(erf) = vpow2.f32 v9  }
0x5f3: {  	(erf) = vrcp.f32 v10;
	_ =	sdelay $0x1  }
0x5f4: {  	v42 =	vpop (erf)  }
0x5f5: {  	v9 =	vadd.f32 $1.000000000e+00, v42;
	v43 =	vpop (erf)  }
0x5f6: {  	v44 =	vmul.f32 $1.000000000e+01, v43  }
0x5f7: {  	(erf) = vrcp.f32 v9  }
0x5f8: {  	v45 =	vtrunc.f32 v44  }
0x5f9: {  	v9 =	vcvt.f32.s32 v45  }
0x5fa: {  	v46 =	vpop (erf)  }
0x5fb: {  	v47 =	vld [tilespmem:s2+$0xA040];
	v48 =	vpop (erf);
	v9 =	vshll.u32 v9, $0x4  }
0x5fc: {  	v49 =	vmul.f32 $1.000000000e+01, v48;
	v9 =	vor.u32 v2, v9;
	_ =	sdelay $0x1  }
0x5fd: {  	v14 =	vtrunc.f32 v49  }
0x5fe: {  	v14 =	vcvt.f32.s32 v14  }
0x5ff: {  	v50 =	vld [tilespmem:s22+$0xA050];
	v12 =	vcvt.s32.f32 v47;
	v51 =	vpop (erf)  }
0x600: {  	v14 =	vshll.u32 v14, $0x4;
	v52 =	vmul.f32 $1.000000000e+01, v51;
	[tilespmem:v9+s13+$0x0] =	vst.idx.add.f32.msk $0xffff, v1  }
0x601: {  	v14 =	vor.u32 v2, v14;
	[tilespmem:v9+s11+$0x0] =	vst.idx.add.f32.msk $0xffff, v12  }
0x602: {  	v53 =	vtrunc.f32 v52;
	[tilespmem:v9+s8+$0x0] =	vst.idx.add.f32.msk $0xffff, v43  }
0x603: {  	v55 =	vcvt.f32.s32 v53;
	v10 =	vld [tilespmem:s24+$0xFFFFFFD0]  }
0x604: {  	v56 =	vld [tilespmem:s24+$0x50]  }
0x605: {  	s17 =	simm.s32 $0xC370;
	v57 =	vld [tilespmem:s19+$0xA060];
	v15 =	vcvt.s32.f32 v50;
	v9 =	vshll.u32 v55, $0x4  }
0x606: {  	s20 =	simm.s32 $0xC8F0;
	[tilespmem:v14+s17+$0x0] =	vst.idx.add.f32.msk $0xffff, v1;
	v9 =	vor.u32 v2, v9  }
0x607: {  	[tilespmem:v14+s20+$0x0] =	vst.idx.add.f32.msk $0xffff, v15  }
0x608: {  	[tilespmem:v14+s15+$0x0] =	vst.idx.add.f32.msk $0xffff, v48  }
0x609: {  	v13 =	vld [tilespmem:s21+$0xFFFFFFE0];
	v10 =	vsub.f32 v10, v56  }
0x60a: {  	v59 =	vcvt.s32.f32 v57;
	v11 =	vadd.f32 $1.000000000e+00, v46;
	v58 =	vld [tilespmem:s21+$0x60]  }
0x60b: {  	[tilespmem:v9+s12+$0x0] =	vst.idx.add.f32.msk $0xffff, v1;
	v10 =	vmul.f32 $1.442695020e+00, v10  }
0x60c: {  	(erf) = vrcp.f32 v11;
	[tilespmem:v9+s10+$0x0] =	vst.idx.add.f32.msk $0xffff, v59  }
0x60d: {  	[tilespmem:v9+s7+$0x0] =	vst.idx.add.f32.msk $0xffff, v51;
	(erf) = vpow2.f32 v10  }
0x60e: {  	v9 =	vld [tilespmem:s18+$0xFFFFFFF0]  }
0x60f: {  	v60 =	vld [tilespmem:s18+$0x70];
	_ =	sdelay $0x3  }
0x610: {  	v61 =	vsub.f32 v13, v58  }
0x611: {  	v10 =	vsub.f32 v9, v60  }
0x612: {  	v62 =	vpop (erf);
	v11 =	vmul.f32 $1.442695020e+00, v61  }
0x613: {  	v10 =	vmul.f32 $1.442695020e+00, v10;
	v63 =	vpop (erf)  }
0x614: {  	(erf) = vpow2.f32 v11;
	v16 =	vadd.f32 $1.000000000e+00, v63  }
0x615: {  	(erf) = vpow2.f32 v10  }
0x616: {  	(erf) = vrcp.f32 v16;
	_ =	sdelay $0x6  }
0x617: {  	v17 =	vpop (erf)  }
0x618: {  	v18 =	vpop (erf)  }
0x619: {  	v10 =	vadd.f32 $1.000000000e+00, v17;
	v19 =	vpop (erf)  }
0x61a: {  	v20 =	vmul.f32 $1.000000000e+01, v19  }
0x61b: {  	(erf) = vrcp.f32 v10  }
0x61c: {  	v21 =	vtrunc.f32 v20  }
0x61d: {  	v10 =	vcvt.f32.s32 v21;
	_ =	sdelay $0x1  }
0x61e: {  	v22 =	vld [tilespmem:s2+$0xA050];
	v10 =	vshll.u32 v10, $0x4  }
0x61f: {  	v10 =	vor.u32 v2, v10;
	_ =	sdelay $0x3  }
0x620: {  	v13 =	vcvt.s32.f32 v22;
	v23 =	vpop (erf)  }
0x621: {  	v24 =	vmul.f32 $1.000000000e+01, v23;
	[tilespmem:v10+s17+$0x0] =	vst.idx.add.f32.msk $0xffff, v1  }
0x622: {  	s23 =	simm.s32 $0xCE70;
	[tilespmem:v10+s20+$0x0] =	vst.idx.add.f32.msk $0xffff, v13  }
0x623: {  	v25 =	vtrunc.f32 v24;
	[tilespmem:v10+s23+$0x0] =	vst.idx.add.f32.msk $0xffff, v19  }
0x624: {  	v26 =	vcvt.f32.s32 v25;
	v12 =	vld [tilespmem:s24+$0xFFFFFFE0]  }
0x625: {  	v27 =	vld [tilespmem:s24+$0x60]  }
0x626: {  	v28 =	vld [tilespmem:s22+$0xA060];
	v10 =	vshll.u32 v26, $0x4  }
0x627: {  	v10 =	vor.u32 v2, v10;
	_ =	sdelay $0x2  }
0x628: {  	v12 =	vsub.f32 v12, v27  }
0x629: {  	v29 =	vcvt.s32.f32 v28;
	v11 =	vadd.f32 $1.000000000e+00, v18  }
0x62a: {  	[tilespmem:v10+s12+$0x0] =	vst.idx.add.f32.msk $0xffff, v1;
	v12 =	vmul.f32 $1.442695020e+00, v12  }
0x62b: {  	(erf) = vrcp.f32 v11;
	[tilespmem:v10+s10+$0x0] =	vst.idx.add.f32.msk $0xffff, v29  }
0x62c: {  	[tilespmem:v10+s7+$0x0] =	vst.idx.add.f32.msk $0xffff, v23;
	(erf) = vpow2.f32 v12  }
0x62d: {  	v10 =	vld [tilespmem:s21+$0xFFFFFFF0]  }
0x62e: {  	v30 =	vld [tilespmem:s21+$0x70];
	_ =	sdelay $0x4  }
0x62f: {  	v10 =	vsub.f32 v10, v30  }
0x630: {  	v31 =	vpop (erf)  }
0x631: {  	v10 =	vmul.f32 $1.442695020e+00, v10;
	v12 =	vpop (erf)  }
0x632: {  	v12 =	vadd.f32 $1.000000000e+00, v12  }
0x633: {  	(erf) = vpow2.f32 v10  }
0x634: {  	(erf) = vrcp.f32 v12;
	_ =	sdelay $0x7  }
0x635: {  	v10 =	vpop (erf)  }
0x636: {  	v12 =	vpop (erf)  }
0x637: {  	v32 =	vmul.f32 $1.000000000e+01, v12;
	_ =	sdelay $0x1  }
0x638: {  	v13 =	vtrunc.f32 v32  }
0x639: {  	v13 =	vcvt.f32.s32 v13;
	_ =	sdelay $0x1  }
0x63a: {  	v33 =	vld [tilespmem:s2+$0xA060];
	v13 =	vshll.u32 v13, $0x4  }
0x63b: {  	v13 =	vor.u32 v2, v13;
	_ =	sdelay $0x3  }
0x63c: {  	v14 =	vcvt.s32.f32 v33  }
0x63d: {  	[tilespmem:v13+s12+$0x0] =	vst.idx.add.f32.msk $0xffff, v1  }
0x63e: {  	[tilespmem:v13+s10+$0x0] =	vst.idx.add.f32.msk $0xffff, v14  }
0x63f: {  	[tilespmem:v13+s7+$0x0] =	vst.idx.add.f32.msk $0xffff, v12  }
0x640: {  	v12 =	vld [tilespmem:s24+$0xFFFFFFF0]  }
0x641: {  	v13 =	vld [tilespmem:s24+$0x70];
	_ =	sdelay $0x3  }
0x642: {  	v34 =	vmul.f32 $1.000000000e+01, v4;
	v10 =	vadd.f32 $1.000000000e+00, v10  }
0x643: {  	v12 =	vsub.f32 v12, v13  }
0x644: {  	v35 =	vtrunc.f32 v34;
	(erf) = vrcp.f32 v10  }
0x645: {  	v10 =	vcvt.f32.s32 v35;
	v12 =	vmul.f32 $1.442695020e+00, v12;
	_ =	sdelay $0x1  }
0x646: {  	v40 =	vmul.f32 $1.000000000e+01, v6;
	v10 =	vshll.u32 v10, $0x4;
	(erf) = vpow2.f32 v12  }
0x647: {  	v36 =	vld [tilespmem:s1+$0xA070];
	v10 =	vor.u32 v2, v10  }
0x648: {  	v39 =	vld [tilespmem:s4+$0xA070];
	v16 =	vtrunc.f32 v40  }
0x649: {  	v38 =	vld [tilespmem:s3+$0xA070];
	v16 =	vcvt.f32.s32 v16  }
0x64a: {  	v41 =	vld [tilespmem:s9+$0xA070];
	v21 =	vmul.f32 $1.000000000e+01, v7  }
0x64b: {  	v3 =	vcvt.s32.f32 v3;
	v37 =	vmul.f32 $1.000000000e+01, v5;
	v42 =	vld [tilespmem:s19+$0xA070];
	v16 =	vshll.u32 v16, $0x4;
	s24 =	simm.s32 $0xC4D0  }
0x64c: {  	s25 =	simm.s32 $0xCA50;
	v16 =	vor.u32 v2, v16;
	v21 =	vtrunc.f32 v21;
	[tilespmem:v10+s24+$0x0] =	vst.idx.add.f32.msk $0xffff, v1  }
0x64d: {  	[tilespmem:v10+s25+$0x0] =	vst.idx.add.f32.msk $0xffff, v3;
	v3 =	vcvt.f32.s32 v21;
	v13 =	vtrunc.f32 v37  }
0x64e: {  	v18 =	vld [tilespmem:s14+$0xA070];
	v23 =	vpop (erf);
	v13 =	vcvt.f32.s32 v13  }
0x64f: {  	v43 =	vmul.f32 $1.000000000e+01, v8;
	v48 =	vcvt.s32.f32 v38;
	v20 =	vld [tilespmem:s22+$0xA070];
	v3 =	vshll.u32 v3, $0x4;
	v24 =	vpop (erf)  }
0x650: {  	v22 =	vld [tilespmem:s2+$0xA070];
	v3 =	vor.u32 v2, v3;
	v13 =	vshll.u32 v13, $0x4;
	v24 =	vadd.f32 $1.000000000e+00, v24  }
0x651: {  	[tilespmem:v16+s24+$0x0] =	vst.idx.add.f32.msk $0xffff, v1;
	v13 =	vor.u32 v2, v13  }
0x652: {  	s26 =	simm.s32 $0xCFD0;
	v45 =	vtrunc.f32 v43;
	[tilespmem:v16+s25+$0x0] =	vst.idx.add.f32.msk $0xffff, v48;
	(erf) = vrcp.f32 v24  }
0x653: {  	v46 =	vcvt.f32.s32 v45;
	v47 =	vmul.f32 $1.000000000e+01, v62;
	[tilespmem:v10+s26+$0x0] =	vst.idx.add.f32.msk $0xffff, v4  }
0x654: {  	[tilespmem:v16+s26+$0x0] =	vst.idx.add.f32.msk $0xffff, v6  }
0x655: {  	v44 =	vcvt.s32.f32 v36;
	v4 =	vshll.u32 v46, $0x4;
	v10 =	vtrunc.f32 v47;
	[tilespmem:v3+s24+$0x0] =	vst.idx.add.f32.msk $0xffff, v1  }
0x656: {  	v50 =	vmul.f32 $1.000000000e+01, v31;
	v4 =	vor.u32 v2, v4;
	v49 =	vcvt.f32.s32 v10;
	[tilespmem:v13+s24+$0x0] =	vst.idx.add.f32.msk $0xffff, v1  }
0x657: {  	v51 =	vcvt.s32.f32 v39;
	[tilespmem:v13+s25+$0x0] =	vst.idx.add.f32.msk $0xffff, v44  }
0x658: {  	v10 =	vtrunc.f32 v50;
	[tilespmem:v13+s26+$0x0] =	vst.idx.add.f32.msk $0xffff, v5;
	v5 =	vshll.u32 v49, $0x4  }
0x659: {  	v53 =	vmul.f32 $1.000000000e+01, v23;
	v52 =	vcvt.f32.s32 v10;
	[tilespmem:v3+s25+$0x0] =	vst.idx.add.f32.msk $0xffff, v51;
	v5 =	vor.u32 v2, v5  }
0x65a: {  	[tilespmem:v3+s26+$0x0] =	vst.idx.add.f32.msk $0xffff, v7;
	v3 =	vcvt.s32.f32 v41  }
0x65b: {  	v55 =	vtrunc.f32 v53;
	v6 =	vshll.u32 v52, $0x4;
	[tilespmem:v4+s24+$0x0] =	vst.idx.add.f32.msk $0xffff, v1;
	v56 =	vpop (erf)  }
0x65c: {  	v57 =	vcvt.f32.s32 v55;
	[tilespmem:v4+s25+$0x0] =	vst.idx.add.f32.msk $0xffff, v3;
	v3 =	vor.u32 v2, v6;
	v58 =	vmul.f32 $1.000000000e+01, v56  }
0x65d: {  	v59 =	vcvt.s32.f32 v18;
	[tilespmem:v4+s26+$0x0] =	vst.idx.add.f32.msk $0xffff, v8  }
0x65e: {  	v6 =	vshll.u32 v57, $0x4;
	[tilespmem:v5+s24+$0x0] =	vst.idx.add.f32.msk $0xffff, v1;
	v7 =	vtrunc.f32 v58  }
0x65f: {  	v60 =	vor.u32 v2, v6;
	[tilespmem:v5+s25+$0x0] =	vst.idx.add.f32.msk $0xffff, v59;
	v61 =	vcvt.f32.s32 v7  }
0x660: {  	[tilespmem:v5+s26+$0x0] =	vst.idx.add.f32.msk $0xffff, v62;
	v62 =	vcvt.s32.f32 v42  }
0x661: {  	[tilespmem:v3+s24+$0x0] =	vst.idx.add.f32.msk $0xffff, v1;
	v6 =	vshll.u32 v61, $0x4  }
0x662: {  	[tilespmem:v3+s25+$0x0] =	vst.idx.add.f32.msk $0xffff, v62;
	v63 =	vor.u32 v2, v6  }
0x663: {  	[tilespmem:v3+s26+$0x0] =	vst.idx.add.f32.msk $0xffff, v31;
	v3 =	vcvt.s32.f32 v20  }
0x664: {  	[tilespmem:v60+s24+$0x0] =	vst.idx.add.f32.msk $0xffff, v1  }
0x665: {  	[tilespmem:v60+s25+$0x0] =	vst.idx.add.f32.msk $0xffff, v3  }
0x666: {  	[tilespmem:v60+s26+$0x0] =	vst.idx.add.f32.msk $0xffff, v23  }
0x667: {  	[tilespmem:v63+s24+$0x0] =	vst.idx.add.f32.msk $0xffff, v1  }
0x668: {  	s1 =	rddreg [dreg:$0xd]  }
0x669: {  	s1 =	sadd.s32 $0x1, s1  }
0x66a: {  	s31 =	simm.s32 $0xC790;
	p0 =	sne.s32 s1, $0x3  }
.Ltmp2:
0x66b: {  	s28 =	simm.s32 $0xC8F0;
	s5 =	simm.s32 $0xCBB0;
	(pc) =	sbr.rel @p0 .LBB2_2-.Ltmp2, $4  }
0x66c: {  	s6 =	simm.s32 $0xC2C0;
	s13 =	simm.s32 $0xC6E0;
	s11 =	simm.s32 $0xC160;
	v3 =	vcvt.s32.f32 v22  }
0x66d: {  	s8 =	simm.s32 $0xC210;
	s14 =	simm.s32 $0xCC60;
	s17 =	simm.s32 $0xC840  }
0x66e: {  	s21 =	simm.s32 $0xCDC0;
	s12 =	simm.s32 $0xC630;
	s10 =	simm.s32 $0xCB00;
	[tilespmem:v63+s25+$0x0] =	vst.idx.add.f32.msk $0xffff, v3  }
0x66f: {  	s7 =	simm.s32 $0xCD10;
	s2 =	simm.s32 $0xC0B0;
	[tilespmem:v63+s26+$0x0] =	vst.idx.add.f32.msk $0xffff, v56;
	s26 =	simm.s32 $0xC370  }
0x670: {  	v9 =	vld [tilespmem:$0xC000]  }
0x671: {  	v11 =	vld [tilespmem:$0xC580]  }
0x672: {  	v12 =	vld [tilespmem:$0xCB00]  }
0x673: {  	v3 =	vld [tilespmem:$0xC0B0]  }
0x674: {  	v5 =	vld [tilespmem:$0xC630]  }
0x675: {  	v4 =	vld [tilespmem:$0xCBB0]  }
0x676: {  	v7 =	vld [tilespmem:$0xC160]  }
0x677: {  	v10 =	vld [tilespmem:$0xC6E0]  }
0x678: {  	v8 =	vld [tilespmem:$0xCC60]  }
0x679: {  	v13 =	vld [tilespmem:$0xC210]  }
0x67a: {  	v18 =	vld [tilespmem:$0xC790]  }
0x67b: {  	v19 =	vld [tilespmem:$0xCD10]  }
0x67c: {  	v20 =	vld [tilespmem:$0xC2C0]  }
0x67d: {  	v23 =	vld [tilespmem:$0xC840]  }
0x67e: {  	v24 =	vld [tilespmem:$0xCDC0]  }
0x67f: {  	v27 =	vld [tilespmem:$0xC370]  }
0x680: {  	v29 =	vld [tilespmem:$0xC8F0]  }
0x681: {  	v30 =	vld [tilespmem:$0xCE70]  }
0x682: {  	v31 =	vld [tilespmem:$0xC420]  }
0x683: {  	v36 =	vld [tilespmem:$0xC9A0]  }
0x684: {  	v0 =	vld [tilespmem:$0xCF20]  }
0x685: {  	v6 =	vld [tilespmem:$0xC4D0]  }
0x686: {  	v56 =	vld [tilespmem:$0xCA50]  }
0x687: {  	v57 =	vld [tilespmem:$0xCFD0]  }
0x688: {  	v15 =	vld [tilespmem:$0xC010]  }
0x689: {  	v21 =	vld [tilespmem:$0xC590]  }
0x68a: {  	v28 =	vld [tilespmem:$0xCB10]  }
0x68b: {  	v14 =	vld [tilespmem:$0xC640]  }
0x68c: {  	v16 =	vld [tilespmem:$0xCBC0]  }
0x68d: {  	v17 =	vld [tilespmem:$0xC170]  }
0x68e: {  	v22 =	vld [tilespmem:$0xC6F0]  }
0x68f: {  	v25 =	vld [tilespmem:$0xCC70]  }
0x690: {  	v26 =	vld [tilespmem:$0xC220]  }
0x691: {  	v32 =	vld [tilespmem:$0xC7A0]  }
0x692: {  	v33 =	vld [tilespmem:$0xCD20]  }
0x693: {  	v34 =	vld [tilespmem:$0xC2D0]  }
0x694: {  	v39 =	vld [tilespmem:$0xC850]  }
0x695: {  	v43 =	vld [tilespmem:$0xCDD0]  }
0x696: {  	v40 =	vld [tilespmem:$0xC380]  }
0x697: {  	v35 =	vld [tilespmem:$0xCF30]  }
0x698: {  	v58 =	vld [tilespmem:$0xC4E0]  }
0x699: {  	v59 =	vld [tilespmem:$0xCA60];
	[tilespmem:$0x1F860] =	vst v6  }
0x69a: {  	v60 =	vld [tilespmem:$0xCFE0];
	[tilespmem:$0x1F870] =	vst v56  }
0x69b: {  	v48 =	vld [tilespmem:$0xC900];
	[tilespmem:$0x1F880] =	vst v57  }
0x69c: {  	v49 =	vld [tilespmem:$0xCE80];
	[tilespmem:$0x1F890] =	vst v35  }
0x69d: {  	v50 =	vld [tilespmem:$0xC430];
	[tilespmem:$0x1F8A0] =	vst v58  }
0x69e: {  	v53 =	vld [tilespmem:$0xC9B0];
	[tilespmem:$0x1F8B0] =	vst v59  }
0x69f: {  	v6 =	vld [tilespmem:$0xC0C0];
	[tilespmem:$0x1F8D0] =	vst v60  }
0x6a0: {  	v41 =	vld [tilespmem:$0xC020]  }
0x6a1: {  	v62 =	vld [tilespmem:$0xC910];
	_ =	sdelay $0x4  }
0x6a2: {  	[tilespmem:$0x1F8F0] =	vst v62;
	v62 =	vld [tilespmem:$0xC4F0];
	_ =	sdelay $0x4  }
0x6a3: {  	[tilespmem:$0x1F990] =	vst v62;
	v62 =	vld [tilespmem:$0xC710];
	_ =	sdelay $0x4  }
0x6a4: {  	[tilespmem:$0x1F960] =	vst v62;
	v62 =	vld [tilespmem:$0xCC90];
	_ =	sdelay $0x4  }
0x6a5: {  	[tilespmem:$0x1F970] =	vst v62;
	v62 =	vld [tilespmem:$0xC240];
	_ =	sdelay $0x4  }
0x6a6: {  	[tilespmem:$0x1F980] =	vst v62;
	v62 =	vld [tilespmem:$0xC7C0];
	_ =	sdelay $0x4  }
0x6a7: {  	[tilespmem:$0x1F9A0] =	vst v62;
	v62 =	vld [tilespmem:$0xCD40];
	_ =	sdelay $0x4  }
0x6a8: {  	[tilespmem:$0x1F9B0] =	vst v62;
	v62 =	vld [tilespmem:$0xC2F0];
	_ =	sdelay $0x4  }
0x6a9: {  	[tilespmem:$0x1F9C0] =	vst v62;
	v62 =	vld [tilespmem:$0xC870];
	_ =	sdelay $0x4  }
0x6aa: {  	[tilespmem:$0x1F9E0] =	vst v62;
	v62 =	vld [tilespmem:$0xCDF0];
	_ =	sdelay $0x3  }
0x6ab: {  	v4 =	vadd.f32 v4, v12  }
0x6ac: {  	[tilespmem:$0x1F9F0] =	vst v62;
	v62 =	vld [tilespmem:$0xC3A0]  }
0x6ad: {  	v4 =	vadd.f32 v8, v4;
	_ =	sdelay $0x1  }
0x6ae: {  	v4 =	vadd.f32 v19, v4;
	_ =	sdelay $0x1  }
0x6af: {  	v4 =	vadd.f32 v24, v4;
	[tilespmem:$0x1FA00] =	vst v62;
	v62 =	vld [tilespmem:$0xC920];
	_ =	sdelay $0x1  }
0x6b0: {  	v4 =	vadd.f32 v30, v4;
	_ =	sdelay $0x1  }
0x6b1: {  	v4 =	vadd.f32 v0, v4;
	v0 =	vld [tilespmem:$0xCA00]  }
0x6b2: {  	[tilespmem:$0x1FA20] =	vst v62;
	v62 =	vld [tilespmem:$0xCEA0];
	_ =	sdelay $0x2  }
0x6b3: {  	v3 =	vadd.f32 v3, v9  }
0x6b4: {  	[tilespmem:$0x1FEA0] =	vst v0;
	v0 =	vld [tilespmem:$0xCF80]  }
0x6b5: {  	v3 =	vadd.f32 v7, v3;
	[tilespmem:$0x1FA30] =	vst v62;
	v62 =	vld [tilespmem:$0xC450];
	_ =	sdelay $0x1  }
0x6b6: {  	v3 =	vadd.f32 v13, v3;
	_ =	sdelay $0x1  }
0x6b7: {  	v3 =	vadd.f32 v20, v3;
	[tilespmem:$0x1FED0] =	vst v0;
	v0 =	vld [tilespmem:$0x1F860]  }
0x6b8: {  	[tilespmem:$0x1FA40] =	vst v62;
	v62 =	vld [tilespmem:$0xC9D0]  }
0x6b9: {  	v3 =	vadd.f32 v27, v3;
	_ =	sdelay $0x1  }
0x6ba: {  	v3 =	vadd.f32 v31, v3;
	_ =	sdelay $0x1  }
0x6bb: {  	v0 =	vadd.f32 v0, v3;
	[tilespmem:$0x1FA50] =	vst v62;
	v62 =	vld [tilespmem:$0xCF50];
	_ =	sdelay $0x1  }
0x6bc: {  	[tilespmem:$0x1FF20] =	vst v0;
	v0 =	vld [tilespmem:$0xC530];
	_ =	sdelay $0x2  }
0x6bd: {  	v5 =	vadd.f32 v5, v11;
	[tilespmem:$0x1FAC0] =	vst v62;
	v62 =	vld [tilespmem:$0xC500];
	_ =	sdelay $0x1  }
0x6be: {  	v5 =	vadd.f32 v10, v5;
	[tilespmem:$0x1FEF0] =	vst v0;
	v0 =	vld [tilespmem:$0xCAB0];
	_ =	sdelay $0x1  }
0x6bf: {  	v5 =	vadd.f32 v18, v5  }
0x6c0: {  	[tilespmem:$0x1FB00] =	vst v62;
	v62 =	vld [tilespmem:$0xCA80]  }
0x6c1: {  	v5 =	vadd.f32 v23, v5  }
0x6c2: {  	[tilespmem:$0x1FF00] =	vst v0;
	v0 =	vld [tilespmem:$0x1F870]  }
0x6c3: {  	v5 =	vadd.f32 v29, v5;
	_ =	sdelay $0x1  }
0x6c4: {  	v5 =	vadd.f32 v36, v5;
	[tilespmem:$0x1FB40] =	vst v62;
	v62 =	vld [tilespmem:$0xD000];
	_ =	sdelay $0x1  }
0x6c5: {  	v0 =	vadd.f32 v0, v5;
	_ =	sdelay $0x1  }
0x6c6: {  	[tilespmem:$0x1FF30] =	vst v0;
	v0 =	vld [tilespmem:$0xD030]  }
0x6c7: {  	[tilespmem:$0x1FB80] =	vst v62;
	v62 =	vld [tilespmem:$0xC040];
	_ =	sdelay $0x3  }
0x6c8: {  	[tilespmem:$0x1FF10] =	vst v0;
	v0 =	vld [tilespmem:$0xC070]  }
0x6c9: {  	[tilespmem:$0x1FA60] =	vst v62;
	v62 =	vld [tilespmem:$0xC5C0];
	_ =	sdelay $0x3  }
0x6ca: {  	[tilespmem:$0x1FE90] =	vst v0;
	v0 =	vld [tilespmem:$0x1F880]  }
0x6cb: {  	[tilespmem:$0x1FA80] =	vst v62;
	v62 =	vld [tilespmem:$0xCB40];
	_ =	sdelay $0x4  }
0x6cc: {  	v0 =	vadd.f32 v0, v4;
	[tilespmem:$0x1FAA0] =	vst v62;
	v62 =	vld [tilespmem:$0xC0F0];
	_ =	sdelay $0x1  }
0x6cd: {  	[tilespmem:$0x1FF40] =	vst v0;
	v0 =	vld [tilespmem:$0xC5F0];
	_ =	sdelay $0x2  }
0x6ce: {  	[tilespmem:$0x1FA70] =	vst v62;
	v62 =	vld [tilespmem:$0xC670];
	_ =	sdelay $0x1  }
0x6cf: {  	v29 =	vadd.f32 v14, v21;
	v30 =	vadd.f32 v16, v28;
	[tilespmem:$0x1FEB0] =	vst v0;
	v0 =	vld [tilespmem:$0xCB70]  }
0x6d0: {  	v6 =	vadd.f32 v6, v15  }
0x6d1: {  	v7 =	vadd.f32 v22, v29;
	v8 =	vadd.f32 v25, v30  }
0x6d2: {  	v6 =	vadd.f32 v17, v6;
	[tilespmem:$0x1FA90] =	vst v62;
	v62 =	vld [tilespmem:$0xCBF0]  }
0x6d3: {  	v3 =	vadd.f32 v32, v7;
	v32 =	vadd.f32 v33, v8  }
0x6d4: {  	[tilespmem:$0x1FEC0] =	vst v0;
	v0 =	vld [tilespmem:$0x1F890]  }
0x6d5: {  	v6 =	vadd.f32 v26, v6;
	v33 =	vadd.f32 v43, v32;
	_ =	sdelay $0x1  }
0x6d6: {  	v6 =	vadd.f32 v34, v6;
	v34 =	vadd.f32 v49, v33;
	[tilespmem:$0x1FAB0] =	vst v62;
	v62 =	vld [tilespmem:$0xC1A0];
	_ =	sdelay $0x1  }
0x6d7: {  	v4 =	vadd.f32 v0, v34;
	v0 =	vld [tilespmem:$0x1F8A0]  }
0x6d8: {  	v6 =	vadd.f32 v40, v6;
	_ =	sdelay $0x1  }
0x6d9: {  	v36 =	vadd.f32 v50, v6;
	[tilespmem:$0x1FAD0] =	vst v62;
	v62 =	vld [tilespmem:$0xC720];
	_ =	sdelay $0x1  }
0x6da: {  	v47 =	vld [tilespmem:$0xC5A0];
	v0 =	vadd.f32 v0, v36  }
0x6db: {  	v44 =	vld [tilespmem:$0xCB20]  }
0x6dc: {  	[tilespmem:$0x1FF50] =	vst v0;
	v0 =	vld [tilespmem:$0xC750]  }
0x6dd: {  	[tilespmem:$0x1FAE0] =	vst v62;
	v62 =	vld [tilespmem:$0xCCA0]  }
0x6de: {  	v35 =	vld [tilespmem:$0xC0D0]  }
0x6df: {  	v37 =	vld [tilespmem:$0xC650]  }
0x6e0: {  	v38 =	vld [tilespmem:$0xCBD0]  }
0x6e1: {  	v3 =	vadd.f32 v39, v3;
	[tilespmem:$0x1FEE0] =	vst v0;
	v0 =	vld [tilespmem:$0x1F8B0]  }
0x6e2: {  	[tilespmem:$0x1FAF0] =	vst v62;
	v62 =	vld [tilespmem:$0xC250]  }
0x6e3: {  	v52 =	vld [tilespmem:$0xC860];
	v3 =	vadd.f32 v48, v3  }
0x6e4: {  	v42 =	vld [tilespmem:$0xC180]  }
0x6e5: {  	v45 =	vld [tilespmem:$0xC700];
	v3 =	vadd.f32 v53, v3  }
0x6e6: {  	v55 =	vld [tilespmem:$0xC7B0]  }
0x6e7: {  	v0 =	vadd.f32 v0, v3;
	[tilespmem:$0x1FB10] =	vst v62;
	v62 =	vld [tilespmem:$0xC7D0]  }
0x6e8: {  	v51 =	vld [tilespmem:$0xC230];
	[tilespmem:$0x1F8C0] =	vst v52;
	v40 =	vadd.f32 v37, v47  }
0x6e9: {  	[tilespmem:$0x1FF70] =	vst v0;
	v0 =	vld [tilespmem:$0x1F8C0]  }
0x6ea: {  	v7 =	vadd.f32 v45, v40;
	v39 =	vadd.f32 v35, v41  }
0x6eb: {  	v41 =	vadd.f32 v38, v44  }
0x6ec: {  	v44 =	vadd.f32 v55, v7;
	v6 =	vadd.f32 v42, v39;
	[tilespmem:$0x1FB20] =	vst v62;
	v62 =	vld [tilespmem:$0xCD50];
	_ =	sdelay $0x1  }
0x6ed: {  	v43 =	vadd.f32 v51, v6;
	v6 =	vadd.f32 v0, v44;
	v0 =	vld [tilespmem:$0x1F8D0]  }
0x6ee: {  	v61 =	vld [tilespmem:$0xC390];
	_ =	sdelay $0x1  }
0x6ef: {  	[tilespmem:$0x1FB30] =	vst v62;
	v62 =	vld [tilespmem:$0xC300];
	_ =	sdelay $0x1  }
0x6f0: {  	v58 =	vld [tilespmem:$0xC2E0];
	v0 =	vadd.f32 v0, v4  }
0x6f1: {  	[tilespmem:$0x1F8E0] =	vst v61  }
0x6f2: {  	[tilespmem:$0x1FF80] =	vst v0;
	v0 =	vld [tilespmem:$0x1F8E0]  }
0x6f3: {  	[tilespmem:$0x1FB50] =	vst v62;
	v62 =	vld [tilespmem:$0xC880]  }
0x6f4: {  	v46 =	vld [tilespmem:$0xCC80]  }
0x6f5: {  	v56 =	vld [tilespmem:$0xCD30];
	v3 =	vadd.f32 v58, v43  }
0x6f6: {  	v57 =	vld [tilespmem:$0xCE90]  }
0x6f7: {  	v3 =	vadd.f32 v0, v3;
	v0 =	vld [tilespmem:$0x1F8F0]  }
0x6f8: {  	[tilespmem:$0x1FB60] =	vst v62;
	v62 =	vld [tilespmem:$0xCE00];
	_ =	sdelay $0x1  }
0x6f9: {  	v63 =	vld [tilespmem:$0xCDE0]  }
0x6fa: {  	v59 =	vld [tilespmem:$0xC440];
	[tilespmem:$0x1F900] =	vst v57;
	v8 =	vadd.f32 v46, v41  }
0x6fb: {  	v46 =	vadd.f32 v0, v6;
	v0 =	vld [tilespmem:$0x1F900]  }
0x6fc: {  	v45 =	vadd.f32 v56, v8;
	[tilespmem:$0x1FB70] =	vst v62;
	v62 =	vld [tilespmem:$0xC3B0];
	_ =	sdelay $0x1  }
0x6fd: {  	v7 =	vadd.f32 v63, v45  }
0x6fe: {  	v60 =	vld [tilespmem:$0xC9C0];
	[tilespmem:$0x1F910] =	vst v59  }
0x6ff: {  	v47 =	vadd.f32 v0, v7;
	v0 =	vld [tilespmem:$0x1F910]  }
0x700: {  	[tilespmem:$0x1FB90] =	vst v62;
	v62 =	vld [tilespmem:$0xC930]  }
0x701: {  	v61 =	vld [tilespmem:$0xCF40]  }
0x702: {  	v57 =	vld [tilespmem:$0xCA70]  }
0x703: {  	[tilespmem:$0x1F920] =	vst v60;
	v60 =	vld [tilespmem:$0xC5B0]  }
0x704: {  	v3 =	vadd.f32 v0, v3;
	v0 =	vld [tilespmem:$0x1F920]  }
0x705: {  	[tilespmem:$0x1FBA0] =	vst v62;
	v62 =	vld [tilespmem:$0xCEB0]  }
0x706: {  	[tilespmem:$0x1F950] =	vst v61  }
0x707: {  	[tilespmem:$0x1F9D0] =	vst v57;
	v61 =	vld [tilespmem:$0xCB30]  }
0x708: {  	[tilespmem:$0x1F930] =	vst v60;
	v57 =	vld [tilespmem:$0xC660]  }
0x709: {  	v4 =	vadd.f32 v0, v46;
	v0 =	vld [tilespmem:$0x1F930]  }
0x70a: {  	[tilespmem:$0x1FBB0] =	vst v62;
	v62 =	vld [tilespmem:$0xC460];
	_ =	sdelay $0x2  }
0x70b: {  	v60 =	vld [tilespmem:$0xCBE0];
	[tilespmem:$0x1F940] =	vst v61  }
0x70c: {  	v49 =	vadd.f32 v57, v0;
	v0 =	vld [tilespmem:$0x1F940]  }
0x70d: {  	[tilespmem:$0x1FBC0] =	vst v62;
	v62 =	vld [tilespmem:$0xC9E0];
	_ =	sdelay $0x3  }
0x70e: {  	v50 =	vadd.f32 v60, v0;
	v0 =	vld [tilespmem:$0x1F950]  }
0x70f: {  	[tilespmem:$0x1FBF0] =	vst v62;
	v62 =	vld [tilespmem:$0xCF60];
	_ =	sdelay $0x2  }
0x710: {  	v59 =	vld [tilespmem:$0xCFF0]  }
0x711: {  	v6 =	vadd.f32 v0, v47;
	v0 =	vld [tilespmem:$0x1F960]  }
0x712: {  	[tilespmem:$0x1FC50] =	vst v62;
	v62 =	vld [tilespmem:$0xC510];
	_ =	sdelay $0x1  }
0x713: {  	v52 =	vld [tilespmem:$0xC0E0]  }
0x714: {  	[tilespmem:$0x1FA10] =	vst v59;
	v59 =	vld [tilespmem:$0xC030]  }
0x715: {  	v8 =	vadd.f32 v0, v49;
	v0 =	vld [tilespmem:$0x1F970]  }
0x716: {  	[tilespmem:$0x1FC90] =	vst v62;
	v62 =	vld [tilespmem:$0xCA90];
	_ =	sdelay $0x1  }
0x717: {  	v61 =	vld [tilespmem:$0xC190];
	_ =	sdelay $0x1  }
0x718: {  	v9 =	vadd.f32 v0, v50;
	v0 =	vld [tilespmem:$0x1F980]  }
0x719: {  	v48 =	vadd.f32 v52, v59;
	[tilespmem:$0x1FCD0] =	vst v62;
	v62 =	vld [tilespmem:$0xD010];
	_ =	sdelay $0x1  }
0x71a: {  	v7 =	vadd.f32 v61, v48;
	_ =	sdelay $0x1  }
0x71b: {  	v7 =	vadd.f32 v0, v7;
	v0 =	vld [tilespmem:$0x1F990]  }
0x71c: {  	[tilespmem:$0x1FD10] =	vst v62;
	v62 =	vld [tilespmem:$0xC050];
	_ =	sdelay $0x4  }
0x71d: {  	v0 =	vadd.f32 v0, v3;
	[tilespmem:$0x1FBD0] =	vst v62;
	v62 =	vld [tilespmem:$0xC5D0];
	_ =	sdelay $0x1  }
0x71e: {  	[tilespmem:$0x1FFA0] =	vst v0;
	v0 =	vld [tilespmem:$0x1F9A0];
	_ =	sdelay $0x2  }
0x71f: {  	[tilespmem:$0x1FC00] =	vst v62;
	v62 =	vld [tilespmem:$0xCB50];
	_ =	sdelay $0x1  }
0x720: {  	v3 =	vadd.f32 v0, v8;
	v0 =	vld [tilespmem:$0x1F9B0];
	_ =	sdelay $0x2  }
0x721: {  	[tilespmem:$0x1FC20] =	vst v62;
	v62 =	vld [tilespmem:$0xC100];
	_ =	sdelay $0x1  }
0x722: {  	v51 =	vadd.f32 v0, v9;
	v0 =	vld [tilespmem:$0x1F9C0];
	_ =	sdelay $0x2  }
0x723: {  	[tilespmem:$0x1FBE0] =	vst v62;
	v62 =	vld [tilespmem:$0xC680];
	_ =	sdelay $0x1  }
0x724: {  	v7 =	vadd.f32 v0, v7;
	v0 =	vld [tilespmem:$0x1F9D0];
	_ =	sdelay $0x2  }
0x725: {  	[tilespmem:$0x1FC10] =	vst v62;
	v62 =	vld [tilespmem:$0xCC00];
	_ =	sdelay $0x1  }
0x726: {  	v0 =	vadd.f32 v0, v4;
	_ =	sdelay $0x1  }
0x727: {  	[tilespmem:$0x1FFB0] =	vst v0;
	v0 =	vld [tilespmem:$0x1F9E0]  }
0x728: {  	[tilespmem:$0x1FC30] =	vst v62;
	v62 =	vld [tilespmem:$0xC1B0];
	_ =	sdelay $0x3  }
0x729: {  	v52 =	vadd.f32 v0, v3;
	v0 =	vld [tilespmem:$0x1F9F0]  }
0x72a: {  	[tilespmem:$0x1FC40] =	vst v62;
	v62 =	vld [tilespmem:$0xC730];
	_ =	sdelay $0x3  }
0x72b: {  	v8 =	vadd.f32 v0, v51;
	v0 =	vld [tilespmem:$0x1FA00]  }
0x72c: {  	[tilespmem:$0x1FC60] =	vst v62;
	v62 =	vld [tilespmem:$0xCCB0];
	_ =	sdelay $0x3  }
0x72d: {  	v7 =	vadd.f32 v0, v7;
	v0 =	vld [tilespmem:$0x1FA10]  }
0x72e: {  	[tilespmem:$0x1FC70] =	vst v62;
	v62 =	vld [tilespmem:$0xC260];
	_ =	sdelay $0x4  }
0x72f: {  	v0 =	vadd.f32 v0, v6;
	[tilespmem:$0x1FC80] =	vst v62;
	v62 =	vld [tilespmem:$0xC7E0];
	_ =	sdelay $0x1  }
0x730: {  	[tilespmem:$0x1FFC0] =	vst v0;
	v0 =	vld [tilespmem:$0x1FA20];
	_ =	sdelay $0x2  }
0x731: {  	[tilespmem:$0x1FCA0] =	vst v62;
	v62 =	vld [tilespmem:$0xCD60];
	_ =	sdelay $0x1  }
0x732: {  	v53 =	vadd.f32 v0, v52;
	v0 =	vld [tilespmem:$0xCAC0];
	_ =	sdelay $0x2  }
0x733: {  	[tilespmem:$0x1FCB0] =	vst v62;
	v62 =	vld [tilespmem:$0xC310];
	_ =	sdelay $0x1  }
0x734: {  	[tilespmem:$0x1FF60] =	vst v0;
	v0 =	vld [tilespmem:$0x1FA30];
	_ =	sdelay $0x2  }
0x735: {  	[tilespmem:$0x1FCC0] =	vst v62;
	v62 =	vld [tilespmem:$0xC890];
	_ =	sdelay $0x1  }
0x736: {  	v8 =	vadd.f32 v0, v8;
	v0 =	vld [tilespmem:$0x1FA40];
	_ =	sdelay $0x2  }
0x737: {  	[tilespmem:$0x1FCE0] =	vst v62;
	v62 =	vld [tilespmem:$0xCE10];
	_ =	sdelay $0x1  }
0x738: {  	v7 =	vadd.f32 v0, v7;
	v0 =	vld [tilespmem:$0xD040];
	_ =	sdelay $0x2  }
0x739: {  	[tilespmem:$0x1FCF0] =	vst v62;
	v62 =	vld [tilespmem:$0xC3C0];
	_ =	sdelay $0x1  }
0x73a: {  	[tilespmem:$0x1FF90] =	vst v0;
	v0 =	vld [tilespmem:$0x1FA50];
	_ =	sdelay $0x2  }
0x73b: {  	[tilespmem:$0x1FD00] =	vst v62;
	v62 =	vld [tilespmem:$0xC940]  }
0x73c: {  	v3 =	vld [tilespmem:$0x1FA70]  }
0x73d: {  	v55 =	vadd.f32 v0, v53;
	v0 =	vld [tilespmem:$0x1FA60];
	_ =	sdelay $0x2  }
0x73e: {  	[tilespmem:$0x1FD20] =	vst v62;
	v62 =	vld [tilespmem:$0xCEC0];
	_ =	sdelay $0x1  }
0x73f: {  	v56 =	vadd.f32 v3, v0;
	v0 =	vld [tilespmem:$0x1FA80]  }
0x740: {  	v3 =	vld [tilespmem:$0x1FA90];
	_ =	sdelay $0x1  }
0x741: {  	[tilespmem:$0x1FD30] =	vst v62;
	v62 =	vld [tilespmem:$0xC470];
	_ =	sdelay $0x2  }
0x742: {  	v57 =	vadd.f32 v3, v0;
	v0 =	vld [tilespmem:$0x1FAA0]  }
0x743: {  	v3 =	vld [tilespmem:$0x1FAB0]  }
0x744: {  	[tilespmem:$0x1FD40] =	vst v62;
	v62 =	vld [tilespmem:$0xC9F0];
	_ =	sdelay $0x3  }
0x745: {  	v58 =	vadd.f32 v3, v0;
	v0 =	vld [tilespmem:$0x1FAC0]  }
0x746: {  	[tilespmem:$0x1FD50] =	vst v62;
	v62 =	vld [tilespmem:$0xCF70];
	_ =	sdelay $0x3  }
0x747: {  	v59 =	vadd.f32 v0, v8;
	v0 =	vld [tilespmem:$0x1FAD0]  }
0x748: {  	[tilespmem:$0x1FDC0] =	vst v62;
	v62 =	vld [tilespmem:$0xC520];
	_ =	sdelay $0x3  }
0x749: {  	v60 =	vadd.f32 v0, v56;
	v0 =	vld [tilespmem:$0x1FAE0]  }
0x74a: {  	[tilespmem:$0x1FDE0] =	vst v62;
	v62 =	vld [tilespmem:$0xCAA0];
	_ =	sdelay $0x3  }
0x74b: {  	v35 =	vadd.f32 v0, v57;
	v0 =	vld [tilespmem:$0x1FAF0]  }
0x74c: {  	[tilespmem:$0x1FE10] =	vst v62;
	v62 =	vld [tilespmem:$0xD020];
	_ =	sdelay $0x3  }
0x74d: {  	v36 =	vadd.f32 v0, v58;
	v0 =	vld [tilespmem:$0x1FB00]  }
0x74e: {  	[tilespmem:$0x1FE50] =	vst v62;
	v62 =	vld [tilespmem:$0xC060];
	_ =	sdelay $0x4  }
0x74f: {  	v0 =	vadd.f32 v0, v7;
	[tilespmem:$0x1FD60] =	vst v62;
	v62 =	vld [tilespmem:$0xC5E0];
	_ =	sdelay $0x1  }
0x750: {  	[tilespmem:$0x1FFD0] =	vst v0;
	v0 =	vld [tilespmem:$0x1FB10];
	_ =	sdelay $0x2  }
0x751: {  	[tilespmem:$0x1FD80] =	vst v62;
	v62 =	vld [tilespmem:$0xCB60];
	_ =	sdelay $0x1  }
0x752: {  	v61 =	vadd.f32 v0, v60;
	v0 =	vld [tilespmem:$0x1FB20];
	_ =	sdelay $0x2  }
0x753: {  	[tilespmem:$0x1FDA0] =	vst v62;
	v62 =	vld [tilespmem:$0xC110];
	_ =	sdelay $0x1  }
0x754: {  	v35 =	vadd.f32 v0, v35;
	v0 =	vld [tilespmem:$0x1FB30];
	_ =	sdelay $0x2  }
0x755: {  	[tilespmem:$0x1FD70] =	vst v62;
	v62 =	vld [tilespmem:$0xC690];
	_ =	sdelay $0x1  }
0x756: {  	v36 =	vadd.f32 v0, v36;
	v0 =	vld [tilespmem:$0x1FB40];
	_ =	sdelay $0x2  }
0x757: {  	[tilespmem:$0x1FD90] =	vst v62;
	v62 =	vld [tilespmem:$0xCC10];
	_ =	sdelay $0x1  }
0x758: {  	v0 =	vadd.f32 v0, v55;
	_ =	sdelay $0x1  }
0x759: {  	[tilespmem:$0x1FFE0] =	vst v0;
	v0 =	vld [tilespmem:$0x1FB50]  }
0x75a: {  	[tilespmem:$0x1FDB0] =	vst v62;
	v62 =	vld [tilespmem:$0xC1C0];
	_ =	sdelay $0x4  }
0x75b: {  	[tilespmem:$0x1FDD0] =	vst v62;
	v62 =	vadd.f32 v0, v61;
	v0 =	vld [tilespmem:$0x1FB60];
	_ =	sdelay $0x4  }
0x75c: {  	v35 =	vadd.f32 v0, v35;
	v0 =	vld [tilespmem:$0x1FB70];
	_ =	sdelay $0x4  }
0x75d: {  	v36 =	vadd.f32 v0, v36;
	v0 =	vld [tilespmem:$0x1FB80];
	_ =	sdelay $0x4  }
0x75e: {  	v0 =	vadd.f32 v0, v59;
	_ =	sdelay $0x1  }
0x75f: {  	[tilespmem:$0x1FFF0] =	vst v0;
	v0 =	vld [tilespmem:$0x1FB90];
	_ =	sdelay $0x4  }
0x760: {  	v33 =	vadd.f32 v0, v62;
	v0 =	vld [tilespmem:$0x1FBA0];
	_ =	sdelay $0x4  }
0x761: {  	v35 =	vadd.f32 v0, v35;
	v0 =	vld [tilespmem:$0x1FBB0];
	_ =	sdelay $0x4  }
0x762: {  	v36 =	vadd.f32 v0, v36;
	v0 =	vld [tilespmem:$0x1FBC0];
	_ =	sdelay $0x3  }
0x763: {  	v3 =	vld [tilespmem:$0x1FBE0]  }
0x764: {  	v33 =	vadd.f32 v0, v33;
	v0 =	vld [tilespmem:$0x1FBD0];
	_ =	sdelay $0x4  }
0x765: {  	v63 =	vadd.f32 v3, v0;
	v0 =	vld [tilespmem:$0x1FBF0];
	_ =	sdelay $0x3  }
0x766: {  	v3 =	vld [tilespmem:$0x1FC10]  }
0x767: {  	v35 =	vadd.f32 v0, v35;
	v0 =	vld [tilespmem:$0x1FC00];
	_ =	sdelay $0x4  }
0x768: {  	v6 =	vadd.f32 v3, v0;
	v0 =	vld [tilespmem:$0x1FC20]  }
0x769: {  	v3 =	vld [tilespmem:$0x1FC30];
	_ =	sdelay $0x4  }
0x76a: {  	v7 =	vadd.f32 v3, v0;
	v0 =	vld [tilespmem:$0x1FC40];
	_ =	sdelay $0x4  }
0x76b: {  	v47 =	vadd.f32 v0, v63;
	v0 =	vld [tilespmem:$0x1FC50];
	_ =	sdelay $0x4  }
0x76c: {  	v36 =	vadd.f32 v0, v36;
	v0 =	vld [tilespmem:$0x1FC60];
	_ =	sdelay $0x4  }
0x76d: {  	v49 =	vadd.f32 v0, v6;
	v0 =	vld [tilespmem:$0x1FC70];
	_ =	sdelay $0x4  }
0x76e: {  	v51 =	vadd.f32 v0, v7;
	v0 =	vld [tilespmem:$0x1FC80];
	_ =	sdelay $0x4  }
0x76f: {  	v47 =	vadd.f32 v0, v47;
	v0 =	vld [tilespmem:$0x1FC90];
	_ =	sdelay $0x4  }
0x770: {  	v33 =	vadd.f32 v0, v33;
	v0 =	vld [tilespmem:$0x1FCA0];
	_ =	sdelay $0x4  }
0x771: {  	v49 =	vadd.f32 v0, v49;
	v0 =	vld [tilespmem:$0x1FCB0];
	_ =	sdelay $0x4  }
0x772: {  	v51 =	vadd.f32 v0, v51;
	v0 =	vld [tilespmem:$0x1FCC0];
	_ =	sdelay $0x4  }
0x773: {  	v47 =	vadd.f32 v0, v47;
	v0 =	vld [tilespmem:$0x1FCD0];
	_ =	sdelay $0x4  }
0x774: {  	v35 =	vadd.f32 v0, v35;
	v0 =	vld [tilespmem:$0x1FCE0];
	_ =	sdelay $0x2  }
0x775: {  	v11 =	vld [tilespmem:$0xC740]  }
0x776: {  	v12 =	vld [tilespmem:$0xCCC0]  }
0x777: {  	v49 =	vadd.f32 v0, v49;
	v0 =	vld [tilespmem:$0x1FCF0]  }
0x778: {  	v10 =	vld [tilespmem:$0xC270]  }
0x779: {  	v13 =	vld [tilespmem:$0xC7F0]  }
0x77a: {  	v18 =	vld [tilespmem:$0xCD70]  }
0x77b: {  	v19 =	vld [tilespmem:$0xC320]  }
0x77c: {  	v51 =	vadd.f32 v0, v51;
	v0 =	vld [tilespmem:$0x1FD00]  }
0x77d: {  	v15 =	vld [tilespmem:$0xC120]  }
0x77e: {  	v20 =	vld [tilespmem:$0xC8A0]  }
0x77f: {  	v23 =	vld [tilespmem:$0xCE20]  }
0x780: {  	v24 =	vld [tilespmem:$0xC3D0]  }
0x781: {  	v47 =	vadd.f32 v0, v47;
	v0 =	vld [tilespmem:$0x1FD10]  }
0x782: {  	v17 =	vld [tilespmem:$0xC6A0]  }
0x783: {  	v27 =	vld [tilespmem:$0xC950]  }
0x784: {  	v16 =	vld [tilespmem:$0xCC20]  }
0x785: {  	v28 =	vld [tilespmem:$0xCF90]  }
0x786: {  	v36 =	vadd.f32 v0, v36;
	v0 =	vld [tilespmem:$0x1FD20]  }
0x787: {  	v21 =	vld [tilespmem:$0xC540]  }
0x788: {  	[tilespmem:$0x1FE20] =	vst v19;
	v19 =	vld [tilespmem:$0xCED0]  }
0x789: {  	[tilespmem:$0x1FE00] =	vst v18;
	v18 =	vld [tilespmem:$0xC1D0]  }
0x78a: {  	v26 =	vld [tilespmem:$0xC8B0]  }
0x78b: {  	v49 =	vadd.f32 v0, v49;
	v0 =	vld [tilespmem:$0x1FD30]  }
0x78c: {  	[tilespmem:$0x1FDF0] =	vst v13;
	v13 =	vld [tilespmem:$0xCAD0]  }
0x78d: {  	v31 =	vld [tilespmem:$0xC480]  }
0x78e: {  	v22 =	vld [tilespmem:$0xC280]  }
0x78f: {  	v25 =	vld [tilespmem:$0xC330]  }
0x790: {  	v51 =	vadd.f32 v0, v51;
	v0 =	vld [tilespmem:$0x1FD40]  }
0x791: {  	v29 =	vld [tilespmem:$0xC3E0]  }
0x792: {  	v30 =	vld [tilespmem:$0xC960]  }
0x793: {  	[tilespmem:$0x1FE30] =	vst v20;
	v20 =	vld [tilespmem:$0xCCD0]  }
0x794: {  	[tilespmem:$0x1FE40] =	vst v23;
	v23 =	vld [tilespmem:$0xC800]  }
0x795: {  	v47 =	vadd.f32 v0, v47;
	v0 =	vld [tilespmem:$0x1FD50]  }
0x796: {  	[tilespmem:$0x1FE60] =	vst v24;
	v24 =	vld [tilespmem:$0xCD80]  }
0x797: {  	[tilespmem:$0x1FE70] =	vst v27;
	v27 =	vld [tilespmem:$0xCE30]  }
0x798: {  	v37 =	vld [tilespmem:$0xC080]  }
0x799: {  	v3 =	vld [tilespmem:$0x1FD70]  }
0x79a: {  	v49 =	vadd.f32 v0, v49;
	v0 =	vld [tilespmem:$0x1FD60]  }
0x79b: {  	[tilespmem:$0x1FE80] =	vst v31;
	v31 =	vld [tilespmem:$0xCEE0]  }
0x79c: {  	v40 =	vld [tilespmem:$0xCB80]  }
0x79d: {  	v32 =	vld [tilespmem:$0xCA10]  }
0x79e: {  	v38 =	vld [tilespmem:$0xC600]  }
0x79f: {  	v62 =	vadd.f32 v3, v0;
	v0 =	vld [tilespmem:$0x1FD80]  }
0x7a0: {  	v3 =	vld [tilespmem:$0x1FD90]  }
0x7a1: {  	v41 =	vld [tilespmem:$0xC130]  }
0x7a2: {  	v42 =	vld [tilespmem:$0xC6B0]  }
0x7a3: {  	v39 =	vld [tilespmem:$0xCCE0]  }
0x7a4: {  	v8 =	vld [tilespmem:$0x1FDB0]  }
0x7a5: {  	v0 =	vadd.f32 v3, v0;
	v3 =	vld [tilespmem:$0x1FDA0]  }
0x7a6: {  	v45 =	vld [tilespmem:$0xC760]  }
0x7a7: {  	v41 =	vadd.f32 v41, v37;
	v37 =	vld [tilespmem:$0xCA30]  }
0x7a8: {  	v42 =	vadd.f32 v42, v38;
	v38 =	vld [tilespmem:$0xCFB0]  }
0x7a9: {  	v43 =	vld [tilespmem:$0xCC30]  }
0x7aa: {  	v3 =	vadd.f32 v8, v3;
	v8 =	vld [tilespmem:$0x1FDE0]  }
0x7ab: {  	v5 =	vld [tilespmem:$0xC6C0]  }
0x7ac: {  	v34 =	vld [tilespmem:$0xC490]  }
0x7ad: {  	v9 =	vld [tilespmem:$0x1FDC0]  }
0x7ae: {  	v43 =	vadd.f32 v43, v40;
	v40 =	vld [tilespmem:$0xC0A0]  }
0x7af: {  	v47 =	vadd.f32 v8, v47;
	v8 =	vld [tilespmem:$0x1FE10]  }
0x7b0: {  	v44 =	vld [tilespmem:$0xC1E0]  }
0x7b1: {  	v48 =	vld [tilespmem:$0xC810]  }
0x7b2: {  	v51 =	vadd.f32 v9, v51;
	v9 =	vld [tilespmem:$0x1FDF0]  }
0x7b3: {  	v46 =	vld [tilespmem:$0xC290]  }
0x7b4: {  	v49 =	vadd.f32 v8, v49;
	v8 =	vld [tilespmem:$0x1FE30]  }
0x7b5: {  	v50 =	vld [tilespmem:$0xCD90];
	v0 =	vadd.f32 v11, v0  }
0x7b6: {  	v4 =	vld [tilespmem:$0xC770]  }
0x7b7: {  	v11 =	vld [tilespmem:$0x1FE00];
	v0 =	vadd.f32 v9, v0  }
0x7b8: {  	v52 =	vld [tilespmem:$0xC340]  }
0x7b9: {  	v0 =	vadd.f32 v8, v0;
	v8 =	vld [tilespmem:$0x1FE40]  }
0x7ba: {  	v53 =	vld [tilespmem:$0xC8C0];
	v3 =	vadd.f32 v12, v3  }
0x7bb: {  	v56 =	vld [tilespmem:$0xC3F0]  }
0x7bc: {  	v57 =	vld [tilespmem:$0xC970];
	v3 =	vadd.f32 v11, v3  }
0x7bd: {  	v14 =	vld [tilespmem:$0x1FDD0]  }
0x7be: {  	v3 =	vadd.f32 v8, v3;
	v8 =	vld [tilespmem:$0x1FE50]  }
0x7bf: {  	v58 =	vld [tilespmem:$0xCEF0]  }
0x7c0: {  	v60 =	vld [tilespmem:$0xCA20]  }
0x7c1: {  	v9 =	vld [tilespmem:$0x1FE20]  }
0x7c2: {  	v55 =	vld [tilespmem:$0xCE40];
	v62 =	vadd.f32 v14, v62  }
0x7c3: {  	v51 =	vadd.f32 v8, v51;
	v8 =	vld [tilespmem:$0x1FE60]  }
0x7c4: {  	v61 =	vld [tilespmem:$0xCFA0];
	v62 =	vadd.f32 v10, v62  }
0x7c5: {  	v3 =	vadd.f32 v19, v3;
	v19 =	vld [tilespmem:$0x1FE80]  }
0x7c6: {  	v59 =	vld [tilespmem:$0xC4A0];
	v62 =	vadd.f32 v9, v62  }
0x7c7: {  	v63 =	vld [tilespmem:$0xC550]  }
0x7c8: {  	v6 =	vld [tilespmem:$0xCCF0];
	v62 =	vadd.f32 v8, v62  }
0x7c9: {  	v7 =	vld [tilespmem:$0xCC40]  }
0x7ca: {  	v62 =	vadd.f32 v19, v62;
	v19 =	vld [tilespmem:$0x1FE90]  }
0x7cb: {  	[tilespmem:$0xC040] =	vst v33;
	v33 =	vld [tilespmem:$0xC830]  }
0x7cc: {  	v14 =	vld [tilespmem:$0xD050]  }
0x7cd: {  	v8 =	vld [tilespmem:$0x1FE70]  }
0x7ce: {  	v10 =	vld [tilespmem:$0xC610]  }
0x7cf: {  	v15 =	vadd.f32 v15, v19;
	v19 =	vld [tilespmem:$0x1FEA0]  }
0x7d0: {  	v12 =	vld [tilespmem:$0xC090]  }
0x7d1: {  	v11 =	vld [tilespmem:$0xCB90]  }
0x7d2: {  	v9 =	vld [tilespmem:$0xC140];
	v0 =	vadd.f32 v8, v0  }
0x7d3: {  	[tilespmem:$0xC050] =	vst v47;
	v47 =	vld [tilespmem:$0xC8E0]  }
0x7d4: {  	v15 =	vadd.f32 v18, v15;
	v0 =	vadd.f32 v19, v0;
	v19 =	vld [tilespmem:$0x1FEB0]  }
0x7d5: {  	[tilespmem:$0xC5D0] =	vst v49;
	v49 =	vld [tilespmem:$0xCE60]  }
0x7d6: {  	v15 =	vadd.f32 v22, v15;
	v22 =	vld [tilespmem:$0x1FEF0]  }
0x7d7: {  	[tilespmem:$0xCB50] =	vst v51;
	v51 =	vld [tilespmem:$0xC410]  }
0x7d8: {  	v8 =	vld [tilespmem:$0xC1F0]  }
0x7d9: {  	v17 =	vadd.f32 v17, v19;
	v19 =	vld [tilespmem:$0x1FEC0]  }
0x7da: {  	v18 =	vld [tilespmem:$0xC2A0]  }
0x7db: {  	v15 =	vadd.f32 v25, v15;
	v22 =	vadd.f32 v22, v62;
	v62 =	vld [tilespmem:$0x1FF00]  }
0x7dc: {  	v25 =	vld [tilespmem:$0xCE50]  }
0x7dd: {  	v15 =	vadd.f32 v29, v15;
	v29 =	vld [tilespmem:$0xCF00]  }
0x7de: {  	v16 =	vadd.f32 v16, v19;
	v19 =	vld [tilespmem:$0x1FED0]  }
0x7df: {  	v15 =	vadd.f32 v34, v15;
	v34 =	vld [tilespmem:$0xC4B0]  }
0x7e0: {  	v0 =	vadd.f32 v62, v0;
	v62 =	vld [tilespmem:$0x1FF10];
	v16 =	vadd.f32 v20, v16  }
0x7e1: {  	v20 =	vld [tilespmem:$0xCDA0]  }
0x7e2: {  	v16 =	vadd.f32 v24, v16;
	v24 =	vld [tilespmem:$0xC8D0]  }
0x7e3: {  	v3 =	vadd.f32 v19, v3;
	v19 =	vld [tilespmem:$0x1FEE0]  }
0x7e4: {  	v16 =	vadd.f32 v27, v16;
	v27 =	vld [tilespmem:$0xC980]  }
0x7e5: {  	v3 =	vadd.f32 v62, v3;
	v62 =	vld [tilespmem:$0x1FF70]  }
0x7e6: {  	v16 =	vadd.f32 v31, v16;
	v31 =	vadd.f32 v45, v42;
	v45 =	vld [tilespmem:$0x1FF20]  }
0x7e7: {  	v42 =	vld [tilespmem:$0xCBA0]  }
0x7e8: {  	v17 =	vadd.f32 v19, v17;
	v19 =	vld [tilespmem:$0xC820]  }
0x7e9: {  	v16 =	vadd.f32 v28, v16;
	v31 =	vadd.f32 v48, v31;
	v28 =	vld [tilespmem:$0xD060]  }
0x7ea: {  	v17 =	vadd.f32 v23, v17;
	v23 =	vld [tilespmem:$0xC350]  }
0x7eb: {  	v31 =	vadd.f32 v53, v31;
	v53 =	vld [tilespmem:$0x1FF60]  }
0x7ec: {  	[tilespmem:$0xC590] =	vst v62;
	v62 =	vld [tilespmem:$0xCD00]  }
0x7ed: {  	[tilespmem:$0xC000] =	vst v45;
	v45 =	vld [tilespmem:$0x1FF80];
	v17 =	vadd.f32 v26, v17  }
0x7ee: {  	v26 =	vld [tilespmem:$0xC400]  }
0x7ef: {  	v31 =	vadd.f32 v57, v31;
	v57 =	vld [tilespmem:$0xC200];
	v17 =	vadd.f32 v30, v17  }
0x7f0: {  	v30 =	vadd.f32 v44, v41;
	v44 =	vadd.f32 v39, v43;
	v39 =	vld [tilespmem:$0xCAE0]  }
0x7f1: {  	v7 =	vadd.f32 v7, v11;
	v41 =	vld [tilespmem:$0xC620]  }
0x7f2: {  	v5 =	vadd.f32 v5, v10;
	v43 =	vld [tilespmem:$0xC150]  }
0x7f3: {  	v6 =	vadd.f32 v6, v7;
	v31 =	vadd.f32 v60, v31;
	v60 =	vld [tilespmem:$0x1FFE0]  }
0x7f4: {  	v9 =	vadd.f32 v9, v12;
	v17 =	vadd.f32 v32, v17;
	v32 =	vld [tilespmem:$0xC560]  }
0x7f5: {  	v6 =	vadd.f32 v20, v6;
	v30 =	vadd.f32 v46, v30;
	v46 =	vld [tilespmem:$0x1FF30]  }
0x7f6: {  	v4 =	vadd.f32 v4, v5;
	v48 =	vadd.f32 v50, v44;
	v50 =	vld [tilespmem:$0x1FF40]  }
0x7f7: {  	v8 =	vadd.f32 v8, v9;
	v6 =	vadd.f32 v25, v6;
	[tilespmem:$0xCB10] =	vst v45;
	v45 =	vld [tilespmem:$0xCDB0]  }
0x7f8: {  	v15 =	vadd.f32 v21, v15;
	v30 =	vadd.f32 v52, v30;
	v52 =	vld [tilespmem:$0x1FF50]  }
0x7f9: {  	[tilespmem:$0xC5C0] =	vst v35;
	v6 =	vadd.f32 v29, v6;
	v21 =	vadd.f32 v55, v48;
	v48 =	vld [tilespmem:$0x1FFA0]  }
0x7fa: {  	[tilespmem:$0xCB40] =	vst v36;
	v8 =	vadd.f32 v18, v8;
	v17 =	vadd.f32 v53, v17;
	v53 =	vld [tilespmem:$0xCC50]  }
0x7fb: {  	[tilespmem:$0xC060] =	vst v22;
	v6 =	vadd.f32 v38, v6;
	v4 =	vadd.f32 v19, v4;
	v55 =	vld [tilespmem:$0x1FFC0]  }
0x7fc: {  	[tilespmem:$0xC070] =	vst v15;
	v8 =	vadd.f32 v23, v8;
	v21 =	vadd.f32 v58, v21;
	v58 =	vld [tilespmem:$0x1FFD0]  }
0x7fd: {  	v4 =	vadd.f32 v24, v4;
	v30 =	vadd.f32 v56, v30;
	[tilespmem:$0xC580] =	vst v46;
	v46 =	vld [tilespmem:$0x1FF90]  }
0x7fe: {  	v6 =	vadd.f32 v28, v6;
	v8 =	vadd.f32 v26, v8;
	[tilespmem:$0xCB00] =	vst v50;
	v50 =	vld [tilespmem:$0xC6D0]  }
0x7ff: {  	[tilespmem:$0xC5E0] =	vst v0;
	v4 =	vadd.f32 v27, v4;
	v30 =	vadd.f32 v59, v30;
	v59 =	vld [tilespmem:$0xC780]  }
0x800: {  	v13 =	vadd.f32 v13, v31;
	v8 =	vadd.f32 v34, v8;
	[tilespmem:$0xC010] =	vst v52;
	v52 =	vld [tilespmem:$0x1FFB0]  }
0x801: {  	v0 =	vadd.f32 v37, v4;
	[tilespmem:$0xCB20] =	vst v55;
	v10 =	vadd.f32 v53, v42;
	v55 =	vld [tilespmem:$0xCF10]  }
0x802: {  	[tilespmem:$0xCB60] =	vst v3;
	v56 =	vadd.f32 v61, v21;
	v61 =	vadd.f32 v63, v30;
	v30 =	vld [tilespmem:$0xC2B0]  }
0x803: {  	[tilespmem:$0xC020] =	vst v48;
	v48 =	vadd.f32 v43, v40;
	v63 =	vld [tilespmem:$0x1FFF0];
	v3 =	vadd.f32 v62, v10  }
0x804: {  	[tilespmem:$0xCB90] =	vst v6;
	v16 =	vadd.f32 v46, v16;
	v46 =	vld [tilespmem:$0xC360];
	v50 =	vadd.f32 v50, v41  }
0x805: {  	[tilespmem:$0xC600] =	vst v13;
	v8 =	vadd.f32 v32, v8;
	v11 =	vadd.f32 v57, v48;
	v57 =	vld [tilespmem:$0xC4C0]  }
0x806: {  	v3 =	vadd.f32 v45, v3;
	[tilespmem:$0xC5A0] =	vst v52;
	v52 =	vld [tilespmem:$0xC990];
	v53 =	vadd.f32 v59, v50  }
0x807: {  	[tilespmem:$0xC5B0] =	vst v60;
	v12 =	vadd.f32 v14, v56;
	v59 =	vld [tilespmem:$0xCFC0];
	v56 =	vadd.f32 v30, v11  }
0x808: {  	[tilespmem:$0xC030] =	vst v58;
	v58 =	vld [tilespmem:$0xCA40];
	v3 =	vadd.f32 v49, v3;
	v4 =	vadd.f32 v33, v53  }
0x809: {  	[tilespmem:$0xC5F0] =	vst v17;
	v0 =	vadd.f32 v39, v0;
	v62 =	vld [tilespmem:$0xD070];
	v7 =	vadd.f32 v46, v56  }
0x80a: {  	v60 =	vld [tilespmem:$0xC570];
	[tilespmem:$0xC090] =	vst v8;
	v3 =	vadd.f32 v55, v3;
	v4 =	vadd.f32 v47, v4  }
0x80b: {  	[tilespmem:$0xC080] =	vst v61;
	v61 =	vld [tilespmem:$0xCAF0];
	v7 =	vadd.f32 v51, v7  }
0x80c: {  	[tilespmem:$0xC610] =	vst v0;
	v0 =	vadd.f32 v59, v3;
	v4 =	vadd.f32 v52, v4  }
0x80d: {  	[tilespmem:$0xCB30] =	vst v63;
	v63 =	vadd.f32 v57, v7  }
0x80e: {  	[tilespmem:$0xCB80] =	vst v12;
	v0 =	vadd.f32 v62, v0;
	v4 =	vadd.f32 v58, v4  }
0x80f: {  	[tilespmem:$0xCB70] =	vst v16;
	v3 =	vadd.f32 v60, v63  }
0x810: {  	[tilespmem:$0xCBA0] =	vst v0;
	v4 =	vadd.f32 v61, v4  }
0x811: {  	[tilespmem:$0xC0A0] =	vst v3  }
0x812: {  	s9 =	simm.s32 $0x0;
	s3 =	simm.s32 $0x3;
	s1 =	rddreg [dreg:$0x6];
	[tilespmem:$0xC620] =	vst v4  }
0x813: {  	[hbm4b:s1+s9] =	stream.linear.scatter [tilespmem:s29], [sflag:$0x3], $0xB0, $0x38;
	[tilespmem:$0xD080] =	vst v63  }
0x814: {  	_ =	swait.ge [sflag:s3], $0xB0  }
0x815: {  	[sflag:s3] =	ssyncset.done $0x0  }
0x816: {  	s23 =	rddreg [dreg:$0x9];
	[sflag:s3] =	ssyncadd.s32 $0xFFFFFF50  }
0x817: {  	[hbm4b:s23+s9] =	stream.linear.scatter [tilespmem:s30], [sflag:$0x3], $0xB0, $0x38;
	[tilespmem:$0xD080] =	vst v63  }
0x818: {  	_ =	swait.ge [sflag:s3], $0xB0  }
0x819: {  	[sflag:s3] =	ssyncset.done $0x0  }
0x81a: {  	s24 =	rddreg [dreg:$0xa];
	[sflag:s3] =	ssyncadd.s32 $0xFFFFFF50  }
0x81b: {  	[hbm4b:s24+s9] =	stream.linear.scatter [tilespmem:s10], [sflag:$0x3], $0xB0, $0x38;
	[tilespmem:$0xD080] =	vst v63  }
0x81c: {  	_ =	swait.ge [sflag:s3], $0xB0  }
0x81d: {  	s4 =	rddreg [dreg:$0xc]  }
0x81e: {  	s25 =	rddreg [dreg:$0xb];
	s4 =	sadd.s32 $0x1, s4  }
0x81f: {  	p0 =	sne.s32 s4, s25  }
.Ltmp3:
0x820: {  	_ = 	snop;
	(pc) =	sbr.rel @p0 .LBB2_1-.Ltmp3, $3  }
0x821: {  	_ =	sdelay $0x1  }
0x822: {  	[sflag:s3] =	ssyncset.done $0x0  }
0x823: {  	[sflag:s3] =	ssyncadd.s32 $0xFFFFFF50  }
0x824: {  	_ =	sfence.sel $0x180000  }
0x825: {  	[bflag:$0x0] =	sbarrier.arrive $0xFFFF  }
0x826: {  	_ =	strace $0x90000047  }
0x827: {  	s0 =	stileid.u32;
	[bflag:$0x2] =	sbarrier.arrive $0xFFFF  }
0x828: {  	p0 =	sne.s32 s0, $0x0;
	s0 =	rddreg [dreg:$0x3]  }
0x829: {  	s0 =	sadd.s32 @!p0 $0x100000, s0  }
0x82a: {  	[sflag:s0] =	ssyncadd.tile.s32 @!p0 $0x1;
	_ =	shalt  }
.Lfunc_end2:
_tile_overlayer_lowered:
.L_overlay_start_2:
0x82b: {  	(tag) =	ssettag $0x2  }
0x82c: {  	s0 =	rddreg [dreg:$0x0];
	s2 =	stileid.u32  }
0x82d: {  	s1 =	rddreg [dreg:$0x1];
	p0 =	sne.s32 s2, $0x0  }
0x82e: {  	s3 =	rddreg [dreg:$0x2];
	[bflag:$0x3] =	sbarrier.arrive $0xFFFF;
	s2 =	simm.s32 @!p0 $0x1C03  }
0x82f: {  	[timem:s3], [sflag:s2] =	dma.local @!p0 [hbm:s0], s1  }
0x830: {  	s0 =	simm.s32 @!p0 $0x3  }
0x831: {  	_ =	swait.ge @!p0 [sflag:s0], s1  }
0x832: {  	s1 =	ssub.s32 @!p0 $0x0, s1;
	[sflag:s0] =	ssyncset.done @!p0 $0x0  }
0x833: {  	[sflag:s0] =	ssyncadd.s32 @!p0 s1  }
0x834: {  	[bflag:$0x3] =	sbarrier.arrive $0xFFFF  }
0x835: {  	_ =	shalt  }

</sc_bundles>
